<compile_context>
chip_gen: v7x
topology: tpu7x:2x2x1
jax: 0.10.2.dev20260603
libtpu: 0.0.44.dev20260713+nightly
codegen_flags: <defaults>
</compile_context>

<pallas_src>
import functools

import jax
import jax.numpy as jnp
from jax import lax
from jax.experimental import pallas as pl
from jax.experimental.pallas import tpu as pltpu
from jax.experimental.pallas import tpu_sc as plsc

_GAMMA = 12.0
_HID = 128
_LANES = 16
_NSUB = _HID // _LANES
_NC, _NS = 2, 16
_NW = _NC * _NS
_CHUNK = 64
_NBUF = 4
_GPC = _CHUNK // _LANES


def _make_sc_call(batch):
  bw = batch // _NW
  nchunk = bw // _CHUNK
  ngroups = bw // _LANES

  mesh = plsc.VectorSubcoreMesh(core_axis_name="c", subcore_axis_name="s")

  @functools.partial(
      pl.kernel,
      out_type=jax.ShapeDtypeStruct((batch,), jnp.float32),
      mesh=mesh,
      compiler_params=pltpu.CompilerParams(needs_layout_passes=False),
      scratch_types=[
          pltpu.VMEM((nchunk, _CHUNK), jnp.int32),
          pltpu.VMEM((nchunk, _CHUNK), jnp.int32),
          pltpu.VMEM((nchunk, _CHUNK), jnp.int32),
          pltpu.VMEM((_NBUF, _CHUNK, _HID), jnp.float32),
          pltpu.VMEM((_NBUF, _CHUNK, _HID), jnp.float32),
          pltpu.VMEM((_NBUF, _CHUNK, _HID), jnp.float32),
          pltpu.VMEM((bw,), jnp.float32),
          pltpu.VMEM((_LANES * (_LANES + 1),), jnp.float32),
          pltpu.SemaphoreType.DMA((_NBUF,)),
          pltpu.SemaphoreType.DMA((_NBUF,)),
          pltpu.SemaphoreType.DMA((_NBUF,)),
      ],
  )
  def sc_score(ent_hbm, rel_hbm, hidx_hbm, ridx_hbm, tidx_hbm, out_hbm,
               hidx, ridx, tidx, hb, rb, tb, ob, tsc,
               hsem, rsem, tsem):
    wid = lax.axis_index("s") * _NC + lax.axis_index("c")
    base = wid * bw

    row0 = wid * nchunk
    idx_cps = [
        pltpu.async_copy(hidx_hbm.at[pl.ds(row0, nchunk), :], hidx,
                         hsem.at[0]),
        pltpu.async_copy(ridx_hbm.at[pl.ds(row0, nchunk), :], ridx,
                         rsem.at[0]),
        pltpu.async_copy(tidx_hbm.at[pl.ds(row0, nchunk), :], tidx,
                         tsem.at[0]),
    ]
    for cp in idx_cps:
      cp.wait()

    def issue(c, slot):
      pltpu.async_copy(ent_hbm.at[hidx.at[c]], hb.at[slot], hsem.at[slot])
      pltpu.async_copy(rel_hbm.at[ridx.at[c]], rb.at[slot], rsem.at[slot])
      pltpu.async_copy(ent_hbm.at[tidx.at[c]], tb.at[slot], tsem.at[slot])

    def wait(c, slot):
      pltpu.make_async_copy(
          ent_hbm.at[hidx.at[c]], hb.at[slot], hsem.at[slot]).wait()
      pltpu.make_async_copy(
          rel_hbm.at[ridx.at[c]], rb.at[slot], rsem.at[slot]).wait()
      pltpu.make_async_copy(
          ent_hbm.at[tidx.at[c]], tb.at[slot], tsem.at[slot]).wait()

    for c in range(min(_NBUF - 1, nchunk)):
      issue(c, c)

    col_rows = lax.iota(jnp.int32, _LANES) * (_LANES + 1)
    gamma_v = jnp.full((_LANES,), _GAMMA, jnp.float32)

    def group_body(g, _):
      c = g // _GPC
      slot = lax.rem(c, _NBUF)

      @pl.when(lax.rem(g, _GPC) == 0)
      def _chunk_edge():
        wait(c, slot)
        nc = c + _NBUF - 1

        @pl.when(nc < nchunk)
        def _prefetch():
          issue(nc, lax.rem(nc, _NBUF))

      s0 = lax.rem(g, _GPC) * _LANES
      for i in range(_LANES):
        s = s0 + i
        acc = None
        for d in range(_NSUB):
          f = pl.ds(d * _LANES, _LANES)
          v = jnp.abs(hb[slot, s, f] + rb[slot, s, f] - tb[slot, s, f])
          acc = v if acc is None else acc + v
        tsc[pl.ds(i * (_LANES + 1), _LANES)] = acc
      tot = plsc.load_gather(tsc, [col_rows])
      for j in range(1, _LANES):
        tot = tot + plsc.load_gather(tsc, [col_rows + j])
      ob[pl.ds(g * _LANES, _LANES)] = gamma_v - tot
      return ()

    lax.fori_loop(0, ngroups, group_body, (), unroll=2)

    pltpu.sync_copy(ob, out_hbm.at[pl.ds(base, bw)])

  return sc_score


def kernel(entity_embedding, relation_embedding, sample):
  batch = sample.shape[0]
  scores = _make_sc_call(batch)(
      entity_embedding, relation_embedding,
      sample[:, 0].reshape(-1, _CHUNK),
      sample[:, 1].reshape(-1, _CHUNK),
      sample[:, 2].reshape(-1, _CHUNK))
  return scores[:, None]

# --- scband reference (transcript-rebuilt; emitter-appended) ---
"""Pipeline reference for scband-kgemodel-29970281791690 (READ-ONLY COPY).

The authoritative reference and input builder live on the scoring server;
editing this copy changes nothing except your own understanding.
"""

import jax, jax.numpy as jnp
import numpy as np

NENTITY = 1000000
NRELATION = 100000
HIDDEN_DIM = 128
GAMMA = 12.0
EPSILON = 2.0
EMB_RANGE = (GAMMA + EPSILON) / HIDDEN_DIM
BATCH = 16384


def setup_inputs(seed: int = 0) -> dict:
    key = jax.random.key(seed)
    k1, k2, k3 = jax.random.split(key, 3)
    entity_embedding = jax.random.uniform(
        k1, (NENTITY, HIDDEN_DIM), minval=-EMB_RANGE, maxval=EMB_RANGE, dtype=jnp.float32
    )
    relation_embedding = jax.random.uniform(
        k2, (NRELATION, HIDDEN_DIM), minval=-EMB_RANGE, maxval=EMB_RANGE, dtype=jnp.float32
    )
    sample = jax.random.randint(k3, (BATCH, 3), 0, 100000, dtype=jnp.int32)
    return {
        "entity_embedding": entity_embedding,
        "relation_embedding": relation_embedding,
        "sample": sample,
    }


def reference(entity_embedding, relation_embedding, sample):
    # KGEModel.forward, mode='single', model_name='TransE'
    head = jnp.take(entity_embedding, sample[:, 0], axis=0)[:, None, :]
    relation = jnp.take(relation_embedding, sample[:, 1], axis=0)[:, None, :]
    tail = jnp.take(entity_embedding, sample[:, 2], axis=0)[:, None, :]
    # TransE: gamma - ||head + relation - tail||_1 along feature dim
    score = GAMMA - jnp.sum(jnp.abs(head + relation - tail), axis=2)
    return score

if __name__ == "__main__":
    import jax
    _d = setup_inputs()
    print(jax.jit(kernel)(*tuple(_d.values())))

</pallas_src>

<mosaic_0001>
#map = affine_map<(d0, d1) -> (0, 0)>
#map1 = affine_map<(d0, d1) -> (0)>
module attributes {stable_mosaic.version = 14 : i64} {
  func.func @sc_score(%arg0: i32, %arg1: i32, %arg2: memref<1000000x128xf32, #tpu.memory_space<hbm>>, %arg3: memref<100000x128xf32, #tpu.memory_space<hbm>>, %arg4: memref<256x64xi32, #tpu.memory_space<hbm>>, %arg5: memref<256x64xi32, #tpu.memory_space<hbm>>, %arg6: memref<256x64xi32, #tpu.memory_space<hbm>>, %arg7: memref<16384xf32, #tpu.memory_space<hbm>>, %arg8: memref<8x64xi32, #tpu.memory_space<vmem>>, %arg9: memref<8x64xi32, #tpu.memory_space<vmem>>, %arg10: memref<8x64xi32, #tpu.memory_space<vmem>>, %arg11: memref<4x64x128xf32, #tpu.memory_space<vmem>>, %arg12: memref<4x64x128xf32, #tpu.memory_space<vmem>>, %arg13: memref<4x64x128xf32, #tpu.memory_space<vmem>>, %arg14: memref<512xf32, #tpu.memory_space<vmem>>, %arg15: memref<272xf32, #tpu.memory_space<vmem>>, %arg16: memref<4x!tpu.dma_semaphore, #tpu.memory_space<semaphore_mem>>, %arg17: memref<4x!tpu.dma_semaphore, #tpu.memory_space<semaphore_mem>>, %arg18: memref<4x!tpu.dma_semaphore, #tpu.memory_space<semaphore_mem>>) attributes {dimension_semantics = [#tpu.dimension_semantics<core_parallel>, #tpu.dimension_semantics<subcore_parallel>], iteration_bounds = array<i64: 2, 16>, scalar_prefetch = 0 : i64, scratch_operands = 11 : i64, tpu.core_type = #tpu.core_type<sc_vector_subcore>, window_params = [{transform_indices = #map}, {transform_indices = #map}, {transform_indices = #map}, {transform_indices = #map}, {transform_indices = #map}, {transform_indices = #map1}]} {
    %mul3A = arith.constant 2 : i32
    %mul3A_0 = arith.muli %arg1, %mul3A : i32
    %add3A = arith.addi %mul3A_0, %arg0 : i32
    %mul3A_1 = arith.constant 512 : i32
    %mul3A_2 = arith.muli %add3A, %mul3A_1 : i32
    %mul3A_3 = arith.constant 8 : i32
    %mul3A_4 = arith.muli %add3A, %mul3A_3 : i32
    %dma_start3A = arith.constant 0 : i32
    %dma_start3A_5 = arith.constant 0 : i32
    %dma_start3A_6 = tpu.memref_slice %arg4[%mul3A_4, %dma_start3A_5] : memref<256x64xi32, #tpu.memory_space<hbm>> -> memref<8x64xi32, #tpu.memory_space<hbm>>
    %dma_start3A_7 = tpu.memref_slice %arg16[%dma_start3A] : memref<4x!tpu.dma_semaphore, #tpu.memory_space<semaphore_mem>> -> memref<1x!tpu.dma_semaphore, #tpu.memory_space<semaphore_mem>>
    %dma_start3A_8 = tpu.memref_squeeze %dma_start3A_7 : memref<1x!tpu.dma_semaphore, #tpu.memory_space<semaphore_mem>> -> memref<!tpu.dma_semaphore, #tpu.memory_space<semaphore_mem>>
    %dma_start3A_9 = arith.constant 0 : i32
    %dma_start3A_10 = tpu.memref_slice %arg4[%mul3A_4, %dma_start3A_9] : memref<256x64xi32, #tpu.memory_space<hbm>> -> memref<8x64xi32, #tpu.memory_space<hbm>>
    tpu.enqueue_dma source(%dma_start3A_10 : memref<8x64xi32, #tpu.memory_space<hbm>>) target(%arg8 : memref<8x64xi32, #tpu.memory_space<vmem>>) target_semaphore(%dma_start3A_8 : memref<!tpu.dma_semaphore, #tpu.memory_space<semaphore_mem>>)
    %dma_start3A_11 = arith.constant 0 : i32
    %dma_start3A_12 = arith.constant 0 : i32
    %dma_start3A_13 = tpu.memref_slice %arg5[%mul3A_4, %dma_start3A_12] : memref<256x64xi32, #tpu.memory_space<hbm>> -> memref<8x64xi32, #tpu.memory_space<hbm>>
    %dma_start3A_14 = tpu.memref_slice %arg17[%dma_start3A_11] : memref<4x!tpu.dma_semaphore, #tpu.memory_space<semaphore_mem>> -> memref<1x!tpu.dma_semaphore, #tpu.memory_space<semaphore_mem>>
    %dma_start3A_15 = tpu.memref_squeeze %dma_start3A_14 : memref<1x!tpu.dma_semaphore, #tpu.memory_space<semaphore_mem>> -> memref<!tpu.dma_semaphore, #tpu.memory_space<semaphore_mem>>
    %dma_start3A_16 = arith.constant 0 : i32
    %dma_start3A_17 = tpu.memref_slice %arg5[%mul3A_4, %dma_start3A_16] : memref<256x64xi32, #tpu.memory_space<hbm>> -> memref<8x64xi32, #tpu.memory_space<hbm>>
    tpu.enqueue_dma source(%dma_start3A_17 : memref<8x64xi32, #tpu.memory_space<hbm>>) target(%arg9 : memref<8x64xi32, #tpu.memory_space<vmem>>) target_semaphore(%dma_start3A_15 : memref<!tpu.dma_semaphore, #tpu.memory_space<semaphore_mem>>)
    %dma_start3A_18 = arith.constant 0 : i32
    %dma_start3A_19 = arith.constant 0 : i32
    %dma_start3A_20 = tpu.memref_slice %arg6[%mul3A_4, %dma_start3A_19] : memref<256x64xi32, #tpu.memory_space<hbm>> -> memref<8x64xi32, #tpu.memory_space<hbm>>
    %dma_start3A_21 = tpu.memref_slice %arg18[%dma_start3A_18] : memref<4x!tpu.dma_semaphore, #tpu.memory_space<semaphore_mem>> -> memref<1x!tpu.dma_semaphore, #tpu.memory_space<semaphore_mem>>
    %dma_start3A_22 = tpu.memref_squeeze %dma_start3A_21 : memref<1x!tpu.dma_semaphore, #tpu.memory_space<semaphore_mem>> -> memref<!tpu.dma_semaphore, #tpu.memory_space<semaphore_mem>>
    %dma_start3A_23 = arith.constant 0 : i32
    %dma_start3A_24 = tpu.memref_slice %arg6[%mul3A_4, %dma_start3A_23] : memref<256x64xi32, #tpu.memory_space<hbm>> -> memref<8x64xi32, #tpu.memory_space<hbm>>
    tpu.enqueue_dma source(%dma_start3A_24 : memref<8x64xi32, #tpu.memory_space<hbm>>) target(%arg10 : memref<8x64xi32, #tpu.memory_space<vmem>>) target_semaphore(%dma_start3A_22 : memref<!tpu.dma_semaphore, #tpu.memory_space<semaphore_mem>>)
    %dma_wait3A = arith.constant 0 : i32
    %dma_wait3A_25 = arith.constant 0 : i32
    %dma_wait3A_26 = tpu.memref_slice %arg4[%mul3A_4, %dma_wait3A_25] : memref<256x64xi32, #tpu.memory_space<hbm>> -> memref<8x64xi32, #tpu.memory_space<hbm>>
    %dma_wait3A_27 = tpu.memref_slice %arg16[%dma_wait3A] : memref<4x!tpu.dma_semaphore, #tpu.memory_space<semaphore_mem>> -> memref<1x!tpu.dma_semaphore, #tpu.memory_space<semaphore_mem>>
    %dma_wait3A_28 = tpu.memref_squeeze %dma_wait3A_27 : memref<1x!tpu.dma_semaphore, #tpu.memory_space<semaphore_mem>> -> memref<!tpu.dma_semaphore, #tpu.memory_space<semaphore_mem>>
    %dma_wait3A_29 = arith.constant 0 : i32
    %dma_wait3A_30 = tpu.memref_slice %arg4[%mul3A_4, %dma_wait3A_29] : memref<256x64xi32, #tpu.memory_space<hbm>> -> memref<8x64xi32, #tpu.memory_space<hbm>>
    tpu.wait_dma2 semaphore(%dma_wait3A_28 : memref<!tpu.dma_semaphore, #tpu.memory_space<semaphore_mem>>) src(%dma_wait3A_30 : memref<8x64xi32, #tpu.memory_space<hbm>>) dst(%arg8 : memref<8x64xi32, #tpu.memory_space<vmem>>)
    %dma_wait3A_31 = arith.constant 0 : i32
    %dma_wait3A_32 = arith.constant 0 : i32
    %dma_wait3A_33 = tpu.memref_slice %arg5[%mul3A_4, %dma_wait3A_32] : memref<256x64xi32, #tpu.memory_space<hbm>> -> memref<8x64xi32, #tpu.memory_space<hbm>>
    %dma_wait3A_34 = tpu.memref_slice %arg17[%dma_wait3A_31] : memref<4x!tpu.dma_semaphore, #tpu.memory_space<semaphore_mem>> -> memref<1x!tpu.dma_semaphore, #tpu.memory_space<semaphore_mem>>
    %dma_wait3A_35 = tpu.memref_squeeze %dma_wait3A_34 : memref<1x!tpu.dma_semaphore, #tpu.memory_space<semaphore_mem>> -> memref<!tpu.dma_semaphore, #tpu.memory_space<semaphore_mem>>
    %dma_wait3A_36 = arith.constant 0 : i32
    %dma_wait3A_37 = tpu.memref_slice %arg5[%mul3A_4, %dma_wait3A_36] : memref<256x64xi32, #tpu.memory_space<hbm>> -> memref<8x64xi32, #tpu.memory_space<hbm>>
    tpu.wait_dma2 semaphore(%dma_wait3A_35 : memref<!tpu.dma_semaphore, #tpu.memory_space<semaphore_mem>>) src(%dma_wait3A_37 : memref<8x64xi32, #tpu.memory_space<hbm>>) dst(%arg9 : memref<8x64xi32, #tpu.memory_space<vmem>>)
    %dma_wait3A_38 = arith.constant 0 : i32
    %dma_wait3A_39 = arith.constant 0 : i32
    %dma_wait3A_40 = tpu.memref_slice %arg6[%mul3A_4, %dma_wait3A_39] : memref<256x64xi32, #tpu.memory_space<hbm>> -> memref<8x64xi32, #tpu.memory_space<hbm>>
    %dma_wait3A_41 = tpu.memref_slice %arg18[%dma_wait3A_38] : memref<4x!tpu.dma_semaphore, #tpu.memory_space<semaphore_mem>> -> memref<1x!tpu.dma_semaphore, #tpu.memory_space<semaphore_mem>>
    %dma_wait3A_42 = tpu.memref_squeeze %dma_wait3A_41 : memref<1x!tpu.dma_semaphore, #tpu.memory_space<semaphore_mem>> -> memref<!tpu.dma_semaphore, #tpu.memory_space<semaphore_mem>>
    %dma_wait3A_43 = arith.constant 0 : i32
    %dma_wait3A_44 = tpu.memref_slice %arg6[%mul3A_4, %dma_wait3A_43] : memref<256x64xi32, #tpu.memory_space<hbm>> -> memref<8x64xi32, #tpu.memory_space<hbm>>
    tpu.wait_dma2 semaphore(%dma_wait3A_42 : memref<!tpu.dma_semaphore, #tpu.memory_space<semaphore_mem>>) src(%dma_wait3A_44 : memref<8x64xi32, #tpu.memory_space<hbm>>) dst(%arg10 : memref<8x64xi32, #tpu.memory_space<vmem>>)
    %dma_start3A_45 = arith.constant 0 : i32
    %dma_start3A_46 = arith.constant 0 : i32
    %dma_start3A_47 = arith.constant 0 : i32
    %dma_start3A_48 = arith.constant 0 : i32
    %dma_start3A_49 = arith.constant 0 : i32
    %dma_start3A_50 = tpu.memref_slice %arg11[%dma_start3A_46, %dma_start3A_48, %dma_start3A_49] : memref<4x64x128xf32, #tpu.memory_space<vmem>> -> memref<1x64x128xf32, #tpu.memory_space<vmem>>
    %dma_start3A_51 = tpu.memref_squeeze %dma_start3A_50 : memref<1x64x128xf32, #tpu.memory_space<vmem>> -> memref<64x128xf32, #tpu.memory_space<vmem>>
    %dma_start3A_52 = arith.constant 0 : i32
    %dma_start3A_53 = tpu.memref_slice %arg8[%dma_start3A_45, %dma_start3A_52] : memref<8x64xi32, #tpu.memory_space<vmem>> -> memref<1x64xi32, #tpu.memory_space<vmem>>
    %dma_start3A_54 = tpu.memref_squeeze %dma_start3A_53 : memref<1x64xi32, #tpu.memory_space<vmem>> -> memref<64xi32, #tpu.memory_space<vmem>>
    %dma_start3A_55 = arith.constant 0 : i32
    %dma_start3A_56 = arith.constant 0 : i32
    %dma_start3A_57 = tpu.memref_slice %arg2[%dma_start3A_55, %dma_start3A_56] : memref<1000000x128xf32, #tpu.memory_space<hbm>> -> memref<1000000x128xf32, #tpu.memory_space<hbm>>
    %dma_start3A_58 = tpu.memref_slice %arg16[%dma_start3A_47] : memref<4x!tpu.dma_semaphore, #tpu.memory_space<semaphore_mem>> -> memref<1x!tpu.dma_semaphore, #tpu.memory_space<semaphore_mem>>
    %dma_start3A_59 = tpu.memref_squeeze %dma_start3A_58 : memref<1x!tpu.dma_semaphore, #tpu.memory_space<semaphore_mem>> -> memref<!tpu.dma_semaphore, #tpu.memory_space<semaphore_mem>>
    tpu.enqueue_indirect_dma source(%dma_start3A_57 : memref<1000000x128xf32, #tpu.memory_space<hbm>>) target(%dma_start3A_51 : memref<64x128xf32, #tpu.memory_space<vmem>>) offsets(%dma_start3A_54 : memref<64xi32, #tpu.memory_space<vmem>>) semaphore(%dma_start3A_59 : memref<!tpu.dma_semaphore, #tpu.memory_space<semaphore_mem>>)
    %dma_start3A_60 = arith.constant 0 : i32
    %dma_start3A_61 = arith.constant 0 : i32
    %dma_start3A_62 = arith.constant 0 : i32
    %dma_start3A_63 = arith.constant 0 : i32
    %dma_start3A_64 = arith.constant 0 : i32
    %dma_start3A_65 = tpu.memref_slice %arg12[%dma_start3A_61, %dma_start3A_63, %dma_start3A_64] : memref<4x64x128xf32, #tpu.memory_space<vmem>> -> memref<1x64x128xf32, #tpu.memory_space<vmem>>
    %dma_start3A_66 = tpu.memref_squeeze %dma_start3A_65 : memref<1x64x128xf32, #tpu.memory_space<vmem>> -> memref<64x128xf32, #tpu.memory_space<vmem>>
    %dma_start3A_67 = arith.constant 0 : i32
    %dma_start3A_68 = tpu.memref_slice %arg9[%dma_start3A_60, %dma_start3A_67] : memref<8x64xi32, #tpu.memory_space<vmem>> -> memref<1x64xi32, #tpu.memory_space<vmem>>
    %dma_start3A_69 = tpu.memref_squeeze %dma_start3A_68 : memref<1x64xi32, #tpu.memory_space<vmem>> -> memref<64xi32, #tpu.memory_space<vmem>>
    %dma_start3A_70 = arith.constant 0 : i32
    %dma_start3A_71 = arith.constant 0 : i32
    %dma_start3A_72 = tpu.memref_slice %arg3[%dma_start3A_70, %dma_start3A_71] : memref<100000x128xf32, #tpu.memory_space<hbm>> -> memref<100000x128xf32, #tpu.memory_space<hbm>>
    %dma_start3A_73 = tpu.memref_slice %arg17[%dma_start3A_62] : memref<4x!tpu.dma_semaphore, #tpu.memory_space<semaphore_mem>> -> memref<1x!tpu.dma_semaphore, #tpu.memory_space<semaphore_mem>>
    %dma_start3A_74 = tpu.memref_squeeze %dma_start3A_73 : memref<1x!tpu.dma_semaphore, #tpu.memory_space<semaphore_mem>> -> memref<!tpu.dma_semaphore, #tpu.memory_space<semaphore_mem>>
    tpu.enqueue_indirect_dma source(%dma_start3A_72 : memref<100000x128xf32, #tpu.memory_space<hbm>>) target(%dma_start3A_66 : memref<64x128xf32, #tpu.memory_space<vmem>>) offsets(%dma_start3A_69 : memref<64xi32, #tpu.memory_space<vmem>>) semaphore(%dma_start3A_74 : memref<!tpu.dma_semaphore, #tpu.memory_space<semaphore_mem>>)
    %dma_start3A_75 = arith.constant 0 : i32
    %dma_start3A_76 = arith.constant 0 : i32
    %dma_start3A_77 = arith.constant 0 : i32
    %dma_start3A_78 = arith.constant 0 : i32
    %dma_start3A_79 = arith.constant 0 : i32
    %dma_start3A_80 = tpu.memref_slice %arg13[%dma_start3A_76, %dma_start3A_78, %dma_start3A_79] : memref<4x64x128xf32, #tpu.memory_space<vmem>> -> memref<1x64x128xf32, #tpu.memory_space<vmem>>
    %dma_start3A_81 = tpu.memref_squeeze %dma_start3A_80 : memref<1x64x128xf32, #tpu.memory_space<vmem>> -> memref<64x128xf32, #tpu.memory_space<vmem>>
    %dma_start3A_82 = arith.constant 0 : i32
    %dma_start3A_83 = tpu.memref_slice %arg10[%dma_start3A_75, %dma_start3A_82] : memref<8x64xi32, #tpu.memory_space<vmem>> -> memref<1x64xi32, #tpu.memory_space<vmem>>
    %dma_start3A_84 = tpu.memref_squeeze %dma_start3A_83 : memref<1x64xi32, #tpu.memory_space<vmem>> -> memref<64xi32, #tpu.memory_space<vmem>>
    %dma_start3A_85 = arith.constant 0 : i32
    %dma_start3A_86 = arith.constant 0 : i32
    %dma_start3A_87 = tpu.memref_slice %arg2[%dma_start3A_85, %dma_start3A_86] : memref<1000000x128xf32, #tpu.memory_space<hbm>> -> memref<1000000x128xf32, #tpu.memory_space<hbm>>
    %dma_start3A_88 = tpu.memref_slice %arg18[%dma_start3A_77] : memref<4x!tpu.dma_semaphore, #tpu.memory_space<semaphore_mem>> -> memref<1x!tpu.dma_semaphore, #tpu.memory_space<semaphore_mem>>
    %dma_start3A_89 = tpu.memref_squeeze %dma_start3A_88 : memref<1x!tpu.dma_semaphore, #tpu.memory_space<semaphore_mem>> -> memref<!tpu.dma_semaphore, #tpu.memory_space<semaphore_mem>>
    tpu.enqueue_indirect_dma source(%dma_start3A_87 : memref<1000000x128xf32, #tpu.memory_space<hbm>>) target(%dma_start3A_81 : memref<64x128xf32, #tpu.memory_space<vmem>>) offsets(%dma_start3A_84 : memref<64xi32, #tpu.memory_space<vmem>>) semaphore(%dma_start3A_89 : memref<!tpu.dma_semaphore, #tpu.memory_space<semaphore_mem>>)
    %dma_start3A_90 = arith.constant 1 : i32
    %dma_start3A_91 = arith.constant 1 : i32
    %dma_start3A_92 = arith.constant 1 : i32
    %dma_start3A_93 = arith.constant 0 : i32
    %dma_start3A_94 = arith.constant 0 : i32
    %dma_start3A_95 = tpu.memref_slice %arg11[%dma_start3A_91, %dma_start3A_93, %dma_start3A_94] : memref<4x64x128xf32, #tpu.memory_space<vmem>> -> memref<1x64x128xf32, #tpu.memory_space<vmem>>
    %dma_start3A_96 = tpu.memref_squeeze %dma_start3A_95 : memref<1x64x128xf32, #tpu.memory_space<vmem>> -> memref<64x128xf32, #tpu.memory_space<vmem>>
    %dma_start3A_97 = arith.constant 0 : i32
    %dma_start3A_98 = tpu.memref_slice %arg8[%dma_start3A_90, %dma_start3A_97] : memref<8x64xi32, #tpu.memory_space<vmem>> -> memref<1x64xi32, #tpu.memory_space<vmem>>
    %dma_start3A_99 = tpu.memref_squeeze %dma_start3A_98 : memref<1x64xi32, #tpu.memory_space<vmem>> -> memref<64xi32, #tpu.memory_space<vmem>>
    %dma_start3A_100 = arith.constant 0 : i32
    %dma_start3A_101 = arith.constant 0 : i32
    %dma_start3A_102 = tpu.memref_slice %arg2[%dma_start3A_100, %dma_start3A_101] : memref<1000000x128xf32, #tpu.memory_space<hbm>> -> memref<1000000x128xf32, #tpu.memory_space<hbm>>
    %dma_start3A_103 = tpu.memref_slice %arg16[%dma_start3A_92] : memref<4x!tpu.dma_semaphore, #tpu.memory_space<semaphore_mem>> -> memref<1x!tpu.dma_semaphore, #tpu.memory_space<semaphore_mem>>
    %dma_start3A_104 = tpu.memref_squeeze %dma_start3A_103 : memref<1x!tpu.dma_semaphore, #tpu.memory_space<semaphore_mem>> -> memref<!tpu.dma_semaphore, #tpu.memory_space<semaphore_mem>>
    tpu.enqueue_indirect_dma source(%dma_start3A_102 : memref<1000000x128xf32, #tpu.memory_space<hbm>>) target(%dma_start3A_96 : memref<64x128xf32, #tpu.memory_space<vmem>>) offsets(%dma_start3A_99 : memref<64xi32, #tpu.memory_space<vmem>>) semaphore(%dma_start3A_104 : memref<!tpu.dma_semaphore, #tpu.memory_space<semaphore_mem>>)
    %dma_start3A_105 = arith.constant 1 : i32
    %dma_start3A_106 = arith.constant 1 : i32
    %dma_start3A_107 = arith.constant 1 : i32
    %dma_start3A_108 = arith.constant 0 : i32
    %dma_start3A_109 = arith.constant 0 : i32
    %dma_start3A_110 = tpu.memref_slice %arg12[%dma_start3A_106, %dma_start3A_108, %dma_start3A_109] : memref<4x64x128xf32, #tpu.memory_space<vmem>> -> memref<1x64x128xf32, #tpu.memory_space<vmem>>
    %dma_start3A_111 = tpu.memref_squeeze %dma_start3A_110 : memref<1x64x128xf32, #tpu.memory_space<vmem>> -> memref<64x128xf32, #tpu.memory_space<vmem>>
    %dma_start3A_112 = arith.constant 0 : i32
    %dma_start3A_113 = tpu.memref_slice %arg9[%dma_start3A_105, %dma_start3A_112] : memref<8x64xi32, #tpu.memory_space<vmem>> -> memref<1x64xi32, #tpu.memory_space<vmem>>
    %dma_start3A_114 = tpu.memref_squeeze %dma_start3A_113 : memref<1x64xi32, #tpu.memory_space<vmem>> -> memref<64xi32, #tpu.memory_space<vmem>>
    %dma_start3A_115 = arith.constant 0 : i32
    %dma_start3A_116 = arith.constant 0 : i32
    %dma_start3A_117 = tpu.memref_slice %arg3[%dma_start3A_115, %dma_start3A_116] : memref<100000x128xf32, #tpu.memory_space<hbm>> -> memref<100000x128xf32, #tpu.memory_space<hbm>>
    %dma_start3A_118 = tpu.memref_slice %arg17[%dma_start3A_107] : memref<4x!tpu.dma_semaphore, #tpu.memory_space<semaphore_mem>> -> memref<1x!tpu.dma_semaphore, #tpu.memory_space<semaphore_mem>>
    %dma_start3A_119 = tpu.memref_squeeze %dma_start3A_118 : memref<1x!tpu.dma_semaphore, #tpu.memory_space<semaphore_mem>> -> memref<!tpu.dma_semaphore, #tpu.memory_space<semaphore_mem>>
    tpu.enqueue_indirect_dma source(%dma_start3A_117 : memref<100000x128xf32, #tpu.memory_space<hbm>>) target(%dma_start3A_111 : memref<64x128xf32, #tpu.memory_space<vmem>>) offsets(%dma_start3A_114 : memref<64xi32, #tpu.memory_space<vmem>>) semaphore(%dma_start3A_119 : memref<!tpu.dma_semaphore, #tpu.memory_space<semaphore_mem>>)
    %dma_start3A_120 = arith.constant 1 : i32
    %dma_start3A_121 = arith.constant 1 : i32
    %dma_start3A_122 = arith.constant 1 : i32
    %dma_start3A_123 = arith.constant 0 : i32
    %dma_start3A_124 = arith.constant 0 : i32
    %dma_start3A_125 = tpu.memref_slice %arg13[%dma_start3A_121, %dma_start3A_123, %dma_start3A_124] : memref<4x64x128xf32, #tpu.memory_space<vmem>> -> memref<1x64x128xf32, #tpu.memory_space<vmem>>
    %dma_start3A_126 = tpu.memref_squeeze %dma_start3A_125 : memref<1x64x128xf32, #tpu.memory_space<vmem>> -> memref<64x128xf32, #tpu.memory_space<vmem>>
    %dma_start3A_127 = arith.constant 0 : i32
    %dma_start3A_128 = tpu.memref_slice %arg10[%dma_start3A_120, %dma_start3A_127] : memref<8x64xi32, #tpu.memory_space<vmem>> -> memref<1x64xi32, #tpu.memory_space<vmem>>
    %dma_start3A_129 = tpu.memref_squeeze %dma_start3A_128 : memref<1x64xi32, #tpu.memory_space<vmem>> -> memref<64xi32, #tpu.memory_space<vmem>>
    %dma_start3A_130 = arith.constant 0 : i32
    %dma_start3A_131 = arith.constant 0 : i32
    %dma_start3A_132 = tpu.memref_slice %arg2[%dma_start3A_130, %dma_start3A_131] : memref<1000000x128xf32, #tpu.memory_space<hbm>> -> memref<1000000x128xf32, #tpu.memory_space<hbm>>
    %dma_start3A_133 = tpu.memref_slice %arg18[%dma_start3A_122] : memref<4x!tpu.dma_semaphore, #tpu.memory_space<semaphore_mem>> -> memref<1x!tpu.dma_semaphore, #tpu.memory_space<semaphore_mem>>
    %dma_start3A_134 = tpu.memref_squeeze %dma_start3A_133 : memref<1x!tpu.dma_semaphore, #tpu.memory_space<semaphore_mem>> -> memref<!tpu.dma_semaphore, #tpu.memory_space<semaphore_mem>>
    tpu.enqueue_indirect_dma source(%dma_start3A_132 : memref<1000000x128xf32, #tpu.memory_space<hbm>>) target(%dma_start3A_126 : memref<64x128xf32, #tpu.memory_space<vmem>>) offsets(%dma_start3A_129 : memref<64xi32, #tpu.memory_space<vmem>>) semaphore(%dma_start3A_134 : memref<!tpu.dma_semaphore, #tpu.memory_space<semaphore_mem>>)
    %dma_start3A_135 = arith.constant 2 : i32
    %dma_start3A_136 = arith.constant 2 : i32
    %dma_start3A_137 = arith.constant 2 : i32
    %dma_start3A_138 = arith.constant 0 : i32
    %dma_start3A_139 = arith.constant 0 : i32
    %dma_start3A_140 = tpu.memref_slice %arg11[%dma_start3A_136, %dma_start3A_138, %dma_start3A_139] : memref<4x64x128xf32, #tpu.memory_space<vmem>> -> memref<1x64x128xf32, #tpu.memory_space<vmem>>
    %dma_start3A_141 = tpu.memref_squeeze %dma_start3A_140 : memref<1x64x128xf32, #tpu.memory_space<vmem>> -> memref<64x128xf32, #tpu.memory_space<vmem>>
    %dma_start3A_142 = arith.constant 0 : i32
    %dma_start3A_143 = tpu.memref_slice %arg8[%dma_start3A_135, %dma_start3A_142] : memref<8x64xi32, #tpu.memory_space<vmem>> -> memref<1x64xi32, #tpu.memory_space<vmem>>
    %dma_start3A_144 = tpu.memref_squeeze %dma_start3A_143 : memref<1x64xi32, #tpu.memory_space<vmem>> -> memref<64xi32, #tpu.memory_space<vmem>>
    %dma_start3A_145 = arith.constant 0 : i32
    %dma_start3A_146 = arith.constant 0 : i32
    %dma_start3A_147 = tpu.memref_slice %arg2[%dma_start3A_145, %dma_start3A_146] : memref<1000000x128xf32, #tpu.memory_space<hbm>> -> memref<1000000x128xf32, #tpu.memory_space<hbm>>
    %dma_start3A_148 = tpu.memref_slice %arg16[%dma_start3A_137] : memref<4x!tpu.dma_semaphore, #tpu.memory_space<semaphore_mem>> -> memref<1x!tpu.dma_semaphore, #tpu.memory_space<semaphore_mem>>
    %dma_start3A_149 = tpu.memref_squeeze %dma_start3A_148 : memref<1x!tpu.dma_semaphore, #tpu.memory_space<semaphore_mem>> -> memref<!tpu.dma_semaphore, #tpu.memory_space<semaphore_mem>>
    tpu.enqueue_indirect_dma source(%dma_start3A_147 : memref<1000000x128xf32, #tpu.memory_space<hbm>>) target(%dma_start3A_141 : memref<64x128xf32, #tpu.memory_space<vmem>>) offsets(%dma_start3A_144 : memref<64xi32, #tpu.memory_space<vmem>>) semaphore(%dma_start3A_149 : memref<!tpu.dma_semaphore, #tpu.memory_space<semaphore_mem>>)
    %dma_start3A_150 = arith.constant 2 : i32
    %dma_start3A_151 = arith.constant 2 : i32
    %dma_start3A_152 = arith.constant 2 : i32
    %dma_start3A_153 = arith.constant 0 : i32
    %dma_start3A_154 = arith.constant 0 : i32
    %dma_start3A_155 = tpu.memref_slice %arg12[%dma_start3A_151, %dma_start3A_153, %dma_start3A_154] : memref<4x64x128xf32, #tpu.memory_space<vmem>> -> memref<1x64x128xf32, #tpu.memory_space<vmem>>
    %dma_start3A_156 = tpu.memref_squeeze %dma_start3A_155 : memref<1x64x128xf32, #tpu.memory_space<vmem>> -> memref<64x128xf32, #tpu.memory_space<vmem>>
    %dma_start3A_157 = arith.constant 0 : i32
    %dma_start3A_158 = tpu.memref_slice %arg9[%dma_start3A_150, %dma_start3A_157] : memref<8x64xi32, #tpu.memory_space<vmem>> -> memref<1x64xi32, #tpu.memory_space<vmem>>
    %dma_start3A_159 = tpu.memref_squeeze %dma_start3A_158 : memref<1x64xi32, #tpu.memory_space<vmem>> -> memref<64xi32, #tpu.memory_space<vmem>>
    %dma_start3A_160 = arith.constant 0 : i32
    %dma_start3A_161 = arith.constant 0 : i32
    %dma_start3A_162 = tpu.memref_slice %arg3[%dma_start3A_160, %dma_start3A_161] : memref<100000x128xf32, #tpu.memory_space<hbm>> -> memref<100000x128xf32, #tpu.memory_space<hbm>>
    %dma_start3A_163 = tpu.memref_slice %arg17[%dma_start3A_152] : memref<4x!tpu.dma_semaphore, #tpu.memory_space<semaphore_mem>> -> memref<1x!tpu.dma_semaphore, #tpu.memory_space<semaphore_mem>>
    %dma_start3A_164 = tpu.memref_squeeze %dma_start3A_163 : memref<1x!tpu.dma_semaphore, #tpu.memory_space<semaphore_mem>> -> memref<!tpu.dma_semaphore, #tpu.memory_space<semaphore_mem>>
    tpu.enqueue_indirect_dma source(%dma_start3A_162 : memref<100000x128xf32, #tpu.memory_space<hbm>>) target(%dma_start3A_156 : memref<64x128xf32, #tpu.memory_space<vmem>>) offsets(%dma_start3A_159 : memref<64xi32, #tpu.memory_space<vmem>>) semaphore(%dma_start3A_164 : memref<!tpu.dma_semaphore, #tpu.memory_space<semaphore_mem>>)
    %dma_start3A_165 = arith.constant 2 : i32
    %dma_start3A_166 = arith.constant 2 : i32
    %dma_start3A_167 = arith.constant 2 : i32
    %dma_start3A_168 = arith.constant 0 : i32
    %dma_start3A_169 = arith.constant 0 : i32
    %dma_start3A_170 = tpu.memref_slice %arg13[%dma_start3A_166, %dma_start3A_168, %dma_start3A_169] : memref<4x64x128xf32, #tpu.memory_space<vmem>> -> memref<1x64x128xf32, #tpu.memory_space<vmem>>
    %dma_start3A_171 = tpu.memref_squeeze %dma_start3A_170 : memref<1x64x128xf32, #tpu.memory_space<vmem>> -> memref<64x128xf32, #tpu.memory_space<vmem>>
    %dma_start3A_172 = arith.constant 0 : i32
    %dma_start3A_173 = tpu.memref_slice %arg10[%dma_start3A_165, %dma_start3A_172] : memref<8x64xi32, #tpu.memory_space<vmem>> -> memref<1x64xi32, #tpu.memory_space<vmem>>
    %dma_start3A_174 = tpu.memref_squeeze %dma_start3A_173 : memref<1x64xi32, #tpu.memory_space<vmem>> -> memref<64xi32, #tpu.memory_space<vmem>>
    %dma_start3A_175 = arith.constant 0 : i32
    %dma_start3A_176 = arith.constant 0 : i32
    %dma_start3A_177 = tpu.memref_slice %arg2[%dma_start3A_175, %dma_start3A_176] : memref<1000000x128xf32, #tpu.memory_space<hbm>> -> memref<1000000x128xf32, #tpu.memory_space<hbm>>
    %dma_start3A_178 = tpu.memref_slice %arg18[%dma_start3A_167] : memref<4x!tpu.dma_semaphore, #tpu.memory_space<semaphore_mem>> -> memref<1x!tpu.dma_semaphore, #tpu.memory_space<semaphore_mem>>
    %dma_start3A_179 = tpu.memref_squeeze %dma_start3A_178 : memref<1x!tpu.dma_semaphore, #tpu.memory_space<semaphore_mem>> -> memref<!tpu.dma_semaphore, #tpu.memory_space<semaphore_mem>>
    tpu.enqueue_indirect_dma source(%dma_start3A_177 : memref<1000000x128xf32, #tpu.memory_space<hbm>>) target(%dma_start3A_171 : memref<64x128xf32, #tpu.memory_space<vmem>>) offsets(%dma_start3A_174 : memref<64xi32, #tpu.memory_space<vmem>>) semaphore(%dma_start3A_179 : memref<!tpu.dma_semaphore, #tpu.memory_space<semaphore_mem>>)
    %iota3A = tpu.iota {dimensions = array<i32: 0>} : vector<16xi32>
    %mul3A_180 = arith.constant 17 : i32
    %mul3A_181 = vector.broadcast %mul3A_180 : i32 to vector<16xi32>
    %mul3A_182 = arith.muli %iota3A, %mul3A_181 : vector<16xi32>
    %broadcast_in_dim3A = arith.constant 1.200000e+01 : f32
    %broadcast_in_dim3A_183 = vector.broadcast %broadcast_in_dim3A : f32 to vector<16xf32>
    %scan3A = arith.constant 0 : i32
    %scan3A_184 = arith.constant 32 : i32
    %scan3A_185 = arith.addi %scan3A, %scan3A_184 : i32
    %scan3A_186 = arith.constant 2 : i32
    scf.for %scan3A_188 = %scan3A to %scan3A_185 step %scan3A_186  : i32 {
      %jit3A = arith.constant 4 : i32
      %div3A = arith.divsi %scan3A_188, %jit3A : i32
      %sign3A = arith.constant 0 : i32
      %sign3A_189 = arith.cmpi sgt, %scan3A_188, %sign3A : i32
      %sign3A_190 = arith.extui %sign3A_189 : i1 to i32
      %sign3A_191 = arith.constant 0 : i32
      %sign3A_192 = arith.cmpi slt, %scan3A_188, %sign3A_191 : i32
      %sign3A_193 = arith.extui %sign3A_192 : i1 to i32
      %sign3A_194 = arith.subi %sign3A_190, %sign3A_193 : i32
      %sign3A_195 = arith.constant 0 : i32
      %sign3A_196 = arith.cmpi sgt, %jit3A, %sign3A_195 : i32
      %sign3A_197 = arith.extui %sign3A_196 : i1 to i32
      %sign3A_198 = arith.constant 0 : i32
      %sign3A_199 = arith.cmpi slt, %jit3A, %sign3A_198 : i32
      %sign3A_200 = arith.extui %sign3A_199 : i1 to i32
      %sign3A_201 = arith.subi %sign3A_197, %sign3A_200 : i32
      %ne3A = arith.cmpi ne, %sign3A_194, %sign3A_201 : i32
      %rem3A = arith.remsi %scan3A_188, %jit3A : i32
      %ne3A_202 = arith.constant 0 : i32
      %ne3A_203 = arith.cmpi ne, %rem3A, %ne3A_202 : i32
      %and3A = arith.andi %ne3A, %ne3A_203 : i1
      %sub3A = arith.constant 1 : i32
      %sub3A_204 = arith.subi %div3A, %sub3A : i32
      %select_n3A = arith.select %and3A, %sub3A_204, %div3A : i32
      %rem3A_205 = arith.constant 4 : i32
      %rem3A_206 = arith.remsi %select_n3A, %rem3A_205 : i32
      %rem3A_207 = arith.constant 4 : i32
      %rem3A_208 = arith.remsi %scan3A_188, %rem3A_207 : i32
      %eq3A = arith.constant 0 : i32
      %eq3A_209 = arith.cmpi eq, %rem3A_208, %eq3A : i32
      %convert_element_type3A = arith.extui %eq3A_209 : i1 to i32
      %cond3A = arith.constant 0 : i32
      %cond3A_210 = arith.cmpi ne, %convert_element_type3A, %cond3A : i32
      scf.if %cond3A_210 {
        %dma_wait3A_4604 = arith.constant 0 : i32
        %dma_wait3A_4605 = arith.constant 0 : i32
        %dma_wait3A_4606 = tpu.memref_slice %arg11[%rem3A_206, %dma_wait3A_4604, %dma_wait3A_4605] : memref<4x64x128xf32, #tpu.memory_space<vmem>> -> memref<1x64x128xf32, #tpu.memory_space<vmem>>
        %dma_wait3A_4607 = tpu.memref_squeeze %dma_wait3A_4606 : memref<1x64x128xf32, #tpu.memory_space<vmem>> -> memref<64x128xf32, #tpu.memory_space<vmem>>
        %dma_wait3A_4608 = arith.constant 0 : i32
        %dma_wait3A_4609 = tpu.memref_slice %arg8[%select_n3A, %dma_wait3A_4608] : memref<8x64xi32, #tpu.memory_space<vmem>> -> memref<1x64xi32, #tpu.memory_space<vmem>>
        %dma_wait3A_4610 = tpu.memref_squeeze %dma_wait3A_4609 : memref<1x64xi32, #tpu.memory_space<vmem>> -> memref<64xi32, #tpu.memory_space<vmem>>
        %dma_wait3A_4611 = arith.constant 0 : i32
        %dma_wait3A_4612 = arith.constant 0 : i32
        %dma_wait3A_4613 = tpu.memref_slice %arg2[%dma_wait3A_4611, %dma_wait3A_4612] : memref<1000000x128xf32, #tpu.memory_space<hbm>> -> memref<1000000x128xf32, #tpu.memory_space<hbm>>
        %dma_wait3A_4614 = tpu.memref_slice %arg16[%rem3A_206] : memref<4x!tpu.dma_semaphore, #tpu.memory_space<semaphore_mem>> -> memref<1x!tpu.dma_semaphore, #tpu.memory_space<semaphore_mem>>
        %dma_wait3A_4615 = tpu.memref_squeeze %dma_wait3A_4614 : memref<1x!tpu.dma_semaphore, #tpu.memory_space<semaphore_mem>> -> memref<!tpu.dma_semaphore, #tpu.memory_space<semaphore_mem>>
        tpu.wait_indirect_dma semaphore(%dma_wait3A_4615 : memref<!tpu.dma_semaphore, #tpu.memory_space<semaphore_mem>>) src(%dma_wait3A_4613 : memref<1000000x128xf32, #tpu.memory_space<hbm>>) dst(%dma_wait3A_4607 : memref<64x128xf32, #tpu.memory_space<vmem>>)
        %dma_wait3A_4616 = arith.constant 0 : i32
        %dma_wait3A_4617 = arith.constant 0 : i32
        %dma_wait3A_4618 = tpu.memref_slice %arg12[%rem3A_206, %dma_wait3A_4616, %dma_wait3A_4617] : memref<4x64x128xf32, #tpu.memory_space<vmem>> -> memref<1x64x128xf32, #tpu.memory_space<vmem>>
        %dma_wait3A_4619 = tpu.memref_squeeze %dma_wait3A_4618 : memref<1x64x128xf32, #tpu.memory_space<vmem>> -> memref<64x128xf32, #tpu.memory_space<vmem>>
        %dma_wait3A_4620 = arith.constant 0 : i32
        %dma_wait3A_4621 = tpu.memref_slice %arg9[%select_n3A, %dma_wait3A_4620] : memref<8x64xi32, #tpu.memory_space<vmem>> -> memref<1x64xi32, #tpu.memory_space<vmem>>
        %dma_wait3A_4622 = tpu.memref_squeeze %dma_wait3A_4621 : memref<1x64xi32, #tpu.memory_space<vmem>> -> memref<64xi32, #tpu.memory_space<vmem>>
        %dma_wait3A_4623 = arith.constant 0 : i32
        %dma_wait3A_4624 = arith.constant 0 : i32
        %dma_wait3A_4625 = tpu.memref_slice %arg3[%dma_wait3A_4623, %dma_wait3A_4624] : memref<100000x128xf32, #tpu.memory_space<hbm>> -> memref<100000x128xf32, #tpu.memory_space<hbm>>
        %dma_wait3A_4626 = tpu.memref_slice %arg17[%rem3A_206] : memref<4x!tpu.dma_semaphore, #tpu.memory_space<semaphore_mem>> -> memref<1x!tpu.dma_semaphore, #tpu.memory_space<semaphore_mem>>
        %dma_wait3A_4627 = tpu.memref_squeeze %dma_wait3A_4626 : memref<1x!tpu.dma_semaphore, #tpu.memory_space<semaphore_mem>> -> memref<!tpu.dma_semaphore, #tpu.memory_space<semaphore_mem>>
        tpu.wait_indirect_dma semaphore(%dma_wait3A_4627 : memref<!tpu.dma_semaphore, #tpu.memory_space<semaphore_mem>>) src(%dma_wait3A_4625 : memref<100000x128xf32, #tpu.memory_space<hbm>>) dst(%dma_wait3A_4619 : memref<64x128xf32, #tpu.memory_space<vmem>>)
        %dma_wait3A_4628 = arith.constant 0 : i32
        %dma_wait3A_4629 = arith.constant 0 : i32
        %dma_wait3A_4630 = tpu.memref_slice %arg13[%rem3A_206, %dma_wait3A_4628, %dma_wait3A_4629] : memref<4x64x128xf32, #tpu.memory_space<vmem>> -> memref<1x64x128xf32, #tpu.memory_space<vmem>>
        %dma_wait3A_4631 = tpu.memref_squeeze %dma_wait3A_4630 : memref<1x64x128xf32, #tpu.memory_space<vmem>> -> memref<64x128xf32, #tpu.memory_space<vmem>>
        %dma_wait3A_4632 = arith.constant 0 : i32
        %dma_wait3A_4633 = tpu.memref_slice %arg10[%select_n3A, %dma_wait3A_4632] : memref<8x64xi32, #tpu.memory_space<vmem>> -> memref<1x64xi32, #tpu.memory_space<vmem>>
        %dma_wait3A_4634 = tpu.memref_squeeze %dma_wait3A_4633 : memref<1x64xi32, #tpu.memory_space<vmem>> -> memref<64xi32, #tpu.memory_space<vmem>>
        %dma_wait3A_4635 = arith.constant 0 : i32
        %dma_wait3A_4636 = arith.constant 0 : i32
        %dma_wait3A_4637 = tpu.memref_slice %arg2[%dma_wait3A_4635, %dma_wait3A_4636] : memref<1000000x128xf32, #tpu.memory_space<hbm>> -> memref<1000000x128xf32, #tpu.memory_space<hbm>>
        %dma_wait3A_4638 = tpu.memref_slice %arg18[%rem3A_206] : memref<4x!tpu.dma_semaphore, #tpu.memory_space<semaphore_mem>> -> memref<1x!tpu.dma_semaphore, #tpu.memory_space<semaphore_mem>>
        %dma_wait3A_4639 = tpu.memref_squeeze %dma_wait3A_4638 : memref<1x!tpu.dma_semaphore, #tpu.memory_space<semaphore_mem>> -> memref<!tpu.dma_semaphore, #tpu.memory_space<semaphore_mem>>
        tpu.wait_indirect_dma semaphore(%dma_wait3A_4639 : memref<!tpu.dma_semaphore, #tpu.memory_space<semaphore_mem>>) src(%dma_wait3A_4637 : memref<1000000x128xf32, #tpu.memory_space<hbm>>) dst(%dma_wait3A_4631 : memref<64x128xf32, #tpu.memory_space<vmem>>)
        %add3A_4640 = arith.constant 4 : i32
        %add3A_4641 = arith.addi %select_n3A, %add3A_4640 : i32
        %sub3A_4642 = arith.constant 1 : i32
        %sub3A_4643 = arith.subi %add3A_4641, %sub3A_4642 : i32
        %lt3A = arith.constant 8 : i32
        %lt3A_4644 = arith.cmpi slt, %sub3A_4643, %lt3A : i32
        %convert_element_type3A_4645 = arith.extui %lt3A_4644 : i1 to i32
        %cond3A_4646 = arith.constant 0 : i32
        %cond3A_4647 = arith.cmpi ne, %convert_element_type3A_4645, %cond3A_4646 : i32
        scf.if %cond3A_4647 {
          %rem3A_4648 = arith.constant 4 : i32
          %rem3A_4649 = arith.remsi %sub3A_4643, %rem3A_4648 : i32
          %dma_start3A_4650 = arith.constant 0 : i32
          %dma_start3A_4651 = arith.constant 0 : i32
          %dma_start3A_4652 = tpu.memref_slice %arg11[%rem3A_4649, %dma_start3A_4650, %dma_start3A_4651] : memref<4x64x128xf32, #tpu.memory_space<vmem>> -> memref<1x64x128xf32, #tpu.memory_space<vmem>>
          %dma_start3A_4653 = tpu.memref_squeeze %dma_start3A_4652 : memref<1x64x128xf32, #tpu.memory_space<vmem>> -> memref<64x128xf32, #tpu.memory_space<vmem>>
          %dma_start3A_4654 = arith.constant 0 : i32
          %dma_start3A_4655 = tpu.memref_slice %arg8[%sub3A_4643, %dma_start3A_4654] : memref<8x64xi32, #tpu.memory_space<vmem>> -> memref<1x64xi32, #tpu.memory_space<vmem>>
          %dma_start3A_4656 = tpu.memref_squeeze %dma_start3A_4655 : memref<1x64xi32, #tpu.memory_space<vmem>> -> memref<64xi32, #tpu.memory_space<vmem>>
          %dma_start3A_4657 = arith.constant 0 : i32
          %dma_start3A_4658 = arith.constant 0 : i32
          %dma_start3A_4659 = tpu.memref_slice %arg2[%dma_start3A_4657, %dma_start3A_4658] : memref<1000000x128xf32, #tpu.memory_space<hbm>> -> memref<1000000x128xf32, #tpu.memory_space<hbm>>
          %dma_start3A_4660 = tpu.memref_slice %arg16[%rem3A_4649] : memref<4x!tpu.dma_semaphore, #tpu.memory_space<semaphore_mem>> -> memref<1x!tpu.dma_semaphore, #tpu.memory_space<semaphore_mem>>
          %dma_start3A_4661 = tpu.memref_squeeze %dma_start3A_4660 : memref<1x!tpu.dma_semaphore, #tpu.memory_space<semaphore_mem>> -> memref<!tpu.dma_semaphore, #tpu.memory_space<semaphore_mem>>
          tpu.enqueue_indirect_dma source(%dma_start3A_4659 : memref<1000000x128xf32, #tpu.memory_space<hbm>>) target(%dma_start3A_4653 : memref<64x128xf32, #tpu.memory_space<vmem>>) offsets(%dma_start3A_4656 : memref<64xi32, #tpu.memory_space<vmem>>) semaphore(%dma_start3A_4661 : memref<!tpu.dma_semaphore, #tpu.memory_space<semaphore_mem>>)
          %dma_start3A_4662 = arith.constant 0 : i32
          %dma_start3A_4663 = arith.constant 0 : i32
          %dma_start3A_4664 = tpu.memref_slice %arg12[%rem3A_4649, %dma_start3A_4662, %dma_start3A_4663] : memref<4x64x128xf32, #tpu.memory_space<vmem>> -> memref<1x64x128xf32, #tpu.memory_space<vmem>>
          %dma_start3A_4665 = tpu.memref_squeeze %dma_start3A_4664 : memref<1x64x128xf32, #tpu.memory_space<vmem>> -> memref<64x128xf32, #tpu.memory_space<vmem>>
          %dma_start3A_4666 = arith.constant 0 : i32
          %dma_start3A_4667 = tpu.memref_slice %arg9[%sub3A_4643, %dma_start3A_4666] : memref<8x64xi32, #tpu.memory_space<vmem>> -> memref<1x64xi32, #tpu.memory_space<vmem>>
          %dma_start3A_4668 = tpu.memref_squeeze %dma_start3A_4667 : memref<1x64xi32, #tpu.memory_space<vmem>> -> memref<64xi32, #tpu.memory_space<vmem>>
          %dma_start3A_4669 = arith.constant 0 : i32
          %dma_start3A_4670 = arith.constant 0 : i32
          %dma_start3A_4671 = tpu.memref_slice %arg3[%dma_start3A_4669, %dma_start3A_4670] : memref<100000x128xf32, #tpu.memory_space<hbm>> -> memref<100000x128xf32, #tpu.memory_space<hbm>>
          %dma_start3A_4672 = tpu.memref_slice %arg17[%rem3A_4649] : memref<4x!tpu.dma_semaphore, #tpu.memory_space<semaphore_mem>> -> memref<1x!tpu.dma_semaphore, #tpu.memory_space<semaphore_mem>>
          %dma_start3A_4673 = tpu.memref_squeeze %dma_start3A_4672 : memref<1x!tpu.dma_semaphore, #tpu.memory_space<semaphore_mem>> -> memref<!tpu.dma_semaphore, #tpu.memory_space<semaphore_mem>>
          tpu.enqueue_indirect_dma source(%dma_start3A_4671 : memref<100000x128xf32, #tpu.memory_space<hbm>>) target(%dma_start3A_4665 : memref<64x128xf32, #tpu.memory_space<vmem>>) offsets(%dma_start3A_4668 : memref<64xi32, #tpu.memory_space<vmem>>) semaphore(%dma_start3A_4673 : memref<!tpu.dma_semaphore, #tpu.memory_space<semaphore_mem>>)
          %dma_start3A_4674 = arith.constant 0 : i32
          %dma_start3A_4675 = arith.constant 0 : i32
          %dma_start3A_4676 = tpu.memref_slice %arg13[%rem3A_4649, %dma_start3A_4674, %dma_start3A_4675] : memref<4x64x128xf32, #tpu.memory_space<vmem>> -> memref<1x64x128xf32, #tpu.memory_space<vmem>>
          %dma_start3A_4677 = tpu.memref_squeeze %dma_start3A_4676 : memref<1x64x128xf32, #tpu.memory_space<vmem>> -> memref<64x128xf32, #tpu.memory_space<vmem>>
          %dma_start3A_4678 = arith.constant 0 : i32
          %dma_start3A_4679 = tpu.memref_slice %arg10[%sub3A_4643, %dma_start3A_4678] : memref<8x64xi32, #tpu.memory_space<vmem>> -> memref<1x64xi32, #tpu.memory_space<vmem>>
          %dma_start3A_4680 = tpu.memref_squeeze %dma_start3A_4679 : memref<1x64xi32, #tpu.memory_space<vmem>> -> memref<64xi32, #tpu.memory_space<vmem>>
          %dma_start3A_4681 = arith.constant 0 : i32
          %dma_start3A_4682 = arith.constant 0 : i32
          %dma_start3A_4683 = tpu.memref_slice %arg2[%dma_start3A_4681, %dma_start3A_4682] : memref<1000000x128xf32, #tpu.memory_space<hbm>> -> memref<1000000x128xf32, #tpu.memory_space<hbm>>
          %dma_start3A_4684 = tpu.memref_slice %arg18[%rem3A_4649] : memref<4x!tpu.dma_semaphore, #tpu.memory_space<semaphore_mem>> -> memref<1x!tpu.dma_semaphore, #tpu.memory_space<semaphore_mem>>
          %dma_start3A_4685 = tpu.memref_squeeze %dma_start3A_4684 : memref<1x!tpu.dma_semaphore, #tpu.memory_space<semaphore_mem>> -> memref<!tpu.dma_semaphore, #tpu.memory_space<semaphore_mem>>
          tpu.enqueue_indirect_dma source(%dma_start3A_4683 : memref<1000000x128xf32, #tpu.memory_space<hbm>>) target(%dma_start3A_4677 : memref<64x128xf32, #tpu.memory_space<vmem>>) offsets(%dma_start3A_4680 : memref<64xi32, #tpu.memory_space<vmem>>) semaphore(%dma_start3A_4685 : memref<!tpu.dma_semaphore, #tpu.memory_space<semaphore_mem>>)
        } else {
        }
      } else {
      }
      %rem3A_211 = arith.constant 4 : i32
      %rem3A_212 = arith.remsi %scan3A_188, %rem3A_211 : i32
      %mul3A_213 = arith.constant 16 : i32
      %mul3A_214 = arith.muli %rem3A_212, %mul3A_213 : i32
      %add3A_215 = arith.constant 0 : i32
      %add3A_216 = arith.addi %mul3A_214, %add3A_215 : i32
      %get3A = arith.index_cast %rem3A_206 : i32 to index
      %get3A_217 = arith.index_cast %add3A_216 : i32 to index
      %get3A_218 = arith.constant 0 : index
      %get3A_219 = tpu.vector_load %arg11[%get3A, %get3A_217, %get3A_218] {strides = array<i32>} : memref<4x64x128xf32, #tpu.memory_space<vmem>>, vector<16xf32>,
      %get3A_220 = arith.index_cast %rem3A_206 : i32 to index
      %get3A_221 = arith.index_cast %add3A_216 : i32 to index
      %get3A_222 = arith.constant 0 : index
      %get3A_223 = tpu.vector_load %arg12[%get3A_220, %get3A_221, %get3A_222] {strides = array<i32>} : memref<4x64x128xf32, #tpu.memory_space<vmem>>, vector<16xf32>,
      %add3A_224 = arith.addf %get3A_219, %get3A_223 : vector<16xf32>
      %get3A_225 = arith.index_cast %rem3A_206 : i32 to index
      %get3A_226 = arith.index_cast %add3A_216 : i32 to index
      %get3A_227 = arith.constant 0 : index
      %get3A_228 = tpu.vector_load %arg13[%get3A_225, %get3A_226, %get3A_227] {strides = array<i32>} : memref<4x64x128xf32, #tpu.memory_space<vmem>>, vector<16xf32>,
      %sub3A_229 = arith.subf %add3A_224, %get3A_228 : vector<16xf32>
      %abs3A = math.absf %sub3A_229 : vector<16xf32>
      %get3A_230 = arith.index_cast %rem3A_206 : i32 to index
      %get3A_231 = arith.index_cast %add3A_216 : i32 to index
      %get3A_232 = arith.constant 16 : index
      %get3A_233 = tpu.vector_load %arg11[%get3A_230, %get3A_231, %get3A_232] {strides = array<i32>} : memref<4x64x128xf32, #tpu.memory_space<vmem>>, vector<16xf32>,
      %get3A_234 = arith.index_cast %rem3A_206 : i32 to index
      %get3A_235 = arith.index_cast %add3A_216 : i32 to index
      %get3A_236 = arith.constant 16 : index
      %get3A_237 = tpu.vector_load %arg12[%get3A_234, %get3A_235, %get3A_236] {strides = array<i32>} : memref<4x64x128xf32, #tpu.memory_space<vmem>>, vector<16xf32>,
      %add3A_238 = arith.addf %get3A_233, %get3A_237 : vector<16xf32>
      %get3A_239 = arith.index_cast %rem3A_206 : i32 to index
      %get3A_240 = arith.index_cast %add3A_216 : i32 to index
      %get3A_241 = arith.constant 16 : index
      %get3A_242 = tpu.vector_load %arg13[%get3A_239, %get3A_240, %get3A_241] {strides = array<i32>} : memref<4x64x128xf32, #tpu.memory_space<vmem>>, vector<16xf32>,
      %sub3A_243 = arith.subf %add3A_238, %get3A_242 : vector<16xf32>
      %abs3A_244 = math.absf %sub3A_243 : vector<16xf32>
      %add3A_245 = arith.addf %abs3A, %abs3A_244 : vector<16xf32>
      %get3A_246 = arith.index_cast %rem3A_206 : i32 to index
      %get3A_247 = arith.index_cast %add3A_216 : i32 to index
      %get3A_248 = arith.constant 32 : index
      %get3A_249 = tpu.vector_load %arg11[%get3A_246, %get3A_247, %get3A_248] {strides = array<i32>} : memref<4x64x128xf32, #tpu.memory_space<vmem>>, vector<16xf32>,
      %get3A_250 = arith.index_cast %rem3A_206 : i32 to index
      %get3A_251 = arith.index_cast %add3A_216 : i32 to index
      %get3A_252 = arith.constant 32 : index
      %get3A_253 = tpu.vector_load %arg12[%get3A_250, %get3A_251, %get3A_252] {strides = array<i32>} : memref<4x64x128xf32, #tpu.memory_space<vmem>>, vector<16xf32>,
      %add3A_254 = arith.addf %get3A_249, %get3A_253 : vector<16xf32>
      %get3A_255 = arith.index_cast %rem3A_206 : i32 to index
      %get3A_256 = arith.index_cast %add3A_216 : i32 to index
      %get3A_257 = arith.constant 32 : index
      %get3A_258 = tpu.vector_load %arg13[%get3A_255, %get3A_256, %get3A_257] {strides = array<i32>} : memref<4x64x128xf32, #tpu.memory_space<vmem>>, vector<16xf32>,
      %sub3A_259 = arith.subf %add3A_254, %get3A_258 : vector<16xf32>
      %abs3A_260 = math.absf %sub3A_259 : vector<16xf32>
      %add3A_261 = arith.addf %add3A_245, %abs3A_260 : vector<16xf32>
      %get3A_262 = arith.index_cast %rem3A_206 : i32 to index
      %get3A_263 = arith.index_cast %add3A_216 : i32 to index
      %get3A_264 = arith.constant 48 : index
      %get3A_265 = tpu.vector_load %arg11[%get3A_262, %get3A_263, %get3A_264] {strides = array<i32>} : memref<4x64x128xf32, #tpu.memory_space<vmem>>, vector<16xf32>,
      %get3A_266 = arith.index_cast %rem3A_206 : i32 to index
      %get3A_267 = arith.index_cast %add3A_216 : i32 to index
      %get3A_268 = arith.constant 48 : index
      %get3A_269 = tpu.vector_load %arg12[%get3A_266, %get3A_267, %get3A_268] {strides = array<i32>} : memref<4x64x128xf32, #tpu.memory_space<vmem>>, vector<16xf32>,
      %add3A_270 = arith.addf %get3A_265, %get3A_269 : vector<16xf32>
      %get3A_271 = arith.index_cast %rem3A_206 : i32 to index
      %get3A_272 = arith.index_cast %add3A_216 : i32 to index
      %get3A_273 = arith.constant 48 : index
      %get3A_274 = tpu.vector_load %arg13[%get3A_271, %get3A_272, %get3A_273] {strides = array<i32>} : memref<4x64x128xf32, #tpu.memory_space<vmem>>, vector<16xf32>,
      %sub3A_275 = arith.subf %add3A_270, %get3A_274 : vector<16xf32>
      %abs3A_276 = math.absf %sub3A_275 : vector<16xf32>
      %add3A_277 = arith.addf %add3A_261, %abs3A_276 : vector<16xf32>
      %get3A_278 = arith.index_cast %rem3A_206 : i32 to index
      %get3A_279 = arith.index_cast %add3A_216 : i32 to index
      %get3A_280 = arith.constant 64 : index
      %get3A_281 = tpu.vector_load %arg11[%get3A_278, %get3A_279, %get3A_280] {strides = array<i32>} : memref<4x64x128xf32, #tpu.memory_space<vmem>>, vector<16xf32>,
      %get3A_282 = arith.index_cast %rem3A_206 : i32 to index
      %get3A_283 = arith.index_cast %add3A_216 : i32 to index
      %get3A_284 = arith.constant 64 : index
      %get3A_285 = tpu.vector_load %arg12[%get3A_282, %get3A_283, %get3A_284] {strides = array<i32>} : memref<4x64x128xf32, #tpu.memory_space<vmem>>, vector<16xf32>,
      %add3A_286 = arith.addf %get3A_281, %get3A_285 : vector<16xf32>
      %get3A_287 = arith.index_cast %rem3A_206 : i32 to index
      %get3A_288 = arith.index_cast %add3A_216 : i32 to index
      %get3A_289 = arith.constant 64 : index
      %get3A_290 = tpu.vector_load %arg13[%get3A_287, %get3A_288, %get3A_289] {strides = array<i32>} : memref<4x64x128xf32, #tpu.memory_space<vmem>>, vector<16xf32>,
      %sub3A_291 = arith.subf %add3A_286, %get3A_290 : vector<16xf32>
      %abs3A_292 = math.absf %sub3A_291 : vector<16xf32>
      %add3A_293 = arith.addf %add3A_277, %abs3A_292 : vector<16xf32>
      %get3A_294 = arith.index_cast %rem3A_206 : i32 to index
      %get3A_295 = arith.index_cast %add3A_216 : i32 to index
      %get3A_296 = arith.constant 80 : index
      %get3A_297 = tpu.vector_load %arg11[%get3A_294, %get3A_295, %get3A_296] {strides = array<i32>} : memref<4x64x128xf32, #tpu.memory_space<vmem>>, vector<16xf32>,
      %get3A_298 = arith.index_cast %rem3A_206 : i32 to index
      %get3A_299 = arith.index_cast %add3A_216 : i32 to index
      %get3A_300 = arith.constant 80 : index
      %get3A_301 = tpu.vector_load %arg12[%get3A_298, %get3A_299, %get3A_300] {strides = array<i32>} : memref<4x64x128xf32, #tpu.memory_space<vmem>>, vector<16xf32>,
      %add3A_302 = arith.addf %get3A_297, %get3A_301 : vector<16xf32>
      %get3A_303 = arith.index_cast %rem3A_206 : i32 to index
      %get3A_304 = arith.index_cast %add3A_216 : i32 to index
      %get3A_305 = arith.constant 80 : index
      %get3A_306 = tpu.vector_load %arg13[%get3A_303, %get3A_304, %get3A_305] {strides = array<i32>} : memref<4x64x128xf32, #tpu.memory_space<vmem>>, vector<16xf32>,
      %sub3A_307 = arith.subf %add3A_302, %get3A_306 : vector<16xf32>
      %abs3A_308 = math.absf %sub3A_307 : vector<16xf32>
      %add3A_309 = arith.addf %add3A_293, %abs3A_308 : vector<16xf32>
      %get3A_310 = arith.index_cast %rem3A_206 : i32 to index
      %get3A_311 = arith.index_cast %add3A_216 : i32 to index
      %get3A_312 = arith.constant 96 : index
      %get3A_313 = tpu.vector_load %arg11[%get3A_310, %get3A_311, %get3A_312] {strides = array<i32>} : memref<4x64x128xf32, #tpu.memory_space<vmem>>, vector<16xf32>,
      %get3A_314 = arith.index_cast %rem3A_206 : i32 to index
      %get3A_315 = arith.index_cast %add3A_216 : i32 to index
      %get3A_316 = arith.constant 96 : index
      %get3A_317 = tpu.vector_load %arg12[%get3A_314, %get3A_315, %get3A_316] {strides = array<i32>} : memref<4x64x128xf32, #tpu.memory_space<vmem>>, vector<16xf32>,
      %add3A_318 = arith.addf %get3A_313, %get3A_317 : vector<16xf32>
      %get3A_319 = arith.index_cast %rem3A_206 : i32 to index
      %get3A_320 = arith.index_cast %add3A_216 : i32 to index
      %get3A_321 = arith.constant 96 : index
      %get3A_322 = tpu.vector_load %arg13[%get3A_319, %get3A_320, %get3A_321] {strides = array<i32>} : memref<4x64x128xf32, #tpu.memory_space<vmem>>, vector<16xf32>,
      %sub3A_323 = arith.subf %add3A_318, %get3A_322 : vector<16xf32>
      %abs3A_324 = math.absf %sub3A_323 : vector<16xf32>
      %add3A_325 = arith.addf %add3A_309, %abs3A_324 : vector<16xf32>
      %get3A_326 = arith.index_cast %rem3A_206 : i32 to index
      %get3A_327 = arith.index_cast %add3A_216 : i32 to index
      %get3A_328 = arith.constant 112 : index
      %get3A_329 = tpu.vector_load %arg11[%get3A_326, %get3A_327, %get3A_328] {strides = array<i32>} : memref<4x64x128xf32, #tpu.memory_space<vmem>>, vector<16xf32>,
      %get3A_330 = arith.index_cast %rem3A_206 : i32 to index
      %get3A_331 = arith.index_cast %add3A_216 : i32 to index
      %get3A_332 = arith.constant 112 : index
      %get3A_333 = tpu.vector_load %arg12[%get3A_330, %get3A_331, %get3A_332] {strides = array<i32>} : memref<4x64x128xf32, #tpu.memory_space<vmem>>, vector<16xf32>,
      %add3A_334 = arith.addf %get3A_329, %get3A_333 : vector<16xf32>
      %get3A_335 = arith.index_cast %rem3A_206 : i32 to index
      %get3A_336 = arith.index_cast %add3A_216 : i32 to index
      %get3A_337 = arith.constant 112 : index
      %get3A_338 = tpu.vector_load %arg13[%get3A_335, %get3A_336, %get3A_337] {strides = array<i32>} : memref<4x64x128xf32, #tpu.memory_space<vmem>>, vector<16xf32>,
      %sub3A_339 = arith.subf %add3A_334, %get3A_338 : vector<16xf32>
      %abs3A_340 = math.absf %sub3A_339 : vector<16xf32>
      %add3A_341 = arith.addf %add3A_325, %abs3A_340 : vector<16xf32>
      %swap3A = arith.constant 0 : index
      %swap3A_342 = tpu.vector_load %arg15[%swap3A] {strides = array<i32>} : memref<272xf32, #tpu.memory_space<vmem>>, vector<16xf32>,
      tpu.vector_store %arg15[%swap3A], %add3A_341 {strides = array<i32>} : memref<272xf32, #tpu.memory_space<vmem>>, vector<16xf32>,
      %add3A_343 = arith.constant 1 : i32
      %add3A_344 = arith.addi %mul3A_214, %add3A_343 : i32
      %get3A_345 = arith.index_cast %rem3A_206 : i32 to index
      %get3A_346 = arith.index_cast %add3A_344 : i32 to index
      %get3A_347 = arith.constant 0 : index
      %get3A_348 = tpu.vector_load %arg11[%get3A_345, %get3A_346, %get3A_347] {strides = array<i32>} : memref<4x64x128xf32, #tpu.memory_space<vmem>>, vector<16xf32>,
      %get3A_349 = arith.index_cast %rem3A_206 : i32 to index
      %get3A_350 = arith.index_cast %add3A_344 : i32 to index
      %get3A_351 = arith.constant 0 : index
      %get3A_352 = tpu.vector_load %arg12[%get3A_349, %get3A_350, %get3A_351] {strides = array<i32>} : memref<4x64x128xf32, #tpu.memory_space<vmem>>, vector<16xf32>,
      %add3A_353 = arith.addf %get3A_348, %get3A_352 : vector<16xf32>
      %get3A_354 = arith.index_cast %rem3A_206 : i32 to index
      %get3A_355 = arith.index_cast %add3A_344 : i32 to index
      %get3A_356 = arith.constant 0 : index
      %get3A_357 = tpu.vector_load %arg13[%get3A_354, %get3A_355, %get3A_356] {strides = array<i32>} : memref<4x64x128xf32, #tpu.memory_space<vmem>>, vector<16xf32>,
      %sub3A_358 = arith.subf %add3A_353, %get3A_357 : vector<16xf32>
      %abs3A_359 = math.absf %sub3A_358 : vector<16xf32>
      %get3A_360 = arith.index_cast %rem3A_206 : i32 to index
      %get3A_361 = arith.index_cast %add3A_344 : i32 to index
      %get3A_362 = arith.constant 16 : index
      %get3A_363 = tpu.vector_load %arg11[%get3A_360, %get3A_361, %get3A_362] {strides = array<i32>} : memref<4x64x128xf32, #tpu.memory_space<vmem>>, vector<16xf32>,
      %get3A_364 = arith.index_cast %rem3A_206 : i32 to index
      %get3A_365 = arith.index_cast %add3A_344 : i32 to index
      %get3A_366 = arith.constant 16 : index
      %get3A_367 = tpu.vector_load %arg12[%get3A_364, %get3A_365, %get3A_366] {strides = array<i32>} : memref<4x64x128xf32, #tpu.memory_space<vmem>>, vector<16xf32>,
      %add3A_368 = arith.addf %get3A_363, %get3A_367 : vector<16xf32>
      %get3A_369 = arith.index_cast %rem3A_206 : i32 to index
      %get3A_370 = arith.index_cast %add3A_344 : i32 to index
      %get3A_371 = arith.constant 16 : index
      %get3A_372 = tpu.vector_load %arg13[%get3A_369, %get3A_370, %get3A_371] {strides = array<i32>} : memref<4x64x128xf32, #tpu.memory_space<vmem>>, vector<16xf32>,
      %sub3A_373 = arith.subf %add3A_368, %get3A_372 : vector<16xf32>
      %abs3A_374 = math.absf %sub3A_373 : vector<16xf32>
      %add3A_375 = arith.addf %abs3A_359, %abs3A_374 : vector<16xf32>
      %get3A_376 = arith.index_cast %rem3A_206 : i32 to index
      %get3A_377 = arith.index_cast %add3A_344 : i32 to index
      %get3A_378 = arith.constant 32 : index
      %get3A_379 = tpu.vector_load %arg11[%get3A_376, %get3A_377, %get3A_378] {strides = array<i32>} : memref<4x64x128xf32, #tpu.memory_space<vmem>>, vector<16xf32>,
      %get3A_380 = arith.index_cast %rem3A_206 : i32 to index
      %get3A_381 = arith.index_cast %add3A_344 : i32 to index
      %get3A_382 = arith.constant 32 : index
      %get3A_383 = tpu.vector_load %arg12[%get3A_380, %get3A_381, %get3A_382] {strides = array<i32>} : memref<4x64x128xf32, #tpu.memory_space<vmem>>, vector<16xf32>,
      %add3A_384 = arith.addf %get3A_379, %get3A_383 : vector<16xf32>
      %get3A_385 = arith.index_cast %rem3A_206 : i32 to index
      %get3A_386 = arith.index_cast %add3A_344 : i32 to index
      %get3A_387 = arith.constant 32 : index
      %get3A_388 = tpu.vector_load %arg13[%get3A_385, %get3A_386, %get3A_387] {strides = array<i32>} : memref<4x64x128xf32, #tpu.memory_space<vmem>>, vector<16xf32>,
      %sub3A_389 = arith.subf %add3A_384, %get3A_388 : vector<16xf32>
      %abs3A_390 = math.absf %sub3A_389 : vector<16xf32>
      %add3A_391 = arith.addf %add3A_375, %abs3A_390 : vector<16xf32>
      %get3A_392 = arith.index_cast %rem3A_206 : i32 to index
      %get3A_393 = arith.index_cast %add3A_344 : i32 to index
      %get3A_394 = arith.constant 48 : index
      %get3A_395 = tpu.vector_load %arg11[%get3A_392, %get3A_393, %get3A_394] {strides = array<i32>} : memref<4x64x128xf32, #tpu.memory_space<vmem>>, vector<16xf32>,
      %get3A_396 = arith.index_cast %rem3A_206 : i32 to index
      %get3A_397 = arith.index_cast %add3A_344 : i32 to index
      %get3A_398 = arith.constant 48 : index
      %get3A_399 = tpu.vector_load %arg12[%get3A_396, %get3A_397, %get3A_398] {strides = array<i32>} : memref<4x64x128xf32, #tpu.memory_space<vmem>>, vector<16xf32>,
      %add3A_400 = arith.addf %get3A_395, %get3A_399 : vector<16xf32>
      %get3A_401 = arith.index_cast %rem3A_206 : i32 to index
      %get3A_402 = arith.index_cast %add3A_344 : i32 to index
      %get3A_403 = arith.constant 48 : index
      %get3A_404 = tpu.vector_load %arg13[%get3A_401, %get3A_402, %get3A_403] {strides = array<i32>} : memref<4x64x128xf32, #tpu.memory_space<vmem>>, vector<16xf32>,
      %sub3A_405 = arith.subf %add3A_400, %get3A_404 : vector<16xf32>
      %abs3A_406 = math.absf %sub3A_405 : vector<16xf32>
      %add3A_407 = arith.addf %add3A_391, %abs3A_406 : vector<16xf32>
      %get3A_408 = arith.index_cast %rem3A_206 : i32 to index
      %get3A_409 = arith.index_cast %add3A_344 : i32 to index
      %get3A_410 = arith.constant 64 : index
      %get3A_411 = tpu.vector_load %arg11[%get3A_408, %get3A_409, %get3A_410] {strides = array<i32>} : memref<4x64x128xf32, #tpu.memory_space<vmem>>, vector<16xf32>,
      %get3A_412 = arith.index_cast %rem3A_206 : i32 to index
      %get3A_413 = arith.index_cast %add3A_344 : i32 to index
      %get3A_414 = arith.constant 64 : index
      %get3A_415 = tpu.vector_load %arg12[%get3A_412, %get3A_413, %get3A_414] {strides = array<i32>} : memref<4x64x128xf32, #tpu.memory_space<vmem>>, vector<16xf32>,
      %add3A_416 = arith.addf %get3A_411, %get3A_415 : vector<16xf32>
      %get3A_417 = arith.index_cast %rem3A_206 : i32 to index
      %get3A_418 = arith.index_cast %add3A_344 : i32 to index
      %get3A_419 = arith.constant 64 : index
      %get3A_420 = tpu.vector_load %arg13[%get3A_417, %get3A_418, %get3A_419] {strides = array<i32>} : memref<4x64x128xf32, #tpu.memory_space<vmem>>, vector<16xf32>,
      %sub3A_421 = arith.subf %add3A_416, %get3A_420 : vector<16xf32>
      %abs3A_422 = math.absf %sub3A_421 : vector<16xf32>
      %add3A_423 = arith.addf %add3A_407, %abs3A_422 : vector<16xf32>
      %get3A_424 = arith.index_cast %rem3A_206 : i32 to index
      %get3A_425 = arith.index_cast %add3A_344 : i32 to index
      %get3A_426 = arith.constant 80 : index
      %get3A_427 = tpu.vector_load %arg11[%get3A_424, %get3A_425, %get3A_426] {strides = array<i32>} : memref<4x64x128xf32, #tpu.memory_space<vmem>>, vector<16xf32>,
      %get3A_428 = arith.index_cast %rem3A_206 : i32 to index
      %get3A_429 = arith.index_cast %add3A_344 : i32 to index
      %get3A_430 = arith.constant 80 : index
      %get3A_431 = tpu.vector_load %arg12[%get3A_428, %get3A_429, %get3A_430] {strides = array<i32>} : memref<4x64x128xf32, #tpu.memory_space<vmem>>, vector<16xf32>,
      %add3A_432 = arith.addf %get3A_427, %get3A_431 : vector<16xf32>
      %get3A_433 = arith.index_cast %rem3A_206 : i32 to index
      %get3A_434 = arith.index_cast %add3A_344 : i32 to index
      %get3A_435 = arith.constant 80 : index
      %get3A_436 = tpu.vector_load %arg13[%get3A_433, %get3A_434, %get3A_435] {strides = array<i32>} : memref<4x64x128xf32, #tpu.memory_space<vmem>>, vector<16xf32>,
      %sub3A_437 = arith.subf %add3A_432, %get3A_436 : vector<16xf32>
      %abs3A_438 = math.absf %sub3A_437 : vector<16xf32>
      %add3A_439 = arith.addf %add3A_423, %abs3A_438 : vector<16xf32>
      %get3A_440 = arith.index_cast %rem3A_206 : i32 to index
      %get3A_441 = arith.index_cast %add3A_344 : i32 to index
      %get3A_442 = arith.constant 96 : index
      %get3A_443 = tpu.vector_load %arg11[%get3A_440, %get3A_441, %get3A_442] {strides = array<i32>} : memref<4x64x128xf32, #tpu.memory_space<vmem>>, vector<16xf32>,
      %get3A_444 = arith.index_cast %rem3A_206 : i32 to index
      %get3A_445 = arith.index_cast %add3A_344 : i32 to index
      %get3A_446 = arith.constant 96 : index
      %get3A_447 = tpu.vector_load %arg12[%get3A_444, %get3A_445, %get3A_446] {strides = array<i32>} : memref<4x64x128xf32, #tpu.memory_space<vmem>>, vector<16xf32>,
      %add3A_448 = arith.addf %get3A_443, %get3A_447 : vector<16xf32>
      %get3A_449 = arith.index_cast %rem3A_206 : i32 to index
      %get3A_450 = arith.index_cast %add3A_344 : i32 to index
      %get3A_451 = arith.constant 96 : index
      %get3A_452 = tpu.vector_load %arg13[%get3A_449, %get3A_450, %get3A_451] {strides = array<i32>} : memref<4x64x128xf32, #tpu.memory_space<vmem>>, vector<16xf32>,
      %sub3A_453 = arith.subf %add3A_448, %get3A_452 : vector<16xf32>
      %abs3A_454 = math.absf %sub3A_453 : vector<16xf32>
      %add3A_455 = arith.addf %add3A_439, %abs3A_454 : vector<16xf32>
      %get3A_456 = arith.index_cast %rem3A_206 : i32 to index
      %get3A_457 = arith.index_cast %add3A_344 : i32 to index
      %get3A_458 = arith.constant 112 : index
      %get3A_459 = tpu.vector_load %arg11[%get3A_456, %get3A_457, %get3A_458] {strides = array<i32>} : memref<4x64x128xf32, #tpu.memory_space<vmem>>, vector<16xf32>,
      %get3A_460 = arith.index_cast %rem3A_206 : i32 to index
      %get3A_461 = arith.index_cast %add3A_344 : i32 to index
      %get3A_462 = arith.constant 112 : index
      %get3A_463 = tpu.vector_load %arg12[%get3A_460, %get3A_461, %get3A_462] {strides = array<i32>} : memref<4x64x128xf32, #tpu.memory_space<vmem>>, vector<16xf32>,
      %add3A_464 = arith.addf %get3A_459, %get3A_463 : vector<16xf32>
      %get3A_465 = arith.index_cast %rem3A_206 : i32 to index
      %get3A_466 = arith.index_cast %add3A_344 : i32 to index
      %get3A_467 = arith.constant 112 : index
      %get3A_468 = tpu.vector_load %arg13[%get3A_465, %get3A_466, %get3A_467] {strides = array<i32>} : memref<4x64x128xf32, #tpu.memory_space<vmem>>, vector<16xf32>,
      %sub3A_469 = arith.subf %add3A_464, %get3A_468 : vector<16xf32>
      %abs3A_470 = math.absf %sub3A_469 : vector<16xf32>
      %add3A_471 = arith.addf %add3A_455, %abs3A_470 : vector<16xf32>
      %swap3A_472 = arith.constant 17 : index
      %swap3A_473 = tpu.vector_load %arg15[%swap3A_472] {strides = array<i32>} : memref<272xf32, #tpu.memory_space<vmem>>, vector<16xf32>,
      tpu.vector_store %arg15[%swap3A_472], %add3A_471 {strides = array<i32>} : memref<272xf32, #tpu.memory_space<vmem>>, vector<16xf32>,
      %add3A_474 = arith.constant 2 : i32
      %add3A_475 = arith.addi %mul3A_214, %add3A_474 : i32
      %get3A_476 = arith.index_cast %rem3A_206 : i32 to index
      %get3A_477 = arith.index_cast %add3A_475 : i32 to index
      %get3A_478 = arith.constant 0 : index
      %get3A_479 = tpu.vector_load %arg11[%get3A_476, %get3A_477, %get3A_478] {strides = array<i32>} : memref<4x64x128xf32, #tpu.memory_space<vmem>>, vector<16xf32>,
      %get3A_480 = arith.index_cast %rem3A_206 : i32 to index
      %get3A_481 = arith.index_cast %add3A_475 : i32 to index
      %get3A_482 = arith.constant 0 : index
      %get3A_483 = tpu.vector_load %arg12[%get3A_480, %get3A_481, %get3A_482] {strides = array<i32>} : memref<4x64x128xf32, #tpu.memory_space<vmem>>, vector<16xf32>,
      %add3A_484 = arith.addf %get3A_479, %get3A_483 : vector<16xf32>
      %get3A_485 = arith.index_cast %rem3A_206 : i32 to index
      %get3A_486 = arith.index_cast %add3A_475 : i32 to index
      %get3A_487 = arith.constant 0 : index
      %get3A_488 = tpu.vector_load %arg13[%get3A_485, %get3A_486, %get3A_487] {strides = array<i32>} : memref<4x64x128xf32, #tpu.memory_space<vmem>>, vector<16xf32>,
      %sub3A_489 = arith.subf %add3A_484, %get3A_488 : vector<16xf32>
      %abs3A_490 = math.absf %sub3A_489 : vector<16xf32>
      %get3A_491 = arith.index_cast %rem3A_206 : i32 to index
      %get3A_492 = arith.index_cast %add3A_475 : i32 to index
      %get3A_493 = arith.constant 16 : index
      %get3A_494 = tpu.vector_load %arg11[%get3A_491, %get3A_492, %get3A_493] {strides = array<i32>} : memref<4x64x128xf32, #tpu.memory_space<vmem>>, vector<16xf32>,
      %get3A_495 = arith.index_cast %rem3A_206 : i32 to index
      %get3A_496 = arith.index_cast %add3A_475 : i32 to index
      %get3A_497 = arith.constant 16 : index
      %get3A_498 = tpu.vector_load %arg12[%get3A_495, %get3A_496, %get3A_497] {strides = array<i32>} : memref<4x64x128xf32, #tpu.memory_space<vmem>>, vector<16xf32>,
      %add3A_499 = arith.addf %get3A_494, %get3A_498 : vector<16xf32>
      %get3A_500 = arith.index_cast %rem3A_206 : i32 to index
      %get3A_501 = arith.index_cast %add3A_475 : i32 to index
      %get3A_502 = arith.constant 16 : index
      %get3A_503 = tpu.vector_load %arg13[%get3A_500, %get3A_501, %get3A_502] {strides = array<i32>} : memref<4x64x128xf32, #tpu.memory_space<vmem>>, vector<16xf32>,
      %sub3A_504 = arith.subf %add3A_499, %get3A_503 : vector<16xf32>
      %abs3A_505 = math.absf %sub3A_504 : vector<16xf32>
      %add3A_506 = arith.addf %abs3A_490, %abs3A_505 : vector<16xf32>
      %get3A_507 = arith.index_cast %rem3A_206 : i32 to index
      %get3A_508 = arith.index_cast %add3A_475 : i32 to index
      %get3A_509 = arith.constant 32 : index
      %get3A_510 = tpu.vector_load %arg11[%get3A_507, %get3A_508, %get3A_509] {strides = array<i32>} : memref<4x64x128xf32, #tpu.memory_space<vmem>>, vector<16xf32>,
      %get3A_511 = arith.index_cast %rem3A_206 : i32 to index
      %get3A_512 = arith.index_cast %add3A_475 : i32 to index
      %get3A_513 = arith.constant 32 : index
      %get3A_514 = tpu.vector_load %arg12[%get3A_511, %get3A_512, %get3A_513] {strides = array<i32>} : memref<4x64x128xf32, #tpu.memory_space<vmem>>, vector<16xf32>,
      %add3A_515 = arith.addf %get3A_510, %get3A_514 : vector<16xf32>
      %get3A_516 = arith.index_cast %rem3A_206 : i32 to index
      %get3A_517 = arith.index_cast %add3A_475 : i32 to index
      %get3A_518 = arith.constant 32 : index
      %get3A_519 = tpu.vector_load %arg13[%get3A_516, %get3A_517, %get3A_518] {strides = array<i32>} : memref<4x64x128xf32, #tpu.memory_space<vmem>>, vector<16xf32>,
      %sub3A_520 = arith.subf %add3A_515, %get3A_519 : vector<16xf32>
      %abs3A_521 = math.absf %sub3A_520 : vector<16xf32>
      %add3A_522 = arith.addf %add3A_506, %abs3A_521 : vector<16xf32>
      %get3A_523 = arith.index_cast %rem3A_206 : i32 to index
      %get3A_524 = arith.index_cast %add3A_475 : i32 to index
      %get3A_525 = arith.constant 48 : index
      %get3A_526 = tpu.vector_load %arg11[%get3A_523, %get3A_524, %get3A_525] {strides = array<i32>} : memref<4x64x128xf32, #tpu.memory_space<vmem>>, vector<16xf32>,
      %get3A_527 = arith.index_cast %rem3A_206 : i32 to index
      %get3A_528 = arith.index_cast %add3A_475 : i32 to index
      %get3A_529 = arith.constant 48 : index
      %get3A_530 = tpu.vector_load %arg12[%get3A_527, %get3A_528, %get3A_529] {strides = array<i32>} : memref<4x64x128xf32, #tpu.memory_space<vmem>>, vector<16xf32>,
      %add3A_531 = arith.addf %get3A_526, %get3A_530 : vector<16xf32>
      %get3A_532 = arith.index_cast %rem3A_206 : i32 to index
      %get3A_533 = arith.index_cast %add3A_475 : i32 to index
      %get3A_534 = arith.constant 48 : index
      %get3A_535 = tpu.vector_load %arg13[%get3A_532, %get3A_533, %get3A_534] {strides = array<i32>} : memref<4x64x128xf32, #tpu.memory_space<vmem>>, vector<16xf32>,
      %sub3A_536 = arith.subf %add3A_531, %get3A_535 : vector<16xf32>
      %abs3A_537 = math.absf %sub3A_536 : vector<16xf32>
      %add3A_538 = arith.addf %add3A_522, %abs3A_537 : vector<16xf32>
      %get3A_539 = arith.index_cast %rem3A_206 : i32 to index
      %get3A_540 = arith.index_cast %add3A_475 : i32 to index
      %get3A_541 = arith.constant 64 : index
      %get3A_542 = tpu.vector_load %arg11[%get3A_539, %get3A_540, %get3A_541] {strides = array<i32>} : memref<4x64x128xf32, #tpu.memory_space<vmem>>, vector<16xf32>,
      %get3A_543 = arith.index_cast %rem3A_206 : i32 to index
      %get3A_544 = arith.index_cast %add3A_475 : i32 to index
      %get3A_545 = arith.constant 64 : index
      %get3A_546 = tpu.vector_load %arg12[%get3A_543, %get3A_544, %get3A_545] {strides = array<i32>} : memref<4x64x128xf32, #tpu.memory_space<vmem>>, vector<16xf32>,
      %add3A_547 = arith.addf %get3A_542, %get3A_546 : vector<16xf32>
      %get3A_548 = arith.index_cast %rem3A_206 : i32 to index
      %get3A_549 = arith.index_cast %add3A_475 : i32 to index
      %get3A_550 = arith.constant 64 : index
      %get3A_551 = tpu.vector_load %arg13[%get3A_548, %get3A_549, %get3A_550] {strides = array<i32>} : memref<4x64x128xf32, #tpu.memory_space<vmem>>, vector<16xf32>,
      %sub3A_552 = arith.subf %add3A_547, %get3A_551 : vector<16xf32>
      %abs3A_553 = math.absf %sub3A_552 : vector<16xf32>
      %add3A_554 = arith.addf %add3A_538, %abs3A_553 : vector<16xf32>
      %get3A_555 = arith.index_cast %rem3A_206 : i32 to index
      %get3A_556 = arith.index_cast %add3A_475 : i32 to index
      %get3A_557 = arith.constant 80 : index
      %get3A_558 = tpu.vector_load %arg11[%get3A_555, %get3A_556, %get3A_557] {strides = array<i32>} : memref<4x64x128xf32, #tpu.memory_space<vmem>>, vector<16xf32>,
      %get3A_559 = arith.index_cast %rem3A_206 : i32 to index
      %get3A_560 = arith.index_cast %add3A_475 : i32 to index
      %get3A_561 = arith.constant 80 : index
      %get3A_562 = tpu.vector_load %arg12[%get3A_559, %get3A_560, %get3A_561] {strides = array<i32>} : memref<4x64x128xf32, #tpu.memory_space<vmem>>, vector<16xf32>,
      %add3A_563 = arith.addf %get3A_558, %get3A_562 : vector<16xf32>
      %get3A_564 = arith.index_cast %rem3A_206 : i32 to index
      %get3A_565 = arith.index_cast %add3A_475 : i32 to index
      %get3A_566 = arith.constant 80 : index
      %get3A_567 = tpu.vector_load %arg13[%get3A_564, %get3A_565, %get3A_566] {strides = array<i32>} : memref<4x64x128xf32, #tpu.memory_space<vmem>>, vector<16xf32>,
      %sub3A_568 = arith.subf %add3A_563, %get3A_567 : vector<16xf32>
      %abs3A_569 = math.absf %sub3A_568 : vector<16xf32>
      %add3A_570 = arith.addf %add3A_554, %abs3A_569 : vector<16xf32>
      %get3A_571 = arith.index_cast %rem3A_206 : i32 to index
      %get3A_572 = arith.index_cast %add3A_475 : i32 to index
      %get3A_573 = arith.constant 96 : index
      %get3A_574 = tpu.vector_load %arg11[%get3A_571, %get3A_572, %get3A_573] {strides = array<i32>} : memref<4x64x128xf32, #tpu.memory_space<vmem>>, vector<16xf32>,
      %get3A_575 = arith.index_cast %rem3A_206 : i32 to index
      %get3A_576 = arith.index_cast %add3A_475 : i32 to index
      %get3A_577 = arith.constant 96 : index
      %get3A_578 = tpu.vector_load %arg12[%get3A_575, %get3A_576, %get3A_577] {strides = array<i32>} : memref<4x64x128xf32, #tpu.memory_space<vmem>>, vector<16xf32>,
      %add3A_579 = arith.addf %get3A_574, %get3A_578 : vector<16xf32>
      %get3A_580 = arith.index_cast %rem3A_206 : i32 to index
      %get3A_581 = arith.index_cast %add3A_475 : i32 to index
      %get3A_582 = arith.constant 96 : index
      %get3A_583 = tpu.vector_load %arg13[%get3A_580, %get3A_581, %get3A_582] {strides = array<i32>} : memref<4x64x128xf32, #tpu.memory_space<vmem>>, vector<16xf32>,
      %sub3A_584 = arith.subf %add3A_579, %get3A_583 : vector<16xf32>
      %abs3A_585 = math.absf %sub3A_584 : vector<16xf32>
      %add3A_586 = arith.addf %add3A_570, %abs3A_585 : vector<16xf32>
      %get3A_587 = arith.index_cast %rem3A_206 : i32 to index
      %get3A_588 = arith.index_cast %add3A_475 : i32 to index
      %get3A_589 = arith.constant 112 : index
      %get3A_590 = tpu.vector_load %arg11[%get3A_587, %get3A_588, %get3A_589] {strides = array<i32>} : memref<4x64x128xf32, #tpu.memory_space<vmem>>, vector<16xf32>,
      %get3A_591 = arith.index_cast %rem3A_206 : i32 to index
      %get3A_592 = arith.index_cast %add3A_475 : i32 to index
      %get3A_593 = arith.constant 112 : index
      %get3A_594 = tpu.vector_load %arg12[%get3A_591, %get3A_592, %get3A_593] {strides = array<i32>} : memref<4x64x128xf32, #tpu.memory_space<vmem>>, vector<16xf32>,
      %add3A_595 = arith.addf %get3A_590, %get3A_594 : vector<16xf32>
      %get3A_596 = arith.index_cast %rem3A_206 : i32 to index
      %get3A_597 = arith.index_cast %add3A_475 : i32 to index
      %get3A_598 = arith.constant 112 : index
      %get3A_599 = tpu.vector_load %arg13[%get3A_596, %get3A_597, %get3A_598] {strides = array<i32>} : memref<4x64x128xf32, #tpu.memory_space<vmem>>, vector<16xf32>,
      %sub3A_600 = arith.subf %add3A_595, %get3A_599 : vector<16xf32>
      %abs3A_601 = math.absf %sub3A_600 : vector<16xf32>
      %add3A_602 = arith.addf %add3A_586, %abs3A_601 : vector<16xf32>
      %swap3A_603 = arith.constant 34 : index
      %swap3A_604 = tpu.vector_load %arg15[%swap3A_603] {strides = array<i32>} : memref<272xf32, #tpu.memory_space<vmem>>, vector<16xf32>,
      tpu.vector_store %arg15[%swap3A_603], %add3A_602 {strides = array<i32>} : memref<272xf32, #tpu.memory_space<vmem>>, vector<16xf32>,
      %add3A_605 = arith.constant 3 : i32
      %add3A_606 = arith.addi %mul3A_214, %add3A_605 : i32
      %get3A_607 = arith.index_cast %rem3A_206 : i32 to index
      %get3A_608 = arith.index_cast %add3A_606 : i32 to index
      %get3A_609 = arith.constant 0 : index
      %get3A_610 = tpu.vector_load %arg11[%get3A_607, %get3A_608, %get3A_609] {strides = array<i32>} : memref<4x64x128xf32, #tpu.memory_space<vmem>>, vector<16xf32>,
      %get3A_611 = arith.index_cast %rem3A_206 : i32 to index
      %get3A_612 = arith.index_cast %add3A_606 : i32 to index
      %get3A_613 = arith.constant 0 : index
      %get3A_614 = tpu.vector_load %arg12[%get3A_611, %get3A_612, %get3A_613] {strides = array<i32>} : memref<4x64x128xf32, #tpu.memory_space<vmem>>, vector<16xf32>,
      %add3A_615 = arith.addf %get3A_610, %get3A_614 : vector<16xf32>
      %get3A_616 = arith.index_cast %rem3A_206 : i32 to index
      %get3A_617 = arith.index_cast %add3A_606 : i32 to index
      %get3A_618 = arith.constant 0 : index
      %get3A_619 = tpu.vector_load %arg13[%get3A_616, %get3A_617, %get3A_618] {strides = array<i32>} : memref<4x64x128xf32, #tpu.memory_space<vmem>>, vector<16xf32>,
      %sub3A_620 = arith.subf %add3A_615, %get3A_619 : vector<16xf32>
      %abs3A_621 = math.absf %sub3A_620 : vector<16xf32>
      %get3A_622 = arith.index_cast %rem3A_206 : i32 to index
      %get3A_623 = arith.index_cast %add3A_606 : i32 to index
      %get3A_624 = arith.constant 16 : index
      %get3A_625 = tpu.vector_load %arg11[%get3A_622, %get3A_623, %get3A_624] {strides = array<i32>} : memref<4x64x128xf32, #tpu.memory_space<vmem>>, vector<16xf32>,
      %get3A_626 = arith.index_cast %rem3A_206 : i32 to index
      %get3A_627 = arith.index_cast %add3A_606 : i32 to index
      %get3A_628 = arith.constant 16 : index
      %get3A_629 = tpu.vector_load %arg12[%get3A_626, %get3A_627, %get3A_628] {strides = array<i32>} : memref<4x64x128xf32, #tpu.memory_space<vmem>>, vector<16xf32>,
      %add3A_630 = arith.addf %get3A_625, %get3A_629 : vector<16xf32>
      %get3A_631 = arith.index_cast %rem3A_206 : i32 to index
      %get3A_632 = arith.index_cast %add3A_606 : i32 to index
      %get3A_633 = arith.constant 16 : index
      %get3A_634 = tpu.vector_load %arg13[%get3A_631, %get3A_632, %get3A_633] {strides = array<i32>} : memref<4x64x128xf32, #tpu.memory_space<vmem>>, vector<16xf32>,
      %sub3A_635 = arith.subf %add3A_630, %get3A_634 : vector<16xf32>
      %abs3A_636 = math.absf %sub3A_635 : vector<16xf32>
      %add3A_637 = arith.addf %abs3A_621, %abs3A_636 : vector<16xf32>
      %get3A_638 = arith.index_cast %rem3A_206 : i32 to index
      %get3A_639 = arith.index_cast %add3A_606 : i32 to index
      %get3A_640 = arith.constant 32 : index
      %get3A_641 = tpu.vector_load %arg11[%get3A_638, %get3A_639, %get3A_640] {strides = array<i32>} : memref<4x64x128xf32, #tpu.memory_space<vmem>>, vector<16xf32>,
      %get3A_642 = arith.index_cast %rem3A_206 : i32 to index
      %get3A_643 = arith.index_cast %add3A_606 : i32 to index
      %get3A_644 = arith.constant 32 : index
      %get3A_645 = tpu.vector_load %arg12[%get3A_642, %get3A_643, %get3A_644] {strides = array<i32>} : memref<4x64x128xf32, #tpu.memory_space<vmem>>, vector<16xf32>,
      %add3A_646 = arith.addf %get3A_641, %get3A_645 : vector<16xf32>
      %get3A_647 = arith.index_cast %rem3A_206 : i32 to index
      %get3A_648 = arith.index_cast %add3A_606 : i32 to index
      %get3A_649 = arith.constant 32 : index
      %get3A_650 = tpu.vector_load %arg13[%get3A_647, %get3A_648, %get3A_649] {strides = array<i32>} : memref<4x64x128xf32, #tpu.memory_space<vmem>>, vector<16xf32>,
      %sub3A_651 = arith.subf %add3A_646, %get3A_650 : vector<16xf32>
      %abs3A_652 = math.absf %sub3A_651 : vector<16xf32>
      %add3A_653 = arith.addf %add3A_637, %abs3A_652 : vector<16xf32>
      %get3A_654 = arith.index_cast %rem3A_206 : i32 to index
      %get3A_655 = arith.index_cast %add3A_606 : i32 to index
      %get3A_656 = arith.constant 48 : index
      %get3A_657 = tpu.vector_load %arg11[%get3A_654, %get3A_655, %get3A_656] {strides = array<i32>} : memref<4x64x128xf32, #tpu.memory_space<vmem>>, vector<16xf32>,
      %get3A_658 = arith.index_cast %rem3A_206 : i32 to index
      %get3A_659 = arith.index_cast %add3A_606 : i32 to index
      %get3A_660 = arith.constant 48 : index
      %get3A_661 = tpu.vector_load %arg12[%get3A_658, %get3A_659, %get3A_660] {strides = array<i32>} : memref<4x64x128xf32, #tpu.memory_space<vmem>>, vector<16xf32>,
      %add3A_662 = arith.addf %get3A_657, %get3A_661 : vector<16xf32>
      %get3A_663 = arith.index_cast %rem3A_206 : i32 to index
      %get3A_664 = arith.index_cast %add3A_606 : i32 to index
      %get3A_665 = arith.constant 48 : index
      %get3A_666 = tpu.vector_load %arg13[%get3A_663, %get3A_664, %get3A_665] {strides = array<i32>} : memref<4x64x128xf32, #tpu.memory_space<vmem>>, vector<16xf32>,
      %sub3A_667 = arith.subf %add3A_662, %get3A_666 : vector<16xf32>
      %abs3A_668 = math.absf %sub3A_667 : vector<16xf32>
      %add3A_669 = arith.addf %add3A_653, %abs3A_668 : vector<16xf32>
      %get3A_670 = arith.index_cast %rem3A_206 : i32 to index
      %get3A_671 = arith.index_cast %add3A_606 : i32 to index
      %get3A_672 = arith.constant 64 : index
      %get3A_673 = tpu.vector_load %arg11[%get3A_670, %get3A_671, %get3A_672] {strides = array<i32>} : memref<4x64x128xf32, #tpu.memory_space<vmem>>, vector<16xf32>,
      %get3A_674 = arith.index_cast %rem3A_206 : i32 to index
      %get3A_675 = arith.index_cast %add3A_606 : i32 to index
      %get3A_676 = arith.constant 64 : index
      %get3A_677 = tpu.vector_load %arg12[%get3A_674, %get3A_675, %get3A_676] {strides = array<i32>} : memref<4x64x128xf32, #tpu.memory_space<vmem>>, vector<16xf32>,
      %add3A_678 = arith.addf %get3A_673, %get3A_677 : vector<16xf32>
      %get3A_679 = arith.index_cast %rem3A_206 : i32 to index
      %get3A_680 = arith.index_cast %add3A_606 : i32 to index
      %get3A_681 = arith.constant 64 : index
      %get3A_682 = tpu.vector_load %arg13[%get3A_679, %get3A_680, %get3A_681] {strides = array<i32>} : memref<4x64x128xf32, #tpu.memory_space<vmem>>, vector<16xf32>,
      %sub3A_683 = arith.subf %add3A_678, %get3A_682 : vector<16xf32>
      %abs3A_684 = math.absf %sub3A_683 : vector<16xf32>
      %add3A_685 = arith.addf %add3A_669, %abs3A_684 : vector<16xf32>
      %get3A_686 = arith.index_cast %rem3A_206 : i32 to index
      %get3A_687 = arith.index_cast %add3A_606 : i32 to index
      %get3A_688 = arith.constant 80 : index
      %get3A_689 = tpu.vector_load %arg11[%get3A_686, %get3A_687, %get3A_688] {strides = array<i32>} : memref<4x64x128xf32, #tpu.memory_space<vmem>>, vector<16xf32>,
      %get3A_690 = arith.index_cast %rem3A_206 : i32 to index
      %get3A_691 = arith.index_cast %add3A_606 : i32 to index
      %get3A_692 = arith.constant 80 : index
      %get3A_693 = tpu.vector_load %arg12[%get3A_690, %get3A_691, %get3A_692] {strides = array<i32>} : memref<4x64x128xf32, #tpu.memory_space<vmem>>, vector<16xf32>,
      %add3A_694 = arith.addf %get3A_689, %get3A_693 : vector<16xf32>
      %get3A_695 = arith.index_cast %rem3A_206 : i32 to index
      %get3A_696 = arith.index_cast %add3A_606 : i32 to index
      %get3A_697 = arith.constant 80 : index
      %get3A_698 = tpu.vector_load %arg13[%get3A_695, %get3A_696, %get3A_697] {strides = array<i32>} : memref<4x64x128xf32, #tpu.memory_space<vmem>>, vector<16xf32>,
      %sub3A_699 = arith.subf %add3A_694, %get3A_698 : vector<16xf32>
      %abs3A_700 = math.absf %sub3A_699 : vector<16xf32>
      %add3A_701 = arith.addf %add3A_685, %abs3A_700 : vector<16xf32>
      %get3A_702 = arith.index_cast %rem3A_206 : i32 to index
      %get3A_703 = arith.index_cast %add3A_606 : i32 to index
      %get3A_704 = arith.constant 96 : index
      %get3A_705 = tpu.vector_load %arg11[%get3A_702, %get3A_703, %get3A_704] {strides = array<i32>} : memref<4x64x128xf32, #tpu.memory_space<vmem>>, vector<16xf32>,
      %get3A_706 = arith.index_cast %rem3A_206 : i32 to index
      %get3A_707 = arith.index_cast %add3A_606 : i32 to index
      %get3A_708 = arith.constant 96 : index
      %get3A_709 = tpu.vector_load %arg12[%get3A_706, %get3A_707, %get3A_708] {strides = array<i32>} : memref<4x64x128xf32, #tpu.memory_space<vmem>>, vector<16xf32>,
      %add3A_710 = arith.addf %get3A_705, %get3A_709 : vector<16xf32>
      %get3A_711 = arith.index_cast %rem3A_206 : i32 to index
      %get3A_712 = arith.index_cast %add3A_606 : i32 to index
      %get3A_713 = arith.constant 96 : index
      %get3A_714 = tpu.vector_load %arg13[%get3A_711, %get3A_712, %get3A_713] {strides = array<i32>} : memref<4x64x128xf32, #tpu.memory_space<vmem>>, vector<16xf32>,
      %sub3A_715 = arith.subf %add3A_710, %get3A_714 : vector<16xf32>
      %abs3A_716 = math.absf %sub3A_715 : vector<16xf32>
      %add3A_717 = arith.addf %add3A_701, %abs3A_716 : vector<16xf32>
      %get3A_718 = arith.index_cast %rem3A_206 : i32 to index
      %get3A_719 = arith.index_cast %add3A_606 : i32 to index
      %get3A_720 = arith.constant 112 : index
      %get3A_721 = tpu.vector_load %arg11[%get3A_718, %get3A_719, %get3A_720] {strides = array<i32>} : memref<4x64x128xf32, #tpu.memory_space<vmem>>, vector<16xf32>,
      %get3A_722 = arith.index_cast %rem3A_206 : i32 to index
      %get3A_723 = arith.index_cast %add3A_606 : i32 to index
      %get3A_724 = arith.constant 112 : index
      %get3A_725 = tpu.vector_load %arg12[%get3A_722, %get3A_723, %get3A_724] {strides = array<i32>} : memref<4x64x128xf32, #tpu.memory_space<vmem>>, vector<16xf32>,
      %add3A_726 = arith.addf %get3A_721, %get3A_725 : vector<16xf32>
      %get3A_727 = arith.index_cast %rem3A_206 : i32 to index
      %get3A_728 = arith.index_cast %add3A_606 : i32 to index
      %get3A_729 = arith.constant 112 : index
      %get3A_730 = tpu.vector_load %arg13[%get3A_727, %get3A_728, %get3A_729] {strides = array<i32>} : memref<4x64x128xf32, #tpu.memory_space<vmem>>, vector<16xf32>,
      %sub3A_731 = arith.subf %add3A_726, %get3A_730 : vector<16xf32>
      %abs3A_732 = math.absf %sub3A_731 : vector<16xf32>
      %add3A_733 = arith.addf %add3A_717, %abs3A_732 : vector<16xf32>
      %swap3A_734 = arith.constant 51 : index
      %swap3A_735 = tpu.vector_load %arg15[%swap3A_734] {strides = array<i32>} : memref<272xf32, #tpu.memory_space<vmem>>, vector<16xf32>,
      tpu.vector_store %arg15[%swap3A_734], %add3A_733 {strides = array<i32>} : memref<272xf32, #tpu.memory_space<vmem>>, vector<16xf32>,
      %add3A_736 = arith.constant 4 : i32
      %add3A_737 = arith.addi %mul3A_214, %add3A_736 : i32
      %get3A_738 = arith.index_cast %rem3A_206 : i32 to index
      %get3A_739 = arith.index_cast %add3A_737 : i32 to index
      %get3A_740 = arith.constant 0 : index
      %get3A_741 = tpu.vector_load %arg11[%get3A_738, %get3A_739, %get3A_740] {strides = array<i32>} : memref<4x64x128xf32, #tpu.memory_space<vmem>>, vector<16xf32>,
      %get3A_742 = arith.index_cast %rem3A_206 : i32 to index
      %get3A_743 = arith.index_cast %add3A_737 : i32 to index
      %get3A_744 = arith.constant 0 : index
      %get3A_745 = tpu.vector_load %arg12[%get3A_742, %get3A_743, %get3A_744] {strides = array<i32>} : memref<4x64x128xf32, #tpu.memory_space<vmem>>, vector<16xf32>,
      %add3A_746 = arith.addf %get3A_741, %get3A_745 : vector<16xf32>
      %get3A_747 = arith.index_cast %rem3A_206 : i32 to index
      %get3A_748 = arith.index_cast %add3A_737 : i32 to index
      %get3A_749 = arith.constant 0 : index
      %get3A_750 = tpu.vector_load %arg13[%get3A_747, %get3A_748, %get3A_749] {strides = array<i32>} : memref<4x64x128xf32, #tpu.memory_space<vmem>>, vector<16xf32>,
      %sub3A_751 = arith.subf %add3A_746, %get3A_750 : vector<16xf32>
      %abs3A_752 = math.absf %sub3A_751 : vector<16xf32>
      %get3A_753 = arith.index_cast %rem3A_206 : i32 to index
      %get3A_754 = arith.index_cast %add3A_737 : i32 to index
      %get3A_755 = arith.constant 16 : index
      %get3A_756 = tpu.vector_load %arg11[%get3A_753, %get3A_754, %get3A_755] {strides = array<i32>} : memref<4x64x128xf32, #tpu.memory_space<vmem>>, vector<16xf32>,
      %get3A_757 = arith.index_cast %rem3A_206 : i32 to index
      %get3A_758 = arith.index_cast %add3A_737 : i32 to index
      %get3A_759 = arith.constant 16 : index
      %get3A_760 = tpu.vector_load %arg12[%get3A_757, %get3A_758, %get3A_759] {strides = array<i32>} : memref<4x64x128xf32, #tpu.memory_space<vmem>>, vector<16xf32>,
      %add3A_761 = arith.addf %get3A_756, %get3A_760 : vector<16xf32>
      %get3A_762 = arith.index_cast %rem3A_206 : i32 to index
      %get3A_763 = arith.index_cast %add3A_737 : i32 to index
      %get3A_764 = arith.constant 16 : index
      %get3A_765 = tpu.vector_load %arg13[%get3A_762, %get3A_763, %get3A_764] {strides = array<i32>} : memref<4x64x128xf32, #tpu.memory_space<vmem>>, vector<16xf32>,
      %sub3A_766 = arith.subf %add3A_761, %get3A_765 : vector<16xf32>
      %abs3A_767 = math.absf %sub3A_766 : vector<16xf32>
      %add3A_768 = arith.addf %abs3A_752, %abs3A_767 : vector<16xf32>
      %get3A_769 = arith.index_cast %rem3A_206 : i32 to index
      %get3A_770 = arith.index_cast %add3A_737 : i32 to index
      %get3A_771 = arith.constant 32 : index
      %get3A_772 = tpu.vector_load %arg11[%get3A_769, %get3A_770, %get3A_771] {strides = array<i32>} : memref<4x64x128xf32, #tpu.memory_space<vmem>>, vector<16xf32>,
      %get3A_773 = arith.index_cast %rem3A_206 : i32 to index
      %get3A_774 = arith.index_cast %add3A_737 : i32 to index
      %get3A_775 = arith.constant 32 : index
      %get3A_776 = tpu.vector_load %arg12[%get3A_773, %get3A_774, %get3A_775] {strides = array<i32>} : memref<4x64x128xf32, #tpu.memory_space<vmem>>, vector<16xf32>,
      %add3A_777 = arith.addf %get3A_772, %get3A_776 : vector<16xf32>
      %get3A_778 = arith.index_cast %rem3A_206 : i32 to index
      %get3A_779 = arith.index_cast %add3A_737 : i32 to index
      %get3A_780 = arith.constant 32 : index
      %get3A_781 = tpu.vector_load %arg13[%get3A_778, %get3A_779, %get3A_780] {strides = array<i32>} : memref<4x64x128xf32, #tpu.memory_space<vmem>>, vector<16xf32>,
      %sub3A_782 = arith.subf %add3A_777, %get3A_781 : vector<16xf32>
      %abs3A_783 = math.absf %sub3A_782 : vector<16xf32>
      %add3A_784 = arith.addf %add3A_768, %abs3A_783 : vector<16xf32>
      %get3A_785 = arith.index_cast %rem3A_206 : i32 to index
      %get3A_786 = arith.index_cast %add3A_737 : i32 to index
      %get3A_787 = arith.constant 48 : index
      %get3A_788 = tpu.vector_load %arg11[%get3A_785, %get3A_786, %get3A_787] {strides = array<i32>} : memref<4x64x128xf32, #tpu.memory_space<vmem>>, vector<16xf32>,
      %get3A_789 = arith.index_cast %rem3A_206 : i32 to index
      %get3A_790 = arith.index_cast %add3A_737 : i32 to index
      %get3A_791 = arith.constant 48 : index
      %get3A_792 = tpu.vector_load %arg12[%get3A_789, %get3A_790, %get3A_791] {strides = array<i32>} : memref<4x64x128xf32, #tpu.memory_space<vmem>>, vector<16xf32>,
      %add3A_793 = arith.addf %get3A_788, %get3A_792 : vector<16xf32>
      %get3A_794 = arith.index_cast %rem3A_206 : i32 to index
      %get3A_795 = arith.index_cast %add3A_737 : i32 to index
      %get3A_796 = arith.constant 48 : index
      %get3A_797 = tpu.vector_load %arg13[%get3A_794, %get3A_795, %get3A_796] {strides = array<i32>} : memref<4x64x128xf32, #tpu.memory_space<vmem>>, vector<16xf32>,
      %sub3A_798 = arith.subf %add3A_793, %get3A_797 : vector<16xf32>
      %abs3A_799 = math.absf %sub3A_798 : vector<16xf32>
      %add3A_800 = arith.addf %add3A_784, %abs3A_799 : vector<16xf32>
      %get3A_801 = arith.index_cast %rem3A_206 : i32 to index
      %get3A_802 = arith.index_cast %add3A_737 : i32 to index
      %get3A_803 = arith.constant 64 : index
      %get3A_804 = tpu.vector_load %arg11[%get3A_801, %get3A_802, %get3A_803] {strides = array<i32>} : memref<4x64x128xf32, #tpu.memory_space<vmem>>, vector<16xf32>,
      %get3A_805 = arith.index_cast %rem3A_206 : i32 to index
      %get3A_806 = arith.index_cast %add3A_737 : i32 to index
      %get3A_807 = arith.constant 64 : index
      %get3A_808 = tpu.vector_load %arg12[%get3A_805, %get3A_806, %get3A_807] {strides = array<i32>} : memref<4x64x128xf32, #tpu.memory_space<vmem>>, vector<16xf32>,
      %add3A_809 = arith.addf %get3A_804, %get3A_808 : vector<16xf32>
      %get3A_810 = arith.index_cast %rem3A_206 : i32 to index
      %get3A_811 = arith.index_cast %add3A_737 : i32 to index
      %get3A_812 = arith.constant 64 : index
      %get3A_813 = tpu.vector_load %arg13[%get3A_810, %get3A_811, %get3A_812] {strides = array<i32>} : memref<4x64x128xf32, #tpu.memory_space<vmem>>, vector<16xf32>,
      %sub3A_814 = arith.subf %add3A_809, %get3A_813 : vector<16xf32>
      %abs3A_815 = math.absf %sub3A_814 : vector<16xf32>
      %add3A_816 = arith.addf %add3A_800, %abs3A_815 : vector<16xf32>
      %get3A_817 = arith.index_cast %rem3A_206 : i32 to index
      %get3A_818 = arith.index_cast %add3A_737 : i32 to index
      %get3A_819 = arith.constant 80 : index
      %get3A_820 = tpu.vector_load %arg11[%get3A_817, %get3A_818, %get3A_819] {strides = array<i32>} : memref<4x64x128xf32, #tpu.memory_space<vmem>>, vector<16xf32>,
      %get3A_821 = arith.index_cast %rem3A_206 : i32 to index
      %get3A_822 = arith.index_cast %add3A_737 : i32 to index
      %get3A_823 = arith.constant 80 : index
      %get3A_824 = tpu.vector_load %arg12[%get3A_821, %get3A_822, %get3A_823] {strides = array<i32>} : memref<4x64x128xf32, #tpu.memory_space<vmem>>, vector<16xf32>,
      %add3A_825 = arith.addf %get3A_820, %get3A_824 : vector<16xf32>
      %get3A_826 = arith.index_cast %rem3A_206 : i32 to index
      %get3A_827 = arith.index_cast %add3A_737 : i32 to index
      %get3A_828 = arith.constant 80 : index
      %get3A_829 = tpu.vector_load %arg13[%get3A_826, %get3A_827, %get3A_828] {strides = array<i32>} : memref<4x64x128xf32, #tpu.memory_space<vmem>>, vector<16xf32>,
      %sub3A_830 = arith.subf %add3A_825, %get3A_829 : vector<16xf32>
      %abs3A_831 = math.absf %sub3A_830 : vector<16xf32>
      %add3A_832 = arith.addf %add3A_816, %abs3A_831 : vector<16xf32>
      %get3A_833 = arith.index_cast %rem3A_206 : i32 to index
      %get3A_834 = arith.index_cast %add3A_737 : i32 to index
      %get3A_835 = arith.constant 96 : index
      %get3A_836 = tpu.vector_load %arg11[%get3A_833, %get3A_834, %get3A_835] {strides = array<i32>} : memref<4x64x128xf32, #tpu.memory_space<vmem>>, vector<16xf32>,
      %get3A_837 = arith.index_cast %rem3A_206 : i32 to index
      %get3A_838 = arith.index_cast %add3A_737 : i32 to index
      %get3A_839 = arith.constant 96 : index
      %get3A_840 = tpu.vector_load %arg12[%get3A_837, %get3A_838, %get3A_839] {strides = array<i32>} : memref<4x64x128xf32, #tpu.memory_space<vmem>>, vector<16xf32>,
      %add3A_841 = arith.addf %get3A_836, %get3A_840 : vector<16xf32>
      %get3A_842 = arith.index_cast %rem3A_206 : i32 to index
      %get3A_843 = arith.index_cast %add3A_737 : i32 to index
      %get3A_844 = arith.constant 96 : index
      %get3A_845 = tpu.vector_load %arg13[%get3A_842, %get3A_843, %get3A_844] {strides = array<i32>} : memref<4x64x128xf32, #tpu.memory_space<vmem>>, vector<16xf32>,
      %sub3A_846 = arith.subf %add3A_841, %get3A_845 : vector<16xf32>
      %abs3A_847 = math.absf %sub3A_846 : vector<16xf32>
      %add3A_848 = arith.addf %add3A_832, %abs3A_847 : vector<16xf32>
      %get3A_849 = arith.index_cast %rem3A_206 : i32 to index
      %get3A_850 = arith.index_cast %add3A_737 : i32 to index
      %get3A_851 = arith.constant 112 : index
      %get3A_852 = tpu.vector_load %arg11[%get3A_849, %get3A_850, %get3A_851] {strides = array<i32>} : memref<4x64x128xf32, #tpu.memory_space<vmem>>, vector<16xf32>,
      %get3A_853 = arith.index_cast %rem3A_206 : i32 to index
      %get3A_854 = arith.index_cast %add3A_737 : i32 to index
      %get3A_855 = arith.constant 112 : index
      %get3A_856 = tpu.vector_load %arg12[%get3A_853, %get3A_854, %get3A_855] {strides = array<i32>} : memref<4x64x128xf32, #tpu.memory_space<vmem>>, vector<16xf32>,
      %add3A_857 = arith.addf %get3A_852, %get3A_856 : vector<16xf32>
      %get3A_858 = arith.index_cast %rem3A_206 : i32 to index
      %get3A_859 = arith.index_cast %add3A_737 : i32 to index
      %get3A_860 = arith.constant 112 : index
      %get3A_861 = tpu.vector_load %arg13[%get3A_858, %get3A_859, %get3A_860] {strides = array<i32>} : memref<4x64x128xf32, #tpu.memory_space<vmem>>, vector<16xf32>,
      %sub3A_862 = arith.subf %add3A_857, %get3A_861 : vector<16xf32>
      %abs3A_863 = math.absf %sub3A_862 : vector<16xf32>
      %add3A_864 = arith.addf %add3A_848, %abs3A_863 : vector<16xf32>
      %swap3A_865 = arith.constant 68 : index
      %swap3A_866 = tpu.vector_load %arg15[%swap3A_865] {strides = array<i32>} : memref<272xf32, #tpu.memory_space<vmem>>, vector<16xf32>,
      tpu.vector_store %arg15[%swap3A_865], %add3A_864 {strides = array<i32>} : memref<272xf32, #tpu.memory_space<vmem>>, vector<16xf32>,
      %add3A_867 = arith.constant 5 : i32
      %add3A_868 = arith.addi %mul3A_214, %add3A_867 : i32
      %get3A_869 = arith.index_cast %rem3A_206 : i32 to index
      %get3A_870 = arith.index_cast %add3A_868 : i32 to index
      %get3A_871 = arith.constant 0 : index
      %get3A_872 = tpu.vector_load %arg11[%get3A_869, %get3A_870, %get3A_871] {strides = array<i32>} : memref<4x64x128xf32, #tpu.memory_space<vmem>>, vector<16xf32>,
      %get3A_873 = arith.index_cast %rem3A_206 : i32 to index
      %get3A_874 = arith.index_cast %add3A_868 : i32 to index
      %get3A_875 = arith.constant 0 : index
      %get3A_876 = tpu.vector_load %arg12[%get3A_873, %get3A_874, %get3A_875] {strides = array<i32>} : memref<4x64x128xf32, #tpu.memory_space<vmem>>, vector<16xf32>,
      %add3A_877 = arith.addf %get3A_872, %get3A_876 : vector<16xf32>
      %get3A_878 = arith.index_cast %rem3A_206 : i32 to index
      %get3A_879 = arith.index_cast %add3A_868 : i32 to index
      %get3A_880 = arith.constant 0 : index
      %get3A_881 = tpu.vector_load %arg13[%get3A_878, %get3A_879, %get3A_880] {strides = array<i32>} : memref<4x64x128xf32, #tpu.memory_space<vmem>>, vector<16xf32>,
      %sub3A_882 = arith.subf %add3A_877, %get3A_881 : vector<16xf32>
      %abs3A_883 = math.absf %sub3A_882 : vector<16xf32>
      %get3A_884 = arith.index_cast %rem3A_206 : i32 to index
      %get3A_885 = arith.index_cast %add3A_868 : i32 to index
      %get3A_886 = arith.constant 16 : index
      %get3A_887 = tpu.vector_load %arg11[%get3A_884, %get3A_885, %get3A_886] {strides = array<i32>} : memref<4x64x128xf32, #tpu.memory_space<vmem>>, vector<16xf32>,
      %get3A_888 = arith.index_cast %rem3A_206 : i32 to index
      %get3A_889 = arith.index_cast %add3A_868 : i32 to index
      %get3A_890 = arith.constant 16 : index
      %get3A_891 = tpu.vector_load %arg12[%get3A_888, %get3A_889, %get3A_890] {strides = array<i32>} : memref<4x64x128xf32, #tpu.memory_space<vmem>>, vector<16xf32>,
      %add3A_892 = arith.addf %get3A_887, %get3A_891 : vector<16xf32>
      %get3A_893 = arith.index_cast %rem3A_206 : i32 to index
      %get3A_894 = arith.index_cast %add3A_868 : i32 to index
      %get3A_895 = arith.constant 16 : index
      %get3A_896 = tpu.vector_load %arg13[%get3A_893, %get3A_894, %get3A_895] {strides = array<i32>} : memref<4x64x128xf32, #tpu.memory_space<vmem>>, vector<16xf32>,
      %sub3A_897 = arith.subf %add3A_892, %get3A_896 : vector<16xf32>
      %abs3A_898 = math.absf %sub3A_897 : vector<16xf32>
      %add3A_899 = arith.addf %abs3A_883, %abs3A_898 : vector<16xf32>
      %get3A_900 = arith.index_cast %rem3A_206 : i32 to index
      %get3A_901 = arith.index_cast %add3A_868 : i32 to index
      %get3A_902 = arith.constant 32 : index
      %get3A_903 = tpu.vector_load %arg11[%get3A_900, %get3A_901, %get3A_902] {strides = array<i32>} : memref<4x64x128xf32, #tpu.memory_space<vmem>>, vector<16xf32>,
      %get3A_904 = arith.index_cast %rem3A_206 : i32 to index
      %get3A_905 = arith.index_cast %add3A_868 : i32 to index
      %get3A_906 = arith.constant 32 : index
      %get3A_907 = tpu.vector_load %arg12[%get3A_904, %get3A_905, %get3A_906] {strides = array<i32>} : memref<4x64x128xf32, #tpu.memory_space<vmem>>, vector<16xf32>,
      %add3A_908 = arith.addf %get3A_903, %get3A_907 : vector<16xf32>
      %get3A_909 = arith.index_cast %rem3A_206 : i32 to index
      %get3A_910 = arith.index_cast %add3A_868 : i32 to index
      %get3A_911 = arith.constant 32 : index
      %get3A_912 = tpu.vector_load %arg13[%get3A_909, %get3A_910, %get3A_911] {strides = array<i32>} : memref<4x64x128xf32, #tpu.memory_space<vmem>>, vector<16xf32>,
      %sub3A_913 = arith.subf %add3A_908, %get3A_912 : vector<16xf32>
      %abs3A_914 = math.absf %sub3A_913 : vector<16xf32>
      %add3A_915 = arith.addf %add3A_899, %abs3A_914 : vector<16xf32>
      %get3A_916 = arith.index_cast %rem3A_206 : i32 to index
      %get3A_917 = arith.index_cast %add3A_868 : i32 to index
      %get3A_918 = arith.constant 48 : index
      %get3A_919 = tpu.vector_load %arg11[%get3A_916, %get3A_917, %get3A_918] {strides = array<i32>} : memref<4x64x128xf32, #tpu.memory_space<vmem>>, vector<16xf32>,
      %get3A_920 = arith.index_cast %rem3A_206 : i32 to index
      %get3A_921 = arith.index_cast %add3A_868 : i32 to index
      %get3A_922 = arith.constant 48 : index
      %get3A_923 = tpu.vector_load %arg12[%get3A_920, %get3A_921, %get3A_922] {strides = array<i32>} : memref<4x64x128xf32, #tpu.memory_space<vmem>>, vector<16xf32>,
      %add3A_924 = arith.addf %get3A_919, %get3A_923 : vector<16xf32>
      %get3A_925 = arith.index_cast %rem3A_206 : i32 to index
      %get3A_926 = arith.index_cast %add3A_868 : i32 to index
      %get3A_927 = arith.constant 48 : index
      %get3A_928 = tpu.vector_load %arg13[%get3A_925, %get3A_926, %get3A_927] {strides = array<i32>} : memref<4x64x128xf32, #tpu.memory_space<vmem>>, vector<16xf32>,
      %sub3A_929 = arith.subf %add3A_924, %get3A_928 : vector<16xf32>
      %abs3A_930 = math.absf %sub3A_929 : vector<16xf32>
      %add3A_931 = arith.addf %add3A_915, %abs3A_930 : vector<16xf32>
      %get3A_932 = arith.index_cast %rem3A_206 : i32 to index
      %get3A_933 = arith.index_cast %add3A_868 : i32 to index
      %get3A_934 = arith.constant 64 : index
      %get3A_935 = tpu.vector_load %arg11[%get3A_932, %get3A_933, %get3A_934] {strides = array<i32>} : memref<4x64x128xf32, #tpu.memory_space<vmem>>, vector<16xf32>,
      %get3A_936 = arith.index_cast %rem3A_206 : i32 to index
      %get3A_937 = arith.index_cast %add3A_868 : i32 to index
      %get3A_938 = arith.constant 64 : index
      %get3A_939 = tpu.vector_load %arg12[%get3A_936, %get3A_937, %get3A_938] {strides = array<i32>} : memref<4x64x128xf32, #tpu.memory_space<vmem>>, vector<16xf32>,
      %add3A_940 = arith.addf %get3A_935, %get3A_939 : vector<16xf32>
      %get3A_941 = arith.index_cast %rem3A_206 : i32 to index
      %get3A_942 = arith.index_cast %add3A_868 : i32 to index
      %get3A_943 = arith.constant 64 : index
      %get3A_944 = tpu.vector_load %arg13[%get3A_941, %get3A_942, %get3A_943] {strides = array<i32>} : memref<4x64x128xf32, #tpu.memory_space<vmem>>, vector<16xf32>,
      %sub3A_945 = arith.subf %add3A_940, %get3A_944 : vector<16xf32>
      %abs3A_946 = math.absf %sub3A_945 : vector<16xf32>
      %add3A_947 = arith.addf %add3A_931, %abs3A_946 : vector<16xf32>
      %get3A_948 = arith.index_cast %rem3A_206 : i32 to index
      %get3A_949 = arith.index_cast %add3A_868 : i32 to index
      %get3A_950 = arith.constant 80 : index
      %get3A_951 = tpu.vector_load %arg11[%get3A_948, %get3A_949, %get3A_950] {strides = array<i32>} : memref<4x64x128xf32, #tpu.memory_space<vmem>>, vector<16xf32>,
      %get3A_952 = arith.index_cast %rem3A_206 : i32 to index
      %get3A_953 = arith.index_cast %add3A_868 : i32 to index
      %get3A_954 = arith.constant 80 : index
      %get3A_955 = tpu.vector_load %arg12[%get3A_952, %get3A_953, %get3A_954] {strides = array<i32>} : memref<4x64x128xf32, #tpu.memory_space<vmem>>, vector<16xf32>,
      %add3A_956 = arith.addf %get3A_951, %get3A_955 : vector<16xf32>
      %get3A_957 = arith.index_cast %rem3A_206 : i32 to index
      %get3A_958 = arith.index_cast %add3A_868 : i32 to index
      %get3A_959 = arith.constant 80 : index
      %get3A_960 = tpu.vector_load %arg13[%get3A_957, %get3A_958, %get3A_959] {strides = array<i32>} : memref<4x64x128xf32, #tpu.memory_space<vmem>>, vector<16xf32>,
      %sub3A_961 = arith.subf %add3A_956, %get3A_960 : vector<16xf32>
      %abs3A_962 = math.absf %sub3A_961 : vector<16xf32>
      %add3A_963 = arith.addf %add3A_947, %abs3A_962 : vector<16xf32>
      %get3A_964 = arith.index_cast %rem3A_206 : i32 to index
      %get3A_965 = arith.index_cast %add3A_868 : i32 to index
      %get3A_966 = arith.constant 96 : index
      %get3A_967 = tpu.vector_load %arg11[%get3A_964, %get3A_965, %get3A_966] {strides = array<i32>} : memref<4x64x128xf32, #tpu.memory_space<vmem>>, vector<16xf32>,
      %get3A_968 = arith.index_cast %rem3A_206 : i32 to index
      %get3A_969 = arith.index_cast %add3A_868 : i32 to index
      %get3A_970 = arith.constant 96 : index
      %get3A_971 = tpu.vector_load %arg12[%get3A_968, %get3A_969, %get3A_970] {strides = array<i32>} : memref<4x64x128xf32, #tpu.memory_space<vmem>>, vector<16xf32>,
      %add3A_972 = arith.addf %get3A_967, %get3A_971 : vector<16xf32>
      %get3A_973 = arith.index_cast %rem3A_206 : i32 to index
      %get3A_974 = arith.index_cast %add3A_868 : i32 to index
      %get3A_975 = arith.constant 96 : index
      %get3A_976 = tpu.vector_load %arg13[%get3A_973, %get3A_974, %get3A_975] {strides = array<i32>} : memref<4x64x128xf32, #tpu.memory_space<vmem>>, vector<16xf32>,
      %sub3A_977 = arith.subf %add3A_972, %get3A_976 : vector<16xf32>
      %abs3A_978 = math.absf %sub3A_977 : vector<16xf32>
      %add3A_979 = arith.addf %add3A_963, %abs3A_978 : vector<16xf32>
      %get3A_980 = arith.index_cast %rem3A_206 : i32 to index
      %get3A_981 = arith.index_cast %add3A_868 : i32 to index
      %get3A_982 = arith.constant 112 : index
      %get3A_983 = tpu.vector_load %arg11[%get3A_980, %get3A_981, %get3A_982] {strides = array<i32>} : memref<4x64x128xf32, #tpu.memory_space<vmem>>, vector<16xf32>,
      %get3A_984 = arith.index_cast %rem3A_206 : i32 to index
      %get3A_985 = arith.index_cast %add3A_868 : i32 to index
      %get3A_986 = arith.constant 112 : index
      %get3A_987 = tpu.vector_load %arg12[%get3A_984, %get3A_985, %get3A_986] {strides = array<i32>} : memref<4x64x128xf32, #tpu.memory_space<vmem>>, vector<16xf32>,
      %add3A_988 = arith.addf %get3A_983, %get3A_987 : vector<16xf32>
      %get3A_989 = arith.index_cast %rem3A_206 : i32 to index
      %get3A_990 = arith.index_cast %add3A_868 : i32 to index
      %get3A_991 = arith.constant 112 : index
      %get3A_992 = tpu.vector_load %arg13[%get3A_989, %get3A_990, %get3A_991] {strides = array<i32>} : memref<4x64x128xf32, #tpu.memory_space<vmem>>, vector<16xf32>,
      %sub3A_993 = arith.subf %add3A_988, %get3A_992 : vector<16xf32>
      %abs3A_994 = math.absf %sub3A_993 : vector<16xf32>
      %add3A_995 = arith.addf %add3A_979, %abs3A_994 : vector<16xf32>
      %swap3A_996 = arith.constant 85 : index
      %swap3A_997 = tpu.vector_load %arg15[%swap3A_996] {strides = array<i32>} : memref<272xf32, #tpu.memory_space<vmem>>, vector<16xf32>,
      tpu.vector_store %arg15[%swap3A_996], %add3A_995 {strides = array<i32>} : memref<272xf32, #tpu.memory_space<vmem>>, vector<16xf32>,
      %add3A_998 = arith.constant 6 : i32
      %add3A_999 = arith.addi %mul3A_214, %add3A_998 : i32
      %get3A_1000 = arith.index_cast %rem3A_206 : i32 to index
      %get3A_1001 = arith.index_cast %add3A_999 : i32 to index
      %get3A_1002 = arith.constant 0 : index
      %get3A_1003 = tpu.vector_load %arg11[%get3A_1000, %get3A_1001, %get3A_1002] {strides = array<i32>} : memref<4x64x128xf32, #tpu.memory_space<vmem>>, vector<16xf32>,
      %get3A_1004 = arith.index_cast %rem3A_206 : i32 to index
      %get3A_1005 = arith.index_cast %add3A_999 : i32 to index
      %get3A_1006 = arith.constant 0 : index
      %get3A_1007 = tpu.vector_load %arg12[%get3A_1004, %get3A_1005, %get3A_1006] {strides = array<i32>} : memref<4x64x128xf32, #tpu.memory_space<vmem>>, vector<16xf32>,
      %add3A_1008 = arith.addf %get3A_1003, %get3A_1007 : vector<16xf32>
      %get3A_1009 = arith.index_cast %rem3A_206 : i32 to index
      %get3A_1010 = arith.index_cast %add3A_999 : i32 to index
      %get3A_1011 = arith.constant 0 : index
      %get3A_1012 = tpu.vector_load %arg13[%get3A_1009, %get3A_1010, %get3A_1011] {strides = array<i32>} : memref<4x64x128xf32, #tpu.memory_space<vmem>>, vector<16xf32>,
      %sub3A_1013 = arith.subf %add3A_1008, %get3A_1012 : vector<16xf32>
      %abs3A_1014 = math.absf %sub3A_1013 : vector<16xf32>
      %get3A_1015 = arith.index_cast %rem3A_206 : i32 to index
      %get3A_1016 = arith.index_cast %add3A_999 : i32 to index
      %get3A_1017 = arith.constant 16 : index
      %get3A_1018 = tpu.vector_load %arg11[%get3A_1015, %get3A_1016, %get3A_1017] {strides = array<i32>} : memref<4x64x128xf32, #tpu.memory_space<vmem>>, vector<16xf32>,
      %get3A_1019 = arith.index_cast %rem3A_206 : i32 to index
      %get3A_1020 = arith.index_cast %add3A_999 : i32 to index
      %get3A_1021 = arith.constant 16 : index
      %get3A_1022 = tpu.vector_load %arg12[%get3A_1019, %get3A_1020, %get3A_1021] {strides = array<i32>} : memref<4x64x128xf32, #tpu.memory_space<vmem>>, vector<16xf32>,
      %add3A_1023 = arith.addf %get3A_1018, %get3A_1022 : vector<16xf32>
      %get3A_1024 = arith.index_cast %rem3A_206 : i32 to index
      %get3A_1025 = arith.index_cast %add3A_999 : i32 to index
      %get3A_1026 = arith.constant 16 : index
      %get3A_1027 = tpu.vector_load %arg13[%get3A_1024, %get3A_1025, %get3A_1026] {strides = array<i32>} : memref<4x64x128xf32, #tpu.memory_space<vmem>>, vector<16xf32>,
      %sub3A_1028 = arith.subf %add3A_1023, %get3A_1027 : vector<16xf32>
      %abs3A_1029 = math.absf %sub3A_1028 : vector<16xf32>
      %add3A_1030 = arith.addf %abs3A_1014, %abs3A_1029 : vector<16xf32>
      %get3A_1031 = arith.index_cast %rem3A_206 : i32 to index
      %get3A_1032 = arith.index_cast %add3A_999 : i32 to index
      %get3A_1033 = arith.constant 32 : index
      %get3A_1034 = tpu.vector_load %arg11[%get3A_1031, %get3A_1032, %get3A_1033] {strides = array<i32>} : memref<4x64x128xf32, #tpu.memory_space<vmem>>, vector<16xf32>,
      %get3A_1035 = arith.index_cast %rem3A_206 : i32 to index
      %get3A_1036 = arith.index_cast %add3A_999 : i32 to index
      %get3A_1037 = arith.constant 32 : index
      %get3A_1038 = tpu.vector_load %arg12[%get3A_1035, %get3A_1036, %get3A_1037] {strides = array<i32>} : memref<4x64x128xf32, #tpu.memory_space<vmem>>, vector<16xf32>,
      %add3A_1039 = arith.addf %get3A_1034, %get3A_1038 : vector<16xf32>
      %get3A_1040 = arith.index_cast %rem3A_206 : i32 to index
      %get3A_1041 = arith.index_cast %add3A_999 : i32 to index
      %get3A_1042 = arith.constant 32 : index
      %get3A_1043 = tpu.vector_load %arg13[%get3A_1040, %get3A_1041, %get3A_1042] {strides = array<i32>} : memref<4x64x128xf32, #tpu.memory_space<vmem>>, vector<16xf32>,
      %sub3A_1044 = arith.subf %add3A_1039, %get3A_1043 : vector<16xf32>
      %abs3A_1045 = math.absf %sub3A_1044 : vector<16xf32>
      %add3A_1046 = arith.addf %add3A_1030, %abs3A_1045 : vector<16xf32>
      %get3A_1047 = arith.index_cast %rem3A_206 : i32 to index
      %get3A_1048 = arith.index_cast %add3A_999 : i32 to index
      %get3A_1049 = arith.constant 48 : index
      %get3A_1050 = tpu.vector_load %arg11[%get3A_1047, %get3A_1048, %get3A_1049] {strides = array<i32>} : memref<4x64x128xf32, #tpu.memory_space<vmem>>, vector<16xf32>,
      %get3A_1051 = arith.index_cast %rem3A_206 : i32 to index
      %get3A_1052 = arith.index_cast %add3A_999 : i32 to index
      %get3A_1053 = arith.constant 48 : index
      %get3A_1054 = tpu.vector_load %arg12[%get3A_1051, %get3A_1052, %get3A_1053] {strides = array<i32>} : memref<4x64x128xf32, #tpu.memory_space<vmem>>, vector<16xf32>,
      %add3A_1055 = arith.addf %get3A_1050, %get3A_1054 : vector<16xf32>
      %get3A_1056 = arith.index_cast %rem3A_206 : i32 to index
      %get3A_1057 = arith.index_cast %add3A_999 : i32 to index
      %get3A_1058 = arith.constant 48 : index
      %get3A_1059 = tpu.vector_load %arg13[%get3A_1056, %get3A_1057, %get3A_1058] {strides = array<i32>} : memref<4x64x128xf32, #tpu.memory_space<vmem>>, vector<16xf32>,
      %sub3A_1060 = arith.subf %add3A_1055, %get3A_1059 : vector<16xf32>
      %abs3A_1061 = math.absf %sub3A_1060 : vector<16xf32>
      %add3A_1062 = arith.addf %add3A_1046, %abs3A_1061 : vector<16xf32>
      %get3A_1063 = arith.index_cast %rem3A_206 : i32 to index
      %get3A_1064 = arith.index_cast %add3A_999 : i32 to index
      %get3A_1065 = arith.constant 64 : index
      %get3A_1066 = tpu.vector_load %arg11[%get3A_1063, %get3A_1064, %get3A_1065] {strides = array<i32>} : memref<4x64x128xf32, #tpu.memory_space<vmem>>, vector<16xf32>,
      %get3A_1067 = arith.index_cast %rem3A_206 : i32 to index
      %get3A_1068 = arith.index_cast %add3A_999 : i32 to index
      %get3A_1069 = arith.constant 64 : index
      %get3A_1070 = tpu.vector_load %arg12[%get3A_1067, %get3A_1068, %get3A_1069] {strides = array<i32>} : memref<4x64x128xf32, #tpu.memory_space<vmem>>, vector<16xf32>,
      %add3A_1071 = arith.addf %get3A_1066, %get3A_1070 : vector<16xf32>
      %get3A_1072 = arith.index_cast %rem3A_206 : i32 to index
      %get3A_1073 = arith.index_cast %add3A_999 : i32 to index
      %get3A_1074 = arith.constant 64 : index
      %get3A_1075 = tpu.vector_load %arg13[%get3A_1072, %get3A_1073, %get3A_1074] {strides = array<i32>} : memref<4x64x128xf32, #tpu.memory_space<vmem>>, vector<16xf32>,
      %sub3A_1076 = arith.subf %add3A_1071, %get3A_1075 : vector<16xf32>
      %abs3A_1077 = math.absf %sub3A_1076 : vector<16xf32>
      %add3A_1078 = arith.addf %add3A_1062, %abs3A_1077 : vector<16xf32>
      %get3A_1079 = arith.index_cast %rem3A_206 : i32 to index
      %get3A_1080 = arith.index_cast %add3A_999 : i32 to index
      %get3A_1081 = arith.constant 80 : index
      %get3A_1082 = tpu.vector_load %arg11[%get3A_1079, %get3A_1080, %get3A_1081] {strides = array<i32>} : memref<4x64x128xf32, #tpu.memory_space<vmem>>, vector<16xf32>,
      %get3A_1083 = arith.index_cast %rem3A_206 : i32 to index
      %get3A_1084 = arith.index_cast %add3A_999 : i32 to index
      %get3A_1085 = arith.constant 80 : index
      %get3A_1086 = tpu.vector_load %arg12[%get3A_1083, %get3A_1084, %get3A_1085] {strides = array<i32>} : memref<4x64x128xf32, #tpu.memory_space<vmem>>, vector<16xf32>,
      %add3A_1087 = arith.addf %get3A_1082, %get3A_1086 : vector<16xf32>
      %get3A_1088 = arith.index_cast %rem3A_206 : i32 to index
      %get3A_1089 = arith.index_cast %add3A_999 : i32 to index
      %get3A_1090 = arith.constant 80 : index
      %get3A_1091 = tpu.vector_load %arg13[%get3A_1088, %get3A_1089, %get3A_1090] {strides = array<i32>} : memref<4x64x128xf32, #tpu.memory_space<vmem>>, vector<16xf32>,
      %sub3A_1092 = arith.subf %add3A_1087, %get3A_1091 : vector<16xf32>
      %abs3A_1093 = math.absf %sub3A_1092 : vector<16xf32>
      %add3A_1094 = arith.addf %add3A_1078, %abs3A_1093 : vector<16xf32>
      %get3A_1095 = arith.index_cast %rem3A_206 : i32 to index
      %get3A_1096 = arith.index_cast %add3A_999 : i32 to index
      %get3A_1097 = arith.constant 96 : index
      %get3A_1098 = tpu.vector_load %arg11[%get3A_1095, %get3A_1096, %get3A_1097] {strides = array<i32>} : memref<4x64x128xf32, #tpu.memory_space<vmem>>, vector<16xf32>,
      %get3A_1099 = arith.index_cast %rem3A_206 : i32 to index
      %get3A_1100 = arith.index_cast %add3A_999 : i32 to index
      %get3A_1101 = arith.constant 96 : index
      %get3A_1102 = tpu.vector_load %arg12[%get3A_1099, %get3A_1100, %get3A_1101] {strides = array<i32>} : memref<4x64x128xf32, #tpu.memory_space<vmem>>, vector<16xf32>,
      %add3A_1103 = arith.addf %get3A_1098, %get3A_1102 : vector<16xf32>
      %get3A_1104 = arith.index_cast %rem3A_206 : i32 to index
      %get3A_1105 = arith.index_cast %add3A_999 : i32 to index
      %get3A_1106 = arith.constant 96 : index
      %get3A_1107 = tpu.vector_load %arg13[%get3A_1104, %get3A_1105, %get3A_1106] {strides = array<i32>} : memref<4x64x128xf32, #tpu.memory_space<vmem>>, vector<16xf32>,
      %sub3A_1108 = arith.subf %add3A_1103, %get3A_1107 : vector<16xf32>
      %abs3A_1109 = math.absf %sub3A_1108 : vector<16xf32>
      %add3A_1110 = arith.addf %add3A_1094, %abs3A_1109 : vector<16xf32>
      %get3A_1111 = arith.index_cast %rem3A_206 : i32 to index
      %get3A_1112 = arith.index_cast %add3A_999 : i32 to index
      %get3A_1113 = arith.constant 112 : index
      %get3A_1114 = tpu.vector_load %arg11[%get3A_1111, %get3A_1112, %get3A_1113] {strides = array<i32>} : memref<4x64x128xf32, #tpu.memory_space<vmem>>, vector<16xf32>,
      %get3A_1115 = arith.index_cast %rem3A_206 : i32 to index
      %get3A_1116 = arith.index_cast %add3A_999 : i32 to index
      %get3A_1117 = arith.constant 112 : index
      %get3A_1118 = tpu.vector_load %arg12[%get3A_1115, %get3A_1116, %get3A_1117] {strides = array<i32>} : memref<4x64x128xf32, #tpu.memory_space<vmem>>, vector<16xf32>,
      %add3A_1119 = arith.addf %get3A_1114, %get3A_1118 : vector<16xf32>
      %get3A_1120 = arith.index_cast %rem3A_206 : i32 to index
      %get3A_1121 = arith.index_cast %add3A_999 : i32 to index
      %get3A_1122 = arith.constant 112 : index
      %get3A_1123 = tpu.vector_load %arg13[%get3A_1120, %get3A_1121, %get3A_1122] {strides = array<i32>} : memref<4x64x128xf32, #tpu.memory_space<vmem>>, vector<16xf32>,
      %sub3A_1124 = arith.subf %add3A_1119, %get3A_1123 : vector<16xf32>
      %abs3A_1125 = math.absf %sub3A_1124 : vector<16xf32>
      %add3A_1126 = arith.addf %add3A_1110, %abs3A_1125 : vector<16xf32>
      %swap3A_1127 = arith.constant 102 : index
      %swap3A_1128 = tpu.vector_load %arg15[%swap3A_1127] {strides = array<i32>} : memref<272xf32, #tpu.memory_space<vmem>>, vector<16xf32>,
      tpu.vector_store %arg15[%swap3A_1127], %add3A_1126 {strides = array<i32>} : memref<272xf32, #tpu.memory_space<vmem>>, vector<16xf32>,
      %add3A_1129 = arith.constant 7 : i32
      %add3A_1130 = arith.addi %mul3A_214, %add3A_1129 : i32
      %get3A_1131 = arith.index_cast %rem3A_206 : i32 to index
      %get3A_1132 = arith.index_cast %add3A_1130 : i32 to index
      %get3A_1133 = arith.constant 0 : index
      %get3A_1134 = tpu.vector_load %arg11[%get3A_1131, %get3A_1132, %get3A_1133] {strides = array<i32>} : memref<4x64x128xf32, #tpu.memory_space<vmem>>, vector<16xf32>,
      %get3A_1135 = arith.index_cast %rem3A_206 : i32 to index
      %get3A_1136 = arith.index_cast %add3A_1130 : i32 to index
      %get3A_1137 = arith.constant 0 : index
      %get3A_1138 = tpu.vector_load %arg12[%get3A_1135, %get3A_1136, %get3A_1137] {strides = array<i32>} : memref<4x64x128xf32, #tpu.memory_space<vmem>>, vector<16xf32>,
      %add3A_1139 = arith.addf %get3A_1134, %get3A_1138 : vector<16xf32>
      %get3A_1140 = arith.index_cast %rem3A_206 : i32 to index
      %get3A_1141 = arith.index_cast %add3A_1130 : i32 to index
      %get3A_1142 = arith.constant 0 : index
      %get3A_1143 = tpu.vector_load %arg13[%get3A_1140, %get3A_1141, %get3A_1142] {strides = array<i32>} : memref<4x64x128xf32, #tpu.memory_space<vmem>>, vector<16xf32>,
      %sub3A_1144 = arith.subf %add3A_1139, %get3A_1143 : vector<16xf32>
      %abs3A_1145 = math.absf %sub3A_1144 : vector<16xf32>
      %get3A_1146 = arith.index_cast %rem3A_206 : i32 to index
      %get3A_1147 = arith.index_cast %add3A_1130 : i32 to index
      %get3A_1148 = arith.constant 16 : index
      %get3A_1149 = tpu.vector_load %arg11[%get3A_1146, %get3A_1147, %get3A_1148] {strides = array<i32>} : memref<4x64x128xf32, #tpu.memory_space<vmem>>, vector<16xf32>,
      %get3A_1150 = arith.index_cast %rem3A_206 : i32 to index
      %get3A_1151 = arith.index_cast %add3A_1130 : i32 to index
      %get3A_1152 = arith.constant 16 : index
      %get3A_1153 = tpu.vector_load %arg12[%get3A_1150, %get3A_1151, %get3A_1152] {strides = array<i32>} : memref<4x64x128xf32, #tpu.memory_space<vmem>>, vector<16xf32>,
      %add3A_1154 = arith.addf %get3A_1149, %get3A_1153 : vector<16xf32>
      %get3A_1155 = arith.index_cast %rem3A_206 : i32 to index
      %get3A_1156 = arith.index_cast %add3A_1130 : i32 to index
      %get3A_1157 = arith.constant 16 : index
      %get3A_1158 = tpu.vector_load %arg13[%get3A_1155, %get3A_1156, %get3A_1157] {strides = array<i32>} : memref<4x64x128xf32, #tpu.memory_space<vmem>>, vector<16xf32>,
      %sub3A_1159 = arith.subf %add3A_1154, %get3A_1158 : vector<16xf32>
      %abs3A_1160 = math.absf %sub3A_1159 : vector<16xf32>
      %add3A_1161 = arith.addf %abs3A_1145, %abs3A_1160 : vector<16xf32>
      %get3A_1162 = arith.index_cast %rem3A_206 : i32 to index
      %get3A_1163 = arith.index_cast %add3A_1130 : i32 to index
      %get3A_1164 = arith.constant 32 : index
      %get3A_1165 = tpu.vector_load %arg11[%get3A_1162, %get3A_1163, %get3A_1164] {strides = array<i32>} : memref<4x64x128xf32, #tpu.memory_space<vmem>>, vector<16xf32>,
      %get3A_1166 = arith.index_cast %rem3A_206 : i32 to index
      %get3A_1167 = arith.index_cast %add3A_1130 : i32 to index
      %get3A_1168 = arith.constant 32 : index
      %get3A_1169 = tpu.vector_load %arg12[%get3A_1166, %get3A_1167, %get3A_1168] {strides = array<i32>} : memref<4x64x128xf32, #tpu.memory_space<vmem>>, vector<16xf32>,
      %add3A_1170 = arith.addf %get3A_1165, %get3A_1169 : vector<16xf32>
      %get3A_1171 = arith.index_cast %rem3A_206 : i32 to index
      %get3A_1172 = arith.index_cast %add3A_1130 : i32 to index
      %get3A_1173 = arith.constant 32 : index
      %get3A_1174 = tpu.vector_load %arg13[%get3A_1171, %get3A_1172, %get3A_1173] {strides = array<i32>} : memref<4x64x128xf32, #tpu.memory_space<vmem>>, vector<16xf32>,
      %sub3A_1175 = arith.subf %add3A_1170, %get3A_1174 : vector<16xf32>
      %abs3A_1176 = math.absf %sub3A_1175 : vector<16xf32>
      %add3A_1177 = arith.addf %add3A_1161, %abs3A_1176 : vector<16xf32>
      %get3A_1178 = arith.index_cast %rem3A_206 : i32 to index
      %get3A_1179 = arith.index_cast %add3A_1130 : i32 to index
      %get3A_1180 = arith.constant 48 : index
      %get3A_1181 = tpu.vector_load %arg11[%get3A_1178, %get3A_1179, %get3A_1180] {strides = array<i32>} : memref<4x64x128xf32, #tpu.memory_space<vmem>>, vector<16xf32>,
      %get3A_1182 = arith.index_cast %rem3A_206 : i32 to index
      %get3A_1183 = arith.index_cast %add3A_1130 : i32 to index
      %get3A_1184 = arith.constant 48 : index
      %get3A_1185 = tpu.vector_load %arg12[%get3A_1182, %get3A_1183, %get3A_1184] {strides = array<i32>} : memref<4x64x128xf32, #tpu.memory_space<vmem>>, vector<16xf32>,
      %add3A_1186 = arith.addf %get3A_1181, %get3A_1185 : vector<16xf32>
      %get3A_1187 = arith.index_cast %rem3A_206 : i32 to index
      %get3A_1188 = arith.index_cast %add3A_1130 : i32 to index
      %get3A_1189 = arith.constant 48 : index
      %get3A_1190 = tpu.vector_load %arg13[%get3A_1187, %get3A_1188, %get3A_1189] {strides = array<i32>} : memref<4x64x128xf32, #tpu.memory_space<vmem>>, vector<16xf32>,
      %sub3A_1191 = arith.subf %add3A_1186, %get3A_1190 : vector<16xf32>
      %abs3A_1192 = math.absf %sub3A_1191 : vector<16xf32>
      %add3A_1193 = arith.addf %add3A_1177, %abs3A_1192 : vector<16xf32>
      %get3A_1194 = arith.index_cast %rem3A_206 : i32 to index
      %get3A_1195 = arith.index_cast %add3A_1130 : i32 to index
      %get3A_1196 = arith.constant 64 : index
      %get3A_1197 = tpu.vector_load %arg11[%get3A_1194, %get3A_1195, %get3A_1196] {strides = array<i32>} : memref<4x64x128xf32, #tpu.memory_space<vmem>>, vector<16xf32>,
      %get3A_1198 = arith.index_cast %rem3A_206 : i32 to index
      %get3A_1199 = arith.index_cast %add3A_1130 : i32 to index
      %get3A_1200 = arith.constant 64 : index
      %get3A_1201 = tpu.vector_load %arg12[%get3A_1198, %get3A_1199, %get3A_1200] {strides = array<i32>} : memref<4x64x128xf32, #tpu.memory_space<vmem>>, vector<16xf32>,
      %add3A_1202 = arith.addf %get3A_1197, %get3A_1201 : vector<16xf32>
      %get3A_1203 = arith.index_cast %rem3A_206 : i32 to index
      %get3A_1204 = arith.index_cast %add3A_1130 : i32 to index
      %get3A_1205 = arith.constant 64 : index
      %get3A_1206 = tpu.vector_load %arg13[%get3A_1203, %get3A_1204, %get3A_1205] {strides = array<i32>} : memref<4x64x128xf32, #tpu.memory_space<vmem>>, vector<16xf32>,
      %sub3A_1207 = arith.subf %add3A_1202, %get3A_1206 : vector<16xf32>
      %abs3A_1208 = math.absf %sub3A_1207 : vector<16xf32>
      %add3A_1209 = arith.addf %add3A_1193, %abs3A_1208 : vector<16xf32>
      %get3A_1210 = arith.index_cast %rem3A_206 : i32 to index
      %get3A_1211 = arith.index_cast %add3A_1130 : i32 to index
      %get3A_1212 = arith.constant 80 : index
      %get3A_1213 = tpu.vector_load %arg11[%get3A_1210, %get3A_1211, %get3A_1212] {strides = array<i32>} : memref<4x64x128xf32, #tpu.memory_space<vmem>>, vector<16xf32>,
      %get3A_1214 = arith.index_cast %rem3A_206 : i32 to index
      %get3A_1215 = arith.index_cast %add3A_1130 : i32 to index
      %get3A_1216 = arith.constant 80 : index
      %get3A_1217 = tpu.vector_load %arg12[%get3A_1214, %get3A_1215, %get3A_1216] {strides = array<i32>} : memref<4x64x128xf32, #tpu.memory_space<vmem>>, vector<16xf32>,
      %add3A_1218 = arith.addf %get3A_1213, %get3A_1217 : vector<16xf32>
      %get3A_1219 = arith.index_cast %rem3A_206 : i32 to index
      %get3A_1220 = arith.index_cast %add3A_1130 : i32 to index
      %get3A_1221 = arith.constant 80 : index
      %get3A_1222 = tpu.vector_load %arg13[%get3A_1219, %get3A_1220, %get3A_1221] {strides = array<i32>} : memref<4x64x128xf32, #tpu.memory_space<vmem>>, vector<16xf32>,
      %sub3A_1223 = arith.subf %add3A_1218, %get3A_1222 : vector<16xf32>
      %abs3A_1224 = math.absf %sub3A_1223 : vector<16xf32>
      %add3A_1225 = arith.addf %add3A_1209, %abs3A_1224 : vector<16xf32>
      %get3A_1226 = arith.index_cast %rem3A_206 : i32 to index
      %get3A_1227 = arith.index_cast %add3A_1130 : i32 to index
      %get3A_1228 = arith.constant 96 : index
      %get3A_1229 = tpu.vector_load %arg11[%get3A_1226, %get3A_1227, %get3A_1228] {strides = array<i32>} : memref<4x64x128xf32, #tpu.memory_space<vmem>>, vector<16xf32>,
      %get3A_1230 = arith.index_cast %rem3A_206 : i32 to index
      %get3A_1231 = arith.index_cast %add3A_1130 : i32 to index
      %get3A_1232 = arith.constant 96 : index
      %get3A_1233 = tpu.vector_load %arg12[%get3A_1230, %get3A_1231, %get3A_1232] {strides = array<i32>} : memref<4x64x128xf32, #tpu.memory_space<vmem>>, vector<16xf32>,
      %add3A_1234 = arith.addf %get3A_1229, %get3A_1233 : vector<16xf32>
      %get3A_1235 = arith.index_cast %rem3A_206 : i32 to index
      %get3A_1236 = arith.index_cast %add3A_1130 : i32 to index
      %get3A_1237 = arith.constant 96 : index
      %get3A_1238 = tpu.vector_load %arg13[%get3A_1235, %get3A_1236, %get3A_1237] {strides = array<i32>} : memref<4x64x128xf32, #tpu.memory_space<vmem>>, vector<16xf32>,
      %sub3A_1239 = arith.subf %add3A_1234, %get3A_1238 : vector<16xf32>
      %abs3A_1240 = math.absf %sub3A_1239 : vector<16xf32>
      %add3A_1241 = arith.addf %add3A_1225, %abs3A_1240 : vector<16xf32>
      %get3A_1242 = arith.index_cast %rem3A_206 : i32 to index
      %get3A_1243 = arith.index_cast %add3A_1130 : i32 to index
      %get3A_1244 = arith.constant 112 : index
      %get3A_1245 = tpu.vector_load %arg11[%get3A_1242, %get3A_1243, %get3A_1244] {strides = array<i32>} : memref<4x64x128xf32, #tpu.memory_space<vmem>>, vector<16xf32>,
      %get3A_1246 = arith.index_cast %rem3A_206 : i32 to index
      %get3A_1247 = arith.index_cast %add3A_1130 : i32 to index
      %get3A_1248 = arith.constant 112 : index
      %get3A_1249 = tpu.vector_load %arg12[%get3A_1246, %get3A_1247, %get3A_1248] {strides = array<i32>} : memref<4x64x128xf32, #tpu.memory_space<vmem>>, vector<16xf32>,
      %add3A_1250 = arith.addf %get3A_1245, %get3A_1249 : vector<16xf32>
      %get3A_1251 = arith.index_cast %rem3A_206 : i32 to index
      %get3A_1252 = arith.index_cast %add3A_1130 : i32 to index
      %get3A_1253 = arith.constant 112 : index
      %get3A_1254 = tpu.vector_load %arg13[%get3A_1251, %get3A_1252, %get3A_1253] {strides = array<i32>} : memref<4x64x128xf32, #tpu.memory_space<vmem>>, vector<16xf32>,
      %sub3A_1255 = arith.subf %add3A_1250, %get3A_1254 : vector<16xf32>
      %abs3A_1256 = math.absf %sub3A_1255 : vector<16xf32>
      %add3A_1257 = arith.addf %add3A_1241, %abs3A_1256 : vector<16xf32>
      %swap3A_1258 = arith.constant 119 : index
      %swap3A_1259 = tpu.vector_load %arg15[%swap3A_1258] {strides = array<i32>} : memref<272xf32, #tpu.memory_space<vmem>>, vector<16xf32>,
      tpu.vector_store %arg15[%swap3A_1258], %add3A_1257 {strides = array<i32>} : memref<272xf32, #tpu.memory_space<vmem>>, vector<16xf32>,
      %add3A_1260 = arith.constant 8 : i32
      %add3A_1261 = arith.addi %mul3A_214, %add3A_1260 : i32
      %get3A_1262 = arith.index_cast %rem3A_206 : i32 to index
      %get3A_1263 = arith.index_cast %add3A_1261 : i32 to index
      %get3A_1264 = arith.constant 0 : index
      %get3A_1265 = tpu.vector_load %arg11[%get3A_1262, %get3A_1263, %get3A_1264] {strides = array<i32>} : memref<4x64x128xf32, #tpu.memory_space<vmem>>, vector<16xf32>,
      %get3A_1266 = arith.index_cast %rem3A_206 : i32 to index
      %get3A_1267 = arith.index_cast %add3A_1261 : i32 to index
      %get3A_1268 = arith.constant 0 : index
      %get3A_1269 = tpu.vector_load %arg12[%get3A_1266, %get3A_1267, %get3A_1268] {strides = array<i32>} : memref<4x64x128xf32, #tpu.memory_space<vmem>>, vector<16xf32>,
      %add3A_1270 = arith.addf %get3A_1265, %get3A_1269 : vector<16xf32>
      %get3A_1271 = arith.index_cast %rem3A_206 : i32 to index
      %get3A_1272 = arith.index_cast %add3A_1261 : i32 to index
      %get3A_1273 = arith.constant 0 : index
      %get3A_1274 = tpu.vector_load %arg13[%get3A_1271, %get3A_1272, %get3A_1273] {strides = array<i32>} : memref<4x64x128xf32, #tpu.memory_space<vmem>>, vector<16xf32>,
      %sub3A_1275 = arith.subf %add3A_1270, %get3A_1274 : vector<16xf32>
      %abs3A_1276 = math.absf %sub3A_1275 : vector<16xf32>
      %get3A_1277 = arith.index_cast %rem3A_206 : i32 to index
      %get3A_1278 = arith.index_cast %add3A_1261 : i32 to index
      %get3A_1279 = arith.constant 16 : index
      %get3A_1280 = tpu.vector_load %arg11[%get3A_1277, %get3A_1278, %get3A_1279] {strides = array<i32>} : memref<4x64x128xf32, #tpu.memory_space<vmem>>, vector<16xf32>,
      %get3A_1281 = arith.index_cast %rem3A_206 : i32 to index
      %get3A_1282 = arith.index_cast %add3A_1261 : i32 to index
      %get3A_1283 = arith.constant 16 : index
      %get3A_1284 = tpu.vector_load %arg12[%get3A_1281, %get3A_1282, %get3A_1283] {strides = array<i32>} : memref<4x64x128xf32, #tpu.memory_space<vmem>>, vector<16xf32>,
      %add3A_1285 = arith.addf %get3A_1280, %get3A_1284 : vector<16xf32>
      %get3A_1286 = arith.index_cast %rem3A_206 : i32 to index
      %get3A_1287 = arith.index_cast %add3A_1261 : i32 to index
      %get3A_1288 = arith.constant 16 : index
      %get3A_1289 = tpu.vector_load %arg13[%get3A_1286, %get3A_1287, %get3A_1288] {strides = array<i32>} : memref<4x64x128xf32, #tpu.memory_space<vmem>>, vector<16xf32>,
      %sub3A_1290 = arith.subf %add3A_1285, %get3A_1289 : vector<16xf32>
      %abs3A_1291 = math.absf %sub3A_1290 : vector<16xf32>
      %add3A_1292 = arith.addf %abs3A_1276, %abs3A_1291 : vector<16xf32>
      %get3A_1293 = arith.index_cast %rem3A_206 : i32 to index
      %get3A_1294 = arith.index_cast %add3A_1261 : i32 to index
      %get3A_1295 = arith.constant 32 : index
      %get3A_1296 = tpu.vector_load %arg11[%get3A_1293, %get3A_1294, %get3A_1295] {strides = array<i32>} : memref<4x64x128xf32, #tpu.memory_space<vmem>>, vector<16xf32>,
      %get3A_1297 = arith.index_cast %rem3A_206 : i32 to index
      %get3A_1298 = arith.index_cast %add3A_1261 : i32 to index
      %get3A_1299 = arith.constant 32 : index
      %get3A_1300 = tpu.vector_load %arg12[%get3A_1297, %get3A_1298, %get3A_1299] {strides = array<i32>} : memref<4x64x128xf32, #tpu.memory_space<vmem>>, vector<16xf32>,
      %add3A_1301 = arith.addf %get3A_1296, %get3A_1300 : vector<16xf32>
      %get3A_1302 = arith.index_cast %rem3A_206 : i32 to index
      %get3A_1303 = arith.index_cast %add3A_1261 : i32 to index
      %get3A_1304 = arith.constant 32 : index
      %get3A_1305 = tpu.vector_load %arg13[%get3A_1302, %get3A_1303, %get3A_1304] {strides = array<i32>} : memref<4x64x128xf32, #tpu.memory_space<vmem>>, vector<16xf32>,
      %sub3A_1306 = arith.subf %add3A_1301, %get3A_1305 : vector<16xf32>
      %abs3A_1307 = math.absf %sub3A_1306 : vector<16xf32>
      %add3A_1308 = arith.addf %add3A_1292, %abs3A_1307 : vector<16xf32>
      %get3A_1309 = arith.index_cast %rem3A_206 : i32 to index
      %get3A_1310 = arith.index_cast %add3A_1261 : i32 to index
      %get3A_1311 = arith.constant 48 : index
      %get3A_1312 = tpu.vector_load %arg11[%get3A_1309, %get3A_1310, %get3A_1311] {strides = array<i32>} : memref<4x64x128xf32, #tpu.memory_space<vmem>>, vector<16xf32>,
      %get3A_1313 = arith.index_cast %rem3A_206 : i32 to index
      %get3A_1314 = arith.index_cast %add3A_1261 : i32 to index
      %get3A_1315 = arith.constant 48 : index
      %get3A_1316 = tpu.vector_load %arg12[%get3A_1313, %get3A_1314, %get3A_1315] {strides = array<i32>} : memref<4x64x128xf32, #tpu.memory_space<vmem>>, vector<16xf32>,
      %add3A_1317 = arith.addf %get3A_1312, %get3A_1316 : vector<16xf32>
      %get3A_1318 = arith.index_cast %rem3A_206 : i32 to index
      %get3A_1319 = arith.index_cast %add3A_1261 : i32 to index
      %get3A_1320 = arith.constant 48 : index
      %get3A_1321 = tpu.vector_load %arg13[%get3A_1318, %get3A_1319, %get3A_1320] {strides = array<i32>} : memref<4x64x128xf32, #tpu.memory_space<vmem>>, vector<16xf32>,
      %sub3A_1322 = arith.subf %add3A_1317, %get3A_1321 : vector<16xf32>
      %abs3A_1323 = math.absf %sub3A_1322 : vector<16xf32>
      %add3A_1324 = arith.addf %add3A_1308, %abs3A_1323 : vector<16xf32>
      %get3A_1325 = arith.index_cast %rem3A_206 : i32 to index
      %get3A_1326 = arith.index_cast %add3A_1261 : i32 to index
      %get3A_1327 = arith.constant 64 : index
      %get3A_1328 = tpu.vector_load %arg11[%get3A_1325, %get3A_1326, %get3A_1327] {strides = array<i32>} : memref<4x64x128xf32, #tpu.memory_space<vmem>>, vector<16xf32>,
      %get3A_1329 = arith.index_cast %rem3A_206 : i32 to index
      %get3A_1330 = arith.index_cast %add3A_1261 : i32 to index
      %get3A_1331 = arith.constant 64 : index
      %get3A_1332 = tpu.vector_load %arg12[%get3A_1329, %get3A_1330, %get3A_1331] {strides = array<i32>} : memref<4x64x128xf32, #tpu.memory_space<vmem>>, vector<16xf32>,
      %add3A_1333 = arith.addf %get3A_1328, %get3A_1332 : vector<16xf32>
      %get3A_1334 = arith.index_cast %rem3A_206 : i32 to index
      %get3A_1335 = arith.index_cast %add3A_1261 : i32 to index
      %get3A_1336 = arith.constant 64 : index
      %get3A_1337 = tpu.vector_load %arg13[%get3A_1334, %get3A_1335, %get3A_1336] {strides = array<i32>} : memref<4x64x128xf32, #tpu.memory_space<vmem>>, vector<16xf32>,
      %sub3A_1338 = arith.subf %add3A_1333, %get3A_1337 : vector<16xf32>
      %abs3A_1339 = math.absf %sub3A_1338 : vector<16xf32>
      %add3A_1340 = arith.addf %add3A_1324, %abs3A_1339 : vector<16xf32>
      %get3A_1341 = arith.index_cast %rem3A_206 : i32 to index
      %get3A_1342 = arith.index_cast %add3A_1261 : i32 to index
      %get3A_1343 = arith.constant 80 : index
      %get3A_1344 = tpu.vector_load %arg11[%get3A_1341, %get3A_1342, %get3A_1343] {strides = array<i32>} : memref<4x64x128xf32, #tpu.memory_space<vmem>>, vector<16xf32>,
      %get3A_1345 = arith.index_cast %rem3A_206 : i32 to index
      %get3A_1346 = arith.index_cast %add3A_1261 : i32 to index
      %get3A_1347 = arith.constant 80 : index
      %get3A_1348 = tpu.vector_load %arg12[%get3A_1345, %get3A_1346, %get3A_1347] {strides = array<i32>} : memref<4x64x128xf32, #tpu.memory_space<vmem>>, vector<16xf32>,
      %add3A_1349 = arith.addf %get3A_1344, %get3A_1348 : vector<16xf32>
      %get3A_1350 = arith.index_cast %rem3A_206 : i32 to index
      %get3A_1351 = arith.index_cast %add3A_1261 : i32 to index
      %get3A_1352 = arith.constant 80 : index
      %get3A_1353 = tpu.vector_load %arg13[%get3A_1350, %get3A_1351, %get3A_1352] {strides = array<i32>} : memref<4x64x128xf32, #tpu.memory_space<vmem>>, vector<16xf32>,
      %sub3A_1354 = arith.subf %add3A_1349, %get3A_1353 : vector<16xf32>
      %abs3A_1355 = math.absf %sub3A_1354 : vector<16xf32>
      %add3A_1356 = arith.addf %add3A_1340, %abs3A_1355 : vector<16xf32>
      %get3A_1357 = arith.index_cast %rem3A_206 : i32 to index
      %get3A_1358 = arith.index_cast %add3A_1261 : i32 to index
      %get3A_1359 = arith.constant 96 : index
      %get3A_1360 = tpu.vector_load %arg11[%get3A_1357, %get3A_1358, %get3A_1359] {strides = array<i32>} : memref<4x64x128xf32, #tpu.memory_space<vmem>>, vector<16xf32>,
      %get3A_1361 = arith.index_cast %rem3A_206 : i32 to index
      %get3A_1362 = arith.index_cast %add3A_1261 : i32 to index
      %get3A_1363 = arith.constant 96 : index
      %get3A_1364 = tpu.vector_load %arg12[%get3A_1361, %get3A_1362, %get3A_1363] {strides = array<i32>} : memref<4x64x128xf32, #tpu.memory_space<vmem>>, vector<16xf32>,
      %add3A_1365 = arith.addf %get3A_1360, %get3A_1364 : vector<16xf32>
      %get3A_1366 = arith.index_cast %rem3A_206 : i32 to index
      %get3A_1367 = arith.index_cast %add3A_1261 : i32 to index
      %get3A_1368 = arith.constant 96 : index
      %get3A_1369 = tpu.vector_load %arg13[%get3A_1366, %get3A_1367, %get3A_1368] {strides = array<i32>} : memref<4x64x128xf32, #tpu.memory_space<vmem>>, vector<16xf32>,
      %sub3A_1370 = arith.subf %add3A_1365, %get3A_1369 : vector<16xf32>
      %abs3A_1371 = math.absf %sub3A_1370 : vector<16xf32>
      %add3A_1372 = arith.addf %add3A_1356, %abs3A_1371 : vector<16xf32>
      %get3A_1373 = arith.index_cast %rem3A_206 : i32 to index
      %get3A_1374 = arith.index_cast %add3A_1261 : i32 to index
      %get3A_1375 = arith.constant 112 : index
      %get3A_1376 = tpu.vector_load %arg11[%get3A_1373, %get3A_1374, %get3A_1375] {strides = array<i32>} : memref<4x64x128xf32, #tpu.memory_space<vmem>>, vector<16xf32>,
      %get3A_1377 = arith.index_cast %rem3A_206 : i32 to index
      %get3A_1378 = arith.index_cast %add3A_1261 : i32 to index
      %get3A_1379 = arith.constant 112 : index
      %get3A_1380 = tpu.vector_load %arg12[%get3A_1377, %get3A_1378, %get3A_1379] {strides = array<i32>} : memref<4x64x128xf32, #tpu.memory_space<vmem>>, vector<16xf32>,
      %add3A_1381 = arith.addf %get3A_1376, %get3A_1380 : vector<16xf32>
      %get3A_1382 = arith.index_cast %rem3A_206 : i32 to index
      %get3A_1383 = arith.index_cast %add3A_1261 : i32 to index
      %get3A_1384 = arith.constant 112 : index
      %get3A_1385 = tpu.vector_load %arg13[%get3A_1382, %get3A_1383, %get3A_1384] {strides = array<i32>} : memref<4x64x128xf32, #tpu.memory_space<vmem>>, vector<16xf32>,
      %sub3A_1386 = arith.subf %add3A_1381, %get3A_1385 : vector<16xf32>
      %abs3A_1387 = math.absf %sub3A_1386 : vector<16xf32>
      %add3A_1388 = arith.addf %add3A_1372, %abs3A_1387 : vector<16xf32>
      %swap3A_1389 = arith.constant 136 : index
      %swap3A_1390 = tpu.vector_load %arg15[%swap3A_1389] {strides = array<i32>} : memref<272xf32, #tpu.memory_space<vmem>>, vector<16xf32>,
      tpu.vector_store %arg15[%swap3A_1389], %add3A_1388 {strides = array<i32>} : memref<272xf32, #tpu.memory_space<vmem>>, vector<16xf32>,
      %add3A_1391 = arith.constant 9 : i32
      %add3A_1392 = arith.addi %mul3A_214, %add3A_1391 : i32
      %get3A_1393 = arith.index_cast %rem3A_206 : i32 to index
      %get3A_1394 = arith.index_cast %add3A_1392 : i32 to index
      %get3A_1395 = arith.constant 0 : index
      %get3A_1396 = tpu.vector_load %arg11[%get3A_1393, %get3A_1394, %get3A_1395] {strides = array<i32>} : memref<4x64x128xf32, #tpu.memory_space<vmem>>, vector<16xf32>,
      %get3A_1397 = arith.index_cast %rem3A_206 : i32 to index
      %get3A_1398 = arith.index_cast %add3A_1392 : i32 to index
      %get3A_1399 = arith.constant 0 : index
      %get3A_1400 = tpu.vector_load %arg12[%get3A_1397, %get3A_1398, %get3A_1399] {strides = array<i32>} : memref<4x64x128xf32, #tpu.memory_space<vmem>>, vector<16xf32>,
      %add3A_1401 = arith.addf %get3A_1396, %get3A_1400 : vector<16xf32>
      %get3A_1402 = arith.index_cast %rem3A_206 : i32 to index
      %get3A_1403 = arith.index_cast %add3A_1392 : i32 to index
      %get3A_1404 = arith.constant 0 : index
      %get3A_1405 = tpu.vector_load %arg13[%get3A_1402, %get3A_1403, %get3A_1404] {strides = array<i32>} : memref<4x64x128xf32, #tpu.memory_space<vmem>>, vector<16xf32>,
      %sub3A_1406 = arith.subf %add3A_1401, %get3A_1405 : vector<16xf32>
      %abs3A_1407 = math.absf %sub3A_1406 : vector<16xf32>
      %get3A_1408 = arith.index_cast %rem3A_206 : i32 to index
      %get3A_1409 = arith.index_cast %add3A_1392 : i32 to index
      %get3A_1410 = arith.constant 16 : index
      %get3A_1411 = tpu.vector_load %arg11[%get3A_1408, %get3A_1409, %get3A_1410] {strides = array<i32>} : memref<4x64x128xf32, #tpu.memory_space<vmem>>, vector<16xf32>,
      %get3A_1412 = arith.index_cast %rem3A_206 : i32 to index
      %get3A_1413 = arith.index_cast %add3A_1392 : i32 to index
      %get3A_1414 = arith.constant 16 : index
      %get3A_1415 = tpu.vector_load %arg12[%get3A_1412, %get3A_1413, %get3A_1414] {strides = array<i32>} : memref<4x64x128xf32, #tpu.memory_space<vmem>>, vector<16xf32>,
      %add3A_1416 = arith.addf %get3A_1411, %get3A_1415 : vector<16xf32>
      %get3A_1417 = arith.index_cast %rem3A_206 : i32 to index
      %get3A_1418 = arith.index_cast %add3A_1392 : i32 to index
      %get3A_1419 = arith.constant 16 : index
      %get3A_1420 = tpu.vector_load %arg13[%get3A_1417, %get3A_1418, %get3A_1419] {strides = array<i32>} : memref<4x64x128xf32, #tpu.memory_space<vmem>>, vector<16xf32>,
      %sub3A_1421 = arith.subf %add3A_1416, %get3A_1420 : vector<16xf32>
      %abs3A_1422 = math.absf %sub3A_1421 : vector<16xf32>
      %add3A_1423 = arith.addf %abs3A_1407, %abs3A_1422 : vector<16xf32>
      %get3A_1424 = arith.index_cast %rem3A_206 : i32 to index
      %get3A_1425 = arith.index_cast %add3A_1392 : i32 to index
      %get3A_1426 = arith.constant 32 : index
      %get3A_1427 = tpu.vector_load %arg11[%get3A_1424, %get3A_1425, %get3A_1426] {strides = array<i32>} : memref<4x64x128xf32, #tpu.memory_space<vmem>>, vector<16xf32>,
      %get3A_1428 = arith.index_cast %rem3A_206 : i32 to index
      %get3A_1429 = arith.index_cast %add3A_1392 : i32 to index
      %get3A_1430 = arith.constant 32 : index
      %get3A_1431 = tpu.vector_load %arg12[%get3A_1428, %get3A_1429, %get3A_1430] {strides = array<i32>} : memref<4x64x128xf32, #tpu.memory_space<vmem>>, vector<16xf32>,
      %add3A_1432 = arith.addf %get3A_1427, %get3A_1431 : vector<16xf32>
      %get3A_1433 = arith.index_cast %rem3A_206 : i32 to index
      %get3A_1434 = arith.index_cast %add3A_1392 : i32 to index
      %get3A_1435 = arith.constant 32 : index
      %get3A_1436 = tpu.vector_load %arg13[%get3A_1433, %get3A_1434, %get3A_1435] {strides = array<i32>} : memref<4x64x128xf32, #tpu.memory_space<vmem>>, vector<16xf32>,
      %sub3A_1437 = arith.subf %add3A_1432, %get3A_1436 : vector<16xf32>
      %abs3A_1438 = math.absf %sub3A_1437 : vector<16xf32>
      %add3A_1439 = arith.addf %add3A_1423, %abs3A_1438 : vector<16xf32>
      %get3A_1440 = arith.index_cast %rem3A_206 : i32 to index
      %get3A_1441 = arith.index_cast %add3A_1392 : i32 to index
      %get3A_1442 = arith.constant 48 : index
      %get3A_1443 = tpu.vector_load %arg11[%get3A_1440, %get3A_1441, %get3A_1442] {strides = array<i32>} : memref<4x64x128xf32, #tpu.memory_space<vmem>>, vector<16xf32>,
      %get3A_1444 = arith.index_cast %rem3A_206 : i32 to index
      %get3A_1445 = arith.index_cast %add3A_1392 : i32 to index
      %get3A_1446 = arith.constant 48 : index
      %get3A_1447 = tpu.vector_load %arg12[%get3A_1444, %get3A_1445, %get3A_1446] {strides = array<i32>} : memref<4x64x128xf32, #tpu.memory_space<vmem>>, vector<16xf32>,
      %add3A_1448 = arith.addf %get3A_1443, %get3A_1447 : vector<16xf32>
      %get3A_1449 = arith.index_cast %rem3A_206 : i32 to index
      %get3A_1450 = arith.index_cast %add3A_1392 : i32 to index
      %get3A_1451 = arith.constant 48 : index
      %get3A_1452 = tpu.vector_load %arg13[%get3A_1449, %get3A_1450, %get3A_1451] {strides = array<i32>} : memref<4x64x128xf32, #tpu.memory_space<vmem>>, vector<16xf32>,
      %sub3A_1453 = arith.subf %add3A_1448, %get3A_1452 : vector<16xf32>
      %abs3A_1454 = math.absf %sub3A_1453 : vector<16xf32>
      %add3A_1455 = arith.addf %add3A_1439, %abs3A_1454 : vector<16xf32>
      %get3A_1456 = arith.index_cast %rem3A_206 : i32 to index
      %get3A_1457 = arith.index_cast %add3A_1392 : i32 to index
      %get3A_1458 = arith.constant 64 : index
      %get3A_1459 = tpu.vector_load %arg11[%get3A_1456, %get3A_1457, %get3A_1458] {strides = array<i32>} : memref<4x64x128xf32, #tpu.memory_space<vmem>>, vector<16xf32>,
      %get3A_1460 = arith.index_cast %rem3A_206 : i32 to index
      %get3A_1461 = arith.index_cast %add3A_1392 : i32 to index
      %get3A_1462 = arith.constant 64 : index
      %get3A_1463 = tpu.vector_load %arg12[%get3A_1460, %get3A_1461, %get3A_1462] {strides = array<i32>} : memref<4x64x128xf32, #tpu.memory_space<vmem>>, vector<16xf32>,
      %add3A_1464 = arith.addf %get3A_1459, %get3A_1463 : vector<16xf32>
      %get3A_1465 = arith.index_cast %rem3A_206 : i32 to index
      %get3A_1466 = arith.index_cast %add3A_1392 : i32 to index
      %get3A_1467 = arith.constant 64 : index
      %get3A_1468 = tpu.vector_load %arg13[%get3A_1465, %get3A_1466, %get3A_1467] {strides = array<i32>} : memref<4x64x128xf32, #tpu.memory_space<vmem>>, vector<16xf32>,
      %sub3A_1469 = arith.subf %add3A_1464, %get3A_1468 : vector<16xf32>
      %abs3A_1470 = math.absf %sub3A_1469 : vector<16xf32>
      %add3A_1471 = arith.addf %add3A_1455, %abs3A_1470 : vector<16xf32>
      %get3A_1472 = arith.index_cast %rem3A_206 : i32 to index
      %get3A_1473 = arith.index_cast %add3A_1392 : i32 to index
      %get3A_1474 = arith.constant 80 : index
      %get3A_1475 = tpu.vector_load %arg11[%get3A_1472, %get3A_1473, %get3A_1474] {strides = array<i32>} : memref<4x64x128xf32, #tpu.memory_space<vmem>>, vector<16xf32>,
      %get3A_1476 = arith.index_cast %rem3A_206 : i32 to index
      %get3A_1477 = arith.index_cast %add3A_1392 : i32 to index
      %get3A_1478 = arith.constant 80 : index
      %get3A_1479 = tpu.vector_load %arg12[%get3A_1476, %get3A_1477, %get3A_1478] {strides = array<i32>} : memref<4x64x128xf32, #tpu.memory_space<vmem>>, vector<16xf32>,
      %add3A_1480 = arith.addf %get3A_1475, %get3A_1479 : vector<16xf32>
      %get3A_1481 = arith.index_cast %rem3A_206 : i32 to index
      %get3A_1482 = arith.index_cast %add3A_1392 : i32 to index
      %get3A_1483 = arith.constant 80 : index
      %get3A_1484 = tpu.vector_load %arg13[%get3A_1481, %get3A_1482, %get3A_1483] {strides = array<i32>} : memref<4x64x128xf32, #tpu.memory_space<vmem>>, vector<16xf32>,
      %sub3A_1485 = arith.subf %add3A_1480, %get3A_1484 : vector<16xf32>
      %abs3A_1486 = math.absf %sub3A_1485 : vector<16xf32>
      %add3A_1487 = arith.addf %add3A_1471, %abs3A_1486 : vector<16xf32>
      %get3A_1488 = arith.index_cast %rem3A_206 : i32 to index
      %get3A_1489 = arith.index_cast %add3A_1392 : i32 to index
      %get3A_1490 = arith.constant 96 : index
      %get3A_1491 = tpu.vector_load %arg11[%get3A_1488, %get3A_1489, %get3A_1490] {strides = array<i32>} : memref<4x64x128xf32, #tpu.memory_space<vmem>>, vector<16xf32>,
      %get3A_1492 = arith.index_cast %rem3A_206 : i32 to index
      %get3A_1493 = arith.index_cast %add3A_1392 : i32 to index
      %get3A_1494 = arith.constant 96 : index
      %get3A_1495 = tpu.vector_load %arg12[%get3A_1492, %get3A_1493, %get3A_1494] {strides = array<i32>} : memref<4x64x128xf32, #tpu.memory_space<vmem>>, vector<16xf32>,
      %add3A_1496 = arith.addf %get3A_1491, %get3A_1495 : vector<16xf32>
      %get3A_1497 = arith.index_cast %rem3A_206 : i32 to index
      %get3A_1498 = arith.index_cast %add3A_1392 : i32 to index
      %get3A_1499 = arith.constant 96 : index
      %get3A_1500 = tpu.vector_load %arg13[%get3A_1497, %get3A_1498, %get3A_1499] {strides = array<i32>} : memref<4x64x128xf32, #tpu.memory_space<vmem>>, vector<16xf32>,
      %sub3A_1501 = arith.subf %add3A_1496, %get3A_1500 : vector<16xf32>
      %abs3A_1502 = math.absf %sub3A_1501 : vector<16xf32>
      %add3A_1503 = arith.addf %add3A_1487, %abs3A_1502 : vector<16xf32>
      %get3A_1504 = arith.index_cast %rem3A_206 : i32 to index
      %get3A_1505 = arith.index_cast %add3A_1392 : i32 to index
      %get3A_1506 = arith.constant 112 : index
      %get3A_1507 = tpu.vector_load %arg11[%get3A_1504, %get3A_1505, %get3A_1506] {strides = array<i32>} : memref<4x64x128xf32, #tpu.memory_space<vmem>>, vector<16xf32>,
      %get3A_1508 = arith.index_cast %rem3A_206 : i32 to index
      %get3A_1509 = arith.index_cast %add3A_1392 : i32 to index
      %get3A_1510 = arith.constant 112 : index
      %get3A_1511 = tpu.vector_load %arg12[%get3A_1508, %get3A_1509, %get3A_1510] {strides = array<i32>} : memref<4x64x128xf32, #tpu.memory_space<vmem>>, vector<16xf32>,
      %add3A_1512 = arith.addf %get3A_1507, %get3A_1511 : vector<16xf32>
      %get3A_1513 = arith.index_cast %rem3A_206 : i32 to index
      %get3A_1514 = arith.index_cast %add3A_1392 : i32 to index
      %get3A_1515 = arith.constant 112 : index
      %get3A_1516 = tpu.vector_load %arg13[%get3A_1513, %get3A_1514, %get3A_1515] {strides = array<i32>} : memref<4x64x128xf32, #tpu.memory_space<vmem>>, vector<16xf32>,
      %sub3A_1517 = arith.subf %add3A_1512, %get3A_1516 : vector<16xf32>
      %abs3A_1518 = math.absf %sub3A_1517 : vector<16xf32>
      %add3A_1519 = arith.addf %add3A_1503, %abs3A_1518 : vector<16xf32>
      %swap3A_1520 = arith.constant 153 : index
      %swap3A_1521 = tpu.vector_load %arg15[%swap3A_1520] {strides = array<i32>} : memref<272xf32, #tpu.memory_space<vmem>>, vector<16xf32>,
      tpu.vector_store %arg15[%swap3A_1520], %add3A_1519 {strides = array<i32>} : memref<272xf32, #tpu.memory_space<vmem>>, vector<16xf32>,
      %add3A_1522 = arith.constant 10 : i32
      %add3A_1523 = arith.addi %mul3A_214, %add3A_1522 : i32
      %get3A_1524 = arith.index_cast %rem3A_206 : i32 to index
      %get3A_1525 = arith.index_cast %add3A_1523 : i32 to index
      %get3A_1526 = arith.constant 0 : index
      %get3A_1527 = tpu.vector_load %arg11[%get3A_1524, %get3A_1525, %get3A_1526] {strides = array<i32>} : memref<4x64x128xf32, #tpu.memory_space<vmem>>, vector<16xf32>,
      %get3A_1528 = arith.index_cast %rem3A_206 : i32 to index
      %get3A_1529 = arith.index_cast %add3A_1523 : i32 to index
      %get3A_1530 = arith.constant 0 : index
      %get3A_1531 = tpu.vector_load %arg12[%get3A_1528, %get3A_1529, %get3A_1530] {strides = array<i32>} : memref<4x64x128xf32, #tpu.memory_space<vmem>>, vector<16xf32>,
      %add3A_1532 = arith.addf %get3A_1527, %get3A_1531 : vector<16xf32>
      %get3A_1533 = arith.index_cast %rem3A_206 : i32 to index
      %get3A_1534 = arith.index_cast %add3A_1523 : i32 to index
      %get3A_1535 = arith.constant 0 : index
      %get3A_1536 = tpu.vector_load %arg13[%get3A_1533, %get3A_1534, %get3A_1535] {strides = array<i32>} : memref<4x64x128xf32, #tpu.memory_space<vmem>>, vector<16xf32>,
      %sub3A_1537 = arith.subf %add3A_1532, %get3A_1536 : vector<16xf32>
      %abs3A_1538 = math.absf %sub3A_1537 : vector<16xf32>
      %get3A_1539 = arith.index_cast %rem3A_206 : i32 to index
      %get3A_1540 = arith.index_cast %add3A_1523 : i32 to index
      %get3A_1541 = arith.constant 16 : index
      %get3A_1542 = tpu.vector_load %arg11[%get3A_1539, %get3A_1540, %get3A_1541] {strides = array<i32>} : memref<4x64x128xf32, #tpu.memory_space<vmem>>, vector<16xf32>,
      %get3A_1543 = arith.index_cast %rem3A_206 : i32 to index
      %get3A_1544 = arith.index_cast %add3A_1523 : i32 to index
      %get3A_1545 = arith.constant 16 : index
      %get3A_1546 = tpu.vector_load %arg12[%get3A_1543, %get3A_1544, %get3A_1545] {strides = array<i32>} : memref<4x64x128xf32, #tpu.memory_space<vmem>>, vector<16xf32>,
      %add3A_1547 = arith.addf %get3A_1542, %get3A_1546 : vector<16xf32>
      %get3A_1548 = arith.index_cast %rem3A_206 : i32 to index
      %get3A_1549 = arith.index_cast %add3A_1523 : i32 to index
      %get3A_1550 = arith.constant 16 : index
      %get3A_1551 = tpu.vector_load %arg13[%get3A_1548, %get3A_1549, %get3A_1550] {strides = array<i32>} : memref<4x64x128xf32, #tpu.memory_space<vmem>>, vector<16xf32>,
      %sub3A_1552 = arith.subf %add3A_1547, %get3A_1551 : vector<16xf32>
      %abs3A_1553 = math.absf %sub3A_1552 : vector<16xf32>
      %add3A_1554 = arith.addf %abs3A_1538, %abs3A_1553 : vector<16xf32>
      %get3A_1555 = arith.index_cast %rem3A_206 : i32 to index
      %get3A_1556 = arith.index_cast %add3A_1523 : i32 to index
      %get3A_1557 = arith.constant 32 : index
      %get3A_1558 = tpu.vector_load %arg11[%get3A_1555, %get3A_1556, %get3A_1557] {strides = array<i32>} : memref<4x64x128xf32, #tpu.memory_space<vmem>>, vector<16xf32>,
      %get3A_1559 = arith.index_cast %rem3A_206 : i32 to index
      %get3A_1560 = arith.index_cast %add3A_1523 : i32 to index
      %get3A_1561 = arith.constant 32 : index
      %get3A_1562 = tpu.vector_load %arg12[%get3A_1559, %get3A_1560, %get3A_1561] {strides = array<i32>} : memref<4x64x128xf32, #tpu.memory_space<vmem>>, vector<16xf32>,
      %add3A_1563 = arith.addf %get3A_1558, %get3A_1562 : vector<16xf32>
      %get3A_1564 = arith.index_cast %rem3A_206 : i32 to index
      %get3A_1565 = arith.index_cast %add3A_1523 : i32 to index
      %get3A_1566 = arith.constant 32 : index
      %get3A_1567 = tpu.vector_load %arg13[%get3A_1564, %get3A_1565, %get3A_1566] {strides = array<i32>} : memref<4x64x128xf32, #tpu.memory_space<vmem>>, vector<16xf32>,
      %sub3A_1568 = arith.subf %add3A_1563, %get3A_1567 : vector<16xf32>
      %abs3A_1569 = math.absf %sub3A_1568 : vector<16xf32>
      %add3A_1570 = arith.addf %add3A_1554, %abs3A_1569 : vector<16xf32>
      %get3A_1571 = arith.index_cast %rem3A_206 : i32 to index
      %get3A_1572 = arith.index_cast %add3A_1523 : i32 to index
      %get3A_1573 = arith.constant 48 : index
      %get3A_1574 = tpu.vector_load %arg11[%get3A_1571, %get3A_1572, %get3A_1573] {strides = array<i32>} : memref<4x64x128xf32, #tpu.memory_space<vmem>>, vector<16xf32>,
      %get3A_1575 = arith.index_cast %rem3A_206 : i32 to index
      %get3A_1576 = arith.index_cast %add3A_1523 : i32 to index
      %get3A_1577 = arith.constant 48 : index
      %get3A_1578 = tpu.vector_load %arg12[%get3A_1575, %get3A_1576, %get3A_1577] {strides = array<i32>} : memref<4x64x128xf32, #tpu.memory_space<vmem>>, vector<16xf32>,
      %add3A_1579 = arith.addf %get3A_1574, %get3A_1578 : vector<16xf32>
      %get3A_1580 = arith.index_cast %rem3A_206 : i32 to index
      %get3A_1581 = arith.index_cast %add3A_1523 : i32 to index
      %get3A_1582 = arith.constant 48 : index
      %get3A_1583 = tpu.vector_load %arg13[%get3A_1580, %get3A_1581, %get3A_1582] {strides = array<i32>} : memref<4x64x128xf32, #tpu.memory_space<vmem>>, vector<16xf32>,
      %sub3A_1584 = arith.subf %add3A_1579, %get3A_1583 : vector<16xf32>
      %abs3A_1585 = math.absf %sub3A_1584 : vector<16xf32>
      %add3A_1586 = arith.addf %add3A_1570, %abs3A_1585 : vector<16xf32>
      %get3A_1587 = arith.index_cast %rem3A_206 : i32 to index
      %get3A_1588 = arith.index_cast %add3A_1523 : i32 to index
      %get3A_1589 = arith.constant 64 : index
      %get3A_1590 = tpu.vector_load %arg11[%get3A_1587, %get3A_1588, %get3A_1589] {strides = array<i32>} : memref<4x64x128xf32, #tpu.memory_space<vmem>>, vector<16xf32>,
      %get3A_1591 = arith.index_cast %rem3A_206 : i32 to index
      %get3A_1592 = arith.index_cast %add3A_1523 : i32 to index
      %get3A_1593 = arith.constant 64 : index
      %get3A_1594 = tpu.vector_load %arg12[%get3A_1591, %get3A_1592, %get3A_1593] {strides = array<i32>} : memref<4x64x128xf32, #tpu.memory_space<vmem>>, vector<16xf32>,
      %add3A_1595 = arith.addf %get3A_1590, %get3A_1594 : vector<16xf32>
      %get3A_1596 = arith.index_cast %rem3A_206 : i32 to index
      %get3A_1597 = arith.index_cast %add3A_1523 : i32 to index
      %get3A_1598 = arith.constant 64 : index
      %get3A_1599 = tpu.vector_load %arg13[%get3A_1596, %get3A_1597, %get3A_1598] {strides = array<i32>} : memref<4x64x128xf32, #tpu.memory_space<vmem>>, vector<16xf32>,
      %sub3A_1600 = arith.subf %add3A_1595, %get3A_1599 : vector<16xf32>
      %abs3A_1601 = math.absf %sub3A_1600 : vector<16xf32>
      %add3A_1602 = arith.addf %add3A_1586, %abs3A_1601 : vector<16xf32>
      %get3A_1603 = arith.index_cast %rem3A_206 : i32 to index
      %get3A_1604 = arith.index_cast %add3A_1523 : i32 to index
      %get3A_1605 = arith.constant 80 : index
      %get3A_1606 = tpu.vector_load %arg11[%get3A_1603, %get3A_1604, %get3A_1605] {strides = array<i32>} : memref<4x64x128xf32, #tpu.memory_space<vmem>>, vector<16xf32>,
      %get3A_1607 = arith.index_cast %rem3A_206 : i32 to index
      %get3A_1608 = arith.index_cast %add3A_1523 : i32 to index
      %get3A_1609 = arith.constant 80 : index
      %get3A_1610 = tpu.vector_load %arg12[%get3A_1607, %get3A_1608, %get3A_1609] {strides = array<i32>} : memref<4x64x128xf32, #tpu.memory_space<vmem>>, vector<16xf32>,
      %add3A_1611 = arith.addf %get3A_1606, %get3A_1610 : vector<16xf32>
      %get3A_1612 = arith.index_cast %rem3A_206 : i32 to index
      %get3A_1613 = arith.index_cast %add3A_1523 : i32 to index
      %get3A_1614 = arith.constant 80 : index
      %get3A_1615 = tpu.vector_load %arg13[%get3A_1612, %get3A_1613, %get3A_1614] {strides = array<i32>} : memref<4x64x128xf32, #tpu.memory_space<vmem>>, vector<16xf32>,
      %sub3A_1616 = arith.subf %add3A_1611, %get3A_1615 : vector<16xf32>
      %abs3A_1617 = math.absf %sub3A_1616 : vector<16xf32>
      %add3A_1618 = arith.addf %add3A_1602, %abs3A_1617 : vector<16xf32>
      %get3A_1619 = arith.index_cast %rem3A_206 : i32 to index
      %get3A_1620 = arith.index_cast %add3A_1523 : i32 to index
      %get3A_1621 = arith.constant 96 : index
      %get3A_1622 = tpu.vector_load %arg11[%get3A_1619, %get3A_1620, %get3A_1621] {strides = array<i32>} : memref<4x64x128xf32, #tpu.memory_space<vmem>>, vector<16xf32>,
      %get3A_1623 = arith.index_cast %rem3A_206 : i32 to index
      %get3A_1624 = arith.index_cast %add3A_1523 : i32 to index
      %get3A_1625 = arith.constant 96 : index
      %get3A_1626 = tpu.vector_load %arg12[%get3A_1623, %get3A_1624, %get3A_1625] {strides = array<i32>} : memref<4x64x128xf32, #tpu.memory_space<vmem>>, vector<16xf32>,
      %add3A_1627 = arith.addf %get3A_1622, %get3A_1626 : vector<16xf32>
      %get3A_1628 = arith.index_cast %rem3A_206 : i32 to index
      %get3A_1629 = arith.index_cast %add3A_1523 : i32 to index
      %get3A_1630 = arith.constant 96 : index
      %get3A_1631 = tpu.vector_load %arg13[%get3A_1628, %get3A_1629, %get3A_1630] {strides = array<i32>} : memref<4x64x128xf32, #tpu.memory_space<vmem>>, vector<16xf32>,
      %sub3A_1632 = arith.subf %add3A_1627, %get3A_1631 : vector<16xf32>
      %abs3A_1633 = math.absf %sub3A_1632 : vector<16xf32>
      %add3A_1634 = arith.addf %add3A_1618, %abs3A_1633 : vector<16xf32>
      %get3A_1635 = arith.index_cast %rem3A_206 : i32 to index
      %get3A_1636 = arith.index_cast %add3A_1523 : i32 to index
      %get3A_1637 = arith.constant 112 : index
      %get3A_1638 = tpu.vector_load %arg11[%get3A_1635, %get3A_1636, %get3A_1637] {strides = array<i32>} : memref<4x64x128xf32, #tpu.memory_space<vmem>>, vector<16xf32>,
      %get3A_1639 = arith.index_cast %rem3A_206 : i32 to index
      %get3A_1640 = arith.index_cast %add3A_1523 : i32 to index
      %get3A_1641 = arith.constant 112 : index
      %get3A_1642 = tpu.vector_load %arg12[%get3A_1639, %get3A_1640, %get3A_1641] {strides = array<i32>} : memref<4x64x128xf32, #tpu.memory_space<vmem>>, vector<16xf32>,
      %add3A_1643 = arith.addf %get3A_1638, %get3A_1642 : vector<16xf32>
      %get3A_1644 = arith.index_cast %rem3A_206 : i32 to index
      %get3A_1645 = arith.index_cast %add3A_1523 : i32 to index
      %get3A_1646 = arith.constant 112 : index
      %get3A_1647 = tpu.vector_load %arg13[%get3A_1644, %get3A_1645, %get3A_1646] {strides = array<i32>} : memref<4x64x128xf32, #tpu.memory_space<vmem>>, vector<16xf32>,
      %sub3A_1648 = arith.subf %add3A_1643, %get3A_1647 : vector<16xf32>
      %abs3A_1649 = math.absf %sub3A_1648 : vector<16xf32>
      %add3A_1650 = arith.addf %add3A_1634, %abs3A_1649 : vector<16xf32>
      %swap3A_1651 = arith.constant 170 : index
      %swap3A_1652 = tpu.vector_load %arg15[%swap3A_1651] {strides = array<i32>} : memref<272xf32, #tpu.memory_space<vmem>>, vector<16xf32>,
      tpu.vector_store %arg15[%swap3A_1651], %add3A_1650 {strides = array<i32>} : memref<272xf32, #tpu.memory_space<vmem>>, vector<16xf32>,
      %add3A_1653 = arith.constant 11 : i32
      %add3A_1654 = arith.addi %mul3A_214, %add3A_1653 : i32
      %get3A_1655 = arith.index_cast %rem3A_206 : i32 to index
      %get3A_1656 = arith.index_cast %add3A_1654 : i32 to index
      %get3A_1657 = arith.constant 0 : index
      %get3A_1658 = tpu.vector_load %arg11[%get3A_1655, %get3A_1656, %get3A_1657] {strides = array<i32>} : memref<4x64x128xf32, #tpu.memory_space<vmem>>, vector<16xf32>,
      %get3A_1659 = arith.index_cast %rem3A_206 : i32 to index
      %get3A_1660 = arith.index_cast %add3A_1654 : i32 to index
      %get3A_1661 = arith.constant 0 : index
      %get3A_1662 = tpu.vector_load %arg12[%get3A_1659, %get3A_1660, %get3A_1661] {strides = array<i32>} : memref<4x64x128xf32, #tpu.memory_space<vmem>>, vector<16xf32>,
      %add3A_1663 = arith.addf %get3A_1658, %get3A_1662 : vector<16xf32>
      %get3A_1664 = arith.index_cast %rem3A_206 : i32 to index
      %get3A_1665 = arith.index_cast %add3A_1654 : i32 to index
      %get3A_1666 = arith.constant 0 : index
      %get3A_1667 = tpu.vector_load %arg13[%get3A_1664, %get3A_1665, %get3A_1666] {strides = array<i32>} : memref<4x64x128xf32, #tpu.memory_space<vmem>>, vector<16xf32>,
      %sub3A_1668 = arith.subf %add3A_1663, %get3A_1667 : vector<16xf32>
      %abs3A_1669 = math.absf %sub3A_1668 : vector<16xf32>
      %get3A_1670 = arith.index_cast %rem3A_206 : i32 to index
      %get3A_1671 = arith.index_cast %add3A_1654 : i32 to index
      %get3A_1672 = arith.constant 16 : index
      %get3A_1673 = tpu.vector_load %arg11[%get3A_1670, %get3A_1671, %get3A_1672] {strides = array<i32>} : memref<4x64x128xf32, #tpu.memory_space<vmem>>, vector<16xf32>,
      %get3A_1674 = arith.index_cast %rem3A_206 : i32 to index
      %get3A_1675 = arith.index_cast %add3A_1654 : i32 to index
      %get3A_1676 = arith.constant 16 : index
      %get3A_1677 = tpu.vector_load %arg12[%get3A_1674, %get3A_1675, %get3A_1676] {strides = array<i32>} : memref<4x64x128xf32, #tpu.memory_space<vmem>>, vector<16xf32>,
      %add3A_1678 = arith.addf %get3A_1673, %get3A_1677 : vector<16xf32>
      %get3A_1679 = arith.index_cast %rem3A_206 : i32 to index
      %get3A_1680 = arith.index_cast %add3A_1654 : i32 to index
      %get3A_1681 = arith.constant 16 : index
      %get3A_1682 = tpu.vector_load %arg13[%get3A_1679, %get3A_1680, %get3A_1681] {strides = array<i32>} : memref<4x64x128xf32, #tpu.memory_space<vmem>>, vector<16xf32>,
      %sub3A_1683 = arith.subf %add3A_1678, %get3A_1682 : vector<16xf32>
      %abs3A_1684 = math.absf %sub3A_1683 : vector<16xf32>
      %add3A_1685 = arith.addf %abs3A_1669, %abs3A_1684 : vector<16xf32>
      %get3A_1686 = arith.index_cast %rem3A_206 : i32 to index
      %get3A_1687 = arith.index_cast %add3A_1654 : i32 to index
      %get3A_1688 = arith.constant 32 : index
      %get3A_1689 = tpu.vector_load %arg11[%get3A_1686, %get3A_1687, %get3A_1688] {strides = array<i32>} : memref<4x64x128xf32, #tpu.memory_space<vmem>>, vector<16xf32>,
      %get3A_1690 = arith.index_cast %rem3A_206 : i32 to index
      %get3A_1691 = arith.index_cast %add3A_1654 : i32 to index
      %get3A_1692 = arith.constant 32 : index
      %get3A_1693 = tpu.vector_load %arg12[%get3A_1690, %get3A_1691, %get3A_1692] {strides = array<i32>} : memref<4x64x128xf32, #tpu.memory_space<vmem>>, vector<16xf32>,
      %add3A_1694 = arith.addf %get3A_1689, %get3A_1693 : vector<16xf32>
      %get3A_1695 = arith.index_cast %rem3A_206 : i32 to index
      %get3A_1696 = arith.index_cast %add3A_1654 : i32 to index
      %get3A_1697 = arith.constant 32 : index
      %get3A_1698 = tpu.vector_load %arg13[%get3A_1695, %get3A_1696, %get3A_1697] {strides = array<i32>} : memref<4x64x128xf32, #tpu.memory_space<vmem>>, vector<16xf32>,
      %sub3A_1699 = arith.subf %add3A_1694, %get3A_1698 : vector<16xf32>
      %abs3A_1700 = math.absf %sub3A_1699 : vector<16xf32>
      %add3A_1701 = arith.addf %add3A_1685, %abs3A_1700 : vector<16xf32>
      %get3A_1702 = arith.index_cast %rem3A_206 : i32 to index
      %get3A_1703 = arith.index_cast %add3A_1654 : i32 to index
      %get3A_1704 = arith.constant 48 : index
      %get3A_1705 = tpu.vector_load %arg11[%get3A_1702, %get3A_1703, %get3A_1704] {strides = array<i32>} : memref<4x64x128xf32, #tpu.memory_space<vmem>>, vector<16xf32>,
      %get3A_1706 = arith.index_cast %rem3A_206 : i32 to index
      %get3A_1707 = arith.index_cast %add3A_1654 : i32 to index
      %get3A_1708 = arith.constant 48 : index
      %get3A_1709 = tpu.vector_load %arg12[%get3A_1706, %get3A_1707, %get3A_1708] {strides = array<i32>} : memref<4x64x128xf32, #tpu.memory_space<vmem>>, vector<16xf32>,
      %add3A_1710 = arith.addf %get3A_1705, %get3A_1709 : vector<16xf32>
      %get3A_1711 = arith.index_cast %rem3A_206 : i32 to index
      %get3A_1712 = arith.index_cast %add3A_1654 : i32 to index
      %get3A_1713 = arith.constant 48 : index
      %get3A_1714 = tpu.vector_load %arg13[%get3A_1711, %get3A_1712, %get3A_1713] {strides = array<i32>} : memref<4x64x128xf32, #tpu.memory_space<vmem>>, vector<16xf32>,
      %sub3A_1715 = arith.subf %add3A_1710, %get3A_1714 : vector<16xf32>
      %abs3A_1716 = math.absf %sub3A_1715 : vector<16xf32>
      %add3A_1717 = arith.addf %add3A_1701, %abs3A_1716 : vector<16xf32>
      %get3A_1718 = arith.index_cast %rem3A_206 : i32 to index
      %get3A_1719 = arith.index_cast %add3A_1654 : i32 to index
      %get3A_1720 = arith.constant 64 : index
      %get3A_1721 = tpu.vector_load %arg11[%get3A_1718, %get3A_1719, %get3A_1720] {strides = array<i32>} : memref<4x64x128xf32, #tpu.memory_space<vmem>>, vector<16xf32>,
      %get3A_1722 = arith.index_cast %rem3A_206 : i32 to index
      %get3A_1723 = arith.index_cast %add3A_1654 : i32 to index
      %get3A_1724 = arith.constant 64 : index
      %get3A_1725 = tpu.vector_load %arg12[%get3A_1722, %get3A_1723, %get3A_1724] {strides = array<i32>} : memref<4x64x128xf32, #tpu.memory_space<vmem>>, vector<16xf32>,
      %add3A_1726 = arith.addf %get3A_1721, %get3A_1725 : vector<16xf32>
      %get3A_1727 = arith.index_cast %rem3A_206 : i32 to index
      %get3A_1728 = arith.index_cast %add3A_1654 : i32 to index
      %get3A_1729 = arith.constant 64 : index
      %get3A_1730 = tpu.vector_load %arg13[%get3A_1727, %get3A_1728, %get3A_1729] {strides = array<i32>} : memref<4x64x128xf32, #tpu.memory_space<vmem>>, vector<16xf32>,
      %sub3A_1731 = arith.subf %add3A_1726, %get3A_1730 : vector<16xf32>
      %abs3A_1732 = math.absf %sub3A_1731 : vector<16xf32>
      %add3A_1733 = arith.addf %add3A_1717, %abs3A_1732 : vector<16xf32>
      %get3A_1734 = arith.index_cast %rem3A_206 : i32 to index
      %get3A_1735 = arith.index_cast %add3A_1654 : i32 to index
      %get3A_1736 = arith.constant 80 : index
      %get3A_1737 = tpu.vector_load %arg11[%get3A_1734, %get3A_1735, %get3A_1736] {strides = array<i32>} : memref<4x64x128xf32, #tpu.memory_space<vmem>>, vector<16xf32>,
      %get3A_1738 = arith.index_cast %rem3A_206 : i32 to index
      %get3A_1739 = arith.index_cast %add3A_1654 : i32 to index
      %get3A_1740 = arith.constant 80 : index
      %get3A_1741 = tpu.vector_load %arg12[%get3A_1738, %get3A_1739, %get3A_1740] {strides = array<i32>} : memref<4x64x128xf32, #tpu.memory_space<vmem>>, vector<16xf32>,
      %add3A_1742 = arith.addf %get3A_1737, %get3A_1741 : vector<16xf32>
      %get3A_1743 = arith.index_cast %rem3A_206 : i32 to index
      %get3A_1744 = arith.index_cast %add3A_1654 : i32 to index
      %get3A_1745 = arith.constant 80 : index
      %get3A_1746 = tpu.vector_load %arg13[%get3A_1743, %get3A_1744, %get3A_1745] {strides = array<i32>} : memref<4x64x128xf32, #tpu.memory_space<vmem>>, vector<16xf32>,
      %sub3A_1747 = arith.subf %add3A_1742, %get3A_1746 : vector<16xf32>
      %abs3A_1748 = math.absf %sub3A_1747 : vector<16xf32>
      %add3A_1749 = arith.addf %add3A_1733, %abs3A_1748 : vector<16xf32>
      %get3A_1750 = arith.index_cast %rem3A_206 : i32 to index
      %get3A_1751 = arith.index_cast %add3A_1654 : i32 to index
      %get3A_1752 = arith.constant 96 : index
      %get3A_1753 = tpu.vector_load %arg11[%get3A_1750, %get3A_1751, %get3A_1752] {strides = array<i32>} : memref<4x64x128xf32, #tpu.memory_space<vmem>>, vector<16xf32>,
      %get3A_1754 = arith.index_cast %rem3A_206 : i32 to index
      %get3A_1755 = arith.index_cast %add3A_1654 : i32 to index
      %get3A_1756 = arith.constant 96 : index
      %get3A_1757 = tpu.vector_load %arg12[%get3A_1754, %get3A_1755, %get3A_1756] {strides = array<i32>} : memref<4x64x128xf32, #tpu.memory_space<vmem>>, vector<16xf32>,
      %add3A_1758 = arith.addf %get3A_1753, %get3A_1757 : vector<16xf32>
      %get3A_1759 = arith.index_cast %rem3A_206 : i32 to index
      %get3A_1760 = arith.index_cast %add3A_1654 : i32 to index
      %get3A_1761 = arith.constant 96 : index
      %get3A_1762 = tpu.vector_load %arg13[%get3A_1759, %get3A_1760, %get3A_1761] {strides = array<i32>} : memref<4x64x128xf32, #tpu.memory_space<vmem>>, vector<16xf32>,
      %sub3A_1763 = arith.subf %add3A_1758, %get3A_1762 : vector<16xf32>
      %abs3A_1764 = math.absf %sub3A_1763 : vector<16xf32>
      %add3A_1765 = arith.addf %add3A_1749, %abs3A_1764 : vector<16xf32>
      %get3A_1766 = arith.index_cast %rem3A_206 : i32 to index
      %get3A_1767 = arith.index_cast %add3A_1654 : i32 to index
      %get3A_1768 = arith.constant 112 : index
      %get3A_1769 = tpu.vector_load %arg11[%get3A_1766, %get3A_1767, %get3A_1768] {strides = array<i32>} : memref<4x64x128xf32, #tpu.memory_space<vmem>>, vector<16xf32>,
      %get3A_1770 = arith.index_cast %rem3A_206 : i32 to index
      %get3A_1771 = arith.index_cast %add3A_1654 : i32 to index
      %get3A_1772 = arith.constant 112 : index
      %get3A_1773 = tpu.vector_load %arg12[%get3A_1770, %get3A_1771, %get3A_1772] {strides = array<i32>} : memref<4x64x128xf32, #tpu.memory_space<vmem>>, vector<16xf32>,
      %add3A_1774 = arith.addf %get3A_1769, %get3A_1773 : vector<16xf32>
      %get3A_1775 = arith.index_cast %rem3A_206 : i32 to index
      %get3A_1776 = arith.index_cast %add3A_1654 : i32 to index
      %get3A_1777 = arith.constant 112 : index
      %get3A_1778 = tpu.vector_load %arg13[%get3A_1775, %get3A_1776, %get3A_1777] {strides = array<i32>} : memref<4x64x128xf32, #tpu.memory_space<vmem>>, vector<16xf32>,
      %sub3A_1779 = arith.subf %add3A_1774, %get3A_1778 : vector<16xf32>
      %abs3A_1780 = math.absf %sub3A_1779 : vector<16xf32>
      %add3A_1781 = arith.addf %add3A_1765, %abs3A_1780 : vector<16xf32>
      %swap3A_1782 = arith.constant 187 : index
      %swap3A_1783 = tpu.vector_load %arg15[%swap3A_1782] {strides = array<i32>} : memref<272xf32, #tpu.memory_space<vmem>>, vector<16xf32>,
      tpu.vector_store %arg15[%swap3A_1782], %add3A_1781 {strides = array<i32>} : memref<272xf32, #tpu.memory_space<vmem>>, vector<16xf32>,
      %add3A_1784 = arith.constant 12 : i32
      %add3A_1785 = arith.addi %mul3A_214, %add3A_1784 : i32
      %get3A_1786 = arith.index_cast %rem3A_206 : i32 to index
      %get3A_1787 = arith.index_cast %add3A_1785 : i32 to index
      %get3A_1788 = arith.constant 0 : index
      %get3A_1789 = tpu.vector_load %arg11[%get3A_1786, %get3A_1787, %get3A_1788] {strides = array<i32>} : memref<4x64x128xf32, #tpu.memory_space<vmem>>, vector<16xf32>,
      %get3A_1790 = arith.index_cast %rem3A_206 : i32 to index
      %get3A_1791 = arith.index_cast %add3A_1785 : i32 to index
      %get3A_1792 = arith.constant 0 : index
      %get3A_1793 = tpu.vector_load %arg12[%get3A_1790, %get3A_1791, %get3A_1792] {strides = array<i32>} : memref<4x64x128xf32, #tpu.memory_space<vmem>>, vector<16xf32>,
      %add3A_1794 = arith.addf %get3A_1789, %get3A_1793 : vector<16xf32>
      %get3A_1795 = arith.index_cast %rem3A_206 : i32 to index
      %get3A_1796 = arith.index_cast %add3A_1785 : i32 to index
      %get3A_1797 = arith.constant 0 : index
      %get3A_1798 = tpu.vector_load %arg13[%get3A_1795, %get3A_1796, %get3A_1797] {strides = array<i32>} : memref<4x64x128xf32, #tpu.memory_space<vmem>>, vector<16xf32>,
      %sub3A_1799 = arith.subf %add3A_1794, %get3A_1798 : vector<16xf32>
      %abs3A_1800 = math.absf %sub3A_1799 : vector<16xf32>
      %get3A_1801 = arith.index_cast %rem3A_206 : i32 to index
      %get3A_1802 = arith.index_cast %add3A_1785 : i32 to index
      %get3A_1803 = arith.constant 16 : index
      %get3A_1804 = tpu.vector_load %arg11[%get3A_1801, %get3A_1802, %get3A_1803] {strides = array<i32>} : memref<4x64x128xf32, #tpu.memory_space<vmem>>, vector<16xf32>,
      %get3A_1805 = arith.index_cast %rem3A_206 : i32 to index
      %get3A_1806 = arith.index_cast %add3A_1785 : i32 to index
      %get3A_1807 = arith.constant 16 : index
      %get3A_1808 = tpu.vector_load %arg12[%get3A_1805, %get3A_1806, %get3A_1807] {strides = array<i32>} : memref<4x64x128xf32, #tpu.memory_space<vmem>>, vector<16xf32>,
      %add3A_1809 = arith.addf %get3A_1804, %get3A_1808 : vector<16xf32>
      %get3A_1810 = arith.index_cast %rem3A_206 : i32 to index
      %get3A_1811 = arith.index_cast %add3A_1785 : i32 to index
      %get3A_1812 = arith.constant 16 : index
      %get3A_1813 = tpu.vector_load %arg13[%get3A_1810, %get3A_1811, %get3A_1812] {strides = array<i32>} : memref<4x64x128xf32, #tpu.memory_space<vmem>>, vector<16xf32>,
      %sub3A_1814 = arith.subf %add3A_1809, %get3A_1813 : vector<16xf32>
      %abs3A_1815 = math.absf %sub3A_1814 : vector<16xf32>
      %add3A_1816 = arith.addf %abs3A_1800, %abs3A_1815 : vector<16xf32>
      %get3A_1817 = arith.index_cast %rem3A_206 : i32 to index
      %get3A_1818 = arith.index_cast %add3A_1785 : i32 to index
      %get3A_1819 = arith.constant 32 : index
      %get3A_1820 = tpu.vector_load %arg11[%get3A_1817, %get3A_1818, %get3A_1819] {strides = array<i32>} : memref<4x64x128xf32, #tpu.memory_space<vmem>>, vector<16xf32>,
      %get3A_1821 = arith.index_cast %rem3A_206 : i32 to index
      %get3A_1822 = arith.index_cast %add3A_1785 : i32 to index
      %get3A_1823 = arith.constant 32 : index
      %get3A_1824 = tpu.vector_load %arg12[%get3A_1821, %get3A_1822, %get3A_1823] {strides = array<i32>} : memref<4x64x128xf32, #tpu.memory_space<vmem>>, vector<16xf32>,
      %add3A_1825 = arith.addf %get3A_1820, %get3A_1824 : vector<16xf32>
      %get3A_1826 = arith.index_cast %rem3A_206 : i32 to index
      %get3A_1827 = arith.index_cast %add3A_1785 : i32 to index
      %get3A_1828 = arith.constant 32 : index
      %get3A_1829 = tpu.vector_load %arg13[%get3A_1826, %get3A_1827, %get3A_1828] {strides = array<i32>} : memref<4x64x128xf32, #tpu.memory_space<vmem>>, vector<16xf32>,
      %sub3A_1830 = arith.subf %add3A_1825, %get3A_1829 : vector<16xf32>
      %abs3A_1831 = math.absf %sub3A_1830 : vector<16xf32>
      %add3A_1832 = arith.addf %add3A_1816, %abs3A_1831 : vector<16xf32>
      %get3A_1833 = arith.index_cast %rem3A_206 : i32 to index
      %get3A_1834 = arith.index_cast %add3A_1785 : i32 to index
      %get3A_1835 = arith.constant 48 : index
      %get3A_1836 = tpu.vector_load %arg11[%get3A_1833, %get3A_1834, %get3A_1835] {strides = array<i32>} : memref<4x64x128xf32, #tpu.memory_space<vmem>>, vector<16xf32>,
      %get3A_1837 = arith.index_cast %rem3A_206 : i32 to index
      %get3A_1838 = arith.index_cast %add3A_1785 : i32 to index
      %get3A_1839 = arith.constant 48 : index
      %get3A_1840 = tpu.vector_load %arg12[%get3A_1837, %get3A_1838, %get3A_1839] {strides = array<i32>} : memref<4x64x128xf32, #tpu.memory_space<vmem>>, vector<16xf32>,
      %add3A_1841 = arith.addf %get3A_1836, %get3A_1840 : vector<16xf32>
      %get3A_1842 = arith.index_cast %rem3A_206 : i32 to index
      %get3A_1843 = arith.index_cast %add3A_1785 : i32 to index
      %get3A_1844 = arith.constant 48 : index
      %get3A_1845 = tpu.vector_load %arg13[%get3A_1842, %get3A_1843, %get3A_1844] {strides = array<i32>} : memref<4x64x128xf32, #tpu.memory_space<vmem>>, vector<16xf32>,
      %sub3A_1846 = arith.subf %add3A_1841, %get3A_1845 : vector<16xf32>
      %abs3A_1847 = math.absf %sub3A_1846 : vector<16xf32>
      %add3A_1848 = arith.addf %add3A_1832, %abs3A_1847 : vector<16xf32>
      %get3A_1849 = arith.index_cast %rem3A_206 : i32 to index
      %get3A_1850 = arith.index_cast %add3A_1785 : i32 to index
      %get3A_1851 = arith.constant 64 : index
      %get3A_1852 = tpu.vector_load %arg11[%get3A_1849, %get3A_1850, %get3A_1851] {strides = array<i32>} : memref<4x64x128xf32, #tpu.memory_space<vmem>>, vector<16xf32>,
      %get3A_1853 = arith.index_cast %rem3A_206 : i32 to index
      %get3A_1854 = arith.index_cast %add3A_1785 : i32 to index
      %get3A_1855 = arith.constant 64 : index
      %get3A_1856 = tpu.vector_load %arg12[%get3A_1853, %get3A_1854, %get3A_1855] {strides = array<i32>} : memref<4x64x128xf32, #tpu.memory_space<vmem>>, vector<16xf32>,
      %add3A_1857 = arith.addf %get3A_1852, %get3A_1856 : vector<16xf32>
      %get3A_1858 = arith.index_cast %rem3A_206 : i32 to index
      %get3A_1859 = arith.index_cast %add3A_1785 : i32 to index
      %get3A_1860 = arith.constant 64 : index
      %get3A_1861 = tpu.vector_load %arg13[%get3A_1858, %get3A_1859, %get3A_1860] {strides = array<i32>} : memref<4x64x128xf32, #tpu.memory_space<vmem>>, vector<16xf32>,
      %sub3A_1862 = arith.subf %add3A_1857, %get3A_1861 : vector<16xf32>
      %abs3A_1863 = math.absf %sub3A_1862 : vector<16xf32>
      %add3A_1864 = arith.addf %add3A_1848, %abs3A_1863 : vector<16xf32>
      %get3A_1865 = arith.index_cast %rem3A_206 : i32 to index
      %get3A_1866 = arith.index_cast %add3A_1785 : i32 to index
      %get3A_1867 = arith.constant 80 : index
      %get3A_1868 = tpu.vector_load %arg11[%get3A_1865, %get3A_1866, %get3A_1867] {strides = array<i32>} : memref<4x64x128xf32, #tpu.memory_space<vmem>>, vector<16xf32>,
      %get3A_1869 = arith.index_cast %rem3A_206 : i32 to index
      %get3A_1870 = arith.index_cast %add3A_1785 : i32 to index
      %get3A_1871 = arith.constant 80 : index
      %get3A_1872 = tpu.vector_load %arg12[%get3A_1869, %get3A_1870, %get3A_1871] {strides = array<i32>} : memref<4x64x128xf32, #tpu.memory_space<vmem>>, vector<16xf32>,
      %add3A_1873 = arith.addf %get3A_1868, %get3A_1872 : vector<16xf32>
      %get3A_1874 = arith.index_cast %rem3A_206 : i32 to index
      %get3A_1875 = arith.index_cast %add3A_1785 : i32 to index
      %get3A_1876 = arith.constant 80 : index
      %get3A_1877 = tpu.vector_load %arg13[%get3A_1874, %get3A_1875, %get3A_1876] {strides = array<i32>} : memref<4x64x128xf32, #tpu.memory_space<vmem>>, vector<16xf32>,
      %sub3A_1878 = arith.subf %add3A_1873, %get3A_1877 : vector<16xf32>
      %abs3A_1879 = math.absf %sub3A_1878 : vector<16xf32>
      %add3A_1880 = arith.addf %add3A_1864, %abs3A_1879 : vector<16xf32>
      %get3A_1881 = arith.index_cast %rem3A_206 : i32 to index
      %get3A_1882 = arith.index_cast %add3A_1785 : i32 to index
      %get3A_1883 = arith.constant 96 : index
      %get3A_1884 = tpu.vector_load %arg11[%get3A_1881, %get3A_1882, %get3A_1883] {strides = array<i32>} : memref<4x64x128xf32, #tpu.memory_space<vmem>>, vector<16xf32>,
      %get3A_1885 = arith.index_cast %rem3A_206 : i32 to index
      %get3A_1886 = arith.index_cast %add3A_1785 : i32 to index
      %get3A_1887 = arith.constant 96 : index
      %get3A_1888 = tpu.vector_load %arg12[%get3A_1885, %get3A_1886, %get3A_1887] {strides = array<i32>} : memref<4x64x128xf32, #tpu.memory_space<vmem>>, vector<16xf32>,
      %add3A_1889 = arith.addf %get3A_1884, %get3A_1888 : vector<16xf32>
      %get3A_1890 = arith.index_cast %rem3A_206 : i32 to index
      %get3A_1891 = arith.index_cast %add3A_1785 : i32 to index
      %get3A_1892 = arith.constant 96 : index
      %get3A_1893 = tpu.vector_load %arg13[%get3A_1890, %get3A_1891, %get3A_1892] {strides = array<i32>} : memref<4x64x128xf32, #tpu.memory_space<vmem>>, vector<16xf32>,
      %sub3A_1894 = arith.subf %add3A_1889, %get3A_1893 : vector<16xf32>
      %abs3A_1895 = math.absf %sub3A_1894 : vector<16xf32>
      %add3A_1896 = arith.addf %add3A_1880, %abs3A_1895 : vector<16xf32>
      %get3A_1897 = arith.index_cast %rem3A_206 : i32 to index
      %get3A_1898 = arith.index_cast %add3A_1785 : i32 to index
      %get3A_1899 = arith.constant 112 : index
      %get3A_1900 = tpu.vector_load %arg11[%get3A_1897, %get3A_1898, %get3A_1899] {strides = array<i32>} : memref<4x64x128xf32, #tpu.memory_space<vmem>>, vector<16xf32>,
      %get3A_1901 = arith.index_cast %rem3A_206 : i32 to index
      %get3A_1902 = arith.index_cast %add3A_1785 : i32 to index
      %get3A_1903 = arith.constant 112 : index
      %get3A_1904 = tpu.vector_load %arg12[%get3A_1901, %get3A_1902, %get3A_1903] {strides = array<i32>} : memref<4x64x128xf32, #tpu.memory_space<vmem>>, vector<16xf32>,
      %add3A_1905 = arith.addf %get3A_1900, %get3A_1904 : vector<16xf32>
      %get3A_1906 = arith.index_cast %rem3A_206 : i32 to index
      %get3A_1907 = arith.index_cast %add3A_1785 : i32 to index
      %get3A_1908 = arith.constant 112 : index
      %get3A_1909 = tpu.vector_load %arg13[%get3A_1906, %get3A_1907, %get3A_1908] {strides = array<i32>} : memref<4x64x128xf32, #tpu.memory_space<vmem>>, vector<16xf32>,
      %sub3A_1910 = arith.subf %add3A_1905, %get3A_1909 : vector<16xf32>
      %abs3A_1911 = math.absf %sub3A_1910 : vector<16xf32>
      %add3A_1912 = arith.addf %add3A_1896, %abs3A_1911 : vector<16xf32>
      %swap3A_1913 = arith.constant 204 : index
      %swap3A_1914 = tpu.vector_load %arg15[%swap3A_1913] {strides = array<i32>} : memref<272xf32, #tpu.memory_space<vmem>>, vector<16xf32>,
      tpu.vector_store %arg15[%swap3A_1913], %add3A_1912 {strides = array<i32>} : memref<272xf32, #tpu.memory_space<vmem>>, vector<16xf32>,
      %add3A_1915 = arith.constant 13 : i32
      %add3A_1916 = arith.addi %mul3A_214, %add3A_1915 : i32
      %get3A_1917 = arith.index_cast %rem3A_206 : i32 to index
      %get3A_1918 = arith.index_cast %add3A_1916 : i32 to index
      %get3A_1919 = arith.constant 0 : index
      %get3A_1920 = tpu.vector_load %arg11[%get3A_1917, %get3A_1918, %get3A_1919] {strides = array<i32>} : memref<4x64x128xf32, #tpu.memory_space<vmem>>, vector<16xf32>,
      %get3A_1921 = arith.index_cast %rem3A_206 : i32 to index
      %get3A_1922 = arith.index_cast %add3A_1916 : i32 to index
      %get3A_1923 = arith.constant 0 : index
      %get3A_1924 = tpu.vector_load %arg12[%get3A_1921, %get3A_1922, %get3A_1923] {strides = array<i32>} : memref<4x64x128xf32, #tpu.memory_space<vmem>>, vector<16xf32>,
      %add3A_1925 = arith.addf %get3A_1920, %get3A_1924 : vector<16xf32>
      %get3A_1926 = arith.index_cast %rem3A_206 : i32 to index
      %get3A_1927 = arith.index_cast %add3A_1916 : i32 to index
      %get3A_1928 = arith.constant 0 : index
      %get3A_1929 = tpu.vector_load %arg13[%get3A_1926, %get3A_1927, %get3A_1928] {strides = array<i32>} : memref<4x64x128xf32, #tpu.memory_space<vmem>>, vector<16xf32>,
      %sub3A_1930 = arith.subf %add3A_1925, %get3A_1929 : vector<16xf32>
      %abs3A_1931 = math.absf %sub3A_1930 : vector<16xf32>
      %get3A_1932 = arith.index_cast %rem3A_206 : i32 to index
      %get3A_1933 = arith.index_cast %add3A_1916 : i32 to index
      %get3A_1934 = arith.constant 16 : index
      %get3A_1935 = tpu.vector_load %arg11[%get3A_1932, %get3A_1933, %get3A_1934] {strides = array<i32>} : memref<4x64x128xf32, #tpu.memory_space<vmem>>, vector<16xf32>,
      %get3A_1936 = arith.index_cast %rem3A_206 : i32 to index
      %get3A_1937 = arith.index_cast %add3A_1916 : i32 to index
      %get3A_1938 = arith.constant 16 : index
      %get3A_1939 = tpu.vector_load %arg12[%get3A_1936, %get3A_1937, %get3A_1938] {strides = array<i32>} : memref<4x64x128xf32, #tpu.memory_space<vmem>>, vector<16xf32>,
      %add3A_1940 = arith.addf %get3A_1935, %get3A_1939 : vector<16xf32>
      %get3A_1941 = arith.index_cast %rem3A_206 : i32 to index
      %get3A_1942 = arith.index_cast %add3A_1916 : i32 to index
      %get3A_1943 = arith.constant 16 : index
      %get3A_1944 = tpu.vector_load %arg13[%get3A_1941, %get3A_1942, %get3A_1943] {strides = array<i32>} : memref<4x64x128xf32, #tpu.memory_space<vmem>>, vector<16xf32>,
      %sub3A_1945 = arith.subf %add3A_1940, %get3A_1944 : vector<16xf32>
      %abs3A_1946 = math.absf %sub3A_1945 : vector<16xf32>
      %add3A_1947 = arith.addf %abs3A_1931, %abs3A_1946 : vector<16xf32>
      %get3A_1948 = arith.index_cast %rem3A_206 : i32 to index
      %get3A_1949 = arith.index_cast %add3A_1916 : i32 to index
      %get3A_1950 = arith.constant 32 : index
      %get3A_1951 = tpu.vector_load %arg11[%get3A_1948, %get3A_1949, %get3A_1950] {strides = array<i32>} : memref<4x64x128xf32, #tpu.memory_space<vmem>>, vector<16xf32>,
      %get3A_1952 = arith.index_cast %rem3A_206 : i32 to index
      %get3A_1953 = arith.index_cast %add3A_1916 : i32 to index
      %get3A_1954 = arith.constant 32 : index
      %get3A_1955 = tpu.vector_load %arg12[%get3A_1952, %get3A_1953, %get3A_1954] {strides = array<i32>} : memref<4x64x128xf32, #tpu.memory_space<vmem>>, vector<16xf32>,
      %add3A_1956 = arith.addf %get3A_1951, %get3A_1955 : vector<16xf32>
      %get3A_1957 = arith.index_cast %rem3A_206 : i32 to index
      %get3A_1958 = arith.index_cast %add3A_1916 : i32 to index
      %get3A_1959 = arith.constant 32 : index
      %get3A_1960 = tpu.vector_load %arg13[%get3A_1957, %get3A_1958, %get3A_1959] {strides = array<i32>} : memref<4x64x128xf32, #tpu.memory_space<vmem>>, vector<16xf32>,
      %sub3A_1961 = arith.subf %add3A_1956, %get3A_1960 : vector<16xf32>
      %abs3A_1962 = math.absf %sub3A_1961 : vector<16xf32>
      %add3A_1963 = arith.addf %add3A_1947, %abs3A_1962 : vector<16xf32>
      %get3A_1964 = arith.index_cast %rem3A_206 : i32 to index
      %get3A_1965 = arith.index_cast %add3A_1916 : i32 to index
      %get3A_1966 = arith.constant 48 : index
      %get3A_1967 = tpu.vector_load %arg11[%get3A_1964, %get3A_1965, %get3A_1966] {strides = array<i32>} : memref<4x64x128xf32, #tpu.memory_space<vmem>>, vector<16xf32>,
      %get3A_1968 = arith.index_cast %rem3A_206 : i32 to index
      %get3A_1969 = arith.index_cast %add3A_1916 : i32 to index
      %get3A_1970 = arith.constant 48 : index
      %get3A_1971 = tpu.vector_load %arg12[%get3A_1968, %get3A_1969, %get3A_1970] {strides = array<i32>} : memref<4x64x128xf32, #tpu.memory_space<vmem>>, vector<16xf32>,
      %add3A_1972 = arith.addf %get3A_1967, %get3A_1971 : vector<16xf32>
      %get3A_1973 = arith.index_cast %rem3A_206 : i32 to index
      %get3A_1974 = arith.index_cast %add3A_1916 : i32 to index
      %get3A_1975 = arith.constant 48 : index
      %get3A_1976 = tpu.vector_load %arg13[%get3A_1973, %get3A_1974, %get3A_1975] {strides = array<i32>} : memref<4x64x128xf32, #tpu.memory_space<vmem>>, vector<16xf32>,
      %sub3A_1977 = arith.subf %add3A_1972, %get3A_1976 : vector<16xf32>
      %abs3A_1978 = math.absf %sub3A_1977 : vector<16xf32>
      %add3A_1979 = arith.addf %add3A_1963, %abs3A_1978 : vector<16xf32>
      %get3A_1980 = arith.index_cast %rem3A_206 : i32 to index
      %get3A_1981 = arith.index_cast %add3A_1916 : i32 to index
      %get3A_1982 = arith.constant 64 : index
      %get3A_1983 = tpu.vector_load %arg11[%get3A_1980, %get3A_1981, %get3A_1982] {strides = array<i32>} : memref<4x64x128xf32, #tpu.memory_space<vmem>>, vector<16xf32>,
      %get3A_1984 = arith.index_cast %rem3A_206 : i32 to index
      %get3A_1985 = arith.index_cast %add3A_1916 : i32 to index
      %get3A_1986 = arith.constant 64 : index
      %get3A_1987 = tpu.vector_load %arg12[%get3A_1984, %get3A_1985, %get3A_1986] {strides = array<i32>} : memref<4x64x128xf32, #tpu.memory_space<vmem>>, vector<16xf32>,
      %add3A_1988 = arith.addf %get3A_1983, %get3A_1987 : vector<16xf32>
      %get3A_1989 = arith.index_cast %rem3A_206 : i32 to index
      %get3A_1990 = arith.index_cast %add3A_1916 : i32 to index
      %get3A_1991 = arith.constant 64 : index
      %get3A_1992 = tpu.vector_load %arg13[%get3A_1989, %get3A_1990, %get3A_1991] {strides = array<i32>} : memref<4x64x128xf32, #tpu.memory_space<vmem>>, vector<16xf32>,
      %sub3A_1993 = arith.subf %add3A_1988, %get3A_1992 : vector<16xf32>
      %abs3A_1994 = math.absf %sub3A_1993 : vector<16xf32>
      %add3A_1995 = arith.addf %add3A_1979, %abs3A_1994 : vector<16xf32>
      %get3A_1996 = arith.index_cast %rem3A_206 : i32 to index
      %get3A_1997 = arith.index_cast %add3A_1916 : i32 to index
      %get3A_1998 = arith.constant 80 : index
      %get3A_1999 = tpu.vector_load %arg11[%get3A_1996, %get3A_1997, %get3A_1998] {strides = array<i32>} : memref<4x64x128xf32, #tpu.memory_space<vmem>>, vector<16xf32>,
      %get3A_2000 = arith.index_cast %rem3A_206 : i32 to index
      %get3A_2001 = arith.index_cast %add3A_1916 : i32 to index
      %get3A_2002 = arith.constant 80 : index
      %get3A_2003 = tpu.vector_load %arg12[%get3A_2000, %get3A_2001, %get3A_2002] {strides = array<i32>} : memref<4x64x128xf32, #tpu.memory_space<vmem>>, vector<16xf32>,
      %add3A_2004 = arith.addf %get3A_1999, %get3A_2003 : vector<16xf32>
      %get3A_2005 = arith.index_cast %rem3A_206 : i32 to index
      %get3A_2006 = arith.index_cast %add3A_1916 : i32 to index
      %get3A_2007 = arith.constant 80 : index
      %get3A_2008 = tpu.vector_load %arg13[%get3A_2005, %get3A_2006, %get3A_2007] {strides = array<i32>} : memref<4x64x128xf32, #tpu.memory_space<vmem>>, vector<16xf32>,
      %sub3A_2009 = arith.subf %add3A_2004, %get3A_2008 : vector<16xf32>
      %abs3A_2010 = math.absf %sub3A_2009 : vector<16xf32>
      %add3A_2011 = arith.addf %add3A_1995, %abs3A_2010 : vector<16xf32>
      %get3A_2012 = arith.index_cast %rem3A_206 : i32 to index
      %get3A_2013 = arith.index_cast %add3A_1916 : i32 to index
      %get3A_2014 = arith.constant 96 : index
      %get3A_2015 = tpu.vector_load %arg11[%get3A_2012, %get3A_2013, %get3A_2014] {strides = array<i32>} : memref<4x64x128xf32, #tpu.memory_space<vmem>>, vector<16xf32>,
      %get3A_2016 = arith.index_cast %rem3A_206 : i32 to index
      %get3A_2017 = arith.index_cast %add3A_1916 : i32 to index
      %get3A_2018 = arith.constant 96 : index
      %get3A_2019 = tpu.vector_load %arg12[%get3A_2016, %get3A_2017, %get3A_2018] {strides = array<i32>} : memref<4x64x128xf32, #tpu.memory_space<vmem>>, vector<16xf32>,
      %add3A_2020 = arith.addf %get3A_2015, %get3A_2019 : vector<16xf32>
      %get3A_2021 = arith.index_cast %rem3A_206 : i32 to index
      %get3A_2022 = arith.index_cast %add3A_1916 : i32 to index
      %get3A_2023 = arith.constant 96 : index
      %get3A_2024 = tpu.vector_load %arg13[%get3A_2021, %get3A_2022, %get3A_2023] {strides = array<i32>} : memref<4x64x128xf32, #tpu.memory_space<vmem>>, vector<16xf32>,
      %sub3A_2025 = arith.subf %add3A_2020, %get3A_2024 : vector<16xf32>
      %abs3A_2026 = math.absf %sub3A_2025 : vector<16xf32>
      %add3A_2027 = arith.addf %add3A_2011, %abs3A_2026 : vector<16xf32>
      %get3A_2028 = arith.index_cast %rem3A_206 : i32 to index
      %get3A_2029 = arith.index_cast %add3A_1916 : i32 to index
      %get3A_2030 = arith.constant 112 : index
      %get3A_2031 = tpu.vector_load %arg11[%get3A_2028, %get3A_2029, %get3A_2030] {strides = array<i32>} : memref<4x64x128xf32, #tpu.memory_space<vmem>>, vector<16xf32>,
      %get3A_2032 = arith.index_cast %rem3A_206 : i32 to index
      %get3A_2033 = arith.index_cast %add3A_1916 : i32 to index
      %get3A_2034 = arith.constant 112 : index
      %get3A_2035 = tpu.vector_load %arg12[%get3A_2032, %get3A_2033, %get3A_2034] {strides = array<i32>} : memref<4x64x128xf32, #tpu.memory_space<vmem>>, vector<16xf32>,
      %add3A_2036 = arith.addf %get3A_2031, %get3A_2035 : vector<16xf32>
      %get3A_2037 = arith.index_cast %rem3A_206 : i32 to index
      %get3A_2038 = arith.index_cast %add3A_1916 : i32 to index
      %get3A_2039 = arith.constant 112 : index
      %get3A_2040 = tpu.vector_load %arg13[%get3A_2037, %get3A_2038, %get3A_2039] {strides = array<i32>} : memref<4x64x128xf32, #tpu.memory_space<vmem>>, vector<16xf32>,
      %sub3A_2041 = arith.subf %add3A_2036, %get3A_2040 : vector<16xf32>
      %abs3A_2042 = math.absf %sub3A_2041 : vector<16xf32>
      %add3A_2043 = arith.addf %add3A_2027, %abs3A_2042 : vector<16xf32>
      %swap3A_2044 = arith.constant 221 : index
      %swap3A_2045 = tpu.vector_load %arg15[%swap3A_2044] {strides = array<i32>} : memref<272xf32, #tpu.memory_space<vmem>>, vector<16xf32>,
      tpu.vector_store %arg15[%swap3A_2044], %add3A_2043 {strides = array<i32>} : memref<272xf32, #tpu.memory_space<vmem>>, vector<16xf32>,
      %add3A_2046 = arith.constant 14 : i32
      %add3A_2047 = arith.addi %mul3A_214, %add3A_2046 : i32
      %get3A_2048 = arith.index_cast %rem3A_206 : i32 to index
      %get3A_2049 = arith.index_cast %add3A_2047 : i32 to index
      %get3A_2050 = arith.constant 0 : index
      %get3A_2051 = tpu.vector_load %arg11[%get3A_2048, %get3A_2049, %get3A_2050] {strides = array<i32>} : memref<4x64x128xf32, #tpu.memory_space<vmem>>, vector<16xf32>,
      %get3A_2052 = arith.index_cast %rem3A_206 : i32 to index
      %get3A_2053 = arith.index_cast %add3A_2047 : i32 to index
      %get3A_2054 = arith.constant 0 : index
      %get3A_2055 = tpu.vector_load %arg12[%get3A_2052, %get3A_2053, %get3A_2054] {strides = array<i32>} : memref<4x64x128xf32, #tpu.memory_space<vmem>>, vector<16xf32>,
      %add3A_2056 = arith.addf %get3A_2051, %get3A_2055 : vector<16xf32>
      %get3A_2057 = arith.index_cast %rem3A_206 : i32 to index
      %get3A_2058 = arith.index_cast %add3A_2047 : i32 to index
      %get3A_2059 = arith.constant 0 : index
      %get3A_2060 = tpu.vector_load %arg13[%get3A_2057, %get3A_2058, %get3A_2059] {strides = array<i32>} : memref<4x64x128xf32, #tpu.memory_space<vmem>>, vector<16xf32>,
      %sub3A_2061 = arith.subf %add3A_2056, %get3A_2060 : vector<16xf32>
      %abs3A_2062 = math.absf %sub3A_2061 : vector<16xf32>
      %get3A_2063 = arith.index_cast %rem3A_206 : i32 to index
      %get3A_2064 = arith.index_cast %add3A_2047 : i32 to index
      %get3A_2065 = arith.constant 16 : index
      %get3A_2066 = tpu.vector_load %arg11[%get3A_2063, %get3A_2064, %get3A_2065] {strides = array<i32>} : memref<4x64x128xf32, #tpu.memory_space<vmem>>, vector<16xf32>,
      %get3A_2067 = arith.index_cast %rem3A_206 : i32 to index
      %get3A_2068 = arith.index_cast %add3A_2047 : i32 to index
      %get3A_2069 = arith.constant 16 : index
      %get3A_2070 = tpu.vector_load %arg12[%get3A_2067, %get3A_2068, %get3A_2069] {strides = array<i32>} : memref<4x64x128xf32, #tpu.memory_space<vmem>>, vector<16xf32>,
      %add3A_2071 = arith.addf %get3A_2066, %get3A_2070 : vector<16xf32>
      %get3A_2072 = arith.index_cast %rem3A_206 : i32 to index
      %get3A_2073 = arith.index_cast %add3A_2047 : i32 to index
      %get3A_2074 = arith.constant 16 : index
      %get3A_2075 = tpu.vector_load %arg13[%get3A_2072, %get3A_2073, %get3A_2074] {strides = array<i32>} : memref<4x64x128xf32, #tpu.memory_space<vmem>>, vector<16xf32>,
      %sub3A_2076 = arith.subf %add3A_2071, %get3A_2075 : vector<16xf32>
      %abs3A_2077 = math.absf %sub3A_2076 : vector<16xf32>
      %add3A_2078 = arith.addf %abs3A_2062, %abs3A_2077 : vector<16xf32>
      %get3A_2079 = arith.index_cast %rem3A_206 : i32 to index
      %get3A_2080 = arith.index_cast %add3A_2047 : i32 to index
      %get3A_2081 = arith.constant 32 : index
      %get3A_2082 = tpu.vector_load %arg11[%get3A_2079, %get3A_2080, %get3A_2081] {strides = array<i32>} : memref<4x64x128xf32, #tpu.memory_space<vmem>>, vector<16xf32>,
      %get3A_2083 = arith.index_cast %rem3A_206 : i32 to index
      %get3A_2084 = arith.index_cast %add3A_2047 : i32 to index
      %get3A_2085 = arith.constant 32 : index
      %get3A_2086 = tpu.vector_load %arg12[%get3A_2083, %get3A_2084, %get3A_2085] {strides = array<i32>} : memref<4x64x128xf32, #tpu.memory_space<vmem>>, vector<16xf32>,
      %add3A_2087 = arith.addf %get3A_2082, %get3A_2086 : vector<16xf32>
      %get3A_2088 = arith.index_cast %rem3A_206 : i32 to index
      %get3A_2089 = arith.index_cast %add3A_2047 : i32 to index
      %get3A_2090 = arith.constant 32 : index
      %get3A_2091 = tpu.vector_load %arg13[%get3A_2088, %get3A_2089, %get3A_2090] {strides = array<i32>} : memref<4x64x128xf32, #tpu.memory_space<vmem>>, vector<16xf32>,
      %sub3A_2092 = arith.subf %add3A_2087, %get3A_2091 : vector<16xf32>
      %abs3A_2093 = math.absf %sub3A_2092 : vector<16xf32>
      %add3A_2094 = arith.addf %add3A_2078, %abs3A_2093 : vector<16xf32>
      %get3A_2095 = arith.index_cast %rem3A_206 : i32 to index
      %get3A_2096 = arith.index_cast %add3A_2047 : i32 to index
      %get3A_2097 = arith.constant 48 : index
      %get3A_2098 = tpu.vector_load %arg11[%get3A_2095, %get3A_2096, %get3A_2097] {strides = array<i32>} : memref<4x64x128xf32, #tpu.memory_space<vmem>>, vector<16xf32>,
      %get3A_2099 = arith.index_cast %rem3A_206 : i32 to index
      %get3A_2100 = arith.index_cast %add3A_2047 : i32 to index
      %get3A_2101 = arith.constant 48 : index
      %get3A_2102 = tpu.vector_load %arg12[%get3A_2099, %get3A_2100, %get3A_2101] {strides = array<i32>} : memref<4x64x128xf32, #tpu.memory_space<vmem>>, vector<16xf32>,
      %add3A_2103 = arith.addf %get3A_2098, %get3A_2102 : vector<16xf32>
      %get3A_2104 = arith.index_cast %rem3A_206 : i32 to index
      %get3A_2105 = arith.index_cast %add3A_2047 : i32 to index
      %get3A_2106 = arith.constant 48 : index
      %get3A_2107 = tpu.vector_load %arg13[%get3A_2104, %get3A_2105, %get3A_2106] {strides = array<i32>} : memref<4x64x128xf32, #tpu.memory_space<vmem>>, vector<16xf32>,
      %sub3A_2108 = arith.subf %add3A_2103, %get3A_2107 : vector<16xf32>
      %abs3A_2109 = math.absf %sub3A_2108 : vector<16xf32>
      %add3A_2110 = arith.addf %add3A_2094, %abs3A_2109 : vector<16xf32>
      %get3A_2111 = arith.index_cast %rem3A_206 : i32 to index
      %get3A_2112 = arith.index_cast %add3A_2047 : i32 to index
      %get3A_2113 = arith.constant 64 : index
      %get3A_2114 = tpu.vector_load %arg11[%get3A_2111, %get3A_2112, %get3A_2113] {strides = array<i32>} : memref<4x64x128xf32, #tpu.memory_space<vmem>>, vector<16xf32>,
      %get3A_2115 = arith.index_cast %rem3A_206 : i32 to index
      %get3A_2116 = arith.index_cast %add3A_2047 : i32 to index
      %get3A_2117 = arith.constant 64 : index
      %get3A_2118 = tpu.vector_load %arg12[%get3A_2115, %get3A_2116, %get3A_2117] {strides = array<i32>} : memref<4x64x128xf32, #tpu.memory_space<vmem>>, vector<16xf32>,
      %add3A_2119 = arith.addf %get3A_2114, %get3A_2118 : vector<16xf32>
      %get3A_2120 = arith.index_cast %rem3A_206 : i32 to index
      %get3A_2121 = arith.index_cast %add3A_2047 : i32 to index
      %get3A_2122 = arith.constant 64 : index
      %get3A_2123 = tpu.vector_load %arg13[%get3A_2120, %get3A_2121, %get3A_2122] {strides = array<i32>} : memref<4x64x128xf32, #tpu.memory_space<vmem>>, vector<16xf32>,
      %sub3A_2124 = arith.subf %add3A_2119, %get3A_2123 : vector<16xf32>
      %abs3A_2125 = math.absf %sub3A_2124 : vector<16xf32>
      %add3A_2126 = arith.addf %add3A_2110, %abs3A_2125 : vector<16xf32>
      %get3A_2127 = arith.index_cast %rem3A_206 : i32 to index
      %get3A_2128 = arith.index_cast %add3A_2047 : i32 to index
      %get3A_2129 = arith.constant 80 : index
      %get3A_2130 = tpu.vector_load %arg11[%get3A_2127, %get3A_2128, %get3A_2129] {strides = array<i32>} : memref<4x64x128xf32, #tpu.memory_space<vmem>>, vector<16xf32>,
      %get3A_2131 = arith.index_cast %rem3A_206 : i32 to index
      %get3A_2132 = arith.index_cast %add3A_2047 : i32 to index
      %get3A_2133 = arith.constant 80 : index
      %get3A_2134 = tpu.vector_load %arg12[%get3A_2131, %get3A_2132, %get3A_2133] {strides = array<i32>} : memref<4x64x128xf32, #tpu.memory_space<vmem>>, vector<16xf32>,
      %add3A_2135 = arith.addf %get3A_2130, %get3A_2134 : vector<16xf32>
      %get3A_2136 = arith.index_cast %rem3A_206 : i32 to index
      %get3A_2137 = arith.index_cast %add3A_2047 : i32 to index
      %get3A_2138 = arith.constant 80 : index
      %get3A_2139 = tpu.vector_load %arg13[%get3A_2136, %get3A_2137, %get3A_2138] {strides = array<i32>} : memref<4x64x128xf32, #tpu.memory_space<vmem>>, vector<16xf32>,
      %sub3A_2140 = arith.subf %add3A_2135, %get3A_2139 : vector<16xf32>
      %abs3A_2141 = math.absf %sub3A_2140 : vector<16xf32>
      %add3A_2142 = arith.addf %add3A_2126, %abs3A_2141 : vector<16xf32>
      %get3A_2143 = arith.index_cast %rem3A_206 : i32 to index
      %get3A_2144 = arith.index_cast %add3A_2047 : i32 to index
      %get3A_2145 = arith.constant 96 : index
      %get3A_2146 = tpu.vector_load %arg11[%get3A_2143, %get3A_2144, %get3A_2145] {strides = array<i32>} : memref<4x64x128xf32, #tpu.memory_space<vmem>>, vector<16xf32>,
      %get3A_2147 = arith.index_cast %rem3A_206 : i32 to index
      %get3A_2148 = arith.index_cast %add3A_2047 : i32 to index
      %get3A_2149 = arith.constant 96 : index
      %get3A_2150 = tpu.vector_load %arg12[%get3A_2147, %get3A_2148, %get3A_2149] {strides = array<i32>} : memref<4x64x128xf32, #tpu.memory_space<vmem>>, vector<16xf32>,
      %add3A_2151 = arith.addf %get3A_2146, %get3A_2150 : vector<16xf32>
      %get3A_2152 = arith.index_cast %rem3A_206 : i32 to index
      %get3A_2153 = arith.index_cast %add3A_2047 : i32 to index
      %get3A_2154 = arith.constant 96 : index
      %get3A_2155 = tpu.vector_load %arg13[%get3A_2152, %get3A_2153, %get3A_2154] {strides = array<i32>} : memref<4x64x128xf32, #tpu.memory_space<vmem>>, vector<16xf32>,
      %sub3A_2156 = arith.subf %add3A_2151, %get3A_2155 : vector<16xf32>
      %abs3A_2157 = math.absf %sub3A_2156 : vector<16xf32>
      %add3A_2158 = arith.addf %add3A_2142, %abs3A_2157 : vector<16xf32>
      %get3A_2159 = arith.index_cast %rem3A_206 : i32 to index
      %get3A_2160 = arith.index_cast %add3A_2047 : i32 to index
      %get3A_2161 = arith.constant 112 : index
      %get3A_2162 = tpu.vector_load %arg11[%get3A_2159, %get3A_2160, %get3A_2161] {strides = array<i32>} : memref<4x64x128xf32, #tpu.memory_space<vmem>>, vector<16xf32>,
      %get3A_2163 = arith.index_cast %rem3A_206 : i32 to index
      %get3A_2164 = arith.index_cast %add3A_2047 : i32 to index
      %get3A_2165 = arith.constant 112 : index
      %get3A_2166 = tpu.vector_load %arg12[%get3A_2163, %get3A_2164, %get3A_2165] {strides = array<i32>} : memref<4x64x128xf32, #tpu.memory_space<vmem>>, vector<16xf32>,
      %add3A_2167 = arith.addf %get3A_2162, %get3A_2166 : vector<16xf32>
      %get3A_2168 = arith.index_cast %rem3A_206 : i32 to index
      %get3A_2169 = arith.index_cast %add3A_2047 : i32 to index
      %get3A_2170 = arith.constant 112 : index
      %get3A_2171 = tpu.vector_load %arg13[%get3A_2168, %get3A_2169, %get3A_2170] {strides = array<i32>} : memref<4x64x128xf32, #tpu.memory_space<vmem>>, vector<16xf32>,
      %sub3A_2172 = arith.subf %add3A_2167, %get3A_2171 : vector<16xf32>
      %abs3A_2173 = math.absf %sub3A_2172 : vector<16xf32>
      %add3A_2174 = arith.addf %add3A_2158, %abs3A_2173 : vector<16xf32>
      %swap3A_2175 = arith.constant 238 : index
      %swap3A_2176 = tpu.vector_load %arg15[%swap3A_2175] {strides = array<i32>} : memref<272xf32, #tpu.memory_space<vmem>>, vector<16xf32>,
      tpu.vector_store %arg15[%swap3A_2175], %add3A_2174 {strides = array<i32>} : memref<272xf32, #tpu.memory_space<vmem>>, vector<16xf32>,
      %add3A_2177 = arith.constant 15 : i32
      %add3A_2178 = arith.addi %mul3A_214, %add3A_2177 : i32
      %get3A_2179 = arith.index_cast %rem3A_206 : i32 to index
      %get3A_2180 = arith.index_cast %add3A_2178 : i32 to index
      %get3A_2181 = arith.constant 0 : index
      %get3A_2182 = tpu.vector_load %arg11[%get3A_2179, %get3A_2180, %get3A_2181] {strides = array<i32>} : memref<4x64x128xf32, #tpu.memory_space<vmem>>, vector<16xf32>,
      %get3A_2183 = arith.index_cast %rem3A_206 : i32 to index
      %get3A_2184 = arith.index_cast %add3A_2178 : i32 to index
      %get3A_2185 = arith.constant 0 : index
      %get3A_2186 = tpu.vector_load %arg12[%get3A_2183, %get3A_2184, %get3A_2185] {strides = array<i32>} : memref<4x64x128xf32, #tpu.memory_space<vmem>>, vector<16xf32>,
      %add3A_2187 = arith.addf %get3A_2182, %get3A_2186 : vector<16xf32>
      %get3A_2188 = arith.index_cast %rem3A_206 : i32 to index
      %get3A_2189 = arith.index_cast %add3A_2178 : i32 to index
      %get3A_2190 = arith.constant 0 : index
      %get3A_2191 = tpu.vector_load %arg13[%get3A_2188, %get3A_2189, %get3A_2190] {strides = array<i32>} : memref<4x64x128xf32, #tpu.memory_space<vmem>>, vector<16xf32>,
      %sub3A_2192 = arith.subf %add3A_2187, %get3A_2191 : vector<16xf32>
      %abs3A_2193 = math.absf %sub3A_2192 : vector<16xf32>
      %get3A_2194 = arith.index_cast %rem3A_206 : i32 to index
      %get3A_2195 = arith.index_cast %add3A_2178 : i32 to index
      %get3A_2196 = arith.constant 16 : index
      %get3A_2197 = tpu.vector_load %arg11[%get3A_2194, %get3A_2195, %get3A_2196] {strides = array<i32>} : memref<4x64x128xf32, #tpu.memory_space<vmem>>, vector<16xf32>,
      %get3A_2198 = arith.index_cast %rem3A_206 : i32 to index
      %get3A_2199 = arith.index_cast %add3A_2178 : i32 to index
      %get3A_2200 = arith.constant 16 : index
      %get3A_2201 = tpu.vector_load %arg12[%get3A_2198, %get3A_2199, %get3A_2200] {strides = array<i32>} : memref<4x64x128xf32, #tpu.memory_space<vmem>>, vector<16xf32>,
      %add3A_2202 = arith.addf %get3A_2197, %get3A_2201 : vector<16xf32>
      %get3A_2203 = arith.index_cast %rem3A_206 : i32 to index
      %get3A_2204 = arith.index_cast %add3A_2178 : i32 to index
      %get3A_2205 = arith.constant 16 : index
      %get3A_2206 = tpu.vector_load %arg13[%get3A_2203, %get3A_2204, %get3A_2205] {strides = array<i32>} : memref<4x64x128xf32, #tpu.memory_space<vmem>>, vector<16xf32>,
      %sub3A_2207 = arith.subf %add3A_2202, %get3A_2206 : vector<16xf32>
      %abs3A_2208 = math.absf %sub3A_2207 : vector<16xf32>
      %add3A_2209 = arith.addf %abs3A_2193, %abs3A_2208 : vector<16xf32>
      %get3A_2210 = arith.index_cast %rem3A_206 : i32 to index
      %get3A_2211 = arith.index_cast %add3A_2178 : i32 to index
      %get3A_2212 = arith.constant 32 : index
      %get3A_2213 = tpu.vector_load %arg11[%get3A_2210, %get3A_2211, %get3A_2212] {strides = array<i32>} : memref<4x64x128xf32, #tpu.memory_space<vmem>>, vector<16xf32>,
      %get3A_2214 = arith.index_cast %rem3A_206 : i32 to index
      %get3A_2215 = arith.index_cast %add3A_2178 : i32 to index
      %get3A_2216 = arith.constant 32 : index
      %get3A_2217 = tpu.vector_load %arg12[%get3A_2214, %get3A_2215, %get3A_2216] {strides = array<i32>} : memref<4x64x128xf32, #tpu.memory_space<vmem>>, vector<16xf32>,
      %add3A_2218 = arith.addf %get3A_2213, %get3A_2217 : vector<16xf32>
      %get3A_2219 = arith.index_cast %rem3A_206 : i32 to index
      %get3A_2220 = arith.index_cast %add3A_2178 : i32 to index
      %get3A_2221 = arith.constant 32 : index
      %get3A_2222 = tpu.vector_load %arg13[%get3A_2219, %get3A_2220, %get3A_2221] {strides = array<i32>} : memref<4x64x128xf32, #tpu.memory_space<vmem>>, vector<16xf32>,
      %sub3A_2223 = arith.subf %add3A_2218, %get3A_2222 : vector<16xf32>
      %abs3A_2224 = math.absf %sub3A_2223 : vector<16xf32>
      %add3A_2225 = arith.addf %add3A_2209, %abs3A_2224 : vector<16xf32>
      %get3A_2226 = arith.index_cast %rem3A_206 : i32 to index
      %get3A_2227 = arith.index_cast %add3A_2178 : i32 to index
      %get3A_2228 = arith.constant 48 : index
      %get3A_2229 = tpu.vector_load %arg11[%get3A_2226, %get3A_2227, %get3A_2228] {strides = array<i32>} : memref<4x64x128xf32, #tpu.memory_space<vmem>>, vector<16xf32>,
      %get3A_2230 = arith.index_cast %rem3A_206 : i32 to index
      %get3A_2231 = arith.index_cast %add3A_2178 : i32 to index
      %get3A_2232 = arith.constant 48 : index
      %get3A_2233 = tpu.vector_load %arg12[%get3A_2230, %get3A_2231, %get3A_2232] {strides = array<i32>} : memref<4x64x128xf32, #tpu.memory_space<vmem>>, vector<16xf32>,
      %add3A_2234 = arith.addf %get3A_2229, %get3A_2233 : vector<16xf32>
      %get3A_2235 = arith.index_cast %rem3A_206 : i32 to index
      %get3A_2236 = arith.index_cast %add3A_2178 : i32 to index
      %get3A_2237 = arith.constant 48 : index
      %get3A_2238 = tpu.vector_load %arg13[%get3A_2235, %get3A_2236, %get3A_2237] {strides = array<i32>} : memref<4x64x128xf32, #tpu.memory_space<vmem>>, vector<16xf32>,
      %sub3A_2239 = arith.subf %add3A_2234, %get3A_2238 : vector<16xf32>
      %abs3A_2240 = math.absf %sub3A_2239 : vector<16xf32>
      %add3A_2241 = arith.addf %add3A_2225, %abs3A_2240 : vector<16xf32>
      %get3A_2242 = arith.index_cast %rem3A_206 : i32 to index
      %get3A_2243 = arith.index_cast %add3A_2178 : i32 to index
      %get3A_2244 = arith.constant 64 : index
      %get3A_2245 = tpu.vector_load %arg11[%get3A_2242, %get3A_2243, %get3A_2244] {strides = array<i32>} : memref<4x64x128xf32, #tpu.memory_space<vmem>>, vector<16xf32>,
      %get3A_2246 = arith.index_cast %rem3A_206 : i32 to index
      %get3A_2247 = arith.index_cast %add3A_2178 : i32 to index
      %get3A_2248 = arith.constant 64 : index
      %get3A_2249 = tpu.vector_load %arg12[%get3A_2246, %get3A_2247, %get3A_2248] {strides = array<i32>} : memref<4x64x128xf32, #tpu.memory_space<vmem>>, vector<16xf32>,
      %add3A_2250 = arith.addf %get3A_2245, %get3A_2249 : vector<16xf32>
      %get3A_2251 = arith.index_cast %rem3A_206 : i32 to index
      %get3A_2252 = arith.index_cast %add3A_2178 : i32 to index
      %get3A_2253 = arith.constant 64 : index
      %get3A_2254 = tpu.vector_load %arg13[%get3A_2251, %get3A_2252, %get3A_2253] {strides = array<i32>} : memref<4x64x128xf32, #tpu.memory_space<vmem>>, vector<16xf32>,
      %sub3A_2255 = arith.subf %add3A_2250, %get3A_2254 : vector<16xf32>
      %abs3A_2256 = math.absf %sub3A_2255 : vector<16xf32>
      %add3A_2257 = arith.addf %add3A_2241, %abs3A_2256 : vector<16xf32>
      %get3A_2258 = arith.index_cast %rem3A_206 : i32 to index
      %get3A_2259 = arith.index_cast %add3A_2178 : i32 to index
      %get3A_2260 = arith.constant 80 : index
      %get3A_2261 = tpu.vector_load %arg11[%get3A_2258, %get3A_2259, %get3A_2260] {strides = array<i32>} : memref<4x64x128xf32, #tpu.memory_space<vmem>>, vector<16xf32>,
      %get3A_2262 = arith.index_cast %rem3A_206 : i32 to index
      %get3A_2263 = arith.index_cast %add3A_2178 : i32 to index
      %get3A_2264 = arith.constant 80 : index
      %get3A_2265 = tpu.vector_load %arg12[%get3A_2262, %get3A_2263, %get3A_2264] {strides = array<i32>} : memref<4x64x128xf32, #tpu.memory_space<vmem>>, vector<16xf32>,
      %add3A_2266 = arith.addf %get3A_2261, %get3A_2265 : vector<16xf32>
      %get3A_2267 = arith.index_cast %rem3A_206 : i32 to index
      %get3A_2268 = arith.index_cast %add3A_2178 : i32 to index
      %get3A_2269 = arith.constant 80 : index
      %get3A_2270 = tpu.vector_load %arg13[%get3A_2267, %get3A_2268, %get3A_2269] {strides = array<i32>} : memref<4x64x128xf32, #tpu.memory_space<vmem>>, vector<16xf32>,
      %sub3A_2271 = arith.subf %add3A_2266, %get3A_2270 : vector<16xf32>
      %abs3A_2272 = math.absf %sub3A_2271 : vector<16xf32>
      %add3A_2273 = arith.addf %add3A_2257, %abs3A_2272 : vector<16xf32>
      %get3A_2274 = arith.index_cast %rem3A_206 : i32 to index
      %get3A_2275 = arith.index_cast %add3A_2178 : i32 to index
      %get3A_2276 = arith.constant 96 : index
      %get3A_2277 = tpu.vector_load %arg11[%get3A_2274, %get3A_2275, %get3A_2276] {strides = array<i32>} : memref<4x64x128xf32, #tpu.memory_space<vmem>>, vector<16xf32>,
      %get3A_2278 = arith.index_cast %rem3A_206 : i32 to index
      %get3A_2279 = arith.index_cast %add3A_2178 : i32 to index
      %get3A_2280 = arith.constant 96 : index
      %get3A_2281 = tpu.vector_load %arg12[%get3A_2278, %get3A_2279, %get3A_2280] {strides = array<i32>} : memref<4x64x128xf32, #tpu.memory_space<vmem>>, vector<16xf32>,
      %add3A_2282 = arith.addf %get3A_2277, %get3A_2281 : vector<16xf32>
      %get3A_2283 = arith.index_cast %rem3A_206 : i32 to index
      %get3A_2284 = arith.index_cast %add3A_2178 : i32 to index
      %get3A_2285 = arith.constant 96 : index
      %get3A_2286 = tpu.vector_load %arg13[%get3A_2283, %get3A_2284, %get3A_2285] {strides = array<i32>} : memref<4x64x128xf32, #tpu.memory_space<vmem>>, vector<16xf32>,
      %sub3A_2287 = arith.subf %add3A_2282, %get3A_2286 : vector<16xf32>
      %abs3A_2288 = math.absf %sub3A_2287 : vector<16xf32>
      %add3A_2289 = arith.addf %add3A_2273, %abs3A_2288 : vector<16xf32>
      %get3A_2290 = arith.index_cast %rem3A_206 : i32 to index
      %get3A_2291 = arith.index_cast %add3A_2178 : i32 to index
      %get3A_2292 = arith.constant 112 : index
      %get3A_2293 = tpu.vector_load %arg11[%get3A_2290, %get3A_2291, %get3A_2292] {strides = array<i32>} : memref<4x64x128xf32, #tpu.memory_space<vmem>>, vector<16xf32>,
      %get3A_2294 = arith.index_cast %rem3A_206 : i32 to index
      %get3A_2295 = arith.index_cast %add3A_2178 : i32 to index
      %get3A_2296 = arith.constant 112 : index
      %get3A_2297 = tpu.vector_load %arg12[%get3A_2294, %get3A_2295, %get3A_2296] {strides = array<i32>} : memref<4x64x128xf32, #tpu.memory_space<vmem>>, vector<16xf32>,
      %add3A_2298 = arith.addf %get3A_2293, %get3A_2297 : vector<16xf32>
      %get3A_2299 = arith.index_cast %rem3A_206 : i32 to index
      %get3A_2300 = arith.index_cast %add3A_2178 : i32 to index
      %get3A_2301 = arith.constant 112 : index
      %get3A_2302 = tpu.vector_load %arg13[%get3A_2299, %get3A_2300, %get3A_2301] {strides = array<i32>} : memref<4x64x128xf32, #tpu.memory_space<vmem>>, vector<16xf32>,
      %sub3A_2303 = arith.subf %add3A_2298, %get3A_2302 : vector<16xf32>
      %abs3A_2304 = math.absf %sub3A_2303 : vector<16xf32>
      %add3A_2305 = arith.addf %add3A_2289, %abs3A_2304 : vector<16xf32>
      %swap3A_2306 = arith.constant 255 : index
      %swap3A_2307 = tpu.vector_load %arg15[%swap3A_2306] {strides = array<i32>} : memref<272xf32, #tpu.memory_space<vmem>>, vector<16xf32>,
      tpu.vector_store %arg15[%swap3A_2306], %add3A_2305 {strides = array<i32>} : memref<272xf32, #tpu.memory_space<vmem>>, vector<16xf32>,
      %gather3A = tpu.vector_load_idx %arg15[%mul3A_182] : memref<272xf32, #tpu.memory_space<vmem>>[vector<16xi32>], vector<16xf32>,
      %add3A_2308 = arith.constant 1 : i32
      %add3A_2309 = vector.broadcast %add3A_2308 : i32 to vector<16xi32>
      %add3A_2310 = arith.addi %mul3A_182, %add3A_2309 : vector<16xi32>
      %gather3A_2311 = tpu.vector_load_idx %arg15[%add3A_2310] : memref<272xf32, #tpu.memory_space<vmem>>[vector<16xi32>], vector<16xf32>,
      %add3A_2312 = arith.addf %gather3A, %gather3A_2311 : vector<16xf32>
      %add3A_2313 = arith.constant 2 : i32
      %add3A_2314 = vector.broadcast %add3A_2313 : i32 to vector<16xi32>
      %add3A_2315 = arith.addi %mul3A_182, %add3A_2314 : vector<16xi32>
      %gather3A_2316 = tpu.vector_load_idx %arg15[%add3A_2315] : memref<272xf32, #tpu.memory_space<vmem>>[vector<16xi32>], vector<16xf32>,
      %add3A_2317 = arith.addf %add3A_2312, %gather3A_2316 : vector<16xf32>
      %add3A_2318 = arith.constant 3 : i32
      %add3A_2319 = vector.broadcast %add3A_2318 : i32 to vector<16xi32>
      %add3A_2320 = arith.addi %mul3A_182, %add3A_2319 : vector<16xi32>
      %gather3A_2321 = tpu.vector_load_idx %arg15[%add3A_2320] : memref<272xf32, #tpu.memory_space<vmem>>[vector<16xi32>], vector<16xf32>,
      %add3A_2322 = arith.addf %add3A_2317, %gather3A_2321 : vector<16xf32>
      %add3A_2323 = arith.constant 4 : i32
      %add3A_2324 = vector.broadcast %add3A_2323 : i32 to vector<16xi32>
      %add3A_2325 = arith.addi %mul3A_182, %add3A_2324 : vector<16xi32>
      %gather3A_2326 = tpu.vector_load_idx %arg15[%add3A_2325] : memref<272xf32, #tpu.memory_space<vmem>>[vector<16xi32>], vector<16xf32>,
      %add3A_2327 = arith.addf %add3A_2322, %gather3A_2326 : vector<16xf32>
      %add3A_2328 = arith.constant 5 : i32
      %add3A_2329 = vector.broadcast %add3A_2328 : i32 to vector<16xi32>
      %add3A_2330 = arith.addi %mul3A_182, %add3A_2329 : vector<16xi32>
      %gather3A_2331 = tpu.vector_load_idx %arg15[%add3A_2330] : memref<272xf32, #tpu.memory_space<vmem>>[vector<16xi32>], vector<16xf32>,
      %add3A_2332 = arith.addf %add3A_2327, %gather3A_2331 : vector<16xf32>
      %add3A_2333 = arith.constant 6 : i32
      %add3A_2334 = vector.broadcast %add3A_2333 : i32 to vector<16xi32>
      %add3A_2335 = arith.addi %mul3A_182, %add3A_2334 : vector<16xi32>
      %gather3A_2336 = tpu.vector_load_idx %arg15[%add3A_2335] : memref<272xf32, #tpu.memory_space<vmem>>[vector<16xi32>], vector<16xf32>,
      %add3A_2337 = arith.addf %add3A_2332, %gather3A_2336 : vector<16xf32>
      %add3A_2338 = arith.constant 7 : i32
      %add3A_2339 = vector.broadcast %add3A_2338 : i32 to vector<16xi32>
      %add3A_2340 = arith.addi %mul3A_182, %add3A_2339 : vector<16xi32>
      %gather3A_2341 = tpu.vector_load_idx %arg15[%add3A_2340] : memref<272xf32, #tpu.memory_space<vmem>>[vector<16xi32>], vector<16xf32>,
      %add3A_2342 = arith.addf %add3A_2337, %gather3A_2341 : vector<16xf32>
      %add3A_2343 = arith.constant 8 : i32
      %add3A_2344 = vector.broadcast %add3A_2343 : i32 to vector<16xi32>
      %add3A_2345 = arith.addi %mul3A_182, %add3A_2344 : vector<16xi32>
      %gather3A_2346 = tpu.vector_load_idx %arg15[%add3A_2345] : memref<272xf32, #tpu.memory_space<vmem>>[vector<16xi32>], vector<16xf32>,
      %add3A_2347 = arith.addf %add3A_2342, %gather3A_2346 : vector<16xf32>
      %add3A_2348 = arith.constant 9 : i32
      %add3A_2349 = vector.broadcast %add3A_2348 : i32 to vector<16xi32>
      %add3A_2350 = arith.addi %mul3A_182, %add3A_2349 : vector<16xi32>
      %gather3A_2351 = tpu.vector_load_idx %arg15[%add3A_2350] : memref<272xf32, #tpu.memory_space<vmem>>[vector<16xi32>], vector<16xf32>,
      %add3A_2352 = arith.addf %add3A_2347, %gather3A_2351 : vector<16xf32>
      %add3A_2353 = arith.constant 10 : i32
      %add3A_2354 = vector.broadcast %add3A_2353 : i32 to vector<16xi32>
      %add3A_2355 = arith.addi %mul3A_182, %add3A_2354 : vector<16xi32>
      %gather3A_2356 = tpu.vector_load_idx %arg15[%add3A_2355] : memref<272xf32, #tpu.memory_space<vmem>>[vector<16xi32>], vector<16xf32>,
      %add3A_2357 = arith.addf %add3A_2352, %gather3A_2356 : vector<16xf32>
      %add3A_2358 = arith.constant 11 : i32
      %add3A_2359 = vector.broadcast %add3A_2358 : i32 to vector<16xi32>
      %add3A_2360 = arith.addi %mul3A_182, %add3A_2359 : vector<16xi32>
      %gather3A_2361 = tpu.vector_load_idx %arg15[%add3A_2360] : memref<272xf32, #tpu.memory_space<vmem>>[vector<16xi32>], vector<16xf32>,
      %add3A_2362 = arith.addf %add3A_2357, %gather3A_2361 : vector<16xf32>
      %add3A_2363 = arith.constant 12 : i32
      %add3A_2364 = vector.broadcast %add3A_2363 : i32 to vector<16xi32>
      %add3A_2365 = arith.addi %mul3A_182, %add3A_2364 : vector<16xi32>
      %gather3A_2366 = tpu.vector_load_idx %arg15[%add3A_2365] : memref<272xf32, #tpu.memory_space<vmem>>[vector<16xi32>], vector<16xf32>,
      %add3A_2367 = arith.addf %add3A_2362, %gather3A_2366 : vector<16xf32>
      %add3A_2368 = arith.constant 13 : i32
      %add3A_2369 = vector.broadcast %add3A_2368 : i32 to vector<16xi32>
      %add3A_2370 = arith.addi %mul3A_182, %add3A_2369 : vector<16xi32>
      %gather3A_2371 = tpu.vector_load_idx %arg15[%add3A_2370] : memref<272xf32, #tpu.memory_space<vmem>>[vector<16xi32>], vector<16xf32>,
      %add3A_2372 = arith.addf %add3A_2367, %gather3A_2371 : vector<16xf32>
      %add3A_2373 = arith.constant 14 : i32
      %add3A_2374 = vector.broadcast %add3A_2373 : i32 to vector<16xi32>
      %add3A_2375 = arith.addi %mul3A_182, %add3A_2374 : vector<16xi32>
      %gather3A_2376 = tpu.vector_load_idx %arg15[%add3A_2375] : memref<272xf32, #tpu.memory_space<vmem>>[vector<16xi32>], vector<16xf32>,
      %add3A_2377 = arith.addf %add3A_2372, %gather3A_2376 : vector<16xf32>
      %add3A_2378 = arith.constant 15 : i32
      %add3A_2379 = vector.broadcast %add3A_2378 : i32 to vector<16xi32>
      %add3A_2380 = arith.addi %mul3A_182, %add3A_2379 : vector<16xi32>
      %gather3A_2381 = tpu.vector_load_idx %arg15[%add3A_2380] : memref<272xf32, #tpu.memory_space<vmem>>[vector<16xi32>], vector<16xf32>,
      %add3A_2382 = arith.addf %add3A_2377, %gather3A_2381 : vector<16xf32>
      %sub3A_2383 = arith.subf %broadcast_in_dim3A_183, %add3A_2382 : vector<16xf32>
      %mul3A_2384 = arith.constant 16 : i32
      %mul3A_2385 = arith.muli %scan3A_188, %mul3A_2384 : i32
      %swap3A_2386 = arith.index_cast %mul3A_2385 : i32 to index
      %swap3A_2387 = tpu.vector_load %arg14[%swap3A_2386] {strides = array<i32>} : memref<512xf32, #tpu.memory_space<vmem>>, vector<16xf32>,
      tpu.vector_store %arg14[%swap3A_2386], %sub3A_2383 {strides = array<i32>} : memref<512xf32, #tpu.memory_space<vmem>>, vector<16xf32>,
      %scan3A_2388 = arith.constant 1 : i32
      %scan3A_2389 = arith.addi %scan3A_188, %scan3A_2388 : i32
      %jit3A_2390 = arith.constant 4 : i32
      %div3A_2391 = arith.divsi %scan3A_2389, %jit3A_2390 : i32
      %sign3A_2392 = arith.constant 0 : i32
      %sign3A_2393 = arith.cmpi sgt, %scan3A_2389, %sign3A_2392 : i32
      %sign3A_2394 = arith.extui %sign3A_2393 : i1 to i32
      %sign3A_2395 = arith.constant 0 : i32
      %sign3A_2396 = arith.cmpi slt, %scan3A_2389, %sign3A_2395 : i32
      %sign3A_2397 = arith.extui %sign3A_2396 : i1 to i32
      %sign3A_2398 = arith.subi %sign3A_2394, %sign3A_2397 : i32
      %sign3A_2399 = arith.constant 0 : i32
      %sign3A_2400 = arith.cmpi sgt, %jit3A_2390, %sign3A_2399 : i32
      %sign3A_2401 = arith.extui %sign3A_2400 : i1 to i32
      %sign3A_2402 = arith.constant 0 : i32
      %sign3A_2403 = arith.cmpi slt, %jit3A_2390, %sign3A_2402 : i32
      %sign3A_2404 = arith.extui %sign3A_2403 : i1 to i32
      %sign3A_2405 = arith.subi %sign3A_2401, %sign3A_2404 : i32
      %ne3A_2406 = arith.cmpi ne, %sign3A_2398, %sign3A_2405 : i32
      %rem3A_2407 = arith.remsi %scan3A_2389, %jit3A_2390 : i32
      %ne3A_2408 = arith.constant 0 : i32
      %ne3A_2409 = arith.cmpi ne, %rem3A_2407, %ne3A_2408 : i32
      %and3A_2410 = arith.andi %ne3A_2406, %ne3A_2409 : i1
      %sub3A_2411 = arith.constant 1 : i32
      %sub3A_2412 = arith.subi %div3A_2391, %sub3A_2411 : i32
      %select_n3A_2413 = arith.select %and3A_2410, %sub3A_2412, %div3A_2391 : i32
      %rem3A_2414 = arith.constant 4 : i32
      %rem3A_2415 = arith.remsi %select_n3A_2413, %rem3A_2414 : i32
      %rem3A_2416 = arith.constant 4 : i32
      %rem3A_2417 = arith.remsi %scan3A_2389, %rem3A_2416 : i32
      %eq3A_2418 = arith.constant 0 : i32
      %eq3A_2419 = arith.cmpi eq, %rem3A_2417, %eq3A_2418 : i32
      %convert_element_type3A_2420 = arith.extui %eq3A_2419 : i1 to i32
      %cond3A_2421 = arith.constant 0 : i32
      %cond3A_2422 = arith.cmpi ne, %convert_element_type3A_2420, %cond3A_2421 : i32
      scf.if %cond3A_2422 {
        %dma_wait3A_4604 = arith.constant 0 : i32
        %dma_wait3A_4605 = arith.constant 0 : i32
        %dma_wait3A_4606 = tpu.memref_slice %arg11[%rem3A_2415, %dma_wait3A_4604, %dma_wait3A_4605] : memref<4x64x128xf32, #tpu.memory_space<vmem>> -> memref<1x64x128xf32, #tpu.memory_space<vmem>>
        %dma_wait3A_4607 = tpu.memref_squeeze %dma_wait3A_4606 : memref<1x64x128xf32, #tpu.memory_space<vmem>> -> memref<64x128xf32, #tpu.memory_space<vmem>>
        %dma_wait3A_4608 = arith.constant 0 : i32
        %dma_wait3A_4609 = tpu.memref_slice %arg8[%select_n3A_2413, %dma_wait3A_4608] : memref<8x64xi32, #tpu.memory_space<vmem>> -> memref<1x64xi32, #tpu.memory_space<vmem>>
        %dma_wait3A_4610 = tpu.memref_squeeze %dma_wait3A_4609 : memref<1x64xi32, #tpu.memory_space<vmem>> -> memref<64xi32, #tpu.memory_space<vmem>>
        %dma_wait3A_4611 = arith.constant 0 : i32
        %dma_wait3A_4612 = arith.constant 0 : i32
        %dma_wait3A_4613 = tpu.memref_slice %arg2[%dma_wait3A_4611, %dma_wait3A_4612] : memref<1000000x128xf32, #tpu.memory_space<hbm>> -> memref<1000000x128xf32, #tpu.memory_space<hbm>>
        %dma_wait3A_4614 = tpu.memref_slice %arg16[%rem3A_2415] : memref<4x!tpu.dma_semaphore, #tpu.memory_space<semaphore_mem>> -> memref<1x!tpu.dma_semaphore, #tpu.memory_space<semaphore_mem>>
        %dma_wait3A_4615 = tpu.memref_squeeze %dma_wait3A_4614 : memref<1x!tpu.dma_semaphore, #tpu.memory_space<semaphore_mem>> -> memref<!tpu.dma_semaphore, #tpu.memory_space<semaphore_mem>>
        tpu.wait_indirect_dma semaphore(%dma_wait3A_4615 : memref<!tpu.dma_semaphore, #tpu.memory_space<semaphore_mem>>) src(%dma_wait3A_4613 : memref<1000000x128xf32, #tpu.memory_space<hbm>>) dst(%dma_wait3A_4607 : memref<64x128xf32, #tpu.memory_space<vmem>>)
        %dma_wait3A_4616 = arith.constant 0 : i32
        %dma_wait3A_4617 = arith.constant 0 : i32
        %dma_wait3A_4618 = tpu.memref_slice %arg12[%rem3A_2415, %dma_wait3A_4616, %dma_wait3A_4617] : memref<4x64x128xf32, #tpu.memory_space<vmem>> -> memref<1x64x128xf32, #tpu.memory_space<vmem>>
        %dma_wait3A_4619 = tpu.memref_squeeze %dma_wait3A_4618 : memref<1x64x128xf32, #tpu.memory_space<vmem>> -> memref<64x128xf32, #tpu.memory_space<vmem>>
        %dma_wait3A_4620 = arith.constant 0 : i32
        %dma_wait3A_4621 = tpu.memref_slice %arg9[%select_n3A_2413, %dma_wait3A_4620] : memref<8x64xi32, #tpu.memory_space<vmem>> -> memref<1x64xi32, #tpu.memory_space<vmem>>
        %dma_wait3A_4622 = tpu.memref_squeeze %dma_wait3A_4621 : memref<1x64xi32, #tpu.memory_space<vmem>> -> memref<64xi32, #tpu.memory_space<vmem>>
        %dma_wait3A_4623 = arith.constant 0 : i32
        %dma_wait3A_4624 = arith.constant 0 : i32
        %dma_wait3A_4625 = tpu.memref_slice %arg3[%dma_wait3A_4623, %dma_wait3A_4624] : memref<100000x128xf32, #tpu.memory_space<hbm>> -> memref<100000x128xf32, #tpu.memory_space<hbm>>
        %dma_wait3A_4626 = tpu.memref_slice %arg17[%rem3A_2415] : memref<4x!tpu.dma_semaphore, #tpu.memory_space<semaphore_mem>> -> memref<1x!tpu.dma_semaphore, #tpu.memory_space<semaphore_mem>>
        %dma_wait3A_4627 = tpu.memref_squeeze %dma_wait3A_4626 : memref<1x!tpu.dma_semaphore, #tpu.memory_space<semaphore_mem>> -> memref<!tpu.dma_semaphore, #tpu.memory_space<semaphore_mem>>
        tpu.wait_indirect_dma semaphore(%dma_wait3A_4627 : memref<!tpu.dma_semaphore, #tpu.memory_space<semaphore_mem>>) src(%dma_wait3A_4625 : memref<100000x128xf32, #tpu.memory_space<hbm>>) dst(%dma_wait3A_4619 : memref<64x128xf32, #tpu.memory_space<vmem>>)
        %dma_wait3A_4628 = arith.constant 0 : i32
        %dma_wait3A_4629 = arith.constant 0 : i32
        %dma_wait3A_4630 = tpu.memref_slice %arg13[%rem3A_2415, %dma_wait3A_4628, %dma_wait3A_4629] : memref<4x64x128xf32, #tpu.memory_space<vmem>> -> memref<1x64x128xf32, #tpu.memory_space<vmem>>
        %dma_wait3A_4631 = tpu.memref_squeeze %dma_wait3A_4630 : memref<1x64x128xf32, #tpu.memory_space<vmem>> -> memref<64x128xf32, #tpu.memory_space<vmem>>
        %dma_wait3A_4632 = arith.constant 0 : i32
        %dma_wait3A_4633 = tpu.memref_slice %arg10[%select_n3A_2413, %dma_wait3A_4632] : memref<8x64xi32, #tpu.memory_space<vmem>> -> memref<1x64xi32, #tpu.memory_space<vmem>>
        %dma_wait3A_4634 = tpu.memref_squeeze %dma_wait3A_4633 : memref<1x64xi32, #tpu.memory_space<vmem>> -> memref<64xi32, #tpu.memory_space<vmem>>
        %dma_wait3A_4635 = arith.constant 0 : i32
        %dma_wait3A_4636 = arith.constant 0 : i32
        %dma_wait3A_4637 = tpu.memref_slice %arg2[%dma_wait3A_4635, %dma_wait3A_4636] : memref<1000000x128xf32, #tpu.memory_space<hbm>> -> memref<1000000x128xf32, #tpu.memory_space<hbm>>
        %dma_wait3A_4638 = tpu.memref_slice %arg18[%rem3A_2415] : memref<4x!tpu.dma_semaphore, #tpu.memory_space<semaphore_mem>> -> memref<1x!tpu.dma_semaphore, #tpu.memory_space<semaphore_mem>>
        %dma_wait3A_4639 = tpu.memref_squeeze %dma_wait3A_4638 : memref<1x!tpu.dma_semaphore, #tpu.memory_space<semaphore_mem>> -> memref<!tpu.dma_semaphore, #tpu.memory_space<semaphore_mem>>
        tpu.wait_indirect_dma semaphore(%dma_wait3A_4639 : memref<!tpu.dma_semaphore, #tpu.memory_space<semaphore_mem>>) src(%dma_wait3A_4637 : memref<1000000x128xf32, #tpu.memory_space<hbm>>) dst(%dma_wait3A_4631 : memref<64x128xf32, #tpu.memory_space<vmem>>)
        %add3A_4640 = arith.constant 4 : i32
        %add3A_4641 = arith.addi %select_n3A_2413, %add3A_4640 : i32
        %sub3A_4642 = arith.constant 1 : i32
        %sub3A_4643 = arith.subi %add3A_4641, %sub3A_4642 : i32
        %lt3A = arith.constant 8 : i32
        %lt3A_4644 = arith.cmpi slt, %sub3A_4643, %lt3A : i32
        %convert_element_type3A_4645 = arith.extui %lt3A_4644 : i1 to i32
        %cond3A_4646 = arith.constant 0 : i32
        %cond3A_4647 = arith.cmpi ne, %convert_element_type3A_4645, %cond3A_4646 : i32
        scf.if %cond3A_4647 {
          %rem3A_4648 = arith.constant 4 : i32
          %rem3A_4649 = arith.remsi %sub3A_4643, %rem3A_4648 : i32
          %dma_start3A_4650 = arith.constant 0 : i32
          %dma_start3A_4651 = arith.constant 0 : i32
          %dma_start3A_4652 = tpu.memref_slice %arg11[%rem3A_4649, %dma_start3A_4650, %dma_start3A_4651] : memref<4x64x128xf32, #tpu.memory_space<vmem>> -> memref<1x64x128xf32, #tpu.memory_space<vmem>>
          %dma_start3A_4653 = tpu.memref_squeeze %dma_start3A_4652 : memref<1x64x128xf32, #tpu.memory_space<vmem>> -> memref<64x128xf32, #tpu.memory_space<vmem>>
          %dma_start3A_4654 = arith.constant 0 : i32
          %dma_start3A_4655 = tpu.memref_slice %arg8[%sub3A_4643, %dma_start3A_4654] : memref<8x64xi32, #tpu.memory_space<vmem>> -> memref<1x64xi32, #tpu.memory_space<vmem>>
          %dma_start3A_4656 = tpu.memref_squeeze %dma_start3A_4655 : memref<1x64xi32, #tpu.memory_space<vmem>> -> memref<64xi32, #tpu.memory_space<vmem>>
          %dma_start3A_4657 = arith.constant 0 : i32
          %dma_start3A_4658 = arith.constant 0 : i32
          %dma_start3A_4659 = tpu.memref_slice %arg2[%dma_start3A_4657, %dma_start3A_4658] : memref<1000000x128xf32, #tpu.memory_space<hbm>> -> memref<1000000x128xf32, #tpu.memory_space<hbm>>
          %dma_start3A_4660 = tpu.memref_slice %arg16[%rem3A_4649] : memref<4x!tpu.dma_semaphore, #tpu.memory_space<semaphore_mem>> -> memref<1x!tpu.dma_semaphore, #tpu.memory_space<semaphore_mem>>
          %dma_start3A_4661 = tpu.memref_squeeze %dma_start3A_4660 : memref<1x!tpu.dma_semaphore, #tpu.memory_space<semaphore_mem>> -> memref<!tpu.dma_semaphore, #tpu.memory_space<semaphore_mem>>
          tpu.enqueue_indirect_dma source(%dma_start3A_4659 : memref<1000000x128xf32, #tpu.memory_space<hbm>>) target(%dma_start3A_4653 : memref<64x128xf32, #tpu.memory_space<vmem>>) offsets(%dma_start3A_4656 : memref<64xi32, #tpu.memory_space<vmem>>) semaphore(%dma_start3A_4661 : memref<!tpu.dma_semaphore, #tpu.memory_space<semaphore_mem>>)
          %dma_start3A_4662 = arith.constant 0 : i32
          %dma_start3A_4663 = arith.constant 0 : i32
          %dma_start3A_4664 = tpu.memref_slice %arg12[%rem3A_4649, %dma_start3A_4662, %dma_start3A_4663] : memref<4x64x128xf32, #tpu.memory_space<vmem>> -> memref<1x64x128xf32, #tpu.memory_space<vmem>>
          %dma_start3A_4665 = tpu.memref_squeeze %dma_start3A_4664 : memref<1x64x128xf32, #tpu.memory_space<vmem>> -> memref<64x128xf32, #tpu.memory_space<vmem>>
          %dma_start3A_4666 = arith.constant 0 : i32
          %dma_start3A_4667 = tpu.memref_slice %arg9[%sub3A_4643, %dma_start3A_4666] : memref<8x64xi32, #tpu.memory_space<vmem>> -> memref<1x64xi32, #tpu.memory_space<vmem>>
          %dma_start3A_4668 = tpu.memref_squeeze %dma_start3A_4667 : memref<1x64xi32, #tpu.memory_space<vmem>> -> memref<64xi32, #tpu.memory_space<vmem>>
          %dma_start3A_4669 = arith.constant 0 : i32
          %dma_start3A_4670 = arith.constant 0 : i32
          %dma_start3A_4671 = tpu.memref_slice %arg3[%dma_start3A_4669, %dma_start3A_4670] : memref<100000x128xf32, #tpu.memory_space<hbm>> -> memref<100000x128xf32, #tpu.memory_space<hbm>>
          %dma_start3A_4672 = tpu.memref_slice %arg17[%rem3A_4649] : memref<4x!tpu.dma_semaphore, #tpu.memory_space<semaphore_mem>> -> memref<1x!tpu.dma_semaphore, #tpu.memory_space<semaphore_mem>>
          %dma_start3A_4673 = tpu.memref_squeeze %dma_start3A_4672 : memref<1x!tpu.dma_semaphore, #tpu.memory_space<semaphore_mem>> -> memref<!tpu.dma_semaphore, #tpu.memory_space<semaphore_mem>>
          tpu.enqueue_indirect_dma source(%dma_start3A_4671 : memref<100000x128xf32, #tpu.memory_space<hbm>>) target(%dma_start3A_4665 : memref<64x128xf32, #tpu.memory_space<vmem>>) offsets(%dma_start3A_4668 : memref<64xi32, #tpu.memory_space<vmem>>) semaphore(%dma_start3A_4673 : memref<!tpu.dma_semaphore, #tpu.memory_space<semaphore_mem>>)
          %dma_start3A_4674 = arith.constant 0 : i32
          %dma_start3A_4675 = arith.constant 0 : i32
          %dma_start3A_4676 = tpu.memref_slice %arg13[%rem3A_4649, %dma_start3A_4674, %dma_start3A_4675] : memref<4x64x128xf32, #tpu.memory_space<vmem>> -> memref<1x64x128xf32, #tpu.memory_space<vmem>>
          %dma_start3A_4677 = tpu.memref_squeeze %dma_start3A_4676 : memref<1x64x128xf32, #tpu.memory_space<vmem>> -> memref<64x128xf32, #tpu.memory_space<vmem>>
          %dma_start3A_4678 = arith.constant 0 : i32
          %dma_start3A_4679 = tpu.memref_slice %arg10[%sub3A_4643, %dma_start3A_4678] : memref<8x64xi32, #tpu.memory_space<vmem>> -> memref<1x64xi32, #tpu.memory_space<vmem>>
          %dma_start3A_4680 = tpu.memref_squeeze %dma_start3A_4679 : memref<1x64xi32, #tpu.memory_space<vmem>> -> memref<64xi32, #tpu.memory_space<vmem>>
          %dma_start3A_4681 = arith.constant 0 : i32
          %dma_start3A_4682 = arith.constant 0 : i32
          %dma_start3A_4683 = tpu.memref_slice %arg2[%dma_start3A_4681, %dma_start3A_4682] : memref<1000000x128xf32, #tpu.memory_space<hbm>> -> memref<1000000x128xf32, #tpu.memory_space<hbm>>
          %dma_start3A_4684 = tpu.memref_slice %arg18[%rem3A_4649] : memref<4x!tpu.dma_semaphore, #tpu.memory_space<semaphore_mem>> -> memref<1x!tpu.dma_semaphore, #tpu.memory_space<semaphore_mem>>
          %dma_start3A_4685 = tpu.memref_squeeze %dma_start3A_4684 : memref<1x!tpu.dma_semaphore, #tpu.memory_space<semaphore_mem>> -> memref<!tpu.dma_semaphore, #tpu.memory_space<semaphore_mem>>
          tpu.enqueue_indirect_dma source(%dma_start3A_4683 : memref<1000000x128xf32, #tpu.memory_space<hbm>>) target(%dma_start3A_4677 : memref<64x128xf32, #tpu.memory_space<vmem>>) offsets(%dma_start3A_4680 : memref<64xi32, #tpu.memory_space<vmem>>) semaphore(%dma_start3A_4685 : memref<!tpu.dma_semaphore, #tpu.memory_space<semaphore_mem>>)
        } else {
        }
      } else {
      }
      %rem3A_2423 = arith.constant 4 : i32
      %rem3A_2424 = arith.remsi %scan3A_2389, %rem3A_2423 : i32
      %mul3A_2425 = arith.constant 16 : i32
      %mul3A_2426 = arith.muli %rem3A_2424, %mul3A_2425 : i32
      %add3A_2427 = arith.constant 0 : i32
      %add3A_2428 = arith.addi %mul3A_2426, %add3A_2427 : i32
      %get3A_2429 = arith.index_cast %rem3A_2415 : i32 to index
      %get3A_2430 = arith.index_cast %add3A_2428 : i32 to index
      %get3A_2431 = arith.constant 0 : index
      %get3A_2432 = tpu.vector_load %arg11[%get3A_2429, %get3A_2430, %get3A_2431] {strides = array<i32>} : memref<4x64x128xf32, #tpu.memory_space<vmem>>, vector<16xf32>,
      %get3A_2433 = arith.index_cast %rem3A_2415 : i32 to index
      %get3A_2434 = arith.index_cast %add3A_2428 : i32 to index
      %get3A_2435 = arith.constant 0 : index
      %get3A_2436 = tpu.vector_load %arg12[%get3A_2433, %get3A_2434, %get3A_2435] {strides = array<i32>} : memref<4x64x128xf32, #tpu.memory_space<vmem>>, vector<16xf32>,
      %add3A_2437 = arith.addf %get3A_2432, %get3A_2436 : vector<16xf32>
      %get3A_2438 = arith.index_cast %rem3A_2415 : i32 to index
      %get3A_2439 = arith.index_cast %add3A_2428 : i32 to index
      %get3A_2440 = arith.constant 0 : index
      %get3A_2441 = tpu.vector_load %arg13[%get3A_2438, %get3A_2439, %get3A_2440] {strides = array<i32>} : memref<4x64x128xf32, #tpu.memory_space<vmem>>, vector<16xf32>,
      %sub3A_2442 = arith.subf %add3A_2437, %get3A_2441 : vector<16xf32>
      %abs3A_2443 = math.absf %sub3A_2442 : vector<16xf32>
      %get3A_2444 = arith.index_cast %rem3A_2415 : i32 to index
      %get3A_2445 = arith.index_cast %add3A_2428 : i32 to index
      %get3A_2446 = arith.constant 16 : index
      %get3A_2447 = tpu.vector_load %arg11[%get3A_2444, %get3A_2445, %get3A_2446] {strides = array<i32>} : memref<4x64x128xf32, #tpu.memory_space<vmem>>, vector<16xf32>,
      %get3A_2448 = arith.index_cast %rem3A_2415 : i32 to index
      %get3A_2449 = arith.index_cast %add3A_2428 : i32 to index
      %get3A_2450 = arith.constant 16 : index
      %get3A_2451 = tpu.vector_load %arg12[%get3A_2448, %get3A_2449, %get3A_2450] {strides = array<i32>} : memref<4x64x128xf32, #tpu.memory_space<vmem>>, vector<16xf32>,
      %add3A_2452 = arith.addf %get3A_2447, %get3A_2451 : vector<16xf32>
      %get3A_2453 = arith.index_cast %rem3A_2415 : i32 to index
      %get3A_2454 = arith.index_cast %add3A_2428 : i32 to index
      %get3A_2455 = arith.constant 16 : index
      %get3A_2456 = tpu.vector_load %arg13[%get3A_2453, %get3A_2454, %get3A_2455] {strides = array<i32>} : memref<4x64x128xf32, #tpu.memory_space<vmem>>, vector<16xf32>,
      %sub3A_2457 = arith.subf %add3A_2452, %get3A_2456 : vector<16xf32>
      %abs3A_2458 = math.absf %sub3A_2457 : vector<16xf32>
      %add3A_2459 = arith.addf %abs3A_2443, %abs3A_2458 : vector<16xf32>
      %get3A_2460 = arith.index_cast %rem3A_2415 : i32 to index
      %get3A_2461 = arith.index_cast %add3A_2428 : i32 to index
      %get3A_2462 = arith.constant 32 : index
      %get3A_2463 = tpu.vector_load %arg11[%get3A_2460, %get3A_2461, %get3A_2462] {strides = array<i32>} : memref<4x64x128xf32, #tpu.memory_space<vmem>>, vector<16xf32>,
      %get3A_2464 = arith.index_cast %rem3A_2415 : i32 to index
      %get3A_2465 = arith.index_cast %add3A_2428 : i32 to index
      %get3A_2466 = arith.constant 32 : index
      %get3A_2467 = tpu.vector_load %arg12[%get3A_2464, %get3A_2465, %get3A_2466] {strides = array<i32>} : memref<4x64x128xf32, #tpu.memory_space<vmem>>, vector<16xf32>,
      %add3A_2468 = arith.addf %get3A_2463, %get3A_2467 : vector<16xf32>
      %get3A_2469 = arith.index_cast %rem3A_2415 : i32 to index
      %get3A_2470 = arith.index_cast %add3A_2428 : i32 to index
      %get3A_2471 = arith.constant 32 : index
      %get3A_2472 = tpu.vector_load %arg13[%get3A_2469, %get3A_2470, %get3A_2471] {strides = array<i32>} : memref<4x64x128xf32, #tpu.memory_space<vmem>>, vector<16xf32>,
      %sub3A_2473 = arith.subf %add3A_2468, %get3A_2472 : vector<16xf32>
      %abs3A_2474 = math.absf %sub3A_2473 : vector<16xf32>
      %add3A_2475 = arith.addf %add3A_2459, %abs3A_2474 : vector<16xf32>
      %get3A_2476 = arith.index_cast %rem3A_2415 : i32 to index
      %get3A_2477 = arith.index_cast %add3A_2428 : i32 to index
      %get3A_2478 = arith.constant 48 : index
      %get3A_2479 = tpu.vector_load %arg11[%get3A_2476, %get3A_2477, %get3A_2478] {strides = array<i32>} : memref<4x64x128xf32, #tpu.memory_space<vmem>>, vector<16xf32>,
      %get3A_2480 = arith.index_cast %rem3A_2415 : i32 to index
      %get3A_2481 = arith.index_cast %add3A_2428 : i32 to index
      %get3A_2482 = arith.constant 48 : index
      %get3A_2483 = tpu.vector_load %arg12[%get3A_2480, %get3A_2481, %get3A_2482] {strides = array<i32>} : memref<4x64x128xf32, #tpu.memory_space<vmem>>, vector<16xf32>,
      %add3A_2484 = arith.addf %get3A_2479, %get3A_2483 : vector<16xf32>
      %get3A_2485 = arith.index_cast %rem3A_2415 : i32 to index
      %get3A_2486 = arith.index_cast %add3A_2428 : i32 to index
      %get3A_2487 = arith.constant 48 : index
      %get3A_2488 = tpu.vector_load %arg13[%get3A_2485, %get3A_2486, %get3A_2487] {strides = array<i32>} : memref<4x64x128xf32, #tpu.memory_space<vmem>>, vector<16xf32>,
      %sub3A_2489 = arith.subf %add3A_2484, %get3A_2488 : vector<16xf32>
      %abs3A_2490 = math.absf %sub3A_2489 : vector<16xf32>
      %add3A_2491 = arith.addf %add3A_2475, %abs3A_2490 : vector<16xf32>
      %get3A_2492 = arith.index_cast %rem3A_2415 : i32 to index
      %get3A_2493 = arith.index_cast %add3A_2428 : i32 to index
      %get3A_2494 = arith.constant 64 : index
      %get3A_2495 = tpu.vector_load %arg11[%get3A_2492, %get3A_2493, %get3A_2494] {strides = array<i32>} : memref<4x64x128xf32, #tpu.memory_space<vmem>>, vector<16xf32>,
      %get3A_2496 = arith.index_cast %rem3A_2415 : i32 to index
      %get3A_2497 = arith.index_cast %add3A_2428 : i32 to index
      %get3A_2498 = arith.constant 64 : index
      %get3A_2499 = tpu.vector_load %arg12[%get3A_2496, %get3A_2497, %get3A_2498] {strides = array<i32>} : memref<4x64x128xf32, #tpu.memory_space<vmem>>, vector<16xf32>,
      %add3A_2500 = arith.addf %get3A_2495, %get3A_2499 : vector<16xf32>
      %get3A_2501 = arith.index_cast %rem3A_2415 : i32 to index
      %get3A_2502 = arith.index_cast %add3A_2428 : i32 to index
      %get3A_2503 = arith.constant 64 : index
      %get3A_2504 = tpu.vector_load %arg13[%get3A_2501, %get3A_2502, %get3A_2503] {strides = array<i32>} : memref<4x64x128xf32, #tpu.memory_space<vmem>>, vector<16xf32>,
      %sub3A_2505 = arith.subf %add3A_2500, %get3A_2504 : vector<16xf32>
      %abs3A_2506 = math.absf %sub3A_2505 : vector<16xf32>
      %add3A_2507 = arith.addf %add3A_2491, %abs3A_2506 : vector<16xf32>
      %get3A_2508 = arith.index_cast %rem3A_2415 : i32 to index
      %get3A_2509 = arith.index_cast %add3A_2428 : i32 to index
      %get3A_2510 = arith.constant 80 : index
      %get3A_2511 = tpu.vector_load %arg11[%get3A_2508, %get3A_2509, %get3A_2510] {strides = array<i32>} : memref<4x64x128xf32, #tpu.memory_space<vmem>>, vector<16xf32>,
      %get3A_2512 = arith.index_cast %rem3A_2415 : i32 to index
      %get3A_2513 = arith.index_cast %add3A_2428 : i32 to index
      %get3A_2514 = arith.constant 80 : index
      %get3A_2515 = tpu.vector_load %arg12[%get3A_2512, %get3A_2513, %get3A_2514] {strides = array<i32>} : memref<4x64x128xf32, #tpu.memory_space<vmem>>, vector<16xf32>,
      %add3A_2516 = arith.addf %get3A_2511, %get3A_2515 : vector<16xf32>
      %get3A_2517 = arith.index_cast %rem3A_2415 : i32 to index
      %get3A_2518 = arith.index_cast %add3A_2428 : i32 to index
      %get3A_2519 = arith.constant 80 : index
      %get3A_2520 = tpu.vector_load %arg13[%get3A_2517, %get3A_2518, %get3A_2519] {strides = array<i32>} : memref<4x64x128xf32, #tpu.memory_space<vmem>>, vector<16xf32>,
      %sub3A_2521 = arith.subf %add3A_2516, %get3A_2520 : vector<16xf32>
      %abs3A_2522 = math.absf %sub3A_2521 : vector<16xf32>
      %add3A_2523 = arith.addf %add3A_2507, %abs3A_2522 : vector<16xf32>
      %get3A_2524 = arith.index_cast %rem3A_2415 : i32 to index
      %get3A_2525 = arith.index_cast %add3A_2428 : i32 to index
      %get3A_2526 = arith.constant 96 : index
      %get3A_2527 = tpu.vector_load %arg11[%get3A_2524, %get3A_2525, %get3A_2526] {strides = array<i32>} : memref<4x64x128xf32, #tpu.memory_space<vmem>>, vector<16xf32>,
      %get3A_2528 = arith.index_cast %rem3A_2415 : i32 to index
      %get3A_2529 = arith.index_cast %add3A_2428 : i32 to index
      %get3A_2530 = arith.constant 96 : index
      %get3A_2531 = tpu.vector_load %arg12[%get3A_2528, %get3A_2529, %get3A_2530] {strides = array<i32>} : memref<4x64x128xf32, #tpu.memory_space<vmem>>, vector<16xf32>,
      %add3A_2532 = arith.addf %get3A_2527, %get3A_2531 : vector<16xf32>
      %get3A_2533 = arith.index_cast %rem3A_2415 : i32 to index
      %get3A_2534 = arith.index_cast %add3A_2428 : i32 to index
      %get3A_2535 = arith.constant 96 : index
      %get3A_2536 = tpu.vector_load %arg13[%get3A_2533, %get3A_2534, %get3A_2535] {strides = array<i32>} : memref<4x64x128xf32, #tpu.memory_space<vmem>>, vector<16xf32>,
      %sub3A_2537 = arith.subf %add3A_2532, %get3A_2536 : vector<16xf32>
      %abs3A_2538 = math.absf %sub3A_2537 : vector<16xf32>
      %add3A_2539 = arith.addf %add3A_2523, %abs3A_2538 : vector<16xf32>
      %get3A_2540 = arith.index_cast %rem3A_2415 : i32 to index
      %get3A_2541 = arith.index_cast %add3A_2428 : i32 to index
      %get3A_2542 = arith.constant 112 : index
      %get3A_2543 = tpu.vector_load %arg11[%get3A_2540, %get3A_2541, %get3A_2542] {strides = array<i32>} : memref<4x64x128xf32, #tpu.memory_space<vmem>>, vector<16xf32>,
      %get3A_2544 = arith.index_cast %rem3A_2415 : i32 to index
      %get3A_2545 = arith.index_cast %add3A_2428 : i32 to index
      %get3A_2546 = arith.constant 112 : index
      %get3A_2547 = tpu.vector_load %arg12[%get3A_2544, %get3A_2545, %get3A_2546] {strides = array<i32>} : memref<4x64x128xf32, #tpu.memory_space<vmem>>, vector<16xf32>,
      %add3A_2548 = arith.addf %get3A_2543, %get3A_2547 : vector<16xf32>
      %get3A_2549 = arith.index_cast %rem3A_2415 : i32 to index
      %get3A_2550 = arith.index_cast %add3A_2428 : i32 to index
      %get3A_2551 = arith.constant 112 : index
      %get3A_2552 = tpu.vector_load %arg13[%get3A_2549, %get3A_2550, %get3A_2551] {strides = array<i32>} : memref<4x64x128xf32, #tpu.memory_space<vmem>>, vector<16xf32>,
      %sub3A_2553 = arith.subf %add3A_2548, %get3A_2552 : vector<16xf32>
      %abs3A_2554 = math.absf %sub3A_2553 : vector<16xf32>
      %add3A_2555 = arith.addf %add3A_2539, %abs3A_2554 : vector<16xf32>
      %swap3A_2556 = arith.constant 0 : index
      %swap3A_2557 = tpu.vector_load %arg15[%swap3A_2556] {strides = array<i32>} : memref<272xf32, #tpu.memory_space<vmem>>, vector<16xf32>,
      tpu.vector_store %arg15[%swap3A_2556], %add3A_2555 {strides = array<i32>} : memref<272xf32, #tpu.memory_space<vmem>>, vector<16xf32>,
      %add3A_2558 = arith.constant 1 : i32
      %add3A_2559 = arith.addi %mul3A_2426, %add3A_2558 : i32
      %get3A_2560 = arith.index_cast %rem3A_2415 : i32 to index
      %get3A_2561 = arith.index_cast %add3A_2559 : i32 to index
      %get3A_2562 = arith.constant 0 : index
      %get3A_2563 = tpu.vector_load %arg11[%get3A_2560, %get3A_2561, %get3A_2562] {strides = array<i32>} : memref<4x64x128xf32, #tpu.memory_space<vmem>>, vector<16xf32>,
      %get3A_2564 = arith.index_cast %rem3A_2415 : i32 to index
      %get3A_2565 = arith.index_cast %add3A_2559 : i32 to index
      %get3A_2566 = arith.constant 0 : index
      %get3A_2567 = tpu.vector_load %arg12[%get3A_2564, %get3A_2565, %get3A_2566] {strides = array<i32>} : memref<4x64x128xf32, #tpu.memory_space<vmem>>, vector<16xf32>,
      %add3A_2568 = arith.addf %get3A_2563, %get3A_2567 : vector<16xf32>
      %get3A_2569 = arith.index_cast %rem3A_2415 : i32 to index
      %get3A_2570 = arith.index_cast %add3A_2559 : i32 to index
      %get3A_2571 = arith.constant 0 : index
      %get3A_2572 = tpu.vector_load %arg13[%get3A_2569, %get3A_2570, %get3A_2571] {strides = array<i32>} : memref<4x64x128xf32, #tpu.memory_space<vmem>>, vector<16xf32>,
      %sub3A_2573 = arith.subf %add3A_2568, %get3A_2572 : vector<16xf32>
      %abs3A_2574 = math.absf %sub3A_2573 : vector<16xf32>
      %get3A_2575 = arith.index_cast %rem3A_2415 : i32 to index
      %get3A_2576 = arith.index_cast %add3A_2559 : i32 to index
      %get3A_2577 = arith.constant 16 : index
      %get3A_2578 = tpu.vector_load %arg11[%get3A_2575, %get3A_2576, %get3A_2577] {strides = array<i32>} : memref<4x64x128xf32, #tpu.memory_space<vmem>>, vector<16xf32>,
      %get3A_2579 = arith.index_cast %rem3A_2415 : i32 to index
      %get3A_2580 = arith.index_cast %add3A_2559 : i32 to index
      %get3A_2581 = arith.constant 16 : index
      %get3A_2582 = tpu.vector_load %arg12[%get3A_2579, %get3A_2580, %get3A_2581] {strides = array<i32>} : memref<4x64x128xf32, #tpu.memory_space<vmem>>, vector<16xf32>,
      %add3A_2583 = arith.addf %get3A_2578, %get3A_2582 : vector<16xf32>
      %get3A_2584 = arith.index_cast %rem3A_2415 : i32 to index
      %get3A_2585 = arith.index_cast %add3A_2559 : i32 to index
      %get3A_2586 = arith.constant 16 : index
      %get3A_2587 = tpu.vector_load %arg13[%get3A_2584, %get3A_2585, %get3A_2586] {strides = array<i32>} : memref<4x64x128xf32, #tpu.memory_space<vmem>>, vector<16xf32>,
      %sub3A_2588 = arith.subf %add3A_2583, %get3A_2587 : vector<16xf32>
      %abs3A_2589 = math.absf %sub3A_2588 : vector<16xf32>
      %add3A_2590 = arith.addf %abs3A_2574, %abs3A_2589 : vector<16xf32>
      %get3A_2591 = arith.index_cast %rem3A_2415 : i32 to index
      %get3A_2592 = arith.index_cast %add3A_2559 : i32 to index
      %get3A_2593 = arith.constant 32 : index
      %get3A_2594 = tpu.vector_load %arg11[%get3A_2591, %get3A_2592, %get3A_2593] {strides = array<i32>} : memref<4x64x128xf32, #tpu.memory_space<vmem>>, vector<16xf32>,
      %get3A_2595 = arith.index_cast %rem3A_2415 : i32 to index
      %get3A_2596 = arith.index_cast %add3A_2559 : i32 to index
      %get3A_2597 = arith.constant 32 : index
      %get3A_2598 = tpu.vector_load %arg12[%get3A_2595, %get3A_2596, %get3A_2597] {strides = array<i32>} : memref<4x64x128xf32, #tpu.memory_space<vmem>>, vector<16xf32>,
      %add3A_2599 = arith.addf %get3A_2594, %get3A_2598 : vector<16xf32>
      %get3A_2600 = arith.index_cast %rem3A_2415 : i32 to index
      %get3A_2601 = arith.index_cast %add3A_2559 : i32 to index
      %get3A_2602 = arith.constant 32 : index
      %get3A_2603 = tpu.vector_load %arg13[%get3A_2600, %get3A_2601, %get3A_2602] {strides = array<i32>} : memref<4x64x128xf32, #tpu.memory_space<vmem>>, vector<16xf32>,
      %sub3A_2604 = arith.subf %add3A_2599, %get3A_2603 : vector<16xf32>
      %abs3A_2605 = math.absf %sub3A_2604 : vector<16xf32>
      %add3A_2606 = arith.addf %add3A_2590, %abs3A_2605 : vector<16xf32>
      %get3A_2607 = arith.index_cast %rem3A_2415 : i32 to index
      %get3A_2608 = arith.index_cast %add3A_2559 : i32 to index
      %get3A_2609 = arith.constant 48 : index
      %get3A_2610 = tpu.vector_load %arg11[%get3A_2607, %get3A_2608, %get3A_2609] {strides = array<i32>} : memref<4x64x128xf32, #tpu.memory_space<vmem>>, vector<16xf32>,
      %get3A_2611 = arith.index_cast %rem3A_2415 : i32 to index
      %get3A_2612 = arith.index_cast %add3A_2559 : i32 to index
      %get3A_2613 = arith.constant 48 : index
      %get3A_2614 = tpu.vector_load %arg12[%get3A_2611, %get3A_2612, %get3A_2613] {strides = array<i32>} : memref<4x64x128xf32, #tpu.memory_space<vmem>>, vector<16xf32>,
      %add3A_2615 = arith.addf %get3A_2610, %get3A_2614 : vector<16xf32>
      %get3A_2616 = arith.index_cast %rem3A_2415 : i32 to index
      %get3A_2617 = arith.index_cast %add3A_2559 : i32 to index
      %get3A_2618 = arith.constant 48 : index
      %get3A_2619 = tpu.vector_load %arg13[%get3A_2616, %get3A_2617, %get3A_2618] {strides = array<i32>} : memref<4x64x128xf32, #tpu.memory_space<vmem>>, vector<16xf32>,
      %sub3A_2620 = arith.subf %add3A_2615, %get3A_2619 : vector<16xf32>
      %abs3A_2621 = math.absf %sub3A_2620 : vector<16xf32>
      %add3A_2622 = arith.addf %add3A_2606, %abs3A_2621 : vector<16xf32>
      %get3A_2623 = arith.index_cast %rem3A_2415 : i32 to index
      %get3A_2624 = arith.index_cast %add3A_2559 : i32 to index
      %get3A_2625 = arith.constant 64 : index
      %get3A_2626 = tpu.vector_load %arg11[%get3A_2623, %get3A_2624, %get3A_2625] {strides = array<i32>} : memref<4x64x128xf32, #tpu.memory_space<vmem>>, vector<16xf32>,
      %get3A_2627 = arith.index_cast %rem3A_2415 : i32 to index
      %get3A_2628 = arith.index_cast %add3A_2559 : i32 to index
      %get3A_2629 = arith.constant 64 : index
      %get3A_2630 = tpu.vector_load %arg12[%get3A_2627, %get3A_2628, %get3A_2629] {strides = array<i32>} : memref<4x64x128xf32, #tpu.memory_space<vmem>>, vector<16xf32>,
      %add3A_2631 = arith.addf %get3A_2626, %get3A_2630 : vector<16xf32>
      %get3A_2632 = arith.index_cast %rem3A_2415 : i32 to index
      %get3A_2633 = arith.index_cast %add3A_2559 : i32 to index
      %get3A_2634 = arith.constant 64 : index
      %get3A_2635 = tpu.vector_load %arg13[%get3A_2632, %get3A_2633, %get3A_2634] {strides = array<i32>} : memref<4x64x128xf32, #tpu.memory_space<vmem>>, vector<16xf32>,
      %sub3A_2636 = arith.subf %add3A_2631, %get3A_2635 : vector<16xf32>
      %abs3A_2637 = math.absf %sub3A_2636 : vector<16xf32>
      %add3A_2638 = arith.addf %add3A_2622, %abs3A_2637 : vector<16xf32>
      %get3A_2639 = arith.index_cast %rem3A_2415 : i32 to index
      %get3A_2640 = arith.index_cast %add3A_2559 : i32 to index
      %get3A_2641 = arith.constant 80 : index
      %get3A_2642 = tpu.vector_load %arg11[%get3A_2639, %get3A_2640, %get3A_2641] {strides = array<i32>} : memref<4x64x128xf32, #tpu.memory_space<vmem>>, vector<16xf32>,
      %get3A_2643 = arith.index_cast %rem3A_2415 : i32 to index
      %get3A_2644 = arith.index_cast %add3A_2559 : i32 to index
      %get3A_2645 = arith.constant 80 : index
      %get3A_2646 = tpu.vector_load %arg12[%get3A_2643, %get3A_2644, %get3A_2645] {strides = array<i32>} : memref<4x64x128xf32, #tpu.memory_space<vmem>>, vector<16xf32>,
      %add3A_2647 = arith.addf %get3A_2642, %get3A_2646 : vector<16xf32>
      %get3A_2648 = arith.index_cast %rem3A_2415 : i32 to index
      %get3A_2649 = arith.index_cast %add3A_2559 : i32 to index
      %get3A_2650 = arith.constant 80 : index
      %get3A_2651 = tpu.vector_load %arg13[%get3A_2648, %get3A_2649, %get3A_2650] {strides = array<i32>} : memref<4x64x128xf32, #tpu.memory_space<vmem>>, vector<16xf32>,
      %sub3A_2652 = arith.subf %add3A_2647, %get3A_2651 : vector<16xf32>
      %abs3A_2653 = math.absf %sub3A_2652 : vector<16xf32>
      %add3A_2654 = arith.addf %add3A_2638, %abs3A_2653 : vector<16xf32>
      %get3A_2655 = arith.index_cast %rem3A_2415 : i32 to index
      %get3A_2656 = arith.index_cast %add3A_2559 : i32 to index
      %get3A_2657 = arith.constant 96 : index
      %get3A_2658 = tpu.vector_load %arg11[%get3A_2655, %get3A_2656, %get3A_2657] {strides = array<i32>} : memref<4x64x128xf32, #tpu.memory_space<vmem>>, vector<16xf32>,
      %get3A_2659 = arith.index_cast %rem3A_2415 : i32 to index
      %get3A_2660 = arith.index_cast %add3A_2559 : i32 to index
      %get3A_2661 = arith.constant 96 : index
      %get3A_2662 = tpu.vector_load %arg12[%get3A_2659, %get3A_2660, %get3A_2661] {strides = array<i32>} : memref<4x64x128xf32, #tpu.memory_space<vmem>>, vector<16xf32>,
      %add3A_2663 = arith.addf %get3A_2658, %get3A_2662 : vector<16xf32>
      %get3A_2664 = arith.index_cast %rem3A_2415 : i32 to index
      %get3A_2665 = arith.index_cast %add3A_2559 : i32 to index
      %get3A_2666 = arith.constant 96 : index
      %get3A_2667 = tpu.vector_load %arg13[%get3A_2664, %get3A_2665, %get3A_2666] {strides = array<i32>} : memref<4x64x128xf32, #tpu.memory_space<vmem>>, vector<16xf32>,
      %sub3A_2668 = arith.subf %add3A_2663, %get3A_2667 : vector<16xf32>
      %abs3A_2669 = math.absf %sub3A_2668 : vector<16xf32>
      %add3A_2670 = arith.addf %add3A_2654, %abs3A_2669 : vector<16xf32>
      %get3A_2671 = arith.index_cast %rem3A_2415 : i32 to index
      %get3A_2672 = arith.index_cast %add3A_2559 : i32 to index
      %get3A_2673 = arith.constant 112 : index
      %get3A_2674 = tpu.vector_load %arg11[%get3A_2671, %get3A_2672, %get3A_2673] {strides = array<i32>} : memref<4x64x128xf32, #tpu.memory_space<vmem>>, vector<16xf32>,
      %get3A_2675 = arith.index_cast %rem3A_2415 : i32 to index
      %get3A_2676 = arith.index_cast %add3A_2559 : i32 to index
      %get3A_2677 = arith.constant 112 : index
      %get3A_2678 = tpu.vector_load %arg12[%get3A_2675, %get3A_2676, %get3A_2677] {strides = array<i32>} : memref<4x64x128xf32, #tpu.memory_space<vmem>>, vector<16xf32>,
      %add3A_2679 = arith.addf %get3A_2674, %get3A_2678 : vector<16xf32>
      %get3A_2680 = arith.index_cast %rem3A_2415 : i32 to index
      %get3A_2681 = arith.index_cast %add3A_2559 : i32 to index
      %get3A_2682 = arith.constant 112 : index
      %get3A_2683 = tpu.vector_load %arg13[%get3A_2680, %get3A_2681, %get3A_2682] {strides = array<i32>} : memref<4x64x128xf32, #tpu.memory_space<vmem>>, vector<16xf32>,
      %sub3A_2684 = arith.subf %add3A_2679, %get3A_2683 : vector<16xf32>
      %abs3A_2685 = math.absf %sub3A_2684 : vector<16xf32>
      %add3A_2686 = arith.addf %add3A_2670, %abs3A_2685 : vector<16xf32>
      %swap3A_2687 = arith.constant 17 : index
      %swap3A_2688 = tpu.vector_load %arg15[%swap3A_2687] {strides = array<i32>} : memref<272xf32, #tpu.memory_space<vmem>>, vector<16xf32>,
      tpu.vector_store %arg15[%swap3A_2687], %add3A_2686 {strides = array<i32>} : memref<272xf32, #tpu.memory_space<vmem>>, vector<16xf32>,
      %add3A_2689 = arith.constant 2 : i32
      %add3A_2690 = arith.addi %mul3A_2426, %add3A_2689 : i32
      %get3A_2691 = arith.index_cast %rem3A_2415 : i32 to index
      %get3A_2692 = arith.index_cast %add3A_2690 : i32 to index
      %get3A_2693 = arith.constant 0 : index
      %get3A_2694 = tpu.vector_load %arg11[%get3A_2691, %get3A_2692, %get3A_2693] {strides = array<i32>} : memref<4x64x128xf32, #tpu.memory_space<vmem>>, vector<16xf32>,
      %get3A_2695 = arith.index_cast %rem3A_2415 : i32 to index
      %get3A_2696 = arith.index_cast %add3A_2690 : i32 to index
      %get3A_2697 = arith.constant 0 : index
      %get3A_2698 = tpu.vector_load %arg12[%get3A_2695, %get3A_2696, %get3A_2697] {strides = array<i32>} : memref<4x64x128xf32, #tpu.memory_space<vmem>>, vector<16xf32>,
      %add3A_2699 = arith.addf %get3A_2694, %get3A_2698 : vector<16xf32>
      %get3A_2700 = arith.index_cast %rem3A_2415 : i32 to index
      %get3A_2701 = arith.index_cast %add3A_2690 : i32 to index
      %get3A_2702 = arith.constant 0 : index
      %get3A_2703 = tpu.vector_load %arg13[%get3A_2700, %get3A_2701, %get3A_2702] {strides = array<i32>} : memref<4x64x128xf32, #tpu.memory_space<vmem>>, vector<16xf32>,
      %sub3A_2704 = arith.subf %add3A_2699, %get3A_2703 : vector<16xf32>
      %abs3A_2705 = math.absf %sub3A_2704 : vector<16xf32>
      %get3A_2706 = arith.index_cast %rem3A_2415 : i32 to index
      %get3A_2707 = arith.index_cast %add3A_2690 : i32 to index
      %get3A_2708 = arith.constant 16 : index
      %get3A_2709 = tpu.vector_load %arg11[%get3A_2706, %get3A_2707, %get3A_2708] {strides = array<i32>} : memref<4x64x128xf32, #tpu.memory_space<vmem>>, vector<16xf32>,
      %get3A_2710 = arith.index_cast %rem3A_2415 : i32 to index
      %get3A_2711 = arith.index_cast %add3A_2690 : i32 to index
      %get3A_2712 = arith.constant 16 : index
      %get3A_2713 = tpu.vector_load %arg12[%get3A_2710, %get3A_2711, %get3A_2712] {strides = array<i32>} : memref<4x64x128xf32, #tpu.memory_space<vmem>>, vector<16xf32>,
      %add3A_2714 = arith.addf %get3A_2709, %get3A_2713 : vector<16xf32>
      %get3A_2715 = arith.index_cast %rem3A_2415 : i32 to index
      %get3A_2716 = arith.index_cast %add3A_2690 : i32 to index
      %get3A_2717 = arith.constant 16 : index
      %get3A_2718 = tpu.vector_load %arg13[%get3A_2715, %get3A_2716, %get3A_2717] {strides = array<i32>} : memref<4x64x128xf32, #tpu.memory_space<vmem>>, vector<16xf32>,
      %sub3A_2719 = arith.subf %add3A_2714, %get3A_2718 : vector<16xf32>
      %abs3A_2720 = math.absf %sub3A_2719 : vector<16xf32>
      %add3A_2721 = arith.addf %abs3A_2705, %abs3A_2720 : vector<16xf32>
      %get3A_2722 = arith.index_cast %rem3A_2415 : i32 to index
      %get3A_2723 = arith.index_cast %add3A_2690 : i32 to index
      %get3A_2724 = arith.constant 32 : index
      %get3A_2725 = tpu.vector_load %arg11[%get3A_2722, %get3A_2723, %get3A_2724] {strides = array<i32>} : memref<4x64x128xf32, #tpu.memory_space<vmem>>, vector<16xf32>,
      %get3A_2726 = arith.index_cast %rem3A_2415 : i32 to index
      %get3A_2727 = arith.index_cast %add3A_2690 : i32 to index
      %get3A_2728 = arith.constant 32 : index
      %get3A_2729 = tpu.vector_load %arg12[%get3A_2726, %get3A_2727, %get3A_2728] {strides = array<i32>} : memref<4x64x128xf32, #tpu.memory_space<vmem>>, vector<16xf32>,
      %add3A_2730 = arith.addf %get3A_2725, %get3A_2729 : vector<16xf32>
      %get3A_2731 = arith.index_cast %rem3A_2415 : i32 to index
      %get3A_2732 = arith.index_cast %add3A_2690 : i32 to index
      %get3A_2733 = arith.constant 32 : index
      %get3A_2734 = tpu.vector_load %arg13[%get3A_2731, %get3A_2732, %get3A_2733] {strides = array<i32>} : memref<4x64x128xf32, #tpu.memory_space<vmem>>, vector<16xf32>,
      %sub3A_2735 = arith.subf %add3A_2730, %get3A_2734 : vector<16xf32>
      %abs3A_2736 = math.absf %sub3A_2735 : vector<16xf32>
      %add3A_2737 = arith.addf %add3A_2721, %abs3A_2736 : vector<16xf32>
      %get3A_2738 = arith.index_cast %rem3A_2415 : i32 to index
      %get3A_2739 = arith.index_cast %add3A_2690 : i32 to index
      %get3A_2740 = arith.constant 48 : index
      %get3A_2741 = tpu.vector_load %arg11[%get3A_2738, %get3A_2739, %get3A_2740] {strides = array<i32>} : memref<4x64x128xf32, #tpu.memory_space<vmem>>, vector<16xf32>,
      %get3A_2742 = arith.index_cast %rem3A_2415 : i32 to index
      %get3A_2743 = arith.index_cast %add3A_2690 : i32 to index
      %get3A_2744 = arith.constant 48 : index
      %get3A_2745 = tpu.vector_load %arg12[%get3A_2742, %get3A_2743, %get3A_2744] {strides = array<i32>} : memref<4x64x128xf32, #tpu.memory_space<vmem>>, vector<16xf32>,
      %add3A_2746 = arith.addf %get3A_2741, %get3A_2745 : vector<16xf32>
      %get3A_2747 = arith.index_cast %rem3A_2415 : i32 to index
      %get3A_2748 = arith.index_cast %add3A_2690 : i32 to index
      %get3A_2749 = arith.constant 48 : index
      %get3A_2750 = tpu.vector_load %arg13[%get3A_2747, %get3A_2748, %get3A_2749] {strides = array<i32>} : memref<4x64x128xf32, #tpu.memory_space<vmem>>, vector<16xf32>,
      %sub3A_2751 = arith.subf %add3A_2746, %get3A_2750 : vector<16xf32>
      %abs3A_2752 = math.absf %sub3A_2751 : vector<16xf32>
      %add3A_2753 = arith.addf %add3A_2737, %abs3A_2752 : vector<16xf32>
      %get3A_2754 = arith.index_cast %rem3A_2415 : i32 to index
      %get3A_2755 = arith.index_cast %add3A_2690 : i32 to index
      %get3A_2756 = arith.constant 64 : index
      %get3A_2757 = tpu.vector_load %arg11[%get3A_2754, %get3A_2755, %get3A_2756] {strides = array<i32>} : memref<4x64x128xf32, #tpu.memory_space<vmem>>, vector<16xf32>,
      %get3A_2758 = arith.index_cast %rem3A_2415 : i32 to index
      %get3A_2759 = arith.index_cast %add3A_2690 : i32 to index
      %get3A_2760 = arith.constant 64 : index
      %get3A_2761 = tpu.vector_load %arg12[%get3A_2758, %get3A_2759, %get3A_2760] {strides = array<i32>} : memref<4x64x128xf32, #tpu.memory_space<vmem>>, vector<16xf32>,
      %add3A_2762 = arith.addf %get3A_2757, %get3A_2761 : vector<16xf32>
      %get3A_2763 = arith.index_cast %rem3A_2415 : i32 to index
      %get3A_2764 = arith.index_cast %add3A_2690 : i32 to index
      %get3A_2765 = arith.constant 64 : index
      %get3A_2766 = tpu.vector_load %arg13[%get3A_2763, %get3A_2764, %get3A_2765] {strides = array<i32>} : memref<4x64x128xf32, #tpu.memory_space<vmem>>, vector<16xf32>,
      %sub3A_2767 = arith.subf %add3A_2762, %get3A_2766 : vector<16xf32>
      %abs3A_2768 = math.absf %sub3A_2767 : vector<16xf32>
      %add3A_2769 = arith.addf %add3A_2753, %abs3A_2768 : vector<16xf32>
      %get3A_2770 = arith.index_cast %rem3A_2415 : i32 to index
      %get3A_2771 = arith.index_cast %add3A_2690 : i32 to index
      %get3A_2772 = arith.constant 80 : index
      %get3A_2773 = tpu.vector_load %arg11[%get3A_2770, %get3A_2771, %get3A_2772] {strides = array<i32>} : memref<4x64x128xf32, #tpu.memory_space<vmem>>, vector<16xf32>,
      %get3A_2774 = arith.index_cast %rem3A_2415 : i32 to index
      %get3A_2775 = arith.index_cast %add3A_2690 : i32 to index
      %get3A_2776 = arith.constant 80 : index
      %get3A_2777 = tpu.vector_load %arg12[%get3A_2774, %get3A_2775, %get3A_2776] {strides = array<i32>} : memref<4x64x128xf32, #tpu.memory_space<vmem>>, vector<16xf32>,
      %add3A_2778 = arith.addf %get3A_2773, %get3A_2777 : vector<16xf32>
      %get3A_2779 = arith.index_cast %rem3A_2415 : i32 to index
      %get3A_2780 = arith.index_cast %add3A_2690 : i32 to index
      %get3A_2781 = arith.constant 80 : index
      %get3A_2782 = tpu.vector_load %arg13[%get3A_2779, %get3A_2780, %get3A_2781] {strides = array<i32>} : memref<4x64x128xf32, #tpu.memory_space<vmem>>, vector<16xf32>,
      %sub3A_2783 = arith.subf %add3A_2778, %get3A_2782 : vector<16xf32>
      %abs3A_2784 = math.absf %sub3A_2783 : vector<16xf32>
      %add3A_2785 = arith.addf %add3A_2769, %abs3A_2784 : vector<16xf32>
      %get3A_2786 = arith.index_cast %rem3A_2415 : i32 to index
      %get3A_2787 = arith.index_cast %add3A_2690 : i32 to index
      %get3A_2788 = arith.constant 96 : index
      %get3A_2789 = tpu.vector_load %arg11[%get3A_2786, %get3A_2787, %get3A_2788] {strides = array<i32>} : memref<4x64x128xf32, #tpu.memory_space<vmem>>, vector<16xf32>,
      %get3A_2790 = arith.index_cast %rem3A_2415 : i32 to index
      %get3A_2791 = arith.index_cast %add3A_2690 : i32 to index
      %get3A_2792 = arith.constant 96 : index
      %get3A_2793 = tpu.vector_load %arg12[%get3A_2790, %get3A_2791, %get3A_2792] {strides = array<i32>} : memref<4x64x128xf32, #tpu.memory_space<vmem>>, vector<16xf32>,
      %add3A_2794 = arith.addf %get3A_2789, %get3A_2793 : vector<16xf32>
      %get3A_2795 = arith.index_cast %rem3A_2415 : i32 to index
      %get3A_2796 = arith.index_cast %add3A_2690 : i32 to index
      %get3A_2797 = arith.constant 96 : index
      %get3A_2798 = tpu.vector_load %arg13[%get3A_2795, %get3A_2796, %get3A_2797] {strides = array<i32>} : memref<4x64x128xf32, #tpu.memory_space<vmem>>, vector<16xf32>,
      %sub3A_2799 = arith.subf %add3A_2794, %get3A_2798 : vector<16xf32>
      %abs3A_2800 = math.absf %sub3A_2799 : vector<16xf32>
      %add3A_2801 = arith.addf %add3A_2785, %abs3A_2800 : vector<16xf32>
      %get3A_2802 = arith.index_cast %rem3A_2415 : i32 to index
      %get3A_2803 = arith.index_cast %add3A_2690 : i32 to index
      %get3A_2804 = arith.constant 112 : index
      %get3A_2805 = tpu.vector_load %arg11[%get3A_2802, %get3A_2803, %get3A_2804] {strides = array<i32>} : memref<4x64x128xf32, #tpu.memory_space<vmem>>, vector<16xf32>,
      %get3A_2806 = arith.index_cast %rem3A_2415 : i32 to index
      %get3A_2807 = arith.index_cast %add3A_2690 : i32 to index
      %get3A_2808 = arith.constant 112 : index
      %get3A_2809 = tpu.vector_load %arg12[%get3A_2806, %get3A_2807, %get3A_2808] {strides = array<i32>} : memref<4x64x128xf32, #tpu.memory_space<vmem>>, vector<16xf32>,
      %add3A_2810 = arith.addf %get3A_2805, %get3A_2809 : vector<16xf32>
      %get3A_2811 = arith.index_cast %rem3A_2415 : i32 to index
      %get3A_2812 = arith.index_cast %add3A_2690 : i32 to index
      %get3A_2813 = arith.constant 112 : index
      %get3A_2814 = tpu.vector_load %arg13[%get3A_2811, %get3A_2812, %get3A_2813] {strides = array<i32>} : memref<4x64x128xf32, #tpu.memory_space<vmem>>, vector<16xf32>,
      %sub3A_2815 = arith.subf %add3A_2810, %get3A_2814 : vector<16xf32>
      %abs3A_2816 = math.absf %sub3A_2815 : vector<16xf32>
      %add3A_2817 = arith.addf %add3A_2801, %abs3A_2816 : vector<16xf32>
      %swap3A_2818 = arith.constant 34 : index
      %swap3A_2819 = tpu.vector_load %arg15[%swap3A_2818] {strides = array<i32>} : memref<272xf32, #tpu.memory_space<vmem>>, vector<16xf32>,
      tpu.vector_store %arg15[%swap3A_2818], %add3A_2817 {strides = array<i32>} : memref<272xf32, #tpu.memory_space<vmem>>, vector<16xf32>,
      %add3A_2820 = arith.constant 3 : i32
      %add3A_2821 = arith.addi %mul3A_2426, %add3A_2820 : i32
      %get3A_2822 = arith.index_cast %rem3A_2415 : i32 to index
      %get3A_2823 = arith.index_cast %add3A_2821 : i32 to index
      %get3A_2824 = arith.constant 0 : index
      %get3A_2825 = tpu.vector_load %arg11[%get3A_2822, %get3A_2823, %get3A_2824] {strides = array<i32>} : memref<4x64x128xf32, #tpu.memory_space<vmem>>, vector<16xf32>,
      %get3A_2826 = arith.index_cast %rem3A_2415 : i32 to index
      %get3A_2827 = arith.index_cast %add3A_2821 : i32 to index
      %get3A_2828 = arith.constant 0 : index
      %get3A_2829 = tpu.vector_load %arg12[%get3A_2826, %get3A_2827, %get3A_2828] {strides = array<i32>} : memref<4x64x128xf32, #tpu.memory_space<vmem>>, vector<16xf32>,
      %add3A_2830 = arith.addf %get3A_2825, %get3A_2829 : vector<16xf32>
      %get3A_2831 = arith.index_cast %rem3A_2415 : i32 to index
      %get3A_2832 = arith.index_cast %add3A_2821 : i32 to index
      %get3A_2833 = arith.constant 0 : index
      %get3A_2834 = tpu.vector_load %arg13[%get3A_2831, %get3A_2832, %get3A_2833] {strides = array<i32>} : memref<4x64x128xf32, #tpu.memory_space<vmem>>, vector<16xf32>,
      %sub3A_2835 = arith.subf %add3A_2830, %get3A_2834 : vector<16xf32>
      %abs3A_2836 = math.absf %sub3A_2835 : vector<16xf32>
      %get3A_2837 = arith.index_cast %rem3A_2415 : i32 to index
      %get3A_2838 = arith.index_cast %add3A_2821 : i32 to index
      %get3A_2839 = arith.constant 16 : index
      %get3A_2840 = tpu.vector_load %arg11[%get3A_2837, %get3A_2838, %get3A_2839] {strides = array<i32>} : memref<4x64x128xf32, #tpu.memory_space<vmem>>, vector<16xf32>,
      %get3A_2841 = arith.index_cast %rem3A_2415 : i32 to index
      %get3A_2842 = arith.index_cast %add3A_2821 : i32 to index
      %get3A_2843 = arith.constant 16 : index
      %get3A_2844 = tpu.vector_load %arg12[%get3A_2841, %get3A_2842, %get3A_2843] {strides = array<i32>} : memref<4x64x128xf32, #tpu.memory_space<vmem>>, vector<16xf32>,
      %add3A_2845 = arith.addf %get3A_2840, %get3A_2844 : vector<16xf32>
      %get3A_2846 = arith.index_cast %rem3A_2415 : i32 to index
      %get3A_2847 = arith.index_cast %add3A_2821 : i32 to index
      %get3A_2848 = arith.constant 16 : index
      %get3A_2849 = tpu.vector_load %arg13[%get3A_2846, %get3A_2847, %get3A_2848] {strides = array<i32>} : memref<4x64x128xf32, #tpu.memory_space<vmem>>, vector<16xf32>,
      %sub3A_2850 = arith.subf %add3A_2845, %get3A_2849 : vector<16xf32>
      %abs3A_2851 = math.absf %sub3A_2850 : vector<16xf32>
      %add3A_2852 = arith.addf %abs3A_2836, %abs3A_2851 : vector<16xf32>
      %get3A_2853 = arith.index_cast %rem3A_2415 : i32 to index
      %get3A_2854 = arith.index_cast %add3A_2821 : i32 to index
      %get3A_2855 = arith.constant 32 : index
      %get3A_2856 = tpu.vector_load %arg11[%get3A_2853, %get3A_2854, %get3A_2855] {strides = array<i32>} : memref<4x64x128xf32, #tpu.memory_space<vmem>>, vector<16xf32>,
      %get3A_2857 = arith.index_cast %rem3A_2415 : i32 to index
      %get3A_2858 = arith.index_cast %add3A_2821 : i32 to index
      %get3A_2859 = arith.constant 32 : index
      %get3A_2860 = tpu.vector_load %arg12[%get3A_2857, %get3A_2858, %get3A_2859] {strides = array<i32>} : memref<4x64x128xf32, #tpu.memory_space<vmem>>, vector<16xf32>,
      %add3A_2861 = arith.addf %get3A_2856, %get3A_2860 : vector<16xf32>
      %get3A_2862 = arith.index_cast %rem3A_2415 : i32 to index
      %get3A_2863 = arith.index_cast %add3A_2821 : i32 to index
      %get3A_2864 = arith.constant 32 : index
      %get3A_2865 = tpu.vector_load %arg13[%get3A_2862, %get3A_2863, %get3A_2864] {strides = array<i32>} : memref<4x64x128xf32, #tpu.memory_space<vmem>>, vector<16xf32>,
      %sub3A_2866 = arith.subf %add3A_2861, %get3A_2865 : vector<16xf32>
      %abs3A_2867 = math.absf %sub3A_2866 : vector<16xf32>
      %add3A_2868 = arith.addf %add3A_2852, %abs3A_2867 : vector<16xf32>
      %get3A_2869 = arith.index_cast %rem3A_2415 : i32 to index
      %get3A_2870 = arith.index_cast %add3A_2821 : i32 to index
      %get3A_2871 = arith.constant 48 : index
      %get3A_2872 = tpu.vector_load %arg11[%get3A_2869, %get3A_2870, %get3A_2871] {strides = array<i32>} : memref<4x64x128xf32, #tpu.memory_space<vmem>>, vector<16xf32>,
      %get3A_2873 = arith.index_cast %rem3A_2415 : i32 to index
      %get3A_2874 = arith.index_cast %add3A_2821 : i32 to index
      %get3A_2875 = arith.constant 48 : index
      %get3A_2876 = tpu.vector_load %arg12[%get3A_2873, %get3A_2874, %get3A_2875] {strides = array<i32>} : memref<4x64x128xf32, #tpu.memory_space<vmem>>, vector<16xf32>,
      %add3A_2877 = arith.addf %get3A_2872, %get3A_2876 : vector<16xf32>
      %get3A_2878 = arith.index_cast %rem3A_2415 : i32 to index
      %get3A_2879 = arith.index_cast %add3A_2821 : i32 to index
      %get3A_2880 = arith.constant 48 : index
      %get3A_2881 = tpu.vector_load %arg13[%get3A_2878, %get3A_2879, %get3A_2880] {strides = array<i32>} : memref<4x64x128xf32, #tpu.memory_space<vmem>>, vector<16xf32>,
      %sub3A_2882 = arith.subf %add3A_2877, %get3A_2881 : vector<16xf32>
      %abs3A_2883 = math.absf %sub3A_2882 : vector<16xf32>
      %add3A_2884 = arith.addf %add3A_2868, %abs3A_2883 : vector<16xf32>
      %get3A_2885 = arith.index_cast %rem3A_2415 : i32 to index
      %get3A_2886 = arith.index_cast %add3A_2821 : i32 to index
      %get3A_2887 = arith.constant 64 : index
      %get3A_2888 = tpu.vector_load %arg11[%get3A_2885, %get3A_2886, %get3A_2887] {strides = array<i32>} : memref<4x64x128xf32, #tpu.memory_space<vmem>>, vector<16xf32>,
      %get3A_2889 = arith.index_cast %rem3A_2415 : i32 to index
      %get3A_2890 = arith.index_cast %add3A_2821 : i32 to index
      %get3A_2891 = arith.constant 64 : index
      %get3A_2892 = tpu.vector_load %arg12[%get3A_2889, %get3A_2890, %get3A_2891] {strides = array<i32>} : memref<4x64x128xf32, #tpu.memory_space<vmem>>, vector<16xf32>,
      %add3A_2893 = arith.addf %get3A_2888, %get3A_2892 : vector<16xf32>
      %get3A_2894 = arith.index_cast %rem3A_2415 : i32 to index
      %get3A_2895 = arith.index_cast %add3A_2821 : i32 to index
      %get3A_2896 = arith.constant 64 : index
      %get3A_2897 = tpu.vector_load %arg13[%get3A_2894, %get3A_2895, %get3A_2896] {strides = array<i32>} : memref<4x64x128xf32, #tpu.memory_space<vmem>>, vector<16xf32>,
      %sub3A_2898 = arith.subf %add3A_2893, %get3A_2897 : vector<16xf32>
      %abs3A_2899 = math.absf %sub3A_2898 : vector<16xf32>
      %add3A_2900 = arith.addf %add3A_2884, %abs3A_2899 : vector<16xf32>
      %get3A_2901 = arith.index_cast %rem3A_2415 : i32 to index
      %get3A_2902 = arith.index_cast %add3A_2821 : i32 to index
      %get3A_2903 = arith.constant 80 : index
      %get3A_2904 = tpu.vector_load %arg11[%get3A_2901, %get3A_2902, %get3A_2903] {strides = array<i32>} : memref<4x64x128xf32, #tpu.memory_space<vmem>>, vector<16xf32>,
      %get3A_2905 = arith.index_cast %rem3A_2415 : i32 to index
      %get3A_2906 = arith.index_cast %add3A_2821 : i32 to index
      %get3A_2907 = arith.constant 80 : index
      %get3A_2908 = tpu.vector_load %arg12[%get3A_2905, %get3A_2906, %get3A_2907] {strides = array<i32>} : memref<4x64x128xf32, #tpu.memory_space<vmem>>, vector<16xf32>,
      %add3A_2909 = arith.addf %get3A_2904, %get3A_2908 : vector<16xf32>
      %get3A_2910 = arith.index_cast %rem3A_2415 : i32 to index
      %get3A_2911 = arith.index_cast %add3A_2821 : i32 to index
      %get3A_2912 = arith.constant 80 : index
      %get3A_2913 = tpu.vector_load %arg13[%get3A_2910, %get3A_2911, %get3A_2912] {strides = array<i32>} : memref<4x64x128xf32, #tpu.memory_space<vmem>>, vector<16xf32>,
      %sub3A_2914 = arith.subf %add3A_2909, %get3A_2913 : vector<16xf32>
      %abs3A_2915 = math.absf %sub3A_2914 : vector<16xf32>
      %add3A_2916 = arith.addf %add3A_2900, %abs3A_2915 : vector<16xf32>
      %get3A_2917 = arith.index_cast %rem3A_2415 : i32 to index
      %get3A_2918 = arith.index_cast %add3A_2821 : i32 to index
      %get3A_2919 = arith.constant 96 : index
      %get3A_2920 = tpu.vector_load %arg11[%get3A_2917, %get3A_2918, %get3A_2919] {strides = array<i32>} : memref<4x64x128xf32, #tpu.memory_space<vmem>>, vector<16xf32>,
      %get3A_2921 = arith.index_cast %rem3A_2415 : i32 to index
      %get3A_2922 = arith.index_cast %add3A_2821 : i32 to index
      %get3A_2923 = arith.constant 96 : index
      %get3A_2924 = tpu.vector_load %arg12[%get3A_2921, %get3A_2922, %get3A_2923] {strides = array<i32>} : memref<4x64x128xf32, #tpu.memory_space<vmem>>, vector<16xf32>,
      %add3A_2925 = arith.addf %get3A_2920, %get3A_2924 : vector<16xf32>
      %get3A_2926 = arith.index_cast %rem3A_2415 : i32 to index
      %get3A_2927 = arith.index_cast %add3A_2821 : i32 to index
      %get3A_2928 = arith.constant 96 : index
      %get3A_2929 = tpu.vector_load %arg13[%get3A_2926, %get3A_2927, %get3A_2928] {strides = array<i32>} : memref<4x64x128xf32, #tpu.memory_space<vmem>>, vector<16xf32>,
      %sub3A_2930 = arith.subf %add3A_2925, %get3A_2929 : vector<16xf32>
      %abs3A_2931 = math.absf %sub3A_2930 : vector<16xf32>
      %add3A_2932 = arith.addf %add3A_2916, %abs3A_2931 : vector<16xf32>
      %get3A_2933 = arith.index_cast %rem3A_2415 : i32 to index
      %get3A_2934 = arith.index_cast %add3A_2821 : i32 to index
      %get3A_2935 = arith.constant 112 : index
      %get3A_2936 = tpu.vector_load %arg11[%get3A_2933, %get3A_2934, %get3A_2935] {strides = array<i32>} : memref<4x64x128xf32, #tpu.memory_space<vmem>>, vector<16xf32>,
      %get3A_2937 = arith.index_cast %rem3A_2415 : i32 to index
      %get3A_2938 = arith.index_cast %add3A_2821 : i32 to index
      %get3A_2939 = arith.constant 112 : index
      %get3A_2940 = tpu.vector_load %arg12[%get3A_2937, %get3A_2938, %get3A_2939] {strides = array<i32>} : memref<4x64x128xf32, #tpu.memory_space<vmem>>, vector<16xf32>,
      %add3A_2941 = arith.addf %get3A_2936, %get3A_2940 : vector<16xf32>
      %get3A_2942 = arith.index_cast %rem3A_2415 : i32 to index
      %get3A_2943 = arith.index_cast %add3A_2821 : i32 to index
      %get3A_2944 = arith.constant 112 : index
      %get3A_2945 = tpu.vector_load %arg13[%get3A_2942, %get3A_2943, %get3A_2944] {strides = array<i32>} : memref<4x64x128xf32, #tpu.memory_space<vmem>>, vector<16xf32>,
      %sub3A_2946 = arith.subf %add3A_2941, %get3A_2945 : vector<16xf32>
      %abs3A_2947 = math.absf %sub3A_2946 : vector<16xf32>
      %add3A_2948 = arith.addf %add3A_2932, %abs3A_2947 : vector<16xf32>
      %swap3A_2949 = arith.constant 51 : index
      %swap3A_2950 = tpu.vector_load %arg15[%swap3A_2949] {strides = array<i32>} : memref<272xf32, #tpu.memory_space<vmem>>, vector<16xf32>,
      tpu.vector_store %arg15[%swap3A_2949], %add3A_2948 {strides = array<i32>} : memref<272xf32, #tpu.memory_space<vmem>>, vector<16xf32>,
      %add3A_2951 = arith.constant 4 : i32
      %add3A_2952 = arith.addi %mul3A_2426, %add3A_2951 : i32
      %get3A_2953 = arith.index_cast %rem3A_2415 : i32 to index
      %get3A_2954 = arith.index_cast %add3A_2952 : i32 to index
      %get3A_2955 = arith.constant 0 : index
      %get3A_2956 = tpu.vector_load %arg11[%get3A_2953, %get3A_2954, %get3A_2955] {strides = array<i32>} : memref<4x64x128xf32, #tpu.memory_space<vmem>>, vector<16xf32>,
      %get3A_2957 = arith.index_cast %rem3A_2415 : i32 to index
      %get3A_2958 = arith.index_cast %add3A_2952 : i32 to index
      %get3A_2959 = arith.constant 0 : index
      %get3A_2960 = tpu.vector_load %arg12[%get3A_2957, %get3A_2958, %get3A_2959] {strides = array<i32>} : memref<4x64x128xf32, #tpu.memory_space<vmem>>, vector<16xf32>,
      %add3A_2961 = arith.addf %get3A_2956, %get3A_2960 : vector<16xf32>
      %get3A_2962 = arith.index_cast %rem3A_2415 : i32 to index
      %get3A_2963 = arith.index_cast %add3A_2952 : i32 to index
      %get3A_2964 = arith.constant 0 : index
      %get3A_2965 = tpu.vector_load %arg13[%get3A_2962, %get3A_2963, %get3A_2964] {strides = array<i32>} : memref<4x64x128xf32, #tpu.memory_space<vmem>>, vector<16xf32>,
      %sub3A_2966 = arith.subf %add3A_2961, %get3A_2965 : vector<16xf32>
      %abs3A_2967 = math.absf %sub3A_2966 : vector<16xf32>
      %get3A_2968 = arith.index_cast %rem3A_2415 : i32 to index
      %get3A_2969 = arith.index_cast %add3A_2952 : i32 to index
      %get3A_2970 = arith.constant 16 : index
      %get3A_2971 = tpu.vector_load %arg11[%get3A_2968, %get3A_2969, %get3A_2970] {strides = array<i32>} : memref<4x64x128xf32, #tpu.memory_space<vmem>>, vector<16xf32>,
      %get3A_2972 = arith.index_cast %rem3A_2415 : i32 to index
      %get3A_2973 = arith.index_cast %add3A_2952 : i32 to index
      %get3A_2974 = arith.constant 16 : index
      %get3A_2975 = tpu.vector_load %arg12[%get3A_2972, %get3A_2973, %get3A_2974] {strides = array<i32>} : memref<4x64x128xf32, #tpu.memory_space<vmem>>, vector<16xf32>,
      %add3A_2976 = arith.addf %get3A_2971, %get3A_2975 : vector<16xf32>
      %get3A_2977 = arith.index_cast %rem3A_2415 : i32 to index
      %get3A_2978 = arith.index_cast %add3A_2952 : i32 to index
      %get3A_2979 = arith.constant 16 : index
      %get3A_2980 = tpu.vector_load %arg13[%get3A_2977, %get3A_2978, %get3A_2979] {strides = array<i32>} : memref<4x64x128xf32, #tpu.memory_space<vmem>>, vector<16xf32>,
      %sub3A_2981 = arith.subf %add3A_2976, %get3A_2980 : vector<16xf32>
      %abs3A_2982 = math.absf %sub3A_2981 : vector<16xf32>
      %add3A_2983 = arith.addf %abs3A_2967, %abs3A_2982 : vector<16xf32>
      %get3A_2984 = arith.index_cast %rem3A_2415 : i32 to index
      %get3A_2985 = arith.index_cast %add3A_2952 : i32 to index
      %get3A_2986 = arith.constant 32 : index
      %get3A_2987 = tpu.vector_load %arg11[%get3A_2984, %get3A_2985, %get3A_2986] {strides = array<i32>} : memref<4x64x128xf32, #tpu.memory_space<vmem>>, vector<16xf32>,
      %get3A_2988 = arith.index_cast %rem3A_2415 : i32 to index
      %get3A_2989 = arith.index_cast %add3A_2952 : i32 to index
      %get3A_2990 = arith.constant 32 : index
      %get3A_2991 = tpu.vector_load %arg12[%get3A_2988, %get3A_2989, %get3A_2990] {strides = array<i32>} : memref<4x64x128xf32, #tpu.memory_space<vmem>>, vector<16xf32>,
      %add3A_2992 = arith.addf %get3A_2987, %get3A_2991 : vector<16xf32>
      %get3A_2993 = arith.index_cast %rem3A_2415 : i32 to index
      %get3A_2994 = arith.index_cast %add3A_2952 : i32 to index
      %get3A_2995 = arith.constant 32 : index
      %get3A_2996 = tpu.vector_load %arg13[%get3A_2993, %get3A_2994, %get3A_2995] {strides = array<i32>} : memref<4x64x128xf32, #tpu.memory_space<vmem>>, vector<16xf32>,
      %sub3A_2997 = arith.subf %add3A_2992, %get3A_2996 : vector<16xf32>
      %abs3A_2998 = math.absf %sub3A_2997 : vector<16xf32>
      %add3A_2999 = arith.addf %add3A_2983, %abs3A_2998 : vector<16xf32>
      %get3A_3000 = arith.index_cast %rem3A_2415 : i32 to index
      %get3A_3001 = arith.index_cast %add3A_2952 : i32 to index
      %get3A_3002 = arith.constant 48 : index
      %get3A_3003 = tpu.vector_load %arg11[%get3A_3000, %get3A_3001, %get3A_3002] {strides = array<i32>} : memref<4x64x128xf32, #tpu.memory_space<vmem>>, vector<16xf32>,
      %get3A_3004 = arith.index_cast %rem3A_2415 : i32 to index
      %get3A_3005 = arith.index_cast %add3A_2952 : i32 to index
      %get3A_3006 = arith.constant 48 : index
      %get3A_3007 = tpu.vector_load %arg12[%get3A_3004, %get3A_3005, %get3A_3006] {strides = array<i32>} : memref<4x64x128xf32, #tpu.memory_space<vmem>>, vector<16xf32>,
      %add3A_3008 = arith.addf %get3A_3003, %get3A_3007 : vector<16xf32>
      %get3A_3009 = arith.index_cast %rem3A_2415 : i32 to index
      %get3A_3010 = arith.index_cast %add3A_2952 : i32 to index
      %get3A_3011 = arith.constant 48 : index
      %get3A_3012 = tpu.vector_load %arg13[%get3A_3009, %get3A_3010, %get3A_3011] {strides = array<i32>} : memref<4x64x128xf32, #tpu.memory_space<vmem>>, vector<16xf32>,
      %sub3A_3013 = arith.subf %add3A_3008, %get3A_3012 : vector<16xf32>
      %abs3A_3014 = math.absf %sub3A_3013 : vector<16xf32>
      %add3A_3015 = arith.addf %add3A_2999, %abs3A_3014 : vector<16xf32>
      %get3A_3016 = arith.index_cast %rem3A_2415 : i32 to index
      %get3A_3017 = arith.index_cast %add3A_2952 : i32 to index
      %get3A_3018 = arith.constant 64 : index
      %get3A_3019 = tpu.vector_load %arg11[%get3A_3016, %get3A_3017, %get3A_3018] {strides = array<i32>} : memref<4x64x128xf32, #tpu.memory_space<vmem>>, vector<16xf32>,
      %get3A_3020 = arith.index_cast %rem3A_2415 : i32 to index
      %get3A_3021 = arith.index_cast %add3A_2952 : i32 to index
      %get3A_3022 = arith.constant 64 : index
      %get3A_3023 = tpu.vector_load %arg12[%get3A_3020, %get3A_3021, %get3A_3022] {strides = array<i32>} : memref<4x64x128xf32, #tpu.memory_space<vmem>>, vector<16xf32>,
      %add3A_3024 = arith.addf %get3A_3019, %get3A_3023 : vector<16xf32>
      %get3A_3025 = arith.index_cast %rem3A_2415 : i32 to index
      %get3A_3026 = arith.index_cast %add3A_2952 : i32 to index
      %get3A_3027 = arith.constant 64 : index
      %get3A_3028 = tpu.vector_load %arg13[%get3A_3025, %get3A_3026, %get3A_3027] {strides = array<i32>} : memref<4x64x128xf32, #tpu.memory_space<vmem>>, vector<16xf32>,
      %sub3A_3029 = arith.subf %add3A_3024, %get3A_3028 : vector<16xf32>
      %abs3A_3030 = math.absf %sub3A_3029 : vector<16xf32>
      %add3A_3031 = arith.addf %add3A_3015, %abs3A_3030 : vector<16xf32>
      %get3A_3032 = arith.index_cast %rem3A_2415 : i32 to index
      %get3A_3033 = arith.index_cast %add3A_2952 : i32 to index
      %get3A_3034 = arith.constant 80 : index
      %get3A_3035 = tpu.vector_load %arg11[%get3A_3032, %get3A_3033, %get3A_3034] {strides = array<i32>} : memref<4x64x128xf32, #tpu.memory_space<vmem>>, vector<16xf32>,
      %get3A_3036 = arith.index_cast %rem3A_2415 : i32 to index
      %get3A_3037 = arith.index_cast %add3A_2952 : i32 to index
      %get3A_3038 = arith.constant 80 : index
      %get3A_3039 = tpu.vector_load %arg12[%get3A_3036, %get3A_3037, %get3A_3038] {strides = array<i32>} : memref<4x64x128xf32, #tpu.memory_space<vmem>>, vector<16xf32>,
      %add3A_3040 = arith.addf %get3A_3035, %get3A_3039 : vector<16xf32>
      %get3A_3041 = arith.index_cast %rem3A_2415 : i32 to index
      %get3A_3042 = arith.index_cast %add3A_2952 : i32 to index
      %get3A_3043 = arith.constant 80 : index
      %get3A_3044 = tpu.vector_load %arg13[%get3A_3041, %get3A_3042, %get3A_3043] {strides = array<i32>} : memref<4x64x128xf32, #tpu.memory_space<vmem>>, vector<16xf32>,
      %sub3A_3045 = arith.subf %add3A_3040, %get3A_3044 : vector<16xf32>
      %abs3A_3046 = math.absf %sub3A_3045 : vector<16xf32>
      %add3A_3047 = arith.addf %add3A_3031, %abs3A_3046 : vector<16xf32>
      %get3A_3048 = arith.index_cast %rem3A_2415 : i32 to index
      %get3A_3049 = arith.index_cast %add3A_2952 : i32 to index
      %get3A_3050 = arith.constant 96 : index
      %get3A_3051 = tpu.vector_load %arg11[%get3A_3048, %get3A_3049, %get3A_3050] {strides = array<i32>} : memref<4x64x128xf32, #tpu.memory_space<vmem>>, vector<16xf32>,
      %get3A_3052 = arith.index_cast %rem3A_2415 : i32 to index
      %get3A_3053 = arith.index_cast %add3A_2952 : i32 to index
      %get3A_3054 = arith.constant 96 : index
      %get3A_3055 = tpu.vector_load %arg12[%get3A_3052, %get3A_3053, %get3A_3054] {strides = array<i32>} : memref<4x64x128xf32, #tpu.memory_space<vmem>>, vector<16xf32>,
      %add3A_3056 = arith.addf %get3A_3051, %get3A_3055 : vector<16xf32>
      %get3A_3057 = arith.index_cast %rem3A_2415 : i32 to index
      %get3A_3058 = arith.index_cast %add3A_2952 : i32 to index
      %get3A_3059 = arith.constant 96 : index
      %get3A_3060 = tpu.vector_load %arg13[%get3A_3057, %get3A_3058, %get3A_3059] {strides = array<i32>} : memref<4x64x128xf32, #tpu.memory_space<vmem>>, vector<16xf32>,
      %sub3A_3061 = arith.subf %add3A_3056, %get3A_3060 : vector<16xf32>
      %abs3A_3062 = math.absf %sub3A_3061 : vector<16xf32>
      %add3A_3063 = arith.addf %add3A_3047, %abs3A_3062 : vector<16xf32>
      %get3A_3064 = arith.index_cast %rem3A_2415 : i32 to index
      %get3A_3065 = arith.index_cast %add3A_2952 : i32 to index
      %get3A_3066 = arith.constant 112 : index
      %get3A_3067 = tpu.vector_load %arg11[%get3A_3064, %get3A_3065, %get3A_3066] {strides = array<i32>} : memref<4x64x128xf32, #tpu.memory_space<vmem>>, vector<16xf32>,
      %get3A_3068 = arith.index_cast %rem3A_2415 : i32 to index
      %get3A_3069 = arith.index_cast %add3A_2952 : i32 to index
      %get3A_3070 = arith.constant 112 : index
      %get3A_3071 = tpu.vector_load %arg12[%get3A_3068, %get3A_3069, %get3A_3070] {strides = array<i32>} : memref<4x64x128xf32, #tpu.memory_space<vmem>>, vector<16xf32>,
      %add3A_3072 = arith.addf %get3A_3067, %get3A_3071 : vector<16xf32>
      %get3A_3073 = arith.index_cast %rem3A_2415 : i32 to index
      %get3A_3074 = arith.index_cast %add3A_2952 : i32 to index
      %get3A_3075 = arith.constant 112 : index
      %get3A_3076 = tpu.vector_load %arg13[%get3A_3073, %get3A_3074, %get3A_3075] {strides = array<i32>} : memref<4x64x128xf32, #tpu.memory_space<vmem>>, vector<16xf32>,
      %sub3A_3077 = arith.subf %add3A_3072, %get3A_3076 : vector<16xf32>
      %abs3A_3078 = math.absf %sub3A_3077 : vector<16xf32>
      %add3A_3079 = arith.addf %add3A_3063, %abs3A_3078 : vector<16xf32>
      %swap3A_3080 = arith.constant 68 : index
      %swap3A_3081 = tpu.vector_load %arg15[%swap3A_3080] {strides = array<i32>} : memref<272xf32, #tpu.memory_space<vmem>>, vector<16xf32>,
      tpu.vector_store %arg15[%swap3A_3080], %add3A_3079 {strides = array<i32>} : memref<272xf32, #tpu.memory_space<vmem>>, vector<16xf32>,
      %add3A_3082 = arith.constant 5 : i32
      %add3A_3083 = arith.addi %mul3A_2426, %add3A_3082 : i32
      %get3A_3084 = arith.index_cast %rem3A_2415 : i32 to index
      %get3A_3085 = arith.index_cast %add3A_3083 : i32 to index
      %get3A_3086 = arith.constant 0 : index
      %get3A_3087 = tpu.vector_load %arg11[%get3A_3084, %get3A_3085, %get3A_3086] {strides = array<i32>} : memref<4x64x128xf32, #tpu.memory_space<vmem>>, vector<16xf32>,
      %get3A_3088 = arith.index_cast %rem3A_2415 : i32 to index
      %get3A_3089 = arith.index_cast %add3A_3083 : i32 to index
      %get3A_3090 = arith.constant 0 : index
      %get3A_3091 = tpu.vector_load %arg12[%get3A_3088, %get3A_3089, %get3A_3090] {strides = array<i32>} : memref<4x64x128xf32, #tpu.memory_space<vmem>>, vector<16xf32>,
      %add3A_3092 = arith.addf %get3A_3087, %get3A_3091 : vector<16xf32>
      %get3A_3093 = arith.index_cast %rem3A_2415 : i32 to index
      %get3A_3094 = arith.index_cast %add3A_3083 : i32 to index
      %get3A_3095 = arith.constant 0 : index
      %get3A_3096 = tpu.vector_load %arg13[%get3A_3093, %get3A_3094, %get3A_3095] {strides = array<i32>} : memref<4x64x128xf32, #tpu.memory_space<vmem>>, vector<16xf32>,
      %sub3A_3097 = arith.subf %add3A_3092, %get3A_3096 : vector<16xf32>
      %abs3A_3098 = math.absf %sub3A_3097 : vector<16xf32>
      %get3A_3099 = arith.index_cast %rem3A_2415 : i32 to index
      %get3A_3100 = arith.index_cast %add3A_3083 : i32 to index
      %get3A_3101 = arith.constant 16 : index
      %get3A_3102 = tpu.vector_load %arg11[%get3A_3099, %get3A_3100, %get3A_3101] {strides = array<i32>} : memref<4x64x128xf32, #tpu.memory_space<vmem>>, vector<16xf32>,
      %get3A_3103 = arith.index_cast %rem3A_2415 : i32 to index
      %get3A_3104 = arith.index_cast %add3A_3083 : i32 to index
      %get3A_3105 = arith.constant 16 : index
      %get3A_3106 = tpu.vector_load %arg12[%get3A_3103, %get3A_3104, %get3A_3105] {strides = array<i32>} : memref<4x64x128xf32, #tpu.memory_space<vmem>>, vector<16xf32>,
      %add3A_3107 = arith.addf %get3A_3102, %get3A_3106 : vector<16xf32>
      %get3A_3108 = arith.index_cast %rem3A_2415 : i32 to index
      %get3A_3109 = arith.index_cast %add3A_3083 : i32 to index
      %get3A_3110 = arith.constant 16 : index
      %get3A_3111 = tpu.vector_load %arg13[%get3A_3108, %get3A_3109, %get3A_3110] {strides = array<i32>} : memref<4x64x128xf32, #tpu.memory_space<vmem>>, vector<16xf32>,
      %sub3A_3112 = arith.subf %add3A_3107, %get3A_3111 : vector<16xf32>
      %abs3A_3113 = math.absf %sub3A_3112 : vector<16xf32>
      %add3A_3114 = arith.addf %abs3A_3098, %abs3A_3113 : vector<16xf32>
      %get3A_3115 = arith.index_cast %rem3A_2415 : i32 to index
      %get3A_3116 = arith.index_cast %add3A_3083 : i32 to index
      %get3A_3117 = arith.constant 32 : index
      %get3A_3118 = tpu.vector_load %arg11[%get3A_3115, %get3A_3116, %get3A_3117] {strides = array<i32>} : memref<4x64x128xf32, #tpu.memory_space<vmem>>, vector<16xf32>,
      %get3A_3119 = arith.index_cast %rem3A_2415 : i32 to index
      %get3A_3120 = arith.index_cast %add3A_3083 : i32 to index
      %get3A_3121 = arith.constant 32 : index
      %get3A_3122 = tpu.vector_load %arg12[%get3A_3119, %get3A_3120, %get3A_3121] {strides = array<i32>} : memref<4x64x128xf32, #tpu.memory_space<vmem>>, vector<16xf32>,
      %add3A_3123 = arith.addf %get3A_3118, %get3A_3122 : vector<16xf32>
      %get3A_3124 = arith.index_cast %rem3A_2415 : i32 to index
      %get3A_3125 = arith.index_cast %add3A_3083 : i32 to index
      %get3A_3126 = arith.constant 32 : index
      %get3A_3127 = tpu.vector_load %arg13[%get3A_3124, %get3A_3125, %get3A_3126] {strides = array<i32>} : memref<4x64x128xf32, #tpu.memory_space<vmem>>, vector<16xf32>,
      %sub3A_3128 = arith.subf %add3A_3123, %get3A_3127 : vector<16xf32>
      %abs3A_3129 = math.absf %sub3A_3128 : vector<16xf32>
      %add3A_3130 = arith.addf %add3A_3114, %abs3A_3129 : vector<16xf32>
      %get3A_3131 = arith.index_cast %rem3A_2415 : i32 to index
      %get3A_3132 = arith.index_cast %add3A_3083 : i32 to index
      %get3A_3133 = arith.constant 48 : index
      %get3A_3134 = tpu.vector_load %arg11[%get3A_3131, %get3A_3132, %get3A_3133] {strides = array<i32>} : memref<4x64x128xf32, #tpu.memory_space<vmem>>, vector<16xf32>,
      %get3A_3135 = arith.index_cast %rem3A_2415 : i32 to index
      %get3A_3136 = arith.index_cast %add3A_3083 : i32 to index
      %get3A_3137 = arith.constant 48 : index
      %get3A_3138 = tpu.vector_load %arg12[%get3A_3135, %get3A_3136, %get3A_3137] {strides = array<i32>} : memref<4x64x128xf32, #tpu.memory_space<vmem>>, vector<16xf32>,
      %add3A_3139 = arith.addf %get3A_3134, %get3A_3138 : vector<16xf32>
      %get3A_3140 = arith.index_cast %rem3A_2415 : i32 to index
      %get3A_3141 = arith.index_cast %add3A_3083 : i32 to index
      %get3A_3142 = arith.constant 48 : index
      %get3A_3143 = tpu.vector_load %arg13[%get3A_3140, %get3A_3141, %get3A_3142] {strides = array<i32>} : memref<4x64x128xf32, #tpu.memory_space<vmem>>, vector<16xf32>,
      %sub3A_3144 = arith.subf %add3A_3139, %get3A_3143 : vector<16xf32>
      %abs3A_3145 = math.absf %sub3A_3144 : vector<16xf32>
      %add3A_3146 = arith.addf %add3A_3130, %abs3A_3145 : vector<16xf32>
      %get3A_3147 = arith.index_cast %rem3A_2415 : i32 to index
      %get3A_3148 = arith.index_cast %add3A_3083 : i32 to index
      %get3A_3149 = arith.constant 64 : index
      %get3A_3150 = tpu.vector_load %arg11[%get3A_3147, %get3A_3148, %get3A_3149] {strides = array<i32>} : memref<4x64x128xf32, #tpu.memory_space<vmem>>, vector<16xf32>,
      %get3A_3151 = arith.index_cast %rem3A_2415 : i32 to index
      %get3A_3152 = arith.index_cast %add3A_3083 : i32 to index
      %get3A_3153 = arith.constant 64 : index
      %get3A_3154 = tpu.vector_load %arg12[%get3A_3151, %get3A_3152, %get3A_3153] {strides = array<i32>} : memref<4x64x128xf32, #tpu.memory_space<vmem>>, vector<16xf32>,
      %add3A_3155 = arith.addf %get3A_3150, %get3A_3154 : vector<16xf32>
      %get3A_3156 = arith.index_cast %rem3A_2415 : i32 to index
      %get3A_3157 = arith.index_cast %add3A_3083 : i32 to index
      %get3A_3158 = arith.constant 64 : index
      %get3A_3159 = tpu.vector_load %arg13[%get3A_3156, %get3A_3157, %get3A_3158] {strides = array<i32>} : memref<4x64x128xf32, #tpu.memory_space<vmem>>, vector<16xf32>,
      %sub3A_3160 = arith.subf %add3A_3155, %get3A_3159 : vector<16xf32>
      %abs3A_3161 = math.absf %sub3A_3160 : vector<16xf32>
      %add3A_3162 = arith.addf %add3A_3146, %abs3A_3161 : vector<16xf32>
      %get3A_3163 = arith.index_cast %rem3A_2415 : i32 to index
      %get3A_3164 = arith.index_cast %add3A_3083 : i32 to index
      %get3A_3165 = arith.constant 80 : index
      %get3A_3166 = tpu.vector_load %arg11[%get3A_3163, %get3A_3164, %get3A_3165] {strides = array<i32>} : memref<4x64x128xf32, #tpu.memory_space<vmem>>, vector<16xf32>,
      %get3A_3167 = arith.index_cast %rem3A_2415 : i32 to index
      %get3A_3168 = arith.index_cast %add3A_3083 : i32 to index
      %get3A_3169 = arith.constant 80 : index
      %get3A_3170 = tpu.vector_load %arg12[%get3A_3167, %get3A_3168, %get3A_3169] {strides = array<i32>} : memref<4x64x128xf32, #tpu.memory_space<vmem>>, vector<16xf32>,
      %add3A_3171 = arith.addf %get3A_3166, %get3A_3170 : vector<16xf32>
      %get3A_3172 = arith.index_cast %rem3A_2415 : i32 to index
      %get3A_3173 = arith.index_cast %add3A_3083 : i32 to index
      %get3A_3174 = arith.constant 80 : index
      %get3A_3175 = tpu.vector_load %arg13[%get3A_3172, %get3A_3173, %get3A_3174] {strides = array<i32>} : memref<4x64x128xf32, #tpu.memory_space<vmem>>, vector<16xf32>,
      %sub3A_3176 = arith.subf %add3A_3171, %get3A_3175 : vector<16xf32>
      %abs3A_3177 = math.absf %sub3A_3176 : vector<16xf32>
      %add3A_3178 = arith.addf %add3A_3162, %abs3A_3177 : vector<16xf32>
      %get3A_3179 = arith.index_cast %rem3A_2415 : i32 to index
      %get3A_3180 = arith.index_cast %add3A_3083 : i32 to index
      %get3A_3181 = arith.constant 96 : index
      %get3A_3182 = tpu.vector_load %arg11[%get3A_3179, %get3A_3180, %get3A_3181] {strides = array<i32>} : memref<4x64x128xf32, #tpu.memory_space<vmem>>, vector<16xf32>,
      %get3A_3183 = arith.index_cast %rem3A_2415 : i32 to index
      %get3A_3184 = arith.index_cast %add3A_3083 : i32 to index
      %get3A_3185 = arith.constant 96 : index
      %get3A_3186 = tpu.vector_load %arg12[%get3A_3183, %get3A_3184, %get3A_3185] {strides = array<i32>} : memref<4x64x128xf32, #tpu.memory_space<vmem>>, vector<16xf32>,
      %add3A_3187 = arith.addf %get3A_3182, %get3A_3186 : vector<16xf32>
      %get3A_3188 = arith.index_cast %rem3A_2415 : i32 to index
      %get3A_3189 = arith.index_cast %add3A_3083 : i32 to index
      %get3A_3190 = arith.constant 96 : index
      %get3A_3191 = tpu.vector_load %arg13[%get3A_3188, %get3A_3189, %get3A_3190] {strides = array<i32>} : memref<4x64x128xf32, #tpu.memory_space<vmem>>, vector<16xf32>,
      %sub3A_3192 = arith.subf %add3A_3187, %get3A_3191 : vector<16xf32>
      %abs3A_3193 = math.absf %sub3A_3192 : vector<16xf32>
      %add3A_3194 = arith.addf %add3A_3178, %abs3A_3193 : vector<16xf32>
      %get3A_3195 = arith.index_cast %rem3A_2415 : i32 to index
      %get3A_3196 = arith.index_cast %add3A_3083 : i32 to index
      %get3A_3197 = arith.constant 112 : index
      %get3A_3198 = tpu.vector_load %arg11[%get3A_3195, %get3A_3196, %get3A_3197] {strides = array<i32>} : memref<4x64x128xf32, #tpu.memory_space<vmem>>, vector<16xf32>,
      %get3A_3199 = arith.index_cast %rem3A_2415 : i32 to index
      %get3A_3200 = arith.index_cast %add3A_3083 : i32 to index
      %get3A_3201 = arith.constant 112 : index
      %get3A_3202 = tpu.vector_load %arg12[%get3A_3199, %get3A_3200, %get3A_3201] {strides = array<i32>} : memref<4x64x128xf32, #tpu.memory_space<vmem>>, vector<16xf32>,
      %add3A_3203 = arith.addf %get3A_3198, %get3A_3202 : vector<16xf32>
      %get3A_3204 = arith.index_cast %rem3A_2415 : i32 to index
      %get3A_3205 = arith.index_cast %add3A_3083 : i32 to index
      %get3A_3206 = arith.constant 112 : index
      %get3A_3207 = tpu.vector_load %arg13[%get3A_3204, %get3A_3205, %get3A_3206] {strides = array<i32>} : memref<4x64x128xf32, #tpu.memory_space<vmem>>, vector<16xf32>,
      %sub3A_3208 = arith.subf %add3A_3203, %get3A_3207 : vector<16xf32>
      %abs3A_3209 = math.absf %sub3A_3208 : vector<16xf32>
      %add3A_3210 = arith.addf %add3A_3194, %abs3A_3209 : vector<16xf32>
      %swap3A_3211 = arith.constant 85 : index
      %swap3A_3212 = tpu.vector_load %arg15[%swap3A_3211] {strides = array<i32>} : memref<272xf32, #tpu.memory_space<vmem>>, vector<16xf32>,
      tpu.vector_store %arg15[%swap3A_3211], %add3A_3210 {strides = array<i32>} : memref<272xf32, #tpu.memory_space<vmem>>, vector<16xf32>,
      %add3A_3213 = arith.constant 6 : i32
      %add3A_3214 = arith.addi %mul3A_2426, %add3A_3213 : i32
      %get3A_3215 = arith.index_cast %rem3A_2415 : i32 to index
      %get3A_3216 = arith.index_cast %add3A_3214 : i32 to index
      %get3A_3217 = arith.constant 0 : index
      %get3A_3218 = tpu.vector_load %arg11[%get3A_3215, %get3A_3216, %get3A_3217] {strides = array<i32>} : memref<4x64x128xf32, #tpu.memory_space<vmem>>, vector<16xf32>,
      %get3A_3219 = arith.index_cast %rem3A_2415 : i32 to index
      %get3A_3220 = arith.index_cast %add3A_3214 : i32 to index
      %get3A_3221 = arith.constant 0 : index
      %get3A_3222 = tpu.vector_load %arg12[%get3A_3219, %get3A_3220, %get3A_3221] {strides = array<i32>} : memref<4x64x128xf32, #tpu.memory_space<vmem>>, vector<16xf32>,
      %add3A_3223 = arith.addf %get3A_3218, %get3A_3222 : vector<16xf32>
      %get3A_3224 = arith.index_cast %rem3A_2415 : i32 to index
      %get3A_3225 = arith.index_cast %add3A_3214 : i32 to index
      %get3A_3226 = arith.constant 0 : index
      %get3A_3227 = tpu.vector_load %arg13[%get3A_3224, %get3A_3225, %get3A_3226] {strides = array<i32>} : memref<4x64x128xf32, #tpu.memory_space<vmem>>, vector<16xf32>,
      %sub3A_3228 = arith.subf %add3A_3223, %get3A_3227 : vector<16xf32>
      %abs3A_3229 = math.absf %sub3A_3228 : vector<16xf32>
      %get3A_3230 = arith.index_cast %rem3A_2415 : i32 to index
      %get3A_3231 = arith.index_cast %add3A_3214 : i32 to index
      %get3A_3232 = arith.constant 16 : index
      %get3A_3233 = tpu.vector_load %arg11[%get3A_3230, %get3A_3231, %get3A_3232] {strides = array<i32>} : memref<4x64x128xf32, #tpu.memory_space<vmem>>, vector<16xf32>,
      %get3A_3234 = arith.index_cast %rem3A_2415 : i32 to index
      %get3A_3235 = arith.index_cast %add3A_3214 : i32 to index
      %get3A_3236 = arith.constant 16 : index
      %get3A_3237 = tpu.vector_load %arg12[%get3A_3234, %get3A_3235, %get3A_3236] {strides = array<i32>} : memref<4x64x128xf32, #tpu.memory_space<vmem>>, vector<16xf32>,
      %add3A_3238 = arith.addf %get3A_3233, %get3A_3237 : vector<16xf32>
      %get3A_3239 = arith.index_cast %rem3A_2415 : i32 to index
      %get3A_3240 = arith.index_cast %add3A_3214 : i32 to index
      %get3A_3241 = arith.constant 16 : index
      %get3A_3242 = tpu.vector_load %arg13[%get3A_3239, %get3A_3240, %get3A_3241] {strides = array<i32>} : memref<4x64x128xf32, #tpu.memory_space<vmem>>, vector<16xf32>,
      %sub3A_3243 = arith.subf %add3A_3238, %get3A_3242 : vector<16xf32>
      %abs3A_3244 = math.absf %sub3A_3243 : vector<16xf32>
      %add3A_3245 = arith.addf %abs3A_3229, %abs3A_3244 : vector<16xf32>
      %get3A_3246 = arith.index_cast %rem3A_2415 : i32 to index
      %get3A_3247 = arith.index_cast %add3A_3214 : i32 to index
      %get3A_3248 = arith.constant 32 : index
      %get3A_3249 = tpu.vector_load %arg11[%get3A_3246, %get3A_3247, %get3A_3248] {strides = array<i32>} : memref<4x64x128xf32, #tpu.memory_space<vmem>>, vector<16xf32>,
      %get3A_3250 = arith.index_cast %rem3A_2415 : i32 to index
      %get3A_3251 = arith.index_cast %add3A_3214 : i32 to index
      %get3A_3252 = arith.constant 32 : index
      %get3A_3253 = tpu.vector_load %arg12[%get3A_3250, %get3A_3251, %get3A_3252] {strides = array<i32>} : memref<4x64x128xf32, #tpu.memory_space<vmem>>, vector<16xf32>,
      %add3A_3254 = arith.addf %get3A_3249, %get3A_3253 : vector<16xf32>
      %get3A_3255 = arith.index_cast %rem3A_2415 : i32 to index
      %get3A_3256 = arith.index_cast %add3A_3214 : i32 to index
      %get3A_3257 = arith.constant 32 : index
      %get3A_3258 = tpu.vector_load %arg13[%get3A_3255, %get3A_3256, %get3A_3257] {strides = array<i32>} : memref<4x64x128xf32, #tpu.memory_space<vmem>>, vector<16xf32>,
      %sub3A_3259 = arith.subf %add3A_3254, %get3A_3258 : vector<16xf32>
      %abs3A_3260 = math.absf %sub3A_3259 : vector<16xf32>
      %add3A_3261 = arith.addf %add3A_3245, %abs3A_3260 : vector<16xf32>
      %get3A_3262 = arith.index_cast %rem3A_2415 : i32 to index
      %get3A_3263 = arith.index_cast %add3A_3214 : i32 to index
      %get3A_3264 = arith.constant 48 : index
      %get3A_3265 = tpu.vector_load %arg11[%get3A_3262, %get3A_3263, %get3A_3264] {strides = array<i32>} : memref<4x64x128xf32, #tpu.memory_space<vmem>>, vector<16xf32>,
      %get3A_3266 = arith.index_cast %rem3A_2415 : i32 to index
      %get3A_3267 = arith.index_cast %add3A_3214 : i32 to index
      %get3A_3268 = arith.constant 48 : index
      %get3A_3269 = tpu.vector_load %arg12[%get3A_3266, %get3A_3267, %get3A_3268] {strides = array<i32>} : memref<4x64x128xf32, #tpu.memory_space<vmem>>, vector<16xf32>,
      %add3A_3270 = arith.addf %get3A_3265, %get3A_3269 : vector<16xf32>
      %get3A_3271 = arith.index_cast %rem3A_2415 : i32 to index
      %get3A_3272 = arith.index_cast %add3A_3214 : i32 to index
      %get3A_3273 = arith.constant 48 : index
      %get3A_3274 = tpu.vector_load %arg13[%get3A_3271, %get3A_3272, %get3A_3273] {strides = array<i32>} : memref<4x64x128xf32, #tpu.memory_space<vmem>>, vector<16xf32>,
      %sub3A_3275 = arith.subf %add3A_3270, %get3A_3274 : vector<16xf32>
      %abs3A_3276 = math.absf %sub3A_3275 : vector<16xf32>
      %add3A_3277 = arith.addf %add3A_3261, %abs3A_3276 : vector<16xf32>
      %get3A_3278 = arith.index_cast %rem3A_2415 : i32 to index
      %get3A_3279 = arith.index_cast %add3A_3214 : i32 to index
      %get3A_3280 = arith.constant 64 : index
      %get3A_3281 = tpu.vector_load %arg11[%get3A_3278, %get3A_3279, %get3A_3280] {strides = array<i32>} : memref<4x64x128xf32, #tpu.memory_space<vmem>>, vector<16xf32>,
      %get3A_3282 = arith.index_cast %rem3A_2415 : i32 to index
      %get3A_3283 = arith.index_cast %add3A_3214 : i32 to index
      %get3A_3284 = arith.constant 64 : index
      %get3A_3285 = tpu.vector_load %arg12[%get3A_3282, %get3A_3283, %get3A_3284] {strides = array<i32>} : memref<4x64x128xf32, #tpu.memory_space<vmem>>, vector<16xf32>,
      %add3A_3286 = arith.addf %get3A_3281, %get3A_3285 : vector<16xf32>
      %get3A_3287 = arith.index_cast %rem3A_2415 : i32 to index
      %get3A_3288 = arith.index_cast %add3A_3214 : i32 to index
      %get3A_3289 = arith.constant 64 : index
      %get3A_3290 = tpu.vector_load %arg13[%get3A_3287, %get3A_3288, %get3A_3289] {strides = array<i32>} : memref<4x64x128xf32, #tpu.memory_space<vmem>>, vector<16xf32>,
      %sub3A_3291 = arith.subf %add3A_3286, %get3A_3290 : vector<16xf32>
      %abs3A_3292 = math.absf %sub3A_3291 : vector<16xf32>
      %add3A_3293 = arith.addf %add3A_3277, %abs3A_3292 : vector<16xf32>
      %get3A_3294 = arith.index_cast %rem3A_2415 : i32 to index
      %get3A_3295 = arith.index_cast %add3A_3214 : i32 to index
      %get3A_3296 = arith.constant 80 : index
      %get3A_3297 = tpu.vector_load %arg11[%get3A_3294, %get3A_3295, %get3A_3296] {strides = array<i32>} : memref<4x64x128xf32, #tpu.memory_space<vmem>>, vector<16xf32>,
      %get3A_3298 = arith.index_cast %rem3A_2415 : i32 to index
      %get3A_3299 = arith.index_cast %add3A_3214 : i32 to index
      %get3A_3300 = arith.constant 80 : index
      %get3A_3301 = tpu.vector_load %arg12[%get3A_3298, %get3A_3299, %get3A_3300] {strides = array<i32>} : memref<4x64x128xf32, #tpu.memory_space<vmem>>, vector<16xf32>,
      %add3A_3302 = arith.addf %get3A_3297, %get3A_3301 : vector<16xf32>
      %get3A_3303 = arith.index_cast %rem3A_2415 : i32 to index
      %get3A_3304 = arith.index_cast %add3A_3214 : i32 to index
      %get3A_3305 = arith.constant 80 : index
      %get3A_3306 = tpu.vector_load %arg13[%get3A_3303, %get3A_3304, %get3A_3305] {strides = array<i32>} : memref<4x64x128xf32, #tpu.memory_space<vmem>>, vector<16xf32>,
      %sub3A_3307 = arith.subf %add3A_3302, %get3A_3306 : vector<16xf32>
      %abs3A_3308 = math.absf %sub3A_3307 : vector<16xf32>
      %add3A_3309 = arith.addf %add3A_3293, %abs3A_3308 : vector<16xf32>
      %get3A_3310 = arith.index_cast %rem3A_2415 : i32 to index
      %get3A_3311 = arith.index_cast %add3A_3214 : i32 to index
      %get3A_3312 = arith.constant 96 : index
      %get3A_3313 = tpu.vector_load %arg11[%get3A_3310, %get3A_3311, %get3A_3312] {strides = array<i32>} : memref<4x64x128xf32, #tpu.memory_space<vmem>>, vector<16xf32>,
      %get3A_3314 = arith.index_cast %rem3A_2415 : i32 to index
      %get3A_3315 = arith.index_cast %add3A_3214 : i32 to index
      %get3A_3316 = arith.constant 96 : index
      %get3A_3317 = tpu.vector_load %arg12[%get3A_3314, %get3A_3315, %get3A_3316] {strides = array<i32>} : memref<4x64x128xf32, #tpu.memory_space<vmem>>, vector<16xf32>,
      %add3A_3318 = arith.addf %get3A_3313, %get3A_3317 : vector<16xf32>
      %get3A_3319 = arith.index_cast %rem3A_2415 : i32 to index
      %get3A_3320 = arith.index_cast %add3A_3214 : i32 to index
      %get3A_3321 = arith.constant 96 : index
      %get3A_3322 = tpu.vector_load %arg13[%get3A_3319, %get3A_3320, %get3A_3321] {strides = array<i32>} : memref<4x64x128xf32, #tpu.memory_space<vmem>>, vector<16xf32>,
      %sub3A_3323 = arith.subf %add3A_3318, %get3A_3322 : vector<16xf32>
      %abs3A_3324 = math.absf %sub3A_3323 : vector<16xf32>
      %add3A_3325 = arith.addf %add3A_3309, %abs3A_3324 : vector<16xf32>
      %get3A_3326 = arith.index_cast %rem3A_2415 : i32 to index
      %get3A_3327 = arith.index_cast %add3A_3214 : i32 to index
      %get3A_3328 = arith.constant 112 : index
      %get3A_3329 = tpu.vector_load %arg11[%get3A_3326, %get3A_3327, %get3A_3328] {strides = array<i32>} : memref<4x64x128xf32, #tpu.memory_space<vmem>>, vector<16xf32>,
      %get3A_3330 = arith.index_cast %rem3A_2415 : i32 to index
      %get3A_3331 = arith.index_cast %add3A_3214 : i32 to index
      %get3A_3332 = arith.constant 112 : index
      %get3A_3333 = tpu.vector_load %arg12[%get3A_3330, %get3A_3331, %get3A_3332] {strides = array<i32>} : memref<4x64x128xf32, #tpu.memory_space<vmem>>, vector<16xf32>,
      %add3A_3334 = arith.addf %get3A_3329, %get3A_3333 : vector<16xf32>
      %get3A_3335 = arith.index_cast %rem3A_2415 : i32 to index
      %get3A_3336 = arith.index_cast %add3A_3214 : i32 to index
      %get3A_3337 = arith.constant 112 : index
      %get3A_3338 = tpu.vector_load %arg13[%get3A_3335, %get3A_3336, %get3A_3337] {strides = array<i32>} : memref<4x64x128xf32, #tpu.memory_space<vmem>>, vector<16xf32>,
      %sub3A_3339 = arith.subf %add3A_3334, %get3A_3338 : vector<16xf32>
      %abs3A_3340 = math.absf %sub3A_3339 : vector<16xf32>
      %add3A_3341 = arith.addf %add3A_3325, %abs3A_3340 : vector<16xf32>
      %swap3A_3342 = arith.constant 102 : index
      %swap3A_3343 = tpu.vector_load %arg15[%swap3A_3342] {strides = array<i32>} : memref<272xf32, #tpu.memory_space<vmem>>, vector<16xf32>,
      tpu.vector_store %arg15[%swap3A_3342], %add3A_3341 {strides = array<i32>} : memref<272xf32, #tpu.memory_space<vmem>>, vector<16xf32>,
      %add3A_3344 = arith.constant 7 : i32
      %add3A_3345 = arith.addi %mul3A_2426, %add3A_3344 : i32
      %get3A_3346 = arith.index_cast %rem3A_2415 : i32 to index
      %get3A_3347 = arith.index_cast %add3A_3345 : i32 to index
      %get3A_3348 = arith.constant 0 : index
      %get3A_3349 = tpu.vector_load %arg11[%get3A_3346, %get3A_3347, %get3A_3348] {strides = array<i32>} : memref<4x64x128xf32, #tpu.memory_space<vmem>>, vector<16xf32>,
      %get3A_3350 = arith.index_cast %rem3A_2415 : i32 to index
      %get3A_3351 = arith.index_cast %add3A_3345 : i32 to index
      %get3A_3352 = arith.constant 0 : index
      %get3A_3353 = tpu.vector_load %arg12[%get3A_3350, %get3A_3351, %get3A_3352] {strides = array<i32>} : memref<4x64x128xf32, #tpu.memory_space<vmem>>, vector<16xf32>,
      %add3A_3354 = arith.addf %get3A_3349, %get3A_3353 : vector<16xf32>
      %get3A_3355 = arith.index_cast %rem3A_2415 : i32 to index
      %get3A_3356 = arith.index_cast %add3A_3345 : i32 to index
      %get3A_3357 = arith.constant 0 : index
      %get3A_3358 = tpu.vector_load %arg13[%get3A_3355, %get3A_3356, %get3A_3357] {strides = array<i32>} : memref<4x64x128xf32, #tpu.memory_space<vmem>>, vector<16xf32>,
      %sub3A_3359 = arith.subf %add3A_3354, %get3A_3358 : vector<16xf32>
      %abs3A_3360 = math.absf %sub3A_3359 : vector<16xf32>
      %get3A_3361 = arith.index_cast %rem3A_2415 : i32 to index
      %get3A_3362 = arith.index_cast %add3A_3345 : i32 to index
      %get3A_3363 = arith.constant 16 : index
      %get3A_3364 = tpu.vector_load %arg11[%get3A_3361, %get3A_3362, %get3A_3363] {strides = array<i32>} : memref<4x64x128xf32, #tpu.memory_space<vmem>>, vector<16xf32>,
      %get3A_3365 = arith.index_cast %rem3A_2415 : i32 to index
      %get3A_3366 = arith.index_cast %add3A_3345 : i32 to index
      %get3A_3367 = arith.constant 16 : index
      %get3A_3368 = tpu.vector_load %arg12[%get3A_3365, %get3A_3366, %get3A_3367] {strides = array<i32>} : memref<4x64x128xf32, #tpu.memory_space<vmem>>, vector<16xf32>,
      %add3A_3369 = arith.addf %get3A_3364, %get3A_3368 : vector<16xf32>
      %get3A_3370 = arith.index_cast %rem3A_2415 : i32 to index
      %get3A_3371 = arith.index_cast %add3A_3345 : i32 to index
      %get3A_3372 = arith.constant 16 : index
      %get3A_3373 = tpu.vector_load %arg13[%get3A_3370, %get3A_3371, %get3A_3372] {strides = array<i32>} : memref<4x64x128xf32, #tpu.memory_space<vmem>>, vector<16xf32>,
      %sub3A_3374 = arith.subf %add3A_3369, %get3A_3373 : vector<16xf32>
      %abs3A_3375 = math.absf %sub3A_3374 : vector<16xf32>
      %add3A_3376 = arith.addf %abs3A_3360, %abs3A_3375 : vector<16xf32>
      %get3A_3377 = arith.index_cast %rem3A_2415 : i32 to index
      %get3A_3378 = arith.index_cast %add3A_3345 : i32 to index
      %get3A_3379 = arith.constant 32 : index
      %get3A_3380 = tpu.vector_load %arg11[%get3A_3377, %get3A_3378, %get3A_3379] {strides = array<i32>} : memref<4x64x128xf32, #tpu.memory_space<vmem>>, vector<16xf32>,
      %get3A_3381 = arith.index_cast %rem3A_2415 : i32 to index
      %get3A_3382 = arith.index_cast %add3A_3345 : i32 to index
      %get3A_3383 = arith.constant 32 : index
      %get3A_3384 = tpu.vector_load %arg12[%get3A_3381, %get3A_3382, %get3A_3383] {strides = array<i32>} : memref<4x64x128xf32, #tpu.memory_space<vmem>>, vector<16xf32>,
      %add3A_3385 = arith.addf %get3A_3380, %get3A_3384 : vector<16xf32>
      %get3A_3386 = arith.index_cast %rem3A_2415 : i32 to index
      %get3A_3387 = arith.index_cast %add3A_3345 : i32 to index
      %get3A_3388 = arith.constant 32 : index
      %get3A_3389 = tpu.vector_load %arg13[%get3A_3386, %get3A_3387, %get3A_3388] {strides = array<i32>} : memref<4x64x128xf32, #tpu.memory_space<vmem>>, vector<16xf32>,
      %sub3A_3390 = arith.subf %add3A_3385, %get3A_3389 : vector<16xf32>
      %abs3A_3391 = math.absf %sub3A_3390 : vector<16xf32>
      %add3A_3392 = arith.addf %add3A_3376, %abs3A_3391 : vector<16xf32>
      %get3A_3393 = arith.index_cast %rem3A_2415 : i32 to index
      %get3A_3394 = arith.index_cast %add3A_3345 : i32 to index
      %get3A_3395 = arith.constant 48 : index
      %get3A_3396 = tpu.vector_load %arg11[%get3A_3393, %get3A_3394, %get3A_3395] {strides = array<i32>} : memref<4x64x128xf32, #tpu.memory_space<vmem>>, vector<16xf32>,
      %get3A_3397 = arith.index_cast %rem3A_2415 : i32 to index
      %get3A_3398 = arith.index_cast %add3A_3345 : i32 to index
      %get3A_3399 = arith.constant 48 : index
      %get3A_3400 = tpu.vector_load %arg12[%get3A_3397, %get3A_3398, %get3A_3399] {strides = array<i32>} : memref<4x64x128xf32, #tpu.memory_space<vmem>>, vector<16xf32>,
      %add3A_3401 = arith.addf %get3A_3396, %get3A_3400 : vector<16xf32>
      %get3A_3402 = arith.index_cast %rem3A_2415 : i32 to index
      %get3A_3403 = arith.index_cast %add3A_3345 : i32 to index
      %get3A_3404 = arith.constant 48 : index
      %get3A_3405 = tpu.vector_load %arg13[%get3A_3402, %get3A_3403, %get3A_3404] {strides = array<i32>} : memref<4x64x128xf32, #tpu.memory_space<vmem>>, vector<16xf32>,
      %sub3A_3406 = arith.subf %add3A_3401, %get3A_3405 : vector<16xf32>
      %abs3A_3407 = math.absf %sub3A_3406 : vector<16xf32>
      %add3A_3408 = arith.addf %add3A_3392, %abs3A_3407 : vector<16xf32>
      %get3A_3409 = arith.index_cast %rem3A_2415 : i32 to index
      %get3A_3410 = arith.index_cast %add3A_3345 : i32 to index
      %get3A_3411 = arith.constant 64 : index
      %get3A_3412 = tpu.vector_load %arg11[%get3A_3409, %get3A_3410, %get3A_3411] {strides = array<i32>} : memref<4x64x128xf32, #tpu.memory_space<vmem>>, vector<16xf32>,
      %get3A_3413 = arith.index_cast %rem3A_2415 : i32 to index
      %get3A_3414 = arith.index_cast %add3A_3345 : i32 to index
      %get3A_3415 = arith.constant 64 : index
      %get3A_3416 = tpu.vector_load %arg12[%get3A_3413, %get3A_3414, %get3A_3415] {strides = array<i32>} : memref<4x64x128xf32, #tpu.memory_space<vmem>>, vector<16xf32>,
      %add3A_3417 = arith.addf %get3A_3412, %get3A_3416 : vector<16xf32>
      %get3A_3418 = arith.index_cast %rem3A_2415 : i32 to index
      %get3A_3419 = arith.index_cast %add3A_3345 : i32 to index
      %get3A_3420 = arith.constant 64 : index
      %get3A_3421 = tpu.vector_load %arg13[%get3A_3418, %get3A_3419, %get3A_3420] {strides = array<i32>} : memref<4x64x128xf32, #tpu.memory_space<vmem>>, vector<16xf32>,
      %sub3A_3422 = arith.subf %add3A_3417, %get3A_3421 : vector<16xf32>
      %abs3A_3423 = math.absf %sub3A_3422 : vector<16xf32>
      %add3A_3424 = arith.addf %add3A_3408, %abs3A_3423 : vector<16xf32>
      %get3A_3425 = arith.index_cast %rem3A_2415 : i32 to index
      %get3A_3426 = arith.index_cast %add3A_3345 : i32 to index
      %get3A_3427 = arith.constant 80 : index
      %get3A_3428 = tpu.vector_load %arg11[%get3A_3425, %get3A_3426, %get3A_3427] {strides = array<i32>} : memref<4x64x128xf32, #tpu.memory_space<vmem>>, vector<16xf32>,
      %get3A_3429 = arith.index_cast %rem3A_2415 : i32 to index
      %get3A_3430 = arith.index_cast %add3A_3345 : i32 to index
      %get3A_3431 = arith.constant 80 : index
      %get3A_3432 = tpu.vector_load %arg12[%get3A_3429, %get3A_3430, %get3A_3431] {strides = array<i32>} : memref<4x64x128xf32, #tpu.memory_space<vmem>>, vector<16xf32>,
      %add3A_3433 = arith.addf %get3A_3428, %get3A_3432 : vector<16xf32>
      %get3A_3434 = arith.index_cast %rem3A_2415 : i32 to index
      %get3A_3435 = arith.index_cast %add3A_3345 : i32 to index
      %get3A_3436 = arith.constant 80 : index
      %get3A_3437 = tpu.vector_load %arg13[%get3A_3434, %get3A_3435, %get3A_3436] {strides = array<i32>} : memref<4x64x128xf32, #tpu.memory_space<vmem>>, vector<16xf32>,
      %sub3A_3438 = arith.subf %add3A_3433, %get3A_3437 : vector<16xf32>
      %abs3A_3439 = math.absf %sub3A_3438 : vector<16xf32>
      %add3A_3440 = arith.addf %add3A_3424, %abs3A_3439 : vector<16xf32>
      %get3A_3441 = arith.index_cast %rem3A_2415 : i32 to index
      %get3A_3442 = arith.index_cast %add3A_3345 : i32 to index
      %get3A_3443 = arith.constant 96 : index
      %get3A_3444 = tpu.vector_load %arg11[%get3A_3441, %get3A_3442, %get3A_3443] {strides = array<i32>} : memref<4x64x128xf32, #tpu.memory_space<vmem>>, vector<16xf32>,
      %get3A_3445 = arith.index_cast %rem3A_2415 : i32 to index
      %get3A_3446 = arith.index_cast %add3A_3345 : i32 to index
      %get3A_3447 = arith.constant 96 : index
      %get3A_3448 = tpu.vector_load %arg12[%get3A_3445, %get3A_3446, %get3A_3447] {strides = array<i32>} : memref<4x64x128xf32, #tpu.memory_space<vmem>>, vector<16xf32>,
      %add3A_3449 = arith.addf %get3A_3444, %get3A_3448 : vector<16xf32>
      %get3A_3450 = arith.index_cast %rem3A_2415 : i32 to index
      %get3A_3451 = arith.index_cast %add3A_3345 : i32 to index
      %get3A_3452 = arith.constant 96 : index
      %get3A_3453 = tpu.vector_load %arg13[%get3A_3450, %get3A_3451, %get3A_3452] {strides = array<i32>} : memref<4x64x128xf32, #tpu.memory_space<vmem>>, vector<16xf32>,
      %sub3A_3454 = arith.subf %add3A_3449, %get3A_3453 : vector<16xf32>
      %abs3A_3455 = math.absf %sub3A_3454 : vector<16xf32>
      %add3A_3456 = arith.addf %add3A_3440, %abs3A_3455 : vector<16xf32>
      %get3A_3457 = arith.index_cast %rem3A_2415 : i32 to index
      %get3A_3458 = arith.index_cast %add3A_3345 : i32 to index
      %get3A_3459 = arith.constant 112 : index
      %get3A_3460 = tpu.vector_load %arg11[%get3A_3457, %get3A_3458, %get3A_3459] {strides = array<i32>} : memref<4x64x128xf32, #tpu.memory_space<vmem>>, vector<16xf32>,
      %get3A_3461 = arith.index_cast %rem3A_2415 : i32 to index
      %get3A_3462 = arith.index_cast %add3A_3345 : i32 to index
      %get3A_3463 = arith.constant 112 : index
      %get3A_3464 = tpu.vector_load %arg12[%get3A_3461, %get3A_3462, %get3A_3463] {strides = array<i32>} : memref<4x64x128xf32, #tpu.memory_space<vmem>>, vector<16xf32>,
      %add3A_3465 = arith.addf %get3A_3460, %get3A_3464 : vector<16xf32>
      %get3A_3466 = arith.index_cast %rem3A_2415 : i32 to index
      %get3A_3467 = arith.index_cast %add3A_3345 : i32 to index
      %get3A_3468 = arith.constant 112 : index
      %get3A_3469 = tpu.vector_load %arg13[%get3A_3466, %get3A_3467, %get3A_3468] {strides = array<i32>} : memref<4x64x128xf32, #tpu.memory_space<vmem>>, vector<16xf32>,
      %sub3A_3470 = arith.subf %add3A_3465, %get3A_3469 : vector<16xf32>
      %abs3A_3471 = math.absf %sub3A_3470 : vector<16xf32>
      %add3A_3472 = arith.addf %add3A_3456, %abs3A_3471 : vector<16xf32>
      %swap3A_3473 = arith.constant 119 : index
      %swap3A_3474 = tpu.vector_load %arg15[%swap3A_3473] {strides = array<i32>} : memref<272xf32, #tpu.memory_space<vmem>>, vector<16xf32>,
      tpu.vector_store %arg15[%swap3A_3473], %add3A_3472 {strides = array<i32>} : memref<272xf32, #tpu.memory_space<vmem>>, vector<16xf32>,
      %add3A_3475 = arith.constant 8 : i32
      %add3A_3476 = arith.addi %mul3A_2426, %add3A_3475 : i32
      %get3A_3477 = arith.index_cast %rem3A_2415 : i32 to index
      %get3A_3478 = arith.index_cast %add3A_3476 : i32 to index
      %get3A_3479 = arith.constant 0 : index
      %get3A_3480 = tpu.vector_load %arg11[%get3A_3477, %get3A_3478, %get3A_3479] {strides = array<i32>} : memref<4x64x128xf32, #tpu.memory_space<vmem>>, vector<16xf32>,
      %get3A_3481 = arith.index_cast %rem3A_2415 : i32 to index
      %get3A_3482 = arith.index_cast %add3A_3476 : i32 to index
      %get3A_3483 = arith.constant 0 : index
      %get3A_3484 = tpu.vector_load %arg12[%get3A_3481, %get3A_3482, %get3A_3483] {strides = array<i32>} : memref<4x64x128xf32, #tpu.memory_space<vmem>>, vector<16xf32>,
      %add3A_3485 = arith.addf %get3A_3480, %get3A_3484 : vector<16xf32>
      %get3A_3486 = arith.index_cast %rem3A_2415 : i32 to index
      %get3A_3487 = arith.index_cast %add3A_3476 : i32 to index
      %get3A_3488 = arith.constant 0 : index
      %get3A_3489 = tpu.vector_load %arg13[%get3A_3486, %get3A_3487, %get3A_3488] {strides = array<i32>} : memref<4x64x128xf32, #tpu.memory_space<vmem>>, vector<16xf32>,
      %sub3A_3490 = arith.subf %add3A_3485, %get3A_3489 : vector<16xf32>
      %abs3A_3491 = math.absf %sub3A_3490 : vector<16xf32>
      %get3A_3492 = arith.index_cast %rem3A_2415 : i32 to index
      %get3A_3493 = arith.index_cast %add3A_3476 : i32 to index
      %get3A_3494 = arith.constant 16 : index
      %get3A_3495 = tpu.vector_load %arg11[%get3A_3492, %get3A_3493, %get3A_3494] {strides = array<i32>} : memref<4x64x128xf32, #tpu.memory_space<vmem>>, vector<16xf32>,
      %get3A_3496 = arith.index_cast %rem3A_2415 : i32 to index
      %get3A_3497 = arith.index_cast %add3A_3476 : i32 to index
      %get3A_3498 = arith.constant 16 : index
      %get3A_3499 = tpu.vector_load %arg12[%get3A_3496, %get3A_3497, %get3A_3498] {strides = array<i32>} : memref<4x64x128xf32, #tpu.memory_space<vmem>>, vector<16xf32>,
      %add3A_3500 = arith.addf %get3A_3495, %get3A_3499 : vector<16xf32>
      %get3A_3501 = arith.index_cast %rem3A_2415 : i32 to index
      %get3A_3502 = arith.index_cast %add3A_3476 : i32 to index
      %get3A_3503 = arith.constant 16 : index
      %get3A_3504 = tpu.vector_load %arg13[%get3A_3501, %get3A_3502, %get3A_3503] {strides = array<i32>} : memref<4x64x128xf32, #tpu.memory_space<vmem>>, vector<16xf32>,
      %sub3A_3505 = arith.subf %add3A_3500, %get3A_3504 : vector<16xf32>
      %abs3A_3506 = math.absf %sub3A_3505 : vector<16xf32>
      %add3A_3507 = arith.addf %abs3A_3491, %abs3A_3506 : vector<16xf32>
      %get3A_3508 = arith.index_cast %rem3A_2415 : i32 to index
      %get3A_3509 = arith.index_cast %add3A_3476 : i32 to index
      %get3A_3510 = arith.constant 32 : index
      %get3A_3511 = tpu.vector_load %arg11[%get3A_3508, %get3A_3509, %get3A_3510] {strides = array<i32>} : memref<4x64x128xf32, #tpu.memory_space<vmem>>, vector<16xf32>,
      %get3A_3512 = arith.index_cast %rem3A_2415 : i32 to index
      %get3A_3513 = arith.index_cast %add3A_3476 : i32 to index
      %get3A_3514 = arith.constant 32 : index
      %get3A_3515 = tpu.vector_load %arg12[%get3A_3512, %get3A_3513, %get3A_3514] {strides = array<i32>} : memref<4x64x128xf32, #tpu.memory_space<vmem>>, vector<16xf32>,
      %add3A_3516 = arith.addf %get3A_3511, %get3A_3515 : vector<16xf32>
      %get3A_3517 = arith.index_cast %rem3A_2415 : i32 to index
      %get3A_3518 = arith.index_cast %add3A_3476 : i32 to index
      %get3A_3519 = arith.constant 32 : index
      %get3A_3520 = tpu.vector_load %arg13[%get3A_3517, %get3A_3518, %get3A_3519] {strides = array<i32>} : memref<4x64x128xf32, #tpu.memory_space<vmem>>, vector<16xf32>,
      %sub3A_3521 = arith.subf %add3A_3516, %get3A_3520 : vector<16xf32>
      %abs3A_3522 = math.absf %sub3A_3521 : vector<16xf32>
      %add3A_3523 = arith.addf %add3A_3507, %abs3A_3522 : vector<16xf32>
      %get3A_3524 = arith.index_cast %rem3A_2415 : i32 to index
      %get3A_3525 = arith.index_cast %add3A_3476 : i32 to index
      %get3A_3526 = arith.constant 48 : index
      %get3A_3527 = tpu.vector_load %arg11[%get3A_3524, %get3A_3525, %get3A_3526] {strides = array<i32>} : memref<4x64x128xf32, #tpu.memory_space<vmem>>, vector<16xf32>,
      %get3A_3528 = arith.index_cast %rem3A_2415 : i32 to index
      %get3A_3529 = arith.index_cast %add3A_3476 : i32 to index
      %get3A_3530 = arith.constant 48 : index
      %get3A_3531 = tpu.vector_load %arg12[%get3A_3528, %get3A_3529, %get3A_3530] {strides = array<i32>} : memref<4x64x128xf32, #tpu.memory_space<vmem>>, vector<16xf32>,
      %add3A_3532 = arith.addf %get3A_3527, %get3A_3531 : vector<16xf32>
      %get3A_3533 = arith.index_cast %rem3A_2415 : i32 to index
      %get3A_3534 = arith.index_cast %add3A_3476 : i32 to index
      %get3A_3535 = arith.constant 48 : index
      %get3A_3536 = tpu.vector_load %arg13[%get3A_3533, %get3A_3534, %get3A_3535] {strides = array<i32>} : memref<4x64x128xf32, #tpu.memory_space<vmem>>, vector<16xf32>,
      %sub3A_3537 = arith.subf %add3A_3532, %get3A_3536 : vector<16xf32>
      %abs3A_3538 = math.absf %sub3A_3537 : vector<16xf32>
      %add3A_3539 = arith.addf %add3A_3523, %abs3A_3538 : vector<16xf32>
      %get3A_3540 = arith.index_cast %rem3A_2415 : i32 to index
      %get3A_3541 = arith.index_cast %add3A_3476 : i32 to index
      %get3A_3542 = arith.constant 64 : index
      %get3A_3543 = tpu.vector_load %arg11[%get3A_3540, %get3A_3541, %get3A_3542] {strides = array<i32>} : memref<4x64x128xf32, #tpu.memory_space<vmem>>, vector<16xf32>,
      %get3A_3544 = arith.index_cast %rem3A_2415 : i32 to index
      %get3A_3545 = arith.index_cast %add3A_3476 : i32 to index
      %get3A_3546 = arith.constant 64 : index
      %get3A_3547 = tpu.vector_load %arg12[%get3A_3544, %get3A_3545, %get3A_3546] {strides = array<i32>} : memref<4x64x128xf32, #tpu.memory_space<vmem>>, vector<16xf32>,
      %add3A_3548 = arith.addf %get3A_3543, %get3A_3547 : vector<16xf32>
      %get3A_3549 = arith.index_cast %rem3A_2415 : i32 to index
      %get3A_3550 = arith.index_cast %add3A_3476 : i32 to index
      %get3A_3551 = arith.constant 64 : index
      %get3A_3552 = tpu.vector_load %arg13[%get3A_3549, %get3A_3550, %get3A_3551] {strides = array<i32>} : memref<4x64x128xf32, #tpu.memory_space<vmem>>, vector<16xf32>,
      %sub3A_3553 = arith.subf %add3A_3548, %get3A_3552 : vector<16xf32>
      %abs3A_3554 = math.absf %sub3A_3553 : vector<16xf32>
      %add3A_3555 = arith.addf %add3A_3539, %abs3A_3554 : vector<16xf32>
      %get3A_3556 = arith.index_cast %rem3A_2415 : i32 to index
      %get3A_3557 = arith.index_cast %add3A_3476 : i32 to index
      %get3A_3558 = arith.constant 80 : index
      %get3A_3559 = tpu.vector_load %arg11[%get3A_3556, %get3A_3557, %get3A_3558] {strides = array<i32>} : memref<4x64x128xf32, #tpu.memory_space<vmem>>, vector<16xf32>,
      %get3A_3560 = arith.index_cast %rem3A_2415 : i32 to index
      %get3A_3561 = arith.index_cast %add3A_3476 : i32 to index
      %get3A_3562 = arith.constant 80 : index
      %get3A_3563 = tpu.vector_load %arg12[%get3A_3560, %get3A_3561, %get3A_3562] {strides = array<i32>} : memref<4x64x128xf32, #tpu.memory_space<vmem>>, vector<16xf32>,
      %add3A_3564 = arith.addf %get3A_3559, %get3A_3563 : vector<16xf32>
      %get3A_3565 = arith.index_cast %rem3A_2415 : i32 to index
      %get3A_3566 = arith.index_cast %add3A_3476 : i32 to index
      %get3A_3567 = arith.constant 80 : index
      %get3A_3568 = tpu.vector_load %arg13[%get3A_3565, %get3A_3566, %get3A_3567] {strides = array<i32>} : memref<4x64x128xf32, #tpu.memory_space<vmem>>, vector<16xf32>,
      %sub3A_3569 = arith.subf %add3A_3564, %get3A_3568 : vector<16xf32>
      %abs3A_3570 = math.absf %sub3A_3569 : vector<16xf32>
      %add3A_3571 = arith.addf %add3A_3555, %abs3A_3570 : vector<16xf32>
      %get3A_3572 = arith.index_cast %rem3A_2415 : i32 to index
      %get3A_3573 = arith.index_cast %add3A_3476 : i32 to index
      %get3A_3574 = arith.constant 96 : index
      %get3A_3575 = tpu.vector_load %arg11[%get3A_3572, %get3A_3573, %get3A_3574] {strides = array<i32>} : memref<4x64x128xf32, #tpu.memory_space<vmem>>, vector<16xf32>,
      %get3A_3576 = arith.index_cast %rem3A_2415 : i32 to index
      %get3A_3577 = arith.index_cast %add3A_3476 : i32 to index
      %get3A_3578 = arith.constant 96 : index
      %get3A_3579 = tpu.vector_load %arg12[%get3A_3576, %get3A_3577, %get3A_3578] {strides = array<i32>} : memref<4x64x128xf32, #tpu.memory_space<vmem>>, vector<16xf32>,
      %add3A_3580 = arith.addf %get3A_3575, %get3A_3579 : vector<16xf32>
      %get3A_3581 = arith.index_cast %rem3A_2415 : i32 to index
      %get3A_3582 = arith.index_cast %add3A_3476 : i32 to index
      %get3A_3583 = arith.constant 96 : index
      %get3A_3584 = tpu.vector_load %arg13[%get3A_3581, %get3A_3582, %get3A_3583] {strides = array<i32>} : memref<4x64x128xf32, #tpu.memory_space<vmem>>, vector<16xf32>,
      %sub3A_3585 = arith.subf %add3A_3580, %get3A_3584 : vector<16xf32>
      %abs3A_3586 = math.absf %sub3A_3585 : vector<16xf32>
      %add3A_3587 = arith.addf %add3A_3571, %abs3A_3586 : vector<16xf32>
      %get3A_3588 = arith.index_cast %rem3A_2415 : i32 to index
      %get3A_3589 = arith.index_cast %add3A_3476 : i32 to index
      %get3A_3590 = arith.constant 112 : index
      %get3A_3591 = tpu.vector_load %arg11[%get3A_3588, %get3A_3589, %get3A_3590] {strides = array<i32>} : memref<4x64x128xf32, #tpu.memory_space<vmem>>, vector<16xf32>,
      %get3A_3592 = arith.index_cast %rem3A_2415 : i32 to index
      %get3A_3593 = arith.index_cast %add3A_3476 : i32 to index
      %get3A_3594 = arith.constant 112 : index
      %get3A_3595 = tpu.vector_load %arg12[%get3A_3592, %get3A_3593, %get3A_3594] {strides = array<i32>} : memref<4x64x128xf32, #tpu.memory_space<vmem>>, vector<16xf32>,
      %add3A_3596 = arith.addf %get3A_3591, %get3A_3595 : vector<16xf32>
      %get3A_3597 = arith.index_cast %rem3A_2415 : i32 to index
      %get3A_3598 = arith.index_cast %add3A_3476 : i32 to index
      %get3A_3599 = arith.constant 112 : index
      %get3A_3600 = tpu.vector_load %arg13[%get3A_3597, %get3A_3598, %get3A_3599] {strides = array<i32>} : memref<4x64x128xf32, #tpu.memory_space<vmem>>, vector<16xf32>,
      %sub3A_3601 = arith.subf %add3A_3596, %get3A_3600 : vector<16xf32>
      %abs3A_3602 = math.absf %sub3A_3601 : vector<16xf32>
      %add3A_3603 = arith.addf %add3A_3587, %abs3A_3602 : vector<16xf32>
      %swap3A_3604 = arith.constant 136 : index
      %swap3A_3605 = tpu.vector_load %arg15[%swap3A_3604] {strides = array<i32>} : memref<272xf32, #tpu.memory_space<vmem>>, vector<16xf32>,
      tpu.vector_store %arg15[%swap3A_3604], %add3A_3603 {strides = array<i32>} : memref<272xf32, #tpu.memory_space<vmem>>, vector<16xf32>,
      %add3A_3606 = arith.constant 9 : i32
      %add3A_3607 = arith.addi %mul3A_2426, %add3A_3606 : i32
      %get3A_3608 = arith.index_cast %rem3A_2415 : i32 to index
      %get3A_3609 = arith.index_cast %add3A_3607 : i32 to index
      %get3A_3610 = arith.constant 0 : index
      %get3A_3611 = tpu.vector_load %arg11[%get3A_3608, %get3A_3609, %get3A_3610] {strides = array<i32>} : memref<4x64x128xf32, #tpu.memory_space<vmem>>, vector<16xf32>,
      %get3A_3612 = arith.index_cast %rem3A_2415 : i32 to index
      %get3A_3613 = arith.index_cast %add3A_3607 : i32 to index
      %get3A_3614 = arith.constant 0 : index
      %get3A_3615 = tpu.vector_load %arg12[%get3A_3612, %get3A_3613, %get3A_3614] {strides = array<i32>} : memref<4x64x128xf32, #tpu.memory_space<vmem>>, vector<16xf32>,
      %add3A_3616 = arith.addf %get3A_3611, %get3A_3615 : vector<16xf32>
      %get3A_3617 = arith.index_cast %rem3A_2415 : i32 to index
      %get3A_3618 = arith.index_cast %add3A_3607 : i32 to index
      %get3A_3619 = arith.constant 0 : index
      %get3A_3620 = tpu.vector_load %arg13[%get3A_3617, %get3A_3618, %get3A_3619] {strides = array<i32>} : memref<4x64x128xf32, #tpu.memory_space<vmem>>, vector<16xf32>,
      %sub3A_3621 = arith.subf %add3A_3616, %get3A_3620 : vector<16xf32>
      %abs3A_3622 = math.absf %sub3A_3621 : vector<16xf32>
      %get3A_3623 = arith.index_cast %rem3A_2415 : i32 to index
      %get3A_3624 = arith.index_cast %add3A_3607 : i32 to index
      %get3A_3625 = arith.constant 16 : index
      %get3A_3626 = tpu.vector_load %arg11[%get3A_3623, %get3A_3624, %get3A_3625] {strides = array<i32>} : memref<4x64x128xf32, #tpu.memory_space<vmem>>, vector<16xf32>,
      %get3A_3627 = arith.index_cast %rem3A_2415 : i32 to index
      %get3A_3628 = arith.index_cast %add3A_3607 : i32 to index
      %get3A_3629 = arith.constant 16 : index
      %get3A_3630 = tpu.vector_load %arg12[%get3A_3627, %get3A_3628, %get3A_3629] {strides = array<i32>} : memref<4x64x128xf32, #tpu.memory_space<vmem>>, vector<16xf32>,
      %add3A_3631 = arith.addf %get3A_3626, %get3A_3630 : vector<16xf32>
      %get3A_3632 = arith.index_cast %rem3A_2415 : i32 to index
      %get3A_3633 = arith.index_cast %add3A_3607 : i32 to index
      %get3A_3634 = arith.constant 16 : index
      %get3A_3635 = tpu.vector_load %arg13[%get3A_3632, %get3A_3633, %get3A_3634] {strides = array<i32>} : memref<4x64x128xf32, #tpu.memory_space<vmem>>, vector<16xf32>,
      %sub3A_3636 = arith.subf %add3A_3631, %get3A_3635 : vector<16xf32>
      %abs3A_3637 = math.absf %sub3A_3636 : vector<16xf32>
      %add3A_3638 = arith.addf %abs3A_3622, %abs3A_3637 : vector<16xf32>
      %get3A_3639 = arith.index_cast %rem3A_2415 : i32 to index
      %get3A_3640 = arith.index_cast %add3A_3607 : i32 to index
      %get3A_3641 = arith.constant 32 : index
      %get3A_3642 = tpu.vector_load %arg11[%get3A_3639, %get3A_3640, %get3A_3641] {strides = array<i32>} : memref<4x64x128xf32, #tpu.memory_space<vmem>>, vector<16xf32>,
      %get3A_3643 = arith.index_cast %rem3A_2415 : i32 to index
      %get3A_3644 = arith.index_cast %add3A_3607 : i32 to index
      %get3A_3645 = arith.constant 32 : index
      %get3A_3646 = tpu.vector_load %arg12[%get3A_3643, %get3A_3644, %get3A_3645] {strides = array<i32>} : memref<4x64x128xf32, #tpu.memory_space<vmem>>, vector<16xf32>,
      %add3A_3647 = arith.addf %get3A_3642, %get3A_3646 : vector<16xf32>
      %get3A_3648 = arith.index_cast %rem3A_2415 : i32 to index
      %get3A_3649 = arith.index_cast %add3A_3607 : i32 to index
      %get3A_3650 = arith.constant 32 : index
      %get3A_3651 = tpu.vector_load %arg13[%get3A_3648, %get3A_3649, %get3A_3650] {strides = array<i32>} : memref<4x64x128xf32, #tpu.memory_space<vmem>>, vector<16xf32>,
      %sub3A_3652 = arith.subf %add3A_3647, %get3A_3651 : vector<16xf32>
      %abs3A_3653 = math.absf %sub3A_3652 : vector<16xf32>
      %add3A_3654 = arith.addf %add3A_3638, %abs3A_3653 : vector<16xf32>
      %get3A_3655 = arith.index_cast %rem3A_2415 : i32 to index
      %get3A_3656 = arith.index_cast %add3A_3607 : i32 to index
      %get3A_3657 = arith.constant 48 : index
      %get3A_3658 = tpu.vector_load %arg11[%get3A_3655, %get3A_3656, %get3A_3657] {strides = array<i32>} : memref<4x64x128xf32, #tpu.memory_space<vmem>>, vector<16xf32>,
      %get3A_3659 = arith.index_cast %rem3A_2415 : i32 to index
      %get3A_3660 = arith.index_cast %add3A_3607 : i32 to index
      %get3A_3661 = arith.constant 48 : index
      %get3A_3662 = tpu.vector_load %arg12[%get3A_3659, %get3A_3660, %get3A_3661] {strides = array<i32>} : memref<4x64x128xf32, #tpu.memory_space<vmem>>, vector<16xf32>,
      %add3A_3663 = arith.addf %get3A_3658, %get3A_3662 : vector<16xf32>
      %get3A_3664 = arith.index_cast %rem3A_2415 : i32 to index
      %get3A_3665 = arith.index_cast %add3A_3607 : i32 to index
      %get3A_3666 = arith.constant 48 : index
      %get3A_3667 = tpu.vector_load %arg13[%get3A_3664, %get3A_3665, %get3A_3666] {strides = array<i32>} : memref<4x64x128xf32, #tpu.memory_space<vmem>>, vector<16xf32>,
      %sub3A_3668 = arith.subf %add3A_3663, %get3A_3667 : vector<16xf32>
      %abs3A_3669 = math.absf %sub3A_3668 : vector<16xf32>
      %add3A_3670 = arith.addf %add3A_3654, %abs3A_3669 : vector<16xf32>
      %get3A_3671 = arith.index_cast %rem3A_2415 : i32 to index
      %get3A_3672 = arith.index_cast %add3A_3607 : i32 to index
      %get3A_3673 = arith.constant 64 : index
      %get3A_3674 = tpu.vector_load %arg11[%get3A_3671, %get3A_3672, %get3A_3673] {strides = array<i32>} : memref<4x64x128xf32, #tpu.memory_space<vmem>>, vector<16xf32>,
      %get3A_3675 = arith.index_cast %rem3A_2415 : i32 to index
      %get3A_3676 = arith.index_cast %add3A_3607 : i32 to index
      %get3A_3677 = arith.constant 64 : index
      %get3A_3678 = tpu.vector_load %arg12[%get3A_3675, %get3A_3676, %get3A_3677] {strides = array<i32>} : memref<4x64x128xf32, #tpu.memory_space<vmem>>, vector<16xf32>,
      %add3A_3679 = arith.addf %get3A_3674, %get3A_3678 : vector<16xf32>
      %get3A_3680 = arith.index_cast %rem3A_2415 : i32 to index
      %get3A_3681 = arith.index_cast %add3A_3607 : i32 to index
      %get3A_3682 = arith.constant 64 : index
      %get3A_3683 = tpu.vector_load %arg13[%get3A_3680, %get3A_3681, %get3A_3682] {strides = array<i32>} : memref<4x64x128xf32, #tpu.memory_space<vmem>>, vector<16xf32>,
      %sub3A_3684 = arith.subf %add3A_3679, %get3A_3683 : vector<16xf32>
      %abs3A_3685 = math.absf %sub3A_3684 : vector<16xf32>
      %add3A_3686 = arith.addf %add3A_3670, %abs3A_3685 : vector<16xf32>
      %get3A_3687 = arith.index_cast %rem3A_2415 : i32 to index
      %get3A_3688 = arith.index_cast %add3A_3607 : i32 to index
      %get3A_3689 = arith.constant 80 : index
      %get3A_3690 = tpu.vector_load %arg11[%get3A_3687, %get3A_3688, %get3A_3689] {strides = array<i32>} : memref<4x64x128xf32, #tpu.memory_space<vmem>>, vector<16xf32>,
      %get3A_3691 = arith.index_cast %rem3A_2415 : i32 to index
      %get3A_3692 = arith.index_cast %add3A_3607 : i32 to index
      %get3A_3693 = arith.constant 80 : index
      %get3A_3694 = tpu.vector_load %arg12[%get3A_3691, %get3A_3692, %get3A_3693] {strides = array<i32>} : memref<4x64x128xf32, #tpu.memory_space<vmem>>, vector<16xf32>,
      %add3A_3695 = arith.addf %get3A_3690, %get3A_3694 : vector<16xf32>
      %get3A_3696 = arith.index_cast %rem3A_2415 : i32 to index
      %get3A_3697 = arith.index_cast %add3A_3607 : i32 to index
      %get3A_3698 = arith.constant 80 : index
      %get3A_3699 = tpu.vector_load %arg13[%get3A_3696, %get3A_3697, %get3A_3698] {strides = array<i32>} : memref<4x64x128xf32, #tpu.memory_space<vmem>>, vector<16xf32>,
      %sub3A_3700 = arith.subf %add3A_3695, %get3A_3699 : vector<16xf32>
      %abs3A_3701 = math.absf %sub3A_3700 : vector<16xf32>
      %add3A_3702 = arith.addf %add3A_3686, %abs3A_3701 : vector<16xf32>
      %get3A_3703 = arith.index_cast %rem3A_2415 : i32 to index
      %get3A_3704 = arith.index_cast %add3A_3607 : i32 to index
      %get3A_3705 = arith.constant 96 : index
      %get3A_3706 = tpu.vector_load %arg11[%get3A_3703, %get3A_3704, %get3A_3705] {strides = array<i32>} : memref<4x64x128xf32, #tpu.memory_space<vmem>>, vector<16xf32>,
      %get3A_3707 = arith.index_cast %rem3A_2415 : i32 to index
      %get3A_3708 = arith.index_cast %add3A_3607 : i32 to index
      %get3A_3709 = arith.constant 96 : index
      %get3A_3710 = tpu.vector_load %arg12[%get3A_3707, %get3A_3708, %get3A_3709] {strides = array<i32>} : memref<4x64x128xf32, #tpu.memory_space<vmem>>, vector<16xf32>,
      %add3A_3711 = arith.addf %get3A_3706, %get3A_3710 : vector<16xf32>
      %get3A_3712 = arith.index_cast %rem3A_2415 : i32 to index
      %get3A_3713 = arith.index_cast %add3A_3607 : i32 to index
      %get3A_3714 = arith.constant 96 : index
      %get3A_3715 = tpu.vector_load %arg13[%get3A_3712, %get3A_3713, %get3A_3714] {strides = array<i32>} : memref<4x64x128xf32, #tpu.memory_space<vmem>>, vector<16xf32>,
      %sub3A_3716 = arith.subf %add3A_3711, %get3A_3715 : vector<16xf32>
      %abs3A_3717 = math.absf %sub3A_3716 : vector<16xf32>
      %add3A_3718 = arith.addf %add3A_3702, %abs3A_3717 : vector<16xf32>
      %get3A_3719 = arith.index_cast %rem3A_2415 : i32 to index
      %get3A_3720 = arith.index_cast %add3A_3607 : i32 to index
      %get3A_3721 = arith.constant 112 : index
      %get3A_3722 = tpu.vector_load %arg11[%get3A_3719, %get3A_3720, %get3A_3721] {strides = array<i32>} : memref<4x64x128xf32, #tpu.memory_space<vmem>>, vector<16xf32>,
      %get3A_3723 = arith.index_cast %rem3A_2415 : i32 to index
      %get3A_3724 = arith.index_cast %add3A_3607 : i32 to index
      %get3A_3725 = arith.constant 112 : index
      %get3A_3726 = tpu.vector_load %arg12[%get3A_3723, %get3A_3724, %get3A_3725] {strides = array<i32>} : memref<4x64x128xf32, #tpu.memory_space<vmem>>, vector<16xf32>,
      %add3A_3727 = arith.addf %get3A_3722, %get3A_3726 : vector<16xf32>
      %get3A_3728 = arith.index_cast %rem3A_2415 : i32 to index
      %get3A_3729 = arith.index_cast %add3A_3607 : i32 to index
      %get3A_3730 = arith.constant 112 : index
      %get3A_3731 = tpu.vector_load %arg13[%get3A_3728, %get3A_3729, %get3A_3730] {strides = array<i32>} : memref<4x64x128xf32, #tpu.memory_space<vmem>>, vector<16xf32>,
      %sub3A_3732 = arith.subf %add3A_3727, %get3A_3731 : vector<16xf32>
      %abs3A_3733 = math.absf %sub3A_3732 : vector<16xf32>
      %add3A_3734 = arith.addf %add3A_3718, %abs3A_3733 : vector<16xf32>
      %swap3A_3735 = arith.constant 153 : index
      %swap3A_3736 = tpu.vector_load %arg15[%swap3A_3735] {strides = array<i32>} : memref<272xf32, #tpu.memory_space<vmem>>, vector<16xf32>,
      tpu.vector_store %arg15[%swap3A_3735], %add3A_3734 {strides = array<i32>} : memref<272xf32, #tpu.memory_space<vmem>>, vector<16xf32>,
      %add3A_3737 = arith.constant 10 : i32
      %add3A_3738 = arith.addi %mul3A_2426, %add3A_3737 : i32
      %get3A_3739 = arith.index_cast %rem3A_2415 : i32 to index
      %get3A_3740 = arith.index_cast %add3A_3738 : i32 to index
      %get3A_3741 = arith.constant 0 : index
      %get3A_3742 = tpu.vector_load %arg11[%get3A_3739, %get3A_3740, %get3A_3741] {strides = array<i32>} : memref<4x64x128xf32, #tpu.memory_space<vmem>>, vector<16xf32>,
      %get3A_3743 = arith.index_cast %rem3A_2415 : i32 to index
      %get3A_3744 = arith.index_cast %add3A_3738 : i32 to index
      %get3A_3745 = arith.constant 0 : index
      %get3A_3746 = tpu.vector_load %arg12[%get3A_3743, %get3A_3744, %get3A_3745] {strides = array<i32>} : memref<4x64x128xf32, #tpu.memory_space<vmem>>, vector<16xf32>,
      %add3A_3747 = arith.addf %get3A_3742, %get3A_3746 : vector<16xf32>
      %get3A_3748 = arith.index_cast %rem3A_2415 : i32 to index
      %get3A_3749 = arith.index_cast %add3A_3738 : i32 to index
      %get3A_3750 = arith.constant 0 : index
      %get3A_3751 = tpu.vector_load %arg13[%get3A_3748, %get3A_3749, %get3A_3750] {strides = array<i32>} : memref<4x64x128xf32, #tpu.memory_space<vmem>>, vector<16xf32>,
      %sub3A_3752 = arith.subf %add3A_3747, %get3A_3751 : vector<16xf32>
      %abs3A_3753 = math.absf %sub3A_3752 : vector<16xf32>
      %get3A_3754 = arith.index_cast %rem3A_2415 : i32 to index
      %get3A_3755 = arith.index_cast %add3A_3738 : i32 to index
      %get3A_3756 = arith.constant 16 : index
      %get3A_3757 = tpu.vector_load %arg11[%get3A_3754, %get3A_3755, %get3A_3756] {strides = array<i32>} : memref<4x64x128xf32, #tpu.memory_space<vmem>>, vector<16xf32>,
      %get3A_3758 = arith.index_cast %rem3A_2415 : i32 to index
      %get3A_3759 = arith.index_cast %add3A_3738 : i32 to index
      %get3A_3760 = arith.constant 16 : index
      %get3A_3761 = tpu.vector_load %arg12[%get3A_3758, %get3A_3759, %get3A_3760] {strides = array<i32>} : memref<4x64x128xf32, #tpu.memory_space<vmem>>, vector<16xf32>,
      %add3A_3762 = arith.addf %get3A_3757, %get3A_3761 : vector<16xf32>
      %get3A_3763 = arith.index_cast %rem3A_2415 : i32 to index
      %get3A_3764 = arith.index_cast %add3A_3738 : i32 to index
      %get3A_3765 = arith.constant 16 : index
      %get3A_3766 = tpu.vector_load %arg13[%get3A_3763, %get3A_3764, %get3A_3765] {strides = array<i32>} : memref<4x64x128xf32, #tpu.memory_space<vmem>>, vector<16xf32>,
      %sub3A_3767 = arith.subf %add3A_3762, %get3A_3766 : vector<16xf32>
      %abs3A_3768 = math.absf %sub3A_3767 : vector<16xf32>
      %add3A_3769 = arith.addf %abs3A_3753, %abs3A_3768 : vector<16xf32>
      %get3A_3770 = arith.index_cast %rem3A_2415 : i32 to index
      %get3A_3771 = arith.index_cast %add3A_3738 : i32 to index
      %get3A_3772 = arith.constant 32 : index
      %get3A_3773 = tpu.vector_load %arg11[%get3A_3770, %get3A_3771, %get3A_3772] {strides = array<i32>} : memref<4x64x128xf32, #tpu.memory_space<vmem>>, vector<16xf32>,
      %get3A_3774 = arith.index_cast %rem3A_2415 : i32 to index
      %get3A_3775 = arith.index_cast %add3A_3738 : i32 to index
      %get3A_3776 = arith.constant 32 : index
      %get3A_3777 = tpu.vector_load %arg12[%get3A_3774, %get3A_3775, %get3A_3776] {strides = array<i32>} : memref<4x64x128xf32, #tpu.memory_space<vmem>>, vector<16xf32>,
      %add3A_3778 = arith.addf %get3A_3773, %get3A_3777 : vector<16xf32>
      %get3A_3779 = arith.index_cast %rem3A_2415 : i32 to index
      %get3A_3780 = arith.index_cast %add3A_3738 : i32 to index
      %get3A_3781 = arith.constant 32 : index
      %get3A_3782 = tpu.vector_load %arg13[%get3A_3779, %get3A_3780, %get3A_3781] {strides = array<i32>} : memref<4x64x128xf32, #tpu.memory_space<vmem>>, vector<16xf32>,
      %sub3A_3783 = arith.subf %add3A_3778, %get3A_3782 : vector<16xf32>
      %abs3A_3784 = math.absf %sub3A_3783 : vector<16xf32>
      %add3A_3785 = arith.addf %add3A_3769, %abs3A_3784 : vector<16xf32>
      %get3A_3786 = arith.index_cast %rem3A_2415 : i32 to index
      %get3A_3787 = arith.index_cast %add3A_3738 : i32 to index
      %get3A_3788 = arith.constant 48 : index
      %get3A_3789 = tpu.vector_load %arg11[%get3A_3786, %get3A_3787, %get3A_3788] {strides = array<i32>} : memref<4x64x128xf32, #tpu.memory_space<vmem>>, vector<16xf32>,
      %get3A_3790 = arith.index_cast %rem3A_2415 : i32 to index
      %get3A_3791 = arith.index_cast %add3A_3738 : i32 to index
      %get3A_3792 = arith.constant 48 : index
      %get3A_3793 = tpu.vector_load %arg12[%get3A_3790, %get3A_3791, %get3A_3792] {strides = array<i32>} : memref<4x64x128xf32, #tpu.memory_space<vmem>>, vector<16xf32>,
      %add3A_3794 = arith.addf %get3A_3789, %get3A_3793 : vector<16xf32>
      %get3A_3795 = arith.index_cast %rem3A_2415 : i32 to index
      %get3A_3796 = arith.index_cast %add3A_3738 : i32 to index
      %get3A_3797 = arith.constant 48 : index
      %get3A_3798 = tpu.vector_load %arg13[%get3A_3795, %get3A_3796, %get3A_3797] {strides = array<i32>} : memref<4x64x128xf32, #tpu.memory_space<vmem>>, vector<16xf32>,
      %sub3A_3799 = arith.subf %add3A_3794, %get3A_3798 : vector<16xf32>
      %abs3A_3800 = math.absf %sub3A_3799 : vector<16xf32>
      %add3A_3801 = arith.addf %add3A_3785, %abs3A_3800 : vector<16xf32>
      %get3A_3802 = arith.index_cast %rem3A_2415 : i32 to index
      %get3A_3803 = arith.index_cast %add3A_3738 : i32 to index
      %get3A_3804 = arith.constant 64 : index
      %get3A_3805 = tpu.vector_load %arg11[%get3A_3802, %get3A_3803, %get3A_3804] {strides = array<i32>} : memref<4x64x128xf32, #tpu.memory_space<vmem>>, vector<16xf32>,
      %get3A_3806 = arith.index_cast %rem3A_2415 : i32 to index
      %get3A_3807 = arith.index_cast %add3A_3738 : i32 to index
      %get3A_3808 = arith.constant 64 : index
      %get3A_3809 = tpu.vector_load %arg12[%get3A_3806, %get3A_3807, %get3A_3808] {strides = array<i32>} : memref<4x64x128xf32, #tpu.memory_space<vmem>>, vector<16xf32>,
      %add3A_3810 = arith.addf %get3A_3805, %get3A_3809 : vector<16xf32>
      %get3A_3811 = arith.index_cast %rem3A_2415 : i32 to index
      %get3A_3812 = arith.index_cast %add3A_3738 : i32 to index
      %get3A_3813 = arith.constant 64 : index
      %get3A_3814 = tpu.vector_load %arg13[%get3A_3811, %get3A_3812, %get3A_3813] {strides = array<i32>} : memref<4x64x128xf32, #tpu.memory_space<vmem>>, vector<16xf32>,
      %sub3A_3815 = arith.subf %add3A_3810, %get3A_3814 : vector<16xf32>
      %abs3A_3816 = math.absf %sub3A_3815 : vector<16xf32>
      %add3A_3817 = arith.addf %add3A_3801, %abs3A_3816 : vector<16xf32>
      %get3A_3818 = arith.index_cast %rem3A_2415 : i32 to index
      %get3A_3819 = arith.index_cast %add3A_3738 : i32 to index
      %get3A_3820 = arith.constant 80 : index
      %get3A_3821 = tpu.vector_load %arg11[%get3A_3818, %get3A_3819, %get3A_3820] {strides = array<i32>} : memref<4x64x128xf32, #tpu.memory_space<vmem>>, vector<16xf32>,
      %get3A_3822 = arith.index_cast %rem3A_2415 : i32 to index
      %get3A_3823 = arith.index_cast %add3A_3738 : i32 to index
      %get3A_3824 = arith.constant 80 : index
      %get3A_3825 = tpu.vector_load %arg12[%get3A_3822, %get3A_3823, %get3A_3824] {strides = array<i32>} : memref<4x64x128xf32, #tpu.memory_space<vmem>>, vector<16xf32>,
      %add3A_3826 = arith.addf %get3A_3821, %get3A_3825 : vector<16xf32>
      %get3A_3827 = arith.index_cast %rem3A_2415 : i32 to index
      %get3A_3828 = arith.index_cast %add3A_3738 : i32 to index
      %get3A_3829 = arith.constant 80 : index
      %get3A_3830 = tpu.vector_load %arg13[%get3A_3827, %get3A_3828, %get3A_3829] {strides = array<i32>} : memref<4x64x128xf32, #tpu.memory_space<vmem>>, vector<16xf32>,
      %sub3A_3831 = arith.subf %add3A_3826, %get3A_3830 : vector<16xf32>
      %abs3A_3832 = math.absf %sub3A_3831 : vector<16xf32>
      %add3A_3833 = arith.addf %add3A_3817, %abs3A_3832 : vector<16xf32>
      %get3A_3834 = arith.index_cast %rem3A_2415 : i32 to index
      %get3A_3835 = arith.index_cast %add3A_3738 : i32 to index
      %get3A_3836 = arith.constant 96 : index
      %get3A_3837 = tpu.vector_load %arg11[%get3A_3834, %get3A_3835, %get3A_3836] {strides = array<i32>} : memref<4x64x128xf32, #tpu.memory_space<vmem>>, vector<16xf32>,
      %get3A_3838 = arith.index_cast %rem3A_2415 : i32 to index
      %get3A_3839 = arith.index_cast %add3A_3738 : i32 to index
      %get3A_3840 = arith.constant 96 : index
      %get3A_3841 = tpu.vector_load %arg12[%get3A_3838, %get3A_3839, %get3A_3840] {strides = array<i32>} : memref<4x64x128xf32, #tpu.memory_space<vmem>>, vector<16xf32>,
      %add3A_3842 = arith.addf %get3A_3837, %get3A_3841 : vector<16xf32>
      %get3A_3843 = arith.index_cast %rem3A_2415 : i32 to index
      %get3A_3844 = arith.index_cast %add3A_3738 : i32 to index
      %get3A_3845 = arith.constant 96 : index
      %get3A_3846 = tpu.vector_load %arg13[%get3A_3843, %get3A_3844, %get3A_3845] {strides = array<i32>} : memref<4x64x128xf32, #tpu.memory_space<vmem>>, vector<16xf32>,
      %sub3A_3847 = arith.subf %add3A_3842, %get3A_3846 : vector<16xf32>
      %abs3A_3848 = math.absf %sub3A_3847 : vector<16xf32>
      %add3A_3849 = arith.addf %add3A_3833, %abs3A_3848 : vector<16xf32>
      %get3A_3850 = arith.index_cast %rem3A_2415 : i32 to index
      %get3A_3851 = arith.index_cast %add3A_3738 : i32 to index
      %get3A_3852 = arith.constant 112 : index
      %get3A_3853 = tpu.vector_load %arg11[%get3A_3850, %get3A_3851, %get3A_3852] {strides = array<i32>} : memref<4x64x128xf32, #tpu.memory_space<vmem>>, vector<16xf32>,
      %get3A_3854 = arith.index_cast %rem3A_2415 : i32 to index
      %get3A_3855 = arith.index_cast %add3A_3738 : i32 to index
      %get3A_3856 = arith.constant 112 : index
      %get3A_3857 = tpu.vector_load %arg12[%get3A_3854, %get3A_3855, %get3A_3856] {strides = array<i32>} : memref<4x64x128xf32, #tpu.memory_space<vmem>>, vector<16xf32>,
      %add3A_3858 = arith.addf %get3A_3853, %get3A_3857 : vector<16xf32>
      %get3A_3859 = arith.index_cast %rem3A_2415 : i32 to index
      %get3A_3860 = arith.index_cast %add3A_3738 : i32 to index
      %get3A_3861 = arith.constant 112 : index
      %get3A_3862 = tpu.vector_load %arg13[%get3A_3859, %get3A_3860, %get3A_3861] {strides = array<i32>} : memref<4x64x128xf32, #tpu.memory_space<vmem>>, vector<16xf32>,
      %sub3A_3863 = arith.subf %add3A_3858, %get3A_3862 : vector<16xf32>
      %abs3A_3864 = math.absf %sub3A_3863 : vector<16xf32>
      %add3A_3865 = arith.addf %add3A_3849, %abs3A_3864 : vector<16xf32>
      %swap3A_3866 = arith.constant 170 : index
      %swap3A_3867 = tpu.vector_load %arg15[%swap3A_3866] {strides = array<i32>} : memref<272xf32, #tpu.memory_space<vmem>>, vector<16xf32>,
      tpu.vector_store %arg15[%swap3A_3866], %add3A_3865 {strides = array<i32>} : memref<272xf32, #tpu.memory_space<vmem>>, vector<16xf32>,
      %add3A_3868 = arith.constant 11 : i32
      %add3A_3869 = arith.addi %mul3A_2426, %add3A_3868 : i32
      %get3A_3870 = arith.index_cast %rem3A_2415 : i32 to index
      %get3A_3871 = arith.index_cast %add3A_3869 : i32 to index
      %get3A_3872 = arith.constant 0 : index
      %get3A_3873 = tpu.vector_load %arg11[%get3A_3870, %get3A_3871, %get3A_3872] {strides = array<i32>} : memref<4x64x128xf32, #tpu.memory_space<vmem>>, vector<16xf32>,
      %get3A_3874 = arith.index_cast %rem3A_2415 : i32 to index
      %get3A_3875 = arith.index_cast %add3A_3869 : i32 to index
      %get3A_3876 = arith.constant 0 : index
      %get3A_3877 = tpu.vector_load %arg12[%get3A_3874, %get3A_3875, %get3A_3876] {strides = array<i32>} : memref<4x64x128xf32, #tpu.memory_space<vmem>>, vector<16xf32>,
      %add3A_3878 = arith.addf %get3A_3873, %get3A_3877 : vector<16xf32>
      %get3A_3879 = arith.index_cast %rem3A_2415 : i32 to index
      %get3A_3880 = arith.index_cast %add3A_3869 : i32 to index
      %get3A_3881 = arith.constant 0 : index
      %get3A_3882 = tpu.vector_load %arg13[%get3A_3879, %get3A_3880, %get3A_3881] {strides = array<i32>} : memref<4x64x128xf32, #tpu.memory_space<vmem>>, vector<16xf32>,
      %sub3A_3883 = arith.subf %add3A_3878, %get3A_3882 : vector<16xf32>
      %abs3A_3884 = math.absf %sub3A_3883 : vector<16xf32>
      %get3A_3885 = arith.index_cast %rem3A_2415 : i32 to index
      %get3A_3886 = arith.index_cast %add3A_3869 : i32 to index
      %get3A_3887 = arith.constant 16 : index
      %get3A_3888 = tpu.vector_load %arg11[%get3A_3885, %get3A_3886, %get3A_3887] {strides = array<i32>} : memref<4x64x128xf32, #tpu.memory_space<vmem>>, vector<16xf32>,
      %get3A_3889 = arith.index_cast %rem3A_2415 : i32 to index
      %get3A_3890 = arith.index_cast %add3A_3869 : i32 to index
      %get3A_3891 = arith.constant 16 : index
      %get3A_3892 = tpu.vector_load %arg12[%get3A_3889, %get3A_3890, %get3A_3891] {strides = array<i32>} : memref<4x64x128xf32, #tpu.memory_space<vmem>>, vector<16xf32>,
      %add3A_3893 = arith.addf %get3A_3888, %get3A_3892 : vector<16xf32>
      %get3A_3894 = arith.index_cast %rem3A_2415 : i32 to index
      %get3A_3895 = arith.index_cast %add3A_3869 : i32 to index
      %get3A_3896 = arith.constant 16 : index
      %get3A_3897 = tpu.vector_load %arg13[%get3A_3894, %get3A_3895, %get3A_3896] {strides = array<i32>} : memref<4x64x128xf32, #tpu.memory_space<vmem>>, vector<16xf32>,
      %sub3A_3898 = arith.subf %add3A_3893, %get3A_3897 : vector<16xf32>
      %abs3A_3899 = math.absf %sub3A_3898 : vector<16xf32>
      %add3A_3900 = arith.addf %abs3A_3884, %abs3A_3899 : vector<16xf32>
      %get3A_3901 = arith.index_cast %rem3A_2415 : i32 to index
      %get3A_3902 = arith.index_cast %add3A_3869 : i32 to index
      %get3A_3903 = arith.constant 32 : index
      %get3A_3904 = tpu.vector_load %arg11[%get3A_3901, %get3A_3902, %get3A_3903] {strides = array<i32>} : memref<4x64x128xf32, #tpu.memory_space<vmem>>, vector<16xf32>,
      %get3A_3905 = arith.index_cast %rem3A_2415 : i32 to index
      %get3A_3906 = arith.index_cast %add3A_3869 : i32 to index
      %get3A_3907 = arith.constant 32 : index
      %get3A_3908 = tpu.vector_load %arg12[%get3A_3905, %get3A_3906, %get3A_3907] {strides = array<i32>} : memref<4x64x128xf32, #tpu.memory_space<vmem>>, vector<16xf32>,
      %add3A_3909 = arith.addf %get3A_3904, %get3A_3908 : vector<16xf32>
      %get3A_3910 = arith.index_cast %rem3A_2415 : i32 to index
      %get3A_3911 = arith.index_cast %add3A_3869 : i32 to index
      %get3A_3912 = arith.constant 32 : index
      %get3A_3913 = tpu.vector_load %arg13[%get3A_3910, %get3A_3911, %get3A_3912] {strides = array<i32>} : memref<4x64x128xf32, #tpu.memory_space<vmem>>, vector<16xf32>,
      %sub3A_3914 = arith.subf %add3A_3909, %get3A_3913 : vector<16xf32>
      %abs3A_3915 = math.absf %sub3A_3914 : vector<16xf32>
      %add3A_3916 = arith.addf %add3A_3900, %abs3A_3915 : vector<16xf32>
      %get3A_3917 = arith.index_cast %rem3A_2415 : i32 to index
      %get3A_3918 = arith.index_cast %add3A_3869 : i32 to index
      %get3A_3919 = arith.constant 48 : index
      %get3A_3920 = tpu.vector_load %arg11[%get3A_3917, %get3A_3918, %get3A_3919] {strides = array<i32>} : memref<4x64x128xf32, #tpu.memory_space<vmem>>, vector<16xf32>,
      %get3A_3921 = arith.index_cast %rem3A_2415 : i32 to index
      %get3A_3922 = arith.index_cast %add3A_3869 : i32 to index
      %get3A_3923 = arith.constant 48 : index
      %get3A_3924 = tpu.vector_load %arg12[%get3A_3921, %get3A_3922, %get3A_3923] {strides = array<i32>} : memref<4x64x128xf32, #tpu.memory_space<vmem>>, vector<16xf32>,
      %add3A_3925 = arith.addf %get3A_3920, %get3A_3924 : vector<16xf32>
      %get3A_3926 = arith.index_cast %rem3A_2415 : i32 to index
      %get3A_3927 = arith.index_cast %add3A_3869 : i32 to index
      %get3A_3928 = arith.constant 48 : index
      %get3A_3929 = tpu.vector_load %arg13[%get3A_3926, %get3A_3927, %get3A_3928] {strides = array<i32>} : memref<4x64x128xf32, #tpu.memory_space<vmem>>, vector<16xf32>,
      %sub3A_3930 = arith.subf %add3A_3925, %get3A_3929 : vector<16xf32>
      %abs3A_3931 = math.absf %sub3A_3930 : vector<16xf32>
      %add3A_3932 = arith.addf %add3A_3916, %abs3A_3931 : vector<16xf32>
      %get3A_3933 = arith.index_cast %rem3A_2415 : i32 to index
      %get3A_3934 = arith.index_cast %add3A_3869 : i32 to index
      %get3A_3935 = arith.constant 64 : index
      %get3A_3936 = tpu.vector_load %arg11[%get3A_3933, %get3A_3934, %get3A_3935] {strides = array<i32>} : memref<4x64x128xf32, #tpu.memory_space<vmem>>, vector<16xf32>,
      %get3A_3937 = arith.index_cast %rem3A_2415 : i32 to index
      %get3A_3938 = arith.index_cast %add3A_3869 : i32 to index
      %get3A_3939 = arith.constant 64 : index
      %get3A_3940 = tpu.vector_load %arg12[%get3A_3937, %get3A_3938, %get3A_3939] {strides = array<i32>} : memref<4x64x128xf32, #tpu.memory_space<vmem>>, vector<16xf32>,
      %add3A_3941 = arith.addf %get3A_3936, %get3A_3940 : vector<16xf32>
      %get3A_3942 = arith.index_cast %rem3A_2415 : i32 to index
      %get3A_3943 = arith.index_cast %add3A_3869 : i32 to index
      %get3A_3944 = arith.constant 64 : index
      %get3A_3945 = tpu.vector_load %arg13[%get3A_3942, %get3A_3943, %get3A_3944] {strides = array<i32>} : memref<4x64x128xf32, #tpu.memory_space<vmem>>, vector<16xf32>,
      %sub3A_3946 = arith.subf %add3A_3941, %get3A_3945 : vector<16xf32>
      %abs3A_3947 = math.absf %sub3A_3946 : vector<16xf32>
      %add3A_3948 = arith.addf %add3A_3932, %abs3A_3947 : vector<16xf32>
      %get3A_3949 = arith.index_cast %rem3A_2415 : i32 to index
      %get3A_3950 = arith.index_cast %add3A_3869 : i32 to index
      %get3A_3951 = arith.constant 80 : index
      %get3A_3952 = tpu.vector_load %arg11[%get3A_3949, %get3A_3950, %get3A_3951] {strides = array<i32>} : memref<4x64x128xf32, #tpu.memory_space<vmem>>, vector<16xf32>,
      %get3A_3953 = arith.index_cast %rem3A_2415 : i32 to index
      %get3A_3954 = arith.index_cast %add3A_3869 : i32 to index
      %get3A_3955 = arith.constant 80 : index
      %get3A_3956 = tpu.vector_load %arg12[%get3A_3953, %get3A_3954, %get3A_3955] {strides = array<i32>} : memref<4x64x128xf32, #tpu.memory_space<vmem>>, vector<16xf32>,
      %add3A_3957 = arith.addf %get3A_3952, %get3A_3956 : vector<16xf32>
      %get3A_3958 = arith.index_cast %rem3A_2415 : i32 to index
      %get3A_3959 = arith.index_cast %add3A_3869 : i32 to index
      %get3A_3960 = arith.constant 80 : index
      %get3A_3961 = tpu.vector_load %arg13[%get3A_3958, %get3A_3959, %get3A_3960] {strides = array<i32>} : memref<4x64x128xf32, #tpu.memory_space<vmem>>, vector<16xf32>,
      %sub3A_3962 = arith.subf %add3A_3957, %get3A_3961 : vector<16xf32>
      %abs3A_3963 = math.absf %sub3A_3962 : vector<16xf32>
      %add3A_3964 = arith.addf %add3A_3948, %abs3A_3963 : vector<16xf32>
      %get3A_3965 = arith.index_cast %rem3A_2415 : i32 to index
      %get3A_3966 = arith.index_cast %add3A_3869 : i32 to index
      %get3A_3967 = arith.constant 96 : index
      %get3A_3968 = tpu.vector_load %arg11[%get3A_3965, %get3A_3966, %get3A_3967] {strides = array<i32>} : memref<4x64x128xf32, #tpu.memory_space<vmem>>, vector<16xf32>,
      %get3A_3969 = arith.index_cast %rem3A_2415 : i32 to index
      %get3A_3970 = arith.index_cast %add3A_3869 : i32 to index
      %get3A_3971 = arith.constant 96 : index
      %get3A_3972 = tpu.vector_load %arg12[%get3A_3969, %get3A_3970, %get3A_3971] {strides = array<i32>} : memref<4x64x128xf32, #tpu.memory_space<vmem>>, vector<16xf32>,
      %add3A_3973 = arith.addf %get3A_3968, %get3A_3972 : vector<16xf32>
      %get3A_3974 = arith.index_cast %rem3A_2415 : i32 to index
      %get3A_3975 = arith.index_cast %add3A_3869 : i32 to index
      %get3A_3976 = arith.constant 96 : index
      %get3A_3977 = tpu.vector_load %arg13[%get3A_3974, %get3A_3975, %get3A_3976] {strides = array<i32>} : memref<4x64x128xf32, #tpu.memory_space<vmem>>, vector<16xf32>,
      %sub3A_3978 = arith.subf %add3A_3973, %get3A_3977 : vector<16xf32>
      %abs3A_3979 = math.absf %sub3A_3978 : vector<16xf32>
      %add3A_3980 = arith.addf %add3A_3964, %abs3A_3979 : vector<16xf32>
      %get3A_3981 = arith.index_cast %rem3A_2415 : i32 to index
      %get3A_3982 = arith.index_cast %add3A_3869 : i32 to index
      %get3A_3983 = arith.constant 112 : index
      %get3A_3984 = tpu.vector_load %arg11[%get3A_3981, %get3A_3982, %get3A_3983] {strides = array<i32>} : memref<4x64x128xf32, #tpu.memory_space<vmem>>, vector<16xf32>,
      %get3A_3985 = arith.index_cast %rem3A_2415 : i32 to index
      %get3A_3986 = arith.index_cast %add3A_3869 : i32 to index
      %get3A_3987 = arith.constant 112 : index
      %get3A_3988 = tpu.vector_load %arg12[%get3A_3985, %get3A_3986, %get3A_3987] {strides = array<i32>} : memref<4x64x128xf32, #tpu.memory_space<vmem>>, vector<16xf32>,
      %add3A_3989 = arith.addf %get3A_3984, %get3A_3988 : vector<16xf32>
      %get3A_3990 = arith.index_cast %rem3A_2415 : i32 to index
      %get3A_3991 = arith.index_cast %add3A_3869 : i32 to index
      %get3A_3992 = arith.constant 112 : index
      %get3A_3993 = tpu.vector_load %arg13[%get3A_3990, %get3A_3991, %get3A_3992] {strides = array<i32>} : memref<4x64x128xf32, #tpu.memory_space<vmem>>, vector<16xf32>,
      %sub3A_3994 = arith.subf %add3A_3989, %get3A_3993 : vector<16xf32>
      %abs3A_3995 = math.absf %sub3A_3994 : vector<16xf32>
      %add3A_3996 = arith.addf %add3A_3980, %abs3A_3995 : vector<16xf32>
      %swap3A_3997 = arith.constant 187 : index
      %swap3A_3998 = tpu.vector_load %arg15[%swap3A_3997] {strides = array<i32>} : memref<272xf32, #tpu.memory_space<vmem>>, vector<16xf32>,
      tpu.vector_store %arg15[%swap3A_3997], %add3A_3996 {strides = array<i32>} : memref<272xf32, #tpu.memory_space<vmem>>, vector<16xf32>,
      %add3A_3999 = arith.constant 12 : i32
      %add3A_4000 = arith.addi %mul3A_2426, %add3A_3999 : i32
      %get3A_4001 = arith.index_cast %rem3A_2415 : i32 to index
      %get3A_4002 = arith.index_cast %add3A_4000 : i32 to index
      %get3A_4003 = arith.constant 0 : index
      %get3A_4004 = tpu.vector_load %arg11[%get3A_4001, %get3A_4002, %get3A_4003] {strides = array<i32>} : memref<4x64x128xf32, #tpu.memory_space<vmem>>, vector<16xf32>,
      %get3A_4005 = arith.index_cast %rem3A_2415 : i32 to index
      %get3A_4006 = arith.index_cast %add3A_4000 : i32 to index
      %get3A_4007 = arith.constant 0 : index
      %get3A_4008 = tpu.vector_load %arg12[%get3A_4005, %get3A_4006, %get3A_4007] {strides = array<i32>} : memref<4x64x128xf32, #tpu.memory_space<vmem>>, vector<16xf32>,
      %add3A_4009 = arith.addf %get3A_4004, %get3A_4008 : vector<16xf32>
      %get3A_4010 = arith.index_cast %rem3A_2415 : i32 to index
      %get3A_4011 = arith.index_cast %add3A_4000 : i32 to index
      %get3A_4012 = arith.constant 0 : index
      %get3A_4013 = tpu.vector_load %arg13[%get3A_4010, %get3A_4011, %get3A_4012] {strides = array<i32>} : memref<4x64x128xf32, #tpu.memory_space<vmem>>, vector<16xf32>,
      %sub3A_4014 = arith.subf %add3A_4009, %get3A_4013 : vector<16xf32>
      %abs3A_4015 = math.absf %sub3A_4014 : vector<16xf32>
      %get3A_4016 = arith.index_cast %rem3A_2415 : i32 to index
      %get3A_4017 = arith.index_cast %add3A_4000 : i32 to index
      %get3A_4018 = arith.constant 16 : index
      %get3A_4019 = tpu.vector_load %arg11[%get3A_4016, %get3A_4017, %get3A_4018] {strides = array<i32>} : memref<4x64x128xf32, #tpu.memory_space<vmem>>, vector<16xf32>,
      %get3A_4020 = arith.index_cast %rem3A_2415 : i32 to index
      %get3A_4021 = arith.index_cast %add3A_4000 : i32 to index
      %get3A_4022 = arith.constant 16 : index
      %get3A_4023 = tpu.vector_load %arg12[%get3A_4020, %get3A_4021, %get3A_4022] {strides = array<i32>} : memref<4x64x128xf32, #tpu.memory_space<vmem>>, vector<16xf32>,
      %add3A_4024 = arith.addf %get3A_4019, %get3A_4023 : vector<16xf32>
      %get3A_4025 = arith.index_cast %rem3A_2415 : i32 to index
      %get3A_4026 = arith.index_cast %add3A_4000 : i32 to index
      %get3A_4027 = arith.constant 16 : index
      %get3A_4028 = tpu.vector_load %arg13[%get3A_4025, %get3A_4026, %get3A_4027] {strides = array<i32>} : memref<4x64x128xf32, #tpu.memory_space<vmem>>, vector<16xf32>,
      %sub3A_4029 = arith.subf %add3A_4024, %get3A_4028 : vector<16xf32>
      %abs3A_4030 = math.absf %sub3A_4029 : vector<16xf32>
      %add3A_4031 = arith.addf %abs3A_4015, %abs3A_4030 : vector<16xf32>
      %get3A_4032 = arith.index_cast %rem3A_2415 : i32 to index
      %get3A_4033 = arith.index_cast %add3A_4000 : i32 to index
      %get3A_4034 = arith.constant 32 : index
      %get3A_4035 = tpu.vector_load %arg11[%get3A_4032, %get3A_4033, %get3A_4034] {strides = array<i32>} : memref<4x64x128xf32, #tpu.memory_space<vmem>>, vector<16xf32>,
      %get3A_4036 = arith.index_cast %rem3A_2415 : i32 to index
      %get3A_4037 = arith.index_cast %add3A_4000 : i32 to index
      %get3A_4038 = arith.constant 32 : index
      %get3A_4039 = tpu.vector_load %arg12[%get3A_4036, %get3A_4037, %get3A_4038] {strides = array<i32>} : memref<4x64x128xf32, #tpu.memory_space<vmem>>, vector<16xf32>,
      %add3A_4040 = arith.addf %get3A_4035, %get3A_4039 : vector<16xf32>
      %get3A_4041 = arith.index_cast %rem3A_2415 : i32 to index
      %get3A_4042 = arith.index_cast %add3A_4000 : i32 to index
      %get3A_4043 = arith.constant 32 : index
      %get3A_4044 = tpu.vector_load %arg13[%get3A_4041, %get3A_4042, %get3A_4043] {strides = array<i32>} : memref<4x64x128xf32, #tpu.memory_space<vmem>>, vector<16xf32>,
      %sub3A_4045 = arith.subf %add3A_4040, %get3A_4044 : vector<16xf32>
      %abs3A_4046 = math.absf %sub3A_4045 : vector<16xf32>
      %add3A_4047 = arith.addf %add3A_4031, %abs3A_4046 : vector<16xf32>
      %get3A_4048 = arith.index_cast %rem3A_2415 : i32 to index
      %get3A_4049 = arith.index_cast %add3A_4000 : i32 to index
      %get3A_4050 = arith.constant 48 : index
      %get3A_4051 = tpu.vector_load %arg11[%get3A_4048, %get3A_4049, %get3A_4050] {strides = array<i32>} : memref<4x64x128xf32, #tpu.memory_space<vmem>>, vector<16xf32>,
      %get3A_4052 = arith.index_cast %rem3A_2415 : i32 to index
      %get3A_4053 = arith.index_cast %add3A_4000 : i32 to index
      %get3A_4054 = arith.constant 48 : index
      %get3A_4055 = tpu.vector_load %arg12[%get3A_4052, %get3A_4053, %get3A_4054] {strides = array<i32>} : memref<4x64x128xf32, #tpu.memory_space<vmem>>, vector<16xf32>,
      %add3A_4056 = arith.addf %get3A_4051, %get3A_4055 : vector<16xf32>
      %get3A_4057 = arith.index_cast %rem3A_2415 : i32 to index
      %get3A_4058 = arith.index_cast %add3A_4000 : i32 to index
      %get3A_4059 = arith.constant 48 : index
      %get3A_4060 = tpu.vector_load %arg13[%get3A_4057, %get3A_4058, %get3A_4059] {strides = array<i32>} : memref<4x64x128xf32, #tpu.memory_space<vmem>>, vector<16xf32>,
      %sub3A_4061 = arith.subf %add3A_4056, %get3A_4060 : vector<16xf32>
      %abs3A_4062 = math.absf %sub3A_4061 : vector<16xf32>
      %add3A_4063 = arith.addf %add3A_4047, %abs3A_4062 : vector<16xf32>
      %get3A_4064 = arith.index_cast %rem3A_2415 : i32 to index
      %get3A_4065 = arith.index_cast %add3A_4000 : i32 to index
      %get3A_4066 = arith.constant 64 : index
      %get3A_4067 = tpu.vector_load %arg11[%get3A_4064, %get3A_4065, %get3A_4066] {strides = array<i32>} : memref<4x64x128xf32, #tpu.memory_space<vmem>>, vector<16xf32>,
      %get3A_4068 = arith.index_cast %rem3A_2415 : i32 to index
      %get3A_4069 = arith.index_cast %add3A_4000 : i32 to index
      %get3A_4070 = arith.constant 64 : index
      %get3A_4071 = tpu.vector_load %arg12[%get3A_4068, %get3A_4069, %get3A_4070] {strides = array<i32>} : memref<4x64x128xf32, #tpu.memory_space<vmem>>, vector<16xf32>,
      %add3A_4072 = arith.addf %get3A_4067, %get3A_4071 : vector<16xf32>
      %get3A_4073 = arith.index_cast %rem3A_2415 : i32 to index
      %get3A_4074 = arith.index_cast %add3A_4000 : i32 to index
      %get3A_4075 = arith.constant 64 : index
      %get3A_4076 = tpu.vector_load %arg13[%get3A_4073, %get3A_4074, %get3A_4075] {strides = array<i32>} : memref<4x64x128xf32, #tpu.memory_space<vmem>>, vector<16xf32>,
      %sub3A_4077 = arith.subf %add3A_4072, %get3A_4076 : vector<16xf32>
      %abs3A_4078 = math.absf %sub3A_4077 : vector<16xf32>
      %add3A_4079 = arith.addf %add3A_4063, %abs3A_4078 : vector<16xf32>
      %get3A_4080 = arith.index_cast %rem3A_2415 : i32 to index
      %get3A_4081 = arith.index_cast %add3A_4000 : i32 to index
      %get3A_4082 = arith.constant 80 : index
      %get3A_4083 = tpu.vector_load %arg11[%get3A_4080, %get3A_4081, %get3A_4082] {strides = array<i32>} : memref<4x64x128xf32, #tpu.memory_space<vmem>>, vector<16xf32>,
      %get3A_4084 = arith.index_cast %rem3A_2415 : i32 to index
      %get3A_4085 = arith.index_cast %add3A_4000 : i32 to index
      %get3A_4086 = arith.constant 80 : index
      %get3A_4087 = tpu.vector_load %arg12[%get3A_4084, %get3A_4085, %get3A_4086] {strides = array<i32>} : memref<4x64x128xf32, #tpu.memory_space<vmem>>, vector<16xf32>,
      %add3A_4088 = arith.addf %get3A_4083, %get3A_4087 : vector<16xf32>
      %get3A_4089 = arith.index_cast %rem3A_2415 : i32 to index
      %get3A_4090 = arith.index_cast %add3A_4000 : i32 to index
      %get3A_4091 = arith.constant 80 : index
      %get3A_4092 = tpu.vector_load %arg13[%get3A_4089, %get3A_4090, %get3A_4091] {strides = array<i32>} : memref<4x64x128xf32, #tpu.memory_space<vmem>>, vector<16xf32>,
      %sub3A_4093 = arith.subf %add3A_4088, %get3A_4092 : vector<16xf32>
      %abs3A_4094 = math.absf %sub3A_4093 : vector<16xf32>
      %add3A_4095 = arith.addf %add3A_4079, %abs3A_4094 : vector<16xf32>
      %get3A_4096 = arith.index_cast %rem3A_2415 : i32 to index
      %get3A_4097 = arith.index_cast %add3A_4000 : i32 to index
      %get3A_4098 = arith.constant 96 : index
      %get3A_4099 = tpu.vector_load %arg11[%get3A_4096, %get3A_4097, %get3A_4098] {strides = array<i32>} : memref<4x64x128xf32, #tpu.memory_space<vmem>>, vector<16xf32>,
      %get3A_4100 = arith.index_cast %rem3A_2415 : i32 to index
      %get3A_4101 = arith.index_cast %add3A_4000 : i32 to index
      %get3A_4102 = arith.constant 96 : index
      %get3A_4103 = tpu.vector_load %arg12[%get3A_4100, %get3A_4101, %get3A_4102] {strides = array<i32>} : memref<4x64x128xf32, #tpu.memory_space<vmem>>, vector<16xf32>,
      %add3A_4104 = arith.addf %get3A_4099, %get3A_4103 : vector<16xf32>
      %get3A_4105 = arith.index_cast %rem3A_2415 : i32 to index
      %get3A_4106 = arith.index_cast %add3A_4000 : i32 to index
      %get3A_4107 = arith.constant 96 : index
      %get3A_4108 = tpu.vector_load %arg13[%get3A_4105, %get3A_4106, %get3A_4107] {strides = array<i32>} : memref<4x64x128xf32, #tpu.memory_space<vmem>>, vector<16xf32>,
      %sub3A_4109 = arith.subf %add3A_4104, %get3A_4108 : vector<16xf32>
      %abs3A_4110 = math.absf %sub3A_4109 : vector<16xf32>
      %add3A_4111 = arith.addf %add3A_4095, %abs3A_4110 : vector<16xf32>
      %get3A_4112 = arith.index_cast %rem3A_2415 : i32 to index
      %get3A_4113 = arith.index_cast %add3A_4000 : i32 to index
      %get3A_4114 = arith.constant 112 : index
      %get3A_4115 = tpu.vector_load %arg11[%get3A_4112, %get3A_4113, %get3A_4114] {strides = array<i32>} : memref<4x64x128xf32, #tpu.memory_space<vmem>>, vector<16xf32>,
      %get3A_4116 = arith.index_cast %rem3A_2415 : i32 to index
      %get3A_4117 = arith.index_cast %add3A_4000 : i32 to index
      %get3A_4118 = arith.constant 112 : index
      %get3A_4119 = tpu.vector_load %arg12[%get3A_4116, %get3A_4117, %get3A_4118] {strides = array<i32>} : memref<4x64x128xf32, #tpu.memory_space<vmem>>, vector<16xf32>,
      %add3A_4120 = arith.addf %get3A_4115, %get3A_4119 : vector<16xf32>
      %get3A_4121 = arith.index_cast %rem3A_2415 : i32 to index
      %get3A_4122 = arith.index_cast %add3A_4000 : i32 to index
      %get3A_4123 = arith.constant 112 : index
      %get3A_4124 = tpu.vector_load %arg13[%get3A_4121, %get3A_4122, %get3A_4123] {strides = array<i32>} : memref<4x64x128xf32, #tpu.memory_space<vmem>>, vector<16xf32>,
      %sub3A_4125 = arith.subf %add3A_4120, %get3A_4124 : vector<16xf32>
      %abs3A_4126 = math.absf %sub3A_4125 : vector<16xf32>
      %add3A_4127 = arith.addf %add3A_4111, %abs3A_4126 : vector<16xf32>
      %swap3A_4128 = arith.constant 204 : index
      %swap3A_4129 = tpu.vector_load %arg15[%swap3A_4128] {strides = array<i32>} : memref<272xf32, #tpu.memory_space<vmem>>, vector<16xf32>,
      tpu.vector_store %arg15[%swap3A_4128], %add3A_4127 {strides = array<i32>} : memref<272xf32, #tpu.memory_space<vmem>>, vector<16xf32>,
      %add3A_4130 = arith.constant 13 : i32
      %add3A_4131 = arith.addi %mul3A_2426, %add3A_4130 : i32
      %get3A_4132 = arith.index_cast %rem3A_2415 : i32 to index
      %get3A_4133 = arith.index_cast %add3A_4131 : i32 to index
      %get3A_4134 = arith.constant 0 : index
      %get3A_4135 = tpu.vector_load %arg11[%get3A_4132, %get3A_4133, %get3A_4134] {strides = array<i32>} : memref<4x64x128xf32, #tpu.memory_space<vmem>>, vector<16xf32>,
      %get3A_4136 = arith.index_cast %rem3A_2415 : i32 to index
      %get3A_4137 = arith.index_cast %add3A_4131 : i32 to index
      %get3A_4138 = arith.constant 0 : index
      %get3A_4139 = tpu.vector_load %arg12[%get3A_4136, %get3A_4137, %get3A_4138] {strides = array<i32>} : memref<4x64x128xf32, #tpu.memory_space<vmem>>, vector<16xf32>,
      %add3A_4140 = arith.addf %get3A_4135, %get3A_4139 : vector<16xf32>
      %get3A_4141 = arith.index_cast %rem3A_2415 : i32 to index
      %get3A_4142 = arith.index_cast %add3A_4131 : i32 to index
      %get3A_4143 = arith.constant 0 : index
      %get3A_4144 = tpu.vector_load %arg13[%get3A_4141, %get3A_4142, %get3A_4143] {strides = array<i32>} : memref<4x64x128xf32, #tpu.memory_space<vmem>>, vector<16xf32>,
      %sub3A_4145 = arith.subf %add3A_4140, %get3A_4144 : vector<16xf32>
      %abs3A_4146 = math.absf %sub3A_4145 : vector<16xf32>
      %get3A_4147 = arith.index_cast %rem3A_2415 : i32 to index
      %get3A_4148 = arith.index_cast %add3A_4131 : i32 to index
      %get3A_4149 = arith.constant 16 : index
      %get3A_4150 = tpu.vector_load %arg11[%get3A_4147, %get3A_4148, %get3A_4149] {strides = array<i32>} : memref<4x64x128xf32, #tpu.memory_space<vmem>>, vector<16xf32>,
      %get3A_4151 = arith.index_cast %rem3A_2415 : i32 to index
      %get3A_4152 = arith.index_cast %add3A_4131 : i32 to index
      %get3A_4153 = arith.constant 16 : index
      %get3A_4154 = tpu.vector_load %arg12[%get3A_4151, %get3A_4152, %get3A_4153] {strides = array<i32>} : memref<4x64x128xf32, #tpu.memory_space<vmem>>, vector<16xf32>,
      %add3A_4155 = arith.addf %get3A_4150, %get3A_4154 : vector<16xf32>
      %get3A_4156 = arith.index_cast %rem3A_2415 : i32 to index
      %get3A_4157 = arith.index_cast %add3A_4131 : i32 to index
      %get3A_4158 = arith.constant 16 : index
      %get3A_4159 = tpu.vector_load %arg13[%get3A_4156, %get3A_4157, %get3A_4158] {strides = array<i32>} : memref<4x64x128xf32, #tpu.memory_space<vmem>>, vector<16xf32>,
      %sub3A_4160 = arith.subf %add3A_4155, %get3A_4159 : vector<16xf32>
      %abs3A_4161 = math.absf %sub3A_4160 : vector<16xf32>
      %add3A_4162 = arith.addf %abs3A_4146, %abs3A_4161 : vector<16xf32>
      %get3A_4163 = arith.index_cast %rem3A_2415 : i32 to index
      %get3A_4164 = arith.index_cast %add3A_4131 : i32 to index
      %get3A_4165 = arith.constant 32 : index
      %get3A_4166 = tpu.vector_load %arg11[%get3A_4163, %get3A_4164, %get3A_4165] {strides = array<i32>} : memref<4x64x128xf32, #tpu.memory_space<vmem>>, vector<16xf32>,
      %get3A_4167 = arith.index_cast %rem3A_2415 : i32 to index
      %get3A_4168 = arith.index_cast %add3A_4131 : i32 to index
      %get3A_4169 = arith.constant 32 : index
      %get3A_4170 = tpu.vector_load %arg12[%get3A_4167, %get3A_4168, %get3A_4169] {strides = array<i32>} : memref<4x64x128xf32, #tpu.memory_space<vmem>>, vector<16xf32>,
      %add3A_4171 = arith.addf %get3A_4166, %get3A_4170 : vector<16xf32>
      %get3A_4172 = arith.index_cast %rem3A_2415 : i32 to index
      %get3A_4173 = arith.index_cast %add3A_4131 : i32 to index
      %get3A_4174 = arith.constant 32 : index
      %get3A_4175 = tpu.vector_load %arg13[%get3A_4172, %get3A_4173, %get3A_4174] {strides = array<i32>} : memref<4x64x128xf32, #tpu.memory_space<vmem>>, vector<16xf32>,
      %sub3A_4176 = arith.subf %add3A_4171, %get3A_4175 : vector<16xf32>
      %abs3A_4177 = math.absf %sub3A_4176 : vector<16xf32>
      %add3A_4178 = arith.addf %add3A_4162, %abs3A_4177 : vector<16xf32>
      %get3A_4179 = arith.index_cast %rem3A_2415 : i32 to index
      %get3A_4180 = arith.index_cast %add3A_4131 : i32 to index
      %get3A_4181 = arith.constant 48 : index
      %get3A_4182 = tpu.vector_load %arg11[%get3A_4179, %get3A_4180, %get3A_4181] {strides = array<i32>} : memref<4x64x128xf32, #tpu.memory_space<vmem>>, vector<16xf32>,
      %get3A_4183 = arith.index_cast %rem3A_2415 : i32 to index
      %get3A_4184 = arith.index_cast %add3A_4131 : i32 to index
      %get3A_4185 = arith.constant 48 : index
      %get3A_4186 = tpu.vector_load %arg12[%get3A_4183, %get3A_4184, %get3A_4185] {strides = array<i32>} : memref<4x64x128xf32, #tpu.memory_space<vmem>>, vector<16xf32>,
      %add3A_4187 = arith.addf %get3A_4182, %get3A_4186 : vector<16xf32>
      %get3A_4188 = arith.index_cast %rem3A_2415 : i32 to index
      %get3A_4189 = arith.index_cast %add3A_4131 : i32 to index
      %get3A_4190 = arith.constant 48 : index
      %get3A_4191 = tpu.vector_load %arg13[%get3A_4188, %get3A_4189, %get3A_4190] {strides = array<i32>} : memref<4x64x128xf32, #tpu.memory_space<vmem>>, vector<16xf32>,
      %sub3A_4192 = arith.subf %add3A_4187, %get3A_4191 : vector<16xf32>
      %abs3A_4193 = math.absf %sub3A_4192 : vector<16xf32>
      %add3A_4194 = arith.addf %add3A_4178, %abs3A_4193 : vector<16xf32>
      %get3A_4195 = arith.index_cast %rem3A_2415 : i32 to index
      %get3A_4196 = arith.index_cast %add3A_4131 : i32 to index
      %get3A_4197 = arith.constant 64 : index
      %get3A_4198 = tpu.vector_load %arg11[%get3A_4195, %get3A_4196, %get3A_4197] {strides = array<i32>} : memref<4x64x128xf32, #tpu.memory_space<vmem>>, vector<16xf32>,
      %get3A_4199 = arith.index_cast %rem3A_2415 : i32 to index
      %get3A_4200 = arith.index_cast %add3A_4131 : i32 to index
      %get3A_4201 = arith.constant 64 : index
      %get3A_4202 = tpu.vector_load %arg12[%get3A_4199, %get3A_4200, %get3A_4201] {strides = array<i32>} : memref<4x64x128xf32, #tpu.memory_space<vmem>>, vector<16xf32>,
      %add3A_4203 = arith.addf %get3A_4198, %get3A_4202 : vector<16xf32>
      %get3A_4204 = arith.index_cast %rem3A_2415 : i32 to index
      %get3A_4205 = arith.index_cast %add3A_4131 : i32 to index
      %get3A_4206 = arith.constant 64 : index
      %get3A_4207 = tpu.vector_load %arg13[%get3A_4204, %get3A_4205, %get3A_4206] {strides = array<i32>} : memref<4x64x128xf32, #tpu.memory_space<vmem>>, vector<16xf32>,
      %sub3A_4208 = arith.subf %add3A_4203, %get3A_4207 : vector<16xf32>
      %abs3A_4209 = math.absf %sub3A_4208 : vector<16xf32>
      %add3A_4210 = arith.addf %add3A_4194, %abs3A_4209 : vector<16xf32>
      %get3A_4211 = arith.index_cast %rem3A_2415 : i32 to index
      %get3A_4212 = arith.index_cast %add3A_4131 : i32 to index
      %get3A_4213 = arith.constant 80 : index
      %get3A_4214 = tpu.vector_load %arg11[%get3A_4211, %get3A_4212, %get3A_4213] {strides = array<i32>} : memref<4x64x128xf32, #tpu.memory_space<vmem>>, vector<16xf32>,
      %get3A_4215 = arith.index_cast %rem3A_2415 : i32 to index
      %get3A_4216 = arith.index_cast %add3A_4131 : i32 to index
      %get3A_4217 = arith.constant 80 : index
      %get3A_4218 = tpu.vector_load %arg12[%get3A_4215, %get3A_4216, %get3A_4217] {strides = array<i32>} : memref<4x64x128xf32, #tpu.memory_space<vmem>>, vector<16xf32>,
      %add3A_4219 = arith.addf %get3A_4214, %get3A_4218 : vector<16xf32>
      %get3A_4220 = arith.index_cast %rem3A_2415 : i32 to index
      %get3A_4221 = arith.index_cast %add3A_4131 : i32 to index
      %get3A_4222 = arith.constant 80 : index
      %get3A_4223 = tpu.vector_load %arg13[%get3A_4220, %get3A_4221, %get3A_4222] {strides = array<i32>} : memref<4x64x128xf32, #tpu.memory_space<vmem>>, vector<16xf32>,
      %sub3A_4224 = arith.subf %add3A_4219, %get3A_4223 : vector<16xf32>
      %abs3A_4225 = math.absf %sub3A_4224 : vector<16xf32>
      %add3A_4226 = arith.addf %add3A_4210, %abs3A_4225 : vector<16xf32>
      %get3A_4227 = arith.index_cast %rem3A_2415 : i32 to index
      %get3A_4228 = arith.index_cast %add3A_4131 : i32 to index
      %get3A_4229 = arith.constant 96 : index
      %get3A_4230 = tpu.vector_load %arg11[%get3A_4227, %get3A_4228, %get3A_4229] {strides = array<i32>} : memref<4x64x128xf32, #tpu.memory_space<vmem>>, vector<16xf32>,
      %get3A_4231 = arith.index_cast %rem3A_2415 : i32 to index
      %get3A_4232 = arith.index_cast %add3A_4131 : i32 to index
      %get3A_4233 = arith.constant 96 : index
      %get3A_4234 = tpu.vector_load %arg12[%get3A_4231, %get3A_4232, %get3A_4233] {strides = array<i32>} : memref<4x64x128xf32, #tpu.memory_space<vmem>>, vector<16xf32>,
      %add3A_4235 = arith.addf %get3A_4230, %get3A_4234 : vector<16xf32>
      %get3A_4236 = arith.index_cast %rem3A_2415 : i32 to index
      %get3A_4237 = arith.index_cast %add3A_4131 : i32 to index
      %get3A_4238 = arith.constant 96 : index
      %get3A_4239 = tpu.vector_load %arg13[%get3A_4236, %get3A_4237, %get3A_4238] {strides = array<i32>} : memref<4x64x128xf32, #tpu.memory_space<vmem>>, vector<16xf32>,
      %sub3A_4240 = arith.subf %add3A_4235, %get3A_4239 : vector<16xf32>
      %abs3A_4241 = math.absf %sub3A_4240 : vector<16xf32>
      %add3A_4242 = arith.addf %add3A_4226, %abs3A_4241 : vector<16xf32>
      %get3A_4243 = arith.index_cast %rem3A_2415 : i32 to index
      %get3A_4244 = arith.index_cast %add3A_4131 : i32 to index
      %get3A_4245 = arith.constant 112 : index
      %get3A_4246 = tpu.vector_load %arg11[%get3A_4243, %get3A_4244, %get3A_4245] {strides = array<i32>} : memref<4x64x128xf32, #tpu.memory_space<vmem>>, vector<16xf32>,
      %get3A_4247 = arith.index_cast %rem3A_2415 : i32 to index
      %get3A_4248 = arith.index_cast %add3A_4131 : i32 to index
      %get3A_4249 = arith.constant 112 : index
      %get3A_4250 = tpu.vector_load %arg12[%get3A_4247, %get3A_4248, %get3A_4249] {strides = array<i32>} : memref<4x64x128xf32, #tpu.memory_space<vmem>>, vector<16xf32>,
      %add3A_4251 = arith.addf %get3A_4246, %get3A_4250 : vector<16xf32>
      %get3A_4252 = arith.index_cast %rem3A_2415 : i32 to index
      %get3A_4253 = arith.index_cast %add3A_4131 : i32 to index
      %get3A_4254 = arith.constant 112 : index
      %get3A_4255 = tpu.vector_load %arg13[%get3A_4252, %get3A_4253, %get3A_4254] {strides = array<i32>} : memref<4x64x128xf32, #tpu.memory_space<vmem>>, vector<16xf32>,
      %sub3A_4256 = arith.subf %add3A_4251, %get3A_4255 : vector<16xf32>
      %abs3A_4257 = math.absf %sub3A_4256 : vector<16xf32>
      %add3A_4258 = arith.addf %add3A_4242, %abs3A_4257 : vector<16xf32>
      %swap3A_4259 = arith.constant 221 : index
      %swap3A_4260 = tpu.vector_load %arg15[%swap3A_4259] {strides = array<i32>} : memref<272xf32, #tpu.memory_space<vmem>>, vector<16xf32>,
      tpu.vector_store %arg15[%swap3A_4259], %add3A_4258 {strides = array<i32>} : memref<272xf32, #tpu.memory_space<vmem>>, vector<16xf32>,
      %add3A_4261 = arith.constant 14 : i32
      %add3A_4262 = arith.addi %mul3A_2426, %add3A_4261 : i32
      %get3A_4263 = arith.index_cast %rem3A_2415 : i32 to index
      %get3A_4264 = arith.index_cast %add3A_4262 : i32 to index
      %get3A_4265 = arith.constant 0 : index
      %get3A_4266 = tpu.vector_load %arg11[%get3A_4263, %get3A_4264, %get3A_4265] {strides = array<i32>} : memref<4x64x128xf32, #tpu.memory_space<vmem>>, vector<16xf32>,
      %get3A_4267 = arith.index_cast %rem3A_2415 : i32 to index
      %get3A_4268 = arith.index_cast %add3A_4262 : i32 to index
      %get3A_4269 = arith.constant 0 : index
      %get3A_4270 = tpu.vector_load %arg12[%get3A_4267, %get3A_4268, %get3A_4269] {strides = array<i32>} : memref<4x64x128xf32, #tpu.memory_space<vmem>>, vector<16xf32>,
      %add3A_4271 = arith.addf %get3A_4266, %get3A_4270 : vector<16xf32>
      %get3A_4272 = arith.index_cast %rem3A_2415 : i32 to index
      %get3A_4273 = arith.index_cast %add3A_4262 : i32 to index
      %get3A_4274 = arith.constant 0 : index
      %get3A_4275 = tpu.vector_load %arg13[%get3A_4272, %get3A_4273, %get3A_4274] {strides = array<i32>} : memref<4x64x128xf32, #tpu.memory_space<vmem>>, vector<16xf32>,
      %sub3A_4276 = arith.subf %add3A_4271, %get3A_4275 : vector<16xf32>
      %abs3A_4277 = math.absf %sub3A_4276 : vector<16xf32>
      %get3A_4278 = arith.index_cast %rem3A_2415 : i32 to index
      %get3A_4279 = arith.index_cast %add3A_4262 : i32 to index
      %get3A_4280 = arith.constant 16 : index
      %get3A_4281 = tpu.vector_load %arg11[%get3A_4278, %get3A_4279, %get3A_4280] {strides = array<i32>} : memref<4x64x128xf32, #tpu.memory_space<vmem>>, vector<16xf32>,
      %get3A_4282 = arith.index_cast %rem3A_2415 : i32 to index
      %get3A_4283 = arith.index_cast %add3A_4262 : i32 to index
      %get3A_4284 = arith.constant 16 : index
      %get3A_4285 = tpu.vector_load %arg12[%get3A_4282, %get3A_4283, %get3A_4284] {strides = array<i32>} : memref<4x64x128xf32, #tpu.memory_space<vmem>>, vector<16xf32>,
      %add3A_4286 = arith.addf %get3A_4281, %get3A_4285 : vector<16xf32>
      %get3A_4287 = arith.index_cast %rem3A_2415 : i32 to index
      %get3A_4288 = arith.index_cast %add3A_4262 : i32 to index
      %get3A_4289 = arith.constant 16 : index
      %get3A_4290 = tpu.vector_load %arg13[%get3A_4287, %get3A_4288, %get3A_4289] {strides = array<i32>} : memref<4x64x128xf32, #tpu.memory_space<vmem>>, vector<16xf32>,
      %sub3A_4291 = arith.subf %add3A_4286, %get3A_4290 : vector<16xf32>
      %abs3A_4292 = math.absf %sub3A_4291 : vector<16xf32>
      %add3A_4293 = arith.addf %abs3A_4277, %abs3A_4292 : vector<16xf32>
      %get3A_4294 = arith.index_cast %rem3A_2415 : i32 to index
      %get3A_4295 = arith.index_cast %add3A_4262 : i32 to index
      %get3A_4296 = arith.constant 32 : index
      %get3A_4297 = tpu.vector_load %arg11[%get3A_4294, %get3A_4295, %get3A_4296] {strides = array<i32>} : memref<4x64x128xf32, #tpu.memory_space<vmem>>, vector<16xf32>,
      %get3A_4298 = arith.index_cast %rem3A_2415 : i32 to index
      %get3A_4299 = arith.index_cast %add3A_4262 : i32 to index
      %get3A_4300 = arith.constant 32 : index
      %get3A_4301 = tpu.vector_load %arg12[%get3A_4298, %get3A_4299, %get3A_4300] {strides = array<i32>} : memref<4x64x128xf32, #tpu.memory_space<vmem>>, vector<16xf32>,
      %add3A_4302 = arith.addf %get3A_4297, %get3A_4301 : vector<16xf32>
      %get3A_4303 = arith.index_cast %rem3A_2415 : i32 to index
      %get3A_4304 = arith.index_cast %add3A_4262 : i32 to index
      %get3A_4305 = arith.constant 32 : index
      %get3A_4306 = tpu.vector_load %arg13[%get3A_4303, %get3A_4304, %get3A_4305] {strides = array<i32>} : memref<4x64x128xf32, #tpu.memory_space<vmem>>, vector<16xf32>,
      %sub3A_4307 = arith.subf %add3A_4302, %get3A_4306 : vector<16xf32>
      %abs3A_4308 = math.absf %sub3A_4307 : vector<16xf32>
      %add3A_4309 = arith.addf %add3A_4293, %abs3A_4308 : vector<16xf32>
      %get3A_4310 = arith.index_cast %rem3A_2415 : i32 to index
      %get3A_4311 = arith.index_cast %add3A_4262 : i32 to index
      %get3A_4312 = arith.constant 48 : index
      %get3A_4313 = tpu.vector_load %arg11[%get3A_4310, %get3A_4311, %get3A_4312] {strides = array<i32>} : memref<4x64x128xf32, #tpu.memory_space<vmem>>, vector<16xf32>,
      %get3A_4314 = arith.index_cast %rem3A_2415 : i32 to index
      %get3A_4315 = arith.index_cast %add3A_4262 : i32 to index
      %get3A_4316 = arith.constant 48 : index
      %get3A_4317 = tpu.vector_load %arg12[%get3A_4314, %get3A_4315, %get3A_4316] {strides = array<i32>} : memref<4x64x128xf32, #tpu.memory_space<vmem>>, vector<16xf32>,
      %add3A_4318 = arith.addf %get3A_4313, %get3A_4317 : vector<16xf32>
      %get3A_4319 = arith.index_cast %rem3A_2415 : i32 to index
      %get3A_4320 = arith.index_cast %add3A_4262 : i32 to index
      %get3A_4321 = arith.constant 48 : index
      %get3A_4322 = tpu.vector_load %arg13[%get3A_4319, %get3A_4320, %get3A_4321] {strides = array<i32>} : memref<4x64x128xf32, #tpu.memory_space<vmem>>, vector<16xf32>,
      %sub3A_4323 = arith.subf %add3A_4318, %get3A_4322 : vector<16xf32>
      %abs3A_4324 = math.absf %sub3A_4323 : vector<16xf32>
      %add3A_4325 = arith.addf %add3A_4309, %abs3A_4324 : vector<16xf32>
      %get3A_4326 = arith.index_cast %rem3A_2415 : i32 to index
      %get3A_4327 = arith.index_cast %add3A_4262 : i32 to index
      %get3A_4328 = arith.constant 64 : index
      %get3A_4329 = tpu.vector_load %arg11[%get3A_4326, %get3A_4327, %get3A_4328] {strides = array<i32>} : memref<4x64x128xf32, #tpu.memory_space<vmem>>, vector<16xf32>,
      %get3A_4330 = arith.index_cast %rem3A_2415 : i32 to index
      %get3A_4331 = arith.index_cast %add3A_4262 : i32 to index
      %get3A_4332 = arith.constant 64 : index
      %get3A_4333 = tpu.vector_load %arg12[%get3A_4330, %get3A_4331, %get3A_4332] {strides = array<i32>} : memref<4x64x128xf32, #tpu.memory_space<vmem>>, vector<16xf32>,
      %add3A_4334 = arith.addf %get3A_4329, %get3A_4333 : vector<16xf32>
      %get3A_4335 = arith.index_cast %rem3A_2415 : i32 to index
      %get3A_4336 = arith.index_cast %add3A_4262 : i32 to index
      %get3A_4337 = arith.constant 64 : index
      %get3A_4338 = tpu.vector_load %arg13[%get3A_4335, %get3A_4336, %get3A_4337] {strides = array<i32>} : memref<4x64x128xf32, #tpu.memory_space<vmem>>, vector<16xf32>,
      %sub3A_4339 = arith.subf %add3A_4334, %get3A_4338 : vector<16xf32>
      %abs3A_4340 = math.absf %sub3A_4339 : vector<16xf32>
      %add3A_4341 = arith.addf %add3A_4325, %abs3A_4340 : vector<16xf32>
      %get3A_4342 = arith.index_cast %rem3A_2415 : i32 to index
      %get3A_4343 = arith.index_cast %add3A_4262 : i32 to index
      %get3A_4344 = arith.constant 80 : index
      %get3A_4345 = tpu.vector_load %arg11[%get3A_4342, %get3A_4343, %get3A_4344] {strides = array<i32>} : memref<4x64x128xf32, #tpu.memory_space<vmem>>, vector<16xf32>,
      %get3A_4346 = arith.index_cast %rem3A_2415 : i32 to index
      %get3A_4347 = arith.index_cast %add3A_4262 : i32 to index
      %get3A_4348 = arith.constant 80 : index
      %get3A_4349 = tpu.vector_load %arg12[%get3A_4346, %get3A_4347, %get3A_4348] {strides = array<i32>} : memref<4x64x128xf32, #tpu.memory_space<vmem>>, vector<16xf32>,
      %add3A_4350 = arith.addf %get3A_4345, %get3A_4349 : vector<16xf32>
      %get3A_4351 = arith.index_cast %rem3A_2415 : i32 to index
      %get3A_4352 = arith.index_cast %add3A_4262 : i32 to index
      %get3A_4353 = arith.constant 80 : index
      %get3A_4354 = tpu.vector_load %arg13[%get3A_4351, %get3A_4352, %get3A_4353] {strides = array<i32>} : memref<4x64x128xf32, #tpu.memory_space<vmem>>, vector<16xf32>,
      %sub3A_4355 = arith.subf %add3A_4350, %get3A_4354 : vector<16xf32>
      %abs3A_4356 = math.absf %sub3A_4355 : vector<16xf32>
      %add3A_4357 = arith.addf %add3A_4341, %abs3A_4356 : vector<16xf32>
      %get3A_4358 = arith.index_cast %rem3A_2415 : i32 to index
      %get3A_4359 = arith.index_cast %add3A_4262 : i32 to index
      %get3A_4360 = arith.constant 96 : index
      %get3A_4361 = tpu.vector_load %arg11[%get3A_4358, %get3A_4359, %get3A_4360] {strides = array<i32>} : memref<4x64x128xf32, #tpu.memory_space<vmem>>, vector<16xf32>,
      %get3A_4362 = arith.index_cast %rem3A_2415 : i32 to index
      %get3A_4363 = arith.index_cast %add3A_4262 : i32 to index
      %get3A_4364 = arith.constant 96 : index
      %get3A_4365 = tpu.vector_load %arg12[%get3A_4362, %get3A_4363, %get3A_4364] {strides = array<i32>} : memref<4x64x128xf32, #tpu.memory_space<vmem>>, vector<16xf32>,
      %add3A_4366 = arith.addf %get3A_4361, %get3A_4365 : vector<16xf32>
      %get3A_4367 = arith.index_cast %rem3A_2415 : i32 to index
      %get3A_4368 = arith.index_cast %add3A_4262 : i32 to index
      %get3A_4369 = arith.constant 96 : index
      %get3A_4370 = tpu.vector_load %arg13[%get3A_4367, %get3A_4368, %get3A_4369] {strides = array<i32>} : memref<4x64x128xf32, #tpu.memory_space<vmem>>, vector<16xf32>,
      %sub3A_4371 = arith.subf %add3A_4366, %get3A_4370 : vector<16xf32>
      %abs3A_4372 = math.absf %sub3A_4371 : vector<16xf32>
      %add3A_4373 = arith.addf %add3A_4357, %abs3A_4372 : vector<16xf32>
      %get3A_4374 = arith.index_cast %rem3A_2415 : i32 to index
      %get3A_4375 = arith.index_cast %add3A_4262 : i32 to index
      %get3A_4376 = arith.constant 112 : index
      %get3A_4377 = tpu.vector_load %arg11[%get3A_4374, %get3A_4375, %get3A_4376] {strides = array<i32>} : memref<4x64x128xf32, #tpu.memory_space<vmem>>, vector<16xf32>,
      %get3A_4378 = arith.index_cast %rem3A_2415 : i32 to index
      %get3A_4379 = arith.index_cast %add3A_4262 : i32 to index
      %get3A_4380 = arith.constant 112 : index
      %get3A_4381 = tpu.vector_load %arg12[%get3A_4378, %get3A_4379, %get3A_4380] {strides = array<i32>} : memref<4x64x128xf32, #tpu.memory_space<vmem>>, vector<16xf32>,
      %add3A_4382 = arith.addf %get3A_4377, %get3A_4381 : vector<16xf32>
      %get3A_4383 = arith.index_cast %rem3A_2415 : i32 to index
      %get3A_4384 = arith.index_cast %add3A_4262 : i32 to index
      %get3A_4385 = arith.constant 112 : index
      %get3A_4386 = tpu.vector_load %arg13[%get3A_4383, %get3A_4384, %get3A_4385] {strides = array<i32>} : memref<4x64x128xf32, #tpu.memory_space<vmem>>, vector<16xf32>,
      %sub3A_4387 = arith.subf %add3A_4382, %get3A_4386 : vector<16xf32>
      %abs3A_4388 = math.absf %sub3A_4387 : vector<16xf32>
      %add3A_4389 = arith.addf %add3A_4373, %abs3A_4388 : vector<16xf32>
      %swap3A_4390 = arith.constant 238 : index
      %swap3A_4391 = tpu.vector_load %arg15[%swap3A_4390] {strides = array<i32>} : memref<272xf32, #tpu.memory_space<vmem>>, vector<16xf32>,
      tpu.vector_store %arg15[%swap3A_4390], %add3A_4389 {strides = array<i32>} : memref<272xf32, #tpu.memory_space<vmem>>, vector<16xf32>,
      %add3A_4392 = arith.constant 15 : i32
      %add3A_4393 = arith.addi %mul3A_2426, %add3A_4392 : i32
      %get3A_4394 = arith.index_cast %rem3A_2415 : i32 to index
      %get3A_4395 = arith.index_cast %add3A_4393 : i32 to index
      %get3A_4396 = arith.constant 0 : index
      %get3A_4397 = tpu.vector_load %arg11[%get3A_4394, %get3A_4395, %get3A_4396] {strides = array<i32>} : memref<4x64x128xf32, #tpu.memory_space<vmem>>, vector<16xf32>,
      %get3A_4398 = arith.index_cast %rem3A_2415 : i32 to index
      %get3A_4399 = arith.index_cast %add3A_4393 : i32 to index
      %get3A_4400 = arith.constant 0 : index
      %get3A_4401 = tpu.vector_load %arg12[%get3A_4398, %get3A_4399, %get3A_4400] {strides = array<i32>} : memref<4x64x128xf32, #tpu.memory_space<vmem>>, vector<16xf32>,
      %add3A_4402 = arith.addf %get3A_4397, %get3A_4401 : vector<16xf32>
      %get3A_4403 = arith.index_cast %rem3A_2415 : i32 to index
      %get3A_4404 = arith.index_cast %add3A_4393 : i32 to index
      %get3A_4405 = arith.constant 0 : index
      %get3A_4406 = tpu.vector_load %arg13[%get3A_4403, %get3A_4404, %get3A_4405] {strides = array<i32>} : memref<4x64x128xf32, #tpu.memory_space<vmem>>, vector<16xf32>,
      %sub3A_4407 = arith.subf %add3A_4402, %get3A_4406 : vector<16xf32>
      %abs3A_4408 = math.absf %sub3A_4407 : vector<16xf32>
      %get3A_4409 = arith.index_cast %rem3A_2415 : i32 to index
      %get3A_4410 = arith.index_cast %add3A_4393 : i32 to index
      %get3A_4411 = arith.constant 16 : index
      %get3A_4412 = tpu.vector_load %arg11[%get3A_4409, %get3A_4410, %get3A_4411] {strides = array<i32>} : memref<4x64x128xf32, #tpu.memory_space<vmem>>, vector<16xf32>,
      %get3A_4413 = arith.index_cast %rem3A_2415 : i32 to index
      %get3A_4414 = arith.index_cast %add3A_4393 : i32 to index
      %get3A_4415 = arith.constant 16 : index
      %get3A_4416 = tpu.vector_load %arg12[%get3A_4413, %get3A_4414, %get3A_4415] {strides = array<i32>} : memref<4x64x128xf32, #tpu.memory_space<vmem>>, vector<16xf32>,
      %add3A_4417 = arith.addf %get3A_4412, %get3A_4416 : vector<16xf32>
      %get3A_4418 = arith.index_cast %rem3A_2415 : i32 to index
      %get3A_4419 = arith.index_cast %add3A_4393 : i32 to index
      %get3A_4420 = arith.constant 16 : index
      %get3A_4421 = tpu.vector_load %arg13[%get3A_4418, %get3A_4419, %get3A_4420] {strides = array<i32>} : memref<4x64x128xf32, #tpu.memory_space<vmem>>, vector<16xf32>,
      %sub3A_4422 = arith.subf %add3A_4417, %get3A_4421 : vector<16xf32>
      %abs3A_4423 = math.absf %sub3A_4422 : vector<16xf32>
      %add3A_4424 = arith.addf %abs3A_4408, %abs3A_4423 : vector<16xf32>
      %get3A_4425 = arith.index_cast %rem3A_2415 : i32 to index
      %get3A_4426 = arith.index_cast %add3A_4393 : i32 to index
      %get3A_4427 = arith.constant 32 : index
      %get3A_4428 = tpu.vector_load %arg11[%get3A_4425, %get3A_4426, %get3A_4427] {strides = array<i32>} : memref<4x64x128xf32, #tpu.memory_space<vmem>>, vector<16xf32>,
      %get3A_4429 = arith.index_cast %rem3A_2415 : i32 to index
      %get3A_4430 = arith.index_cast %add3A_4393 : i32 to index
      %get3A_4431 = arith.constant 32 : index
      %get3A_4432 = tpu.vector_load %arg12[%get3A_4429, %get3A_4430, %get3A_4431] {strides = array<i32>} : memref<4x64x128xf32, #tpu.memory_space<vmem>>, vector<16xf32>,
      %add3A_4433 = arith.addf %get3A_4428, %get3A_4432 : vector<16xf32>
      %get3A_4434 = arith.index_cast %rem3A_2415 : i32 to index
      %get3A_4435 = arith.index_cast %add3A_4393 : i32 to index
      %get3A_4436 = arith.constant 32 : index
      %get3A_4437 = tpu.vector_load %arg13[%get3A_4434, %get3A_4435, %get3A_4436] {strides = array<i32>} : memref<4x64x128xf32, #tpu.memory_space<vmem>>, vector<16xf32>,
      %sub3A_4438 = arith.subf %add3A_4433, %get3A_4437 : vector<16xf32>
      %abs3A_4439 = math.absf %sub3A_4438 : vector<16xf32>
      %add3A_4440 = arith.addf %add3A_4424, %abs3A_4439 : vector<16xf32>
      %get3A_4441 = arith.index_cast %rem3A_2415 : i32 to index
      %get3A_4442 = arith.index_cast %add3A_4393 : i32 to index
      %get3A_4443 = arith.constant 48 : index
      %get3A_4444 = tpu.vector_load %arg11[%get3A_4441, %get3A_4442, %get3A_4443] {strides = array<i32>} : memref<4x64x128xf32, #tpu.memory_space<vmem>>, vector<16xf32>,
      %get3A_4445 = arith.index_cast %rem3A_2415 : i32 to index
      %get3A_4446 = arith.index_cast %add3A_4393 : i32 to index
      %get3A_4447 = arith.constant 48 : index
      %get3A_4448 = tpu.vector_load %arg12[%get3A_4445, %get3A_4446, %get3A_4447] {strides = array<i32>} : memref<4x64x128xf32, #tpu.memory_space<vmem>>, vector<16xf32>,
      %add3A_4449 = arith.addf %get3A_4444, %get3A_4448 : vector<16xf32>
      %get3A_4450 = arith.index_cast %rem3A_2415 : i32 to index
      %get3A_4451 = arith.index_cast %add3A_4393 : i32 to index
      %get3A_4452 = arith.constant 48 : index
      %get3A_4453 = tpu.vector_load %arg13[%get3A_4450, %get3A_4451, %get3A_4452] {strides = array<i32>} : memref<4x64x128xf32, #tpu.memory_space<vmem>>, vector<16xf32>,
      %sub3A_4454 = arith.subf %add3A_4449, %get3A_4453 : vector<16xf32>
      %abs3A_4455 = math.absf %sub3A_4454 : vector<16xf32>
      %add3A_4456 = arith.addf %add3A_4440, %abs3A_4455 : vector<16xf32>
      %get3A_4457 = arith.index_cast %rem3A_2415 : i32 to index
      %get3A_4458 = arith.index_cast %add3A_4393 : i32 to index
      %get3A_4459 = arith.constant 64 : index
      %get3A_4460 = tpu.vector_load %arg11[%get3A_4457, %get3A_4458, %get3A_4459] {strides = array<i32>} : memref<4x64x128xf32, #tpu.memory_space<vmem>>, vector<16xf32>,
      %get3A_4461 = arith.index_cast %rem3A_2415 : i32 to index
      %get3A_4462 = arith.index_cast %add3A_4393 : i32 to index
      %get3A_4463 = arith.constant 64 : index
      %get3A_4464 = tpu.vector_load %arg12[%get3A_4461, %get3A_4462, %get3A_4463] {strides = array<i32>} : memref<4x64x128xf32, #tpu.memory_space<vmem>>, vector<16xf32>,
      %add3A_4465 = arith.addf %get3A_4460, %get3A_4464 : vector<16xf32>
      %get3A_4466 = arith.index_cast %rem3A_2415 : i32 to index
      %get3A_4467 = arith.index_cast %add3A_4393 : i32 to index
      %get3A_4468 = arith.constant 64 : index
      %get3A_4469 = tpu.vector_load %arg13[%get3A_4466, %get3A_4467, %get3A_4468] {strides = array<i32>} : memref<4x64x128xf32, #tpu.memory_space<vmem>>, vector<16xf32>,
      %sub3A_4470 = arith.subf %add3A_4465, %get3A_4469 : vector<16xf32>
      %abs3A_4471 = math.absf %sub3A_4470 : vector<16xf32>
      %add3A_4472 = arith.addf %add3A_4456, %abs3A_4471 : vector<16xf32>
      %get3A_4473 = arith.index_cast %rem3A_2415 : i32 to index
      %get3A_4474 = arith.index_cast %add3A_4393 : i32 to index
      %get3A_4475 = arith.constant 80 : index
      %get3A_4476 = tpu.vector_load %arg11[%get3A_4473, %get3A_4474, %get3A_4475] {strides = array<i32>} : memref<4x64x128xf32, #tpu.memory_space<vmem>>, vector<16xf32>,
      %get3A_4477 = arith.index_cast %rem3A_2415 : i32 to index
      %get3A_4478 = arith.index_cast %add3A_4393 : i32 to index
      %get3A_4479 = arith.constant 80 : index
      %get3A_4480 = tpu.vector_load %arg12[%get3A_4477, %get3A_4478, %get3A_4479] {strides = array<i32>} : memref<4x64x128xf32, #tpu.memory_space<vmem>>, vector<16xf32>,
      %add3A_4481 = arith.addf %get3A_4476, %get3A_4480 : vector<16xf32>
      %get3A_4482 = arith.index_cast %rem3A_2415 : i32 to index
      %get3A_4483 = arith.index_cast %add3A_4393 : i32 to index
      %get3A_4484 = arith.constant 80 : index
      %get3A_4485 = tpu.vector_load %arg13[%get3A_4482, %get3A_4483, %get3A_4484] {strides = array<i32>} : memref<4x64x128xf32, #tpu.memory_space<vmem>>, vector<16xf32>,
      %sub3A_4486 = arith.subf %add3A_4481, %get3A_4485 : vector<16xf32>
      %abs3A_4487 = math.absf %sub3A_4486 : vector<16xf32>
      %add3A_4488 = arith.addf %add3A_4472, %abs3A_4487 : vector<16xf32>
      %get3A_4489 = arith.index_cast %rem3A_2415 : i32 to index
      %get3A_4490 = arith.index_cast %add3A_4393 : i32 to index
      %get3A_4491 = arith.constant 96 : index
      %get3A_4492 = tpu.vector_load %arg11[%get3A_4489, %get3A_4490, %get3A_4491] {strides = array<i32>} : memref<4x64x128xf32, #tpu.memory_space<vmem>>, vector<16xf32>,
      %get3A_4493 = arith.index_cast %rem3A_2415 : i32 to index
      %get3A_4494 = arith.index_cast %add3A_4393 : i32 to index
      %get3A_4495 = arith.constant 96 : index
      %get3A_4496 = tpu.vector_load %arg12[%get3A_4493, %get3A_4494, %get3A_4495] {strides = array<i32>} : memref<4x64x128xf32, #tpu.memory_space<vmem>>, vector<16xf32>,
      %add3A_4497 = arith.addf %get3A_4492, %get3A_4496 : vector<16xf32>
      %get3A_4498 = arith.index_cast %rem3A_2415 : i32 to index
      %get3A_4499 = arith.index_cast %add3A_4393 : i32 to index
      %get3A_4500 = arith.constant 96 : index
      %get3A_4501 = tpu.vector_load %arg13[%get3A_4498, %get3A_4499, %get3A_4500] {strides = array<i32>} : memref<4x64x128xf32, #tpu.memory_space<vmem>>, vector<16xf32>,
      %sub3A_4502 = arith.subf %add3A_4497, %get3A_4501 : vector<16xf32>
      %abs3A_4503 = math.absf %sub3A_4502 : vector<16xf32>
      %add3A_4504 = arith.addf %add3A_4488, %abs3A_4503 : vector<16xf32>
      %get3A_4505 = arith.index_cast %rem3A_2415 : i32 to index
      %get3A_4506 = arith.index_cast %add3A_4393 : i32 to index
      %get3A_4507 = arith.constant 112 : index
      %get3A_4508 = tpu.vector_load %arg11[%get3A_4505, %get3A_4506, %get3A_4507] {strides = array<i32>} : memref<4x64x128xf32, #tpu.memory_space<vmem>>, vector<16xf32>,
      %get3A_4509 = arith.index_cast %rem3A_2415 : i32 to index
      %get3A_4510 = arith.index_cast %add3A_4393 : i32 to index
      %get3A_4511 = arith.constant 112 : index
      %get3A_4512 = tpu.vector_load %arg12[%get3A_4509, %get3A_4510, %get3A_4511] {strides = array<i32>} : memref<4x64x128xf32, #tpu.memory_space<vmem>>, vector<16xf32>,
      %add3A_4513 = arith.addf %get3A_4508, %get3A_4512 : vector<16xf32>
      %get3A_4514 = arith.index_cast %rem3A_2415 : i32 to index
      %get3A_4515 = arith.index_cast %add3A_4393 : i32 to index
      %get3A_4516 = arith.constant 112 : index
      %get3A_4517 = tpu.vector_load %arg13[%get3A_4514, %get3A_4515, %get3A_4516] {strides = array<i32>} : memref<4x64x128xf32, #tpu.memory_space<vmem>>, vector<16xf32>,
      %sub3A_4518 = arith.subf %add3A_4513, %get3A_4517 : vector<16xf32>
      %abs3A_4519 = math.absf %sub3A_4518 : vector<16xf32>
      %add3A_4520 = arith.addf %add3A_4504, %abs3A_4519 : vector<16xf32>
      %swap3A_4521 = arith.constant 255 : index
      %swap3A_4522 = tpu.vector_load %arg15[%swap3A_4521] {strides = array<i32>} : memref<272xf32, #tpu.memory_space<vmem>>, vector<16xf32>,
      tpu.vector_store %arg15[%swap3A_4521], %add3A_4520 {strides = array<i32>} : memref<272xf32, #tpu.memory_space<vmem>>, vector<16xf32>,
      %gather3A_4523 = tpu.vector_load_idx %arg15[%mul3A_182] : memref<272xf32, #tpu.memory_space<vmem>>[vector<16xi32>], vector<16xf32>,
      %add3A_4524 = arith.constant 1 : i32
      %add3A_4525 = vector.broadcast %add3A_4524 : i32 to vector<16xi32>
      %add3A_4526 = arith.addi %mul3A_182, %add3A_4525 : vector<16xi32>
      %gather3A_4527 = tpu.vector_load_idx %arg15[%add3A_4526] : memref<272xf32, #tpu.memory_space<vmem>>[vector<16xi32>], vector<16xf32>,
      %add3A_4528 = arith.addf %gather3A_4523, %gather3A_4527 : vector<16xf32>
      %add3A_4529 = arith.constant 2 : i32
      %add3A_4530 = vector.broadcast %add3A_4529 : i32 to vector<16xi32>
      %add3A_4531 = arith.addi %mul3A_182, %add3A_4530 : vector<16xi32>
      %gather3A_4532 = tpu.vector_load_idx %arg15[%add3A_4531] : memref<272xf32, #tpu.memory_space<vmem>>[vector<16xi32>], vector<16xf32>,
      %add3A_4533 = arith.addf %add3A_4528, %gather3A_4532 : vector<16xf32>
      %add3A_4534 = arith.constant 3 : i32
      %add3A_4535 = vector.broadcast %add3A_4534 : i32 to vector<16xi32>
      %add3A_4536 = arith.addi %mul3A_182, %add3A_4535 : vector<16xi32>
      %gather3A_4537 = tpu.vector_load_idx %arg15[%add3A_4536] : memref<272xf32, #tpu.memory_space<vmem>>[vector<16xi32>], vector<16xf32>,
      %add3A_4538 = arith.addf %add3A_4533, %gather3A_4537 : vector<16xf32>
      %add3A_4539 = arith.constant 4 : i32
      %add3A_4540 = vector.broadcast %add3A_4539 : i32 to vector<16xi32>
      %add3A_4541 = arith.addi %mul3A_182, %add3A_4540 : vector<16xi32>
      %gather3A_4542 = tpu.vector_load_idx %arg15[%add3A_4541] : memref<272xf32, #tpu.memory_space<vmem>>[vector<16xi32>], vector<16xf32>,
      %add3A_4543 = arith.addf %add3A_4538, %gather3A_4542 : vector<16xf32>
      %add3A_4544 = arith.constant 5 : i32
      %add3A_4545 = vector.broadcast %add3A_4544 : i32 to vector<16xi32>
      %add3A_4546 = arith.addi %mul3A_182, %add3A_4545 : vector<16xi32>
      %gather3A_4547 = tpu.vector_load_idx %arg15[%add3A_4546] : memref<272xf32, #tpu.memory_space<vmem>>[vector<16xi32>], vector<16xf32>,
      %add3A_4548 = arith.addf %add3A_4543, %gather3A_4547 : vector<16xf32>
      %add3A_4549 = arith.constant 6 : i32
      %add3A_4550 = vector.broadcast %add3A_4549 : i32 to vector<16xi32>
      %add3A_4551 = arith.addi %mul3A_182, %add3A_4550 : vector<16xi32>
      %gather3A_4552 = tpu.vector_load_idx %arg15[%add3A_4551] : memref<272xf32, #tpu.memory_space<vmem>>[vector<16xi32>], vector<16xf32>,
      %add3A_4553 = arith.addf %add3A_4548, %gather3A_4552 : vector<16xf32>
      %add3A_4554 = arith.constant 7 : i32
      %add3A_4555 = vector.broadcast %add3A_4554 : i32 to vector<16xi32>
      %add3A_4556 = arith.addi %mul3A_182, %add3A_4555 : vector<16xi32>
      %gather3A_4557 = tpu.vector_load_idx %arg15[%add3A_4556] : memref<272xf32, #tpu.memory_space<vmem>>[vector<16xi32>], vector<16xf32>,
      %add3A_4558 = arith.addf %add3A_4553, %gather3A_4557 : vector<16xf32>
      %add3A_4559 = arith.constant 8 : i32
      %add3A_4560 = vector.broadcast %add3A_4559 : i32 to vector<16xi32>
      %add3A_4561 = arith.addi %mul3A_182, %add3A_4560 : vector<16xi32>
      %gather3A_4562 = tpu.vector_load_idx %arg15[%add3A_4561] : memref<272xf32, #tpu.memory_space<vmem>>[vector<16xi32>], vector<16xf32>,
      %add3A_4563 = arith.addf %add3A_4558, %gather3A_4562 : vector<16xf32>
      %add3A_4564 = arith.constant 9 : i32
      %add3A_4565 = vector.broadcast %add3A_4564 : i32 to vector<16xi32>
      %add3A_4566 = arith.addi %mul3A_182, %add3A_4565 : vector<16xi32>
      %gather3A_4567 = tpu.vector_load_idx %arg15[%add3A_4566] : memref<272xf32, #tpu.memory_space<vmem>>[vector<16xi32>], vector<16xf32>,
      %add3A_4568 = arith.addf %add3A_4563, %gather3A_4567 : vector<16xf32>
      %add3A_4569 = arith.constant 10 : i32
      %add3A_4570 = vector.broadcast %add3A_4569 : i32 to vector<16xi32>
      %add3A_4571 = arith.addi %mul3A_182, %add3A_4570 : vector<16xi32>
      %gather3A_4572 = tpu.vector_load_idx %arg15[%add3A_4571] : memref<272xf32, #tpu.memory_space<vmem>>[vector<16xi32>], vector<16xf32>,
      %add3A_4573 = arith.addf %add3A_4568, %gather3A_4572 : vector<16xf32>
      %add3A_4574 = arith.constant 11 : i32
      %add3A_4575 = vector.broadcast %add3A_4574 : i32 to vector<16xi32>
      %add3A_4576 = arith.addi %mul3A_182, %add3A_4575 : vector<16xi32>
      %gather3A_4577 = tpu.vector_load_idx %arg15[%add3A_4576] : memref<272xf32, #tpu.memory_space<vmem>>[vector<16xi32>], vector<16xf32>,
      %add3A_4578 = arith.addf %add3A_4573, %gather3A_4577 : vector<16xf32>
      %add3A_4579 = arith.constant 12 : i32
      %add3A_4580 = vector.broadcast %add3A_4579 : i32 to vector<16xi32>
      %add3A_4581 = arith.addi %mul3A_182, %add3A_4580 : vector<16xi32>
      %gather3A_4582 = tpu.vector_load_idx %arg15[%add3A_4581] : memref<272xf32, #tpu.memory_space<vmem>>[vector<16xi32>], vector<16xf32>,
      %add3A_4583 = arith.addf %add3A_4578, %gather3A_4582 : vector<16xf32>
      %add3A_4584 = arith.constant 13 : i32
      %add3A_4585 = vector.broadcast %add3A_4584 : i32 to vector<16xi32>
      %add3A_4586 = arith.addi %mul3A_182, %add3A_4585 : vector<16xi32>
      %gather3A_4587 = tpu.vector_load_idx %arg15[%add3A_4586] : memref<272xf32, #tpu.memory_space<vmem>>[vector<16xi32>], vector<16xf32>,
      %add3A_4588 = arith.addf %add3A_4583, %gather3A_4587 : vector<16xf32>
      %add3A_4589 = arith.constant 14 : i32
      %add3A_4590 = vector.broadcast %add3A_4589 : i32 to vector<16xi32>
      %add3A_4591 = arith.addi %mul3A_182, %add3A_4590 : vector<16xi32>
      %gather3A_4592 = tpu.vector_load_idx %arg15[%add3A_4591] : memref<272xf32, #tpu.memory_space<vmem>>[vector<16xi32>], vector<16xf32>,
      %add3A_4593 = arith.addf %add3A_4588, %gather3A_4592 : vector<16xf32>
      %add3A_4594 = arith.constant 15 : i32
      %add3A_4595 = vector.broadcast %add3A_4594 : i32 to vector<16xi32>
      %add3A_4596 = arith.addi %mul3A_182, %add3A_4595 : vector<16xi32>
      %gather3A_4597 = tpu.vector_load_idx %arg15[%add3A_4596] : memref<272xf32, #tpu.memory_space<vmem>>[vector<16xi32>], vector<16xf32>,
      %add3A_4598 = arith.addf %add3A_4593, %gather3A_4597 : vector<16xf32>
      %sub3A_4599 = arith.subf %broadcast_in_dim3A_183, %add3A_4598 : vector<16xf32>
      %mul3A_4600 = arith.constant 16 : i32
      %mul3A_4601 = arith.muli %scan3A_2389, %mul3A_4600 : i32
      %swap3A_4602 = arith.index_cast %mul3A_4601 : i32 to index
      %swap3A_4603 = tpu.vector_load %arg14[%swap3A_4602] {strides = array<i32>} : memref<512xf32, #tpu.memory_space<vmem>>, vector<16xf32>,
      tpu.vector_store %arg14[%swap3A_4602], %sub3A_4599 {strides = array<i32>} : memref<512xf32, #tpu.memory_space<vmem>>, vector<16xf32>,
    }
    %scan3A_187 = arith.constant 32 : i32
    "tpu.region"() ({
      %run_scoped3A = tpu.sem_alloc : memref<!tpu.dma_semaphore, #tpu.memory_space<semaphore_mem>>
      %dma_start3A_188 = tpu.memref_slice %arg7[%mul3A_2] : memref<16384xf32, #tpu.memory_space<hbm>> -> memref<512xf32, #tpu.memory_space<hbm>>
      %dma_start3A_189 = tpu.memref_slice %arg7[%mul3A_2] : memref<16384xf32, #tpu.memory_space<hbm>> -> memref<512xf32, #tpu.memory_space<hbm>>
      tpu.enqueue_dma source(%arg14 : memref<512xf32, #tpu.memory_space<vmem>>) target(%dma_start3A_189 : memref<512xf32, #tpu.memory_space<hbm>>) target_semaphore(%run_scoped3A : memref<!tpu.dma_semaphore, #tpu.memory_space<semaphore_mem>>)
      %dma_wait3A_190 = tpu.memref_slice %arg7[%mul3A_2] : memref<16384xf32, #tpu.memory_space<hbm>> -> memref<512xf32, #tpu.memory_space<hbm>>
      %dma_wait3A_191 = tpu.memref_slice %arg7[%mul3A_2] : memref<16384xf32, #tpu.memory_space<hbm>> -> memref<512xf32, #tpu.memory_space<hbm>>
      tpu.wait_dma2 semaphore(%run_scoped3A : memref<!tpu.dma_semaphore, #tpu.memory_space<semaphore_mem>>) src(%arg14 : memref<512xf32, #tpu.memory_space<vmem>>) dst(%dma_wait3A_191 : memref<512xf32, #tpu.memory_space<hbm>>)
      tpu.yield
    }) : () -> ()
    return
  }
}

</mosaic_0001>

<sc_bundles>
// kernel: kernel.3.cloned.1.call-start
scs
__scs_entry_jumppad:
0x0: {  	(pc) =	sbr.rel $0x88, $3  }
0x1: {  	(tag) =	ssettag $0x0;
	lr =	simm.s32 $0x1  }
0x2: {  	[smem:$0x3F9E] =	sst lr;
	_ =	strace $0xD0000000  }
0x3: {  	_ = 	snop  }
0x4: {  	_ = 	snop  }
0x5: {  	_ = 	snop  }
0x6: {  	_ = 	snop  }
0x7: {  	_ = 	snop  }
__scs_overlays_trampoline_lowered:
0x8: {  	[smem:$0x3FAD] =	sst s0  }
0x9: {  	[smem:$0x3FAE] =	sst s1  }
0xa: {  	[smem:$0x3FAF] =	sst s2  }
0xb: {  	[smem:$0x3FB0] =	sst s3  }
0xc: {  	[smem:$0x3FB1] =	sst s4  }
0xd: {  	[smem:$0x3FB2] =	sst s5  }
0xe: {  	[smem:$0x3FB3] =	sst s6  }
0xf: {  	[smem:$0x3FB4] =	sst s7  }
0x10: {  	[smem:$0x3FB5] =	sst s8  }
0x11: {  	[smem:$0x3FB6] =	sst s9;
	s0 =	simm.s32 @!p0 $0x0  }
0x12: {  	s1 =	sld [smem:$0x3F9C];
	s0 =	simm.s32 @p0 $0x1  }
0x13: {  	[smem:$0x3FB7] =	sst s0;
	s0 =	simm.s32 @!p1 $0x0  }
0x14: {  	s2 =	sld [smem:$0x3F9B];
	s0 =	simm.s32 @p1 $0x1  }
0x15: {  	[smem:$0x3FB8] =	sst s0;
	s0 =	simm.s32 @!p2 $0x0  }
0x16: {  	s3 =	sld [smem:$0x3FDB];
	s0 =	simm.s32 @p2 $0x1  }
0x17: {  	s4 =	simm.s32 $0x1BF5;
	[smem:$0x3FBA] =	sst s0  }
0x18: {  	s0 =	sld [smem:$0x3F9D];
	_ =	swait.ge [sflag:s4], $0x0  }
0x19: {  	s7 =	sld [smem:$0x3F9E]  }
0x1a: {  	s8 =	sadd.s32 $0xFFFFE003, lr  }
0x1b: {  	s9 =	sadd.s32 $0xFFFFFEF7, lr;
	s5 =	simm.s32 $0xFFFFFFFF;
	p2 =	slt.u32 s8, $0xFFFFF086  }
0x1c: {  	p1 =	slt.u32 s9, $0xF7A;
	s5 =	simm.s32 @!p2 $0x0  }
0x1d: {  	s5 =	simm.s32 @p1 $0x1;
	p0 =	seq.s32 s7, s2  }
0x1e: {  	s7 =	smul.u32 @!p0 $0xF7A, s2;
	p2 =	seq.s32 @!p0 s5, $0x0  }
0x1f: {  	s9 =	smul.u32 $0xF7A, s1;
	s8 =	simm.s32 @!p0 $0x1BF5;
	p2 =	por !p2, p0  }
0x20: {  	[sflag:s8] =	ssyncset.s32 @!p0 $0xFFFFF086;
	s6 =	sadd.s32 @!p0 s3, s7;
	s7 =	simm.s32 @!p0 $0x108  }
0x21: {  	s3 =	sadd.s32 s3, s9;
	s6 =	sadd.s32 @!p0 $0x88, s6;
	s7 =	simm.s32 @p2 $0x1082  }
0x22: {  	[simem:s7], [sflag:s8] =	dma.local @!p0 [hbm:s6], $0xF7A  }
0x23: {  	s9 =	sor.u32 $0xD0000000, s2;
	s6 =	simm.s32 $0x108;
	_ =	swait.ge @!p0 [sflag:s8], $0x0  }
0x24: {  	s3 =	sadd.s32 $0x88, s3;
	s6 =	simm.s32 @!p1 $0x1082;
	[sflag:s4] =	ssyncset.s32 $0xFFFFF086  }
0x25: {  	[simem:s6], [sflag:s4] =	dma.local [hbm:s3], $0xF7A  }
0x26: {  	[smem:$0x3F9E] =	sst s1;
	(tag) =	ssettag s2;
	_ =	strace s9  }
0x27: {  	s1 =	sld [smem:$0x3FAE]  }
0x28: {  	s2 =	sld [smem:$0x3FAF]  }
0x29: {  	s4 =	sld [smem:$0x3FB1]  }
0x2a: {  	p0 =	seq.s32 s5, $0x0;
	s5 =	sld [smem:$0x3FB2]  }
0x2b: {  	s6 =	sld [smem:$0x3FB3]  }
0x2c: {  	s7 =	sld [smem:$0x3FB4]  }
0x2d: {  	s3 =	simm.s32 $0x108;
	s8 =	sld [smem:$0x3FB5]  }
0x2e: {  	s3 =	simm.s32 @!p0 $0x1082;
	s9 =	sld [smem:$0x3FB6]  }
0x2f: {  	lr =	sadd.s32 s0, s3;
	s0 =	sld [smem:$0x3FAD]  }
0x30: {  	s3 =	sld [smem:$0x3FB0]  }
0x31: {  	[smem:$0x3FB9] =	sst s10  }
0x32: {  	s10 =	sld [smem:$0x3FB7];
	_ =	sdelay $0x3  }
0x33: {  	p0 =	seq.s32 s10, $0x1;
	s10 =	sld [smem:$0x3FB9];
	_ =	sdelay $0x3  }
0x34: {  	[smem:$0x3FB9] =	sst s10  }
0x35: {  	s10 =	sld [smem:$0x3FB8];
	_ =	sdelay $0x3  }
0x36: {  	p1 =	seq.s32 s10, $0x1;
	s10 =	sld [smem:$0x3FB9];
	_ =	sdelay $0x3  }
0x37: {  	[smem:$0x3FB9] =	sst s10  }
0x38: {  	s10 =	sld [smem:$0x3FBA]  }
0x39: {  	_ = 	snop;
	(pc) =	sbr.ind lr, $3  }
0x3a: {  	_ = 	snop  }
0x3b: {  	_ = 	snop  }
0x3c: {  	p2 =	seq.s32 s10, $0x1;
	s10 =	sld [smem:$0x3FB9]  }
0x3d: {  	_ =	shalt  }
0x3e: {  	_ =	shalt  }
0x3f: {  	_ =	shalt  }
0x40: {  	_ =	shalt  }
0x41: {  	_ =	shalt  }
0x42: {  	_ =	shalt  }
0x43: {  	_ =	shalt  }
0x44: {  	_ =	shalt  }
0x45: {  	_ =	shalt  }
0x46: {  	_ =	shalt  }
0x47: {  	_ =	shalt  }
0x48: {  	_ =	shalt  }
0x49: {  	_ =	shalt  }
0x4a: {  	_ =	shalt  }
0x4b: {  	_ =	shalt  }
0x4c: {  	_ =	shalt  }
0x4d: {  	_ =	shalt  }
0x4e: {  	_ =	shalt  }
0x4f: {  	_ =	shalt  }
0x50: {  	_ =	shalt  }
0x51: {  	_ =	shalt  }
0x52: {  	_ =	shalt  }
0x53: {  	_ =	shalt  }
0x54: {  	_ =	shalt  }
0x55: {  	_ =	shalt  }
0x56: {  	_ =	shalt  }
0x57: {  	_ =	shalt  }
0x58: {  	_ =	shalt  }
0x59: {  	_ =	shalt  }
0x5a: {  	_ =	shalt  }
0x5b: {  	_ =	shalt  }
0x5c: {  	_ =	shalt  }
0x5d: {  	_ =	shalt  }
0x5e: {  	_ =	shalt  }
0x5f: {  	_ =	shalt  }
0x60: {  	_ =	shalt  }
0x61: {  	_ =	shalt  }
0x62: {  	_ =	shalt  }
0x63: {  	_ =	shalt  }
0x64: {  	_ =	shalt  }
0x65: {  	_ =	shalt  }
0x66: {  	_ =	shalt  }
0x67: {  	_ =	shalt  }
0x68: {  	_ =	shalt  }
0x69: {  	_ =	shalt  }
0x6a: {  	_ =	shalt  }
0x6b: {  	_ =	shalt  }
0x6c: {  	_ =	shalt  }
0x6d: {  	_ =	shalt  }
0x6e: {  	_ =	shalt  }
0x6f: {  	_ =	shalt  }
0x70: {  	_ =	shalt  }
0x71: {  	_ =	shalt  }
0x72: {  	_ =	shalt  }
0x73: {  	_ =	shalt  }
0x74: {  	_ =	shalt  }
0x75: {  	_ =	shalt  }
0x76: {  	_ =	shalt  }
0x77: {  	_ =	shalt  }
0x78: {  	_ =	shalt  }
0x79: {  	_ =	shalt  }
0x7a: {  	_ =	shalt  }
0x7b: {  	_ =	shalt  }
0x7c: {  	_ =	shalt  }
0x7d: {  	_ =	shalt  }
0x7e: {  	_ =	shalt  }
0x7f: {  	_ =	shalt  }
0x80: {  	_ =	shalt  }
0x81: {  	_ =	shalt  }
0x82: {  	_ =	shalt  }
0x83: {  	_ =	shalt  }
0x84: {  	_ =	shalt  }
0x85: {  	_ =	shalt  }
0x86: {  	_ =	shalt  }
0x87: {  	_ =	shalt  }
.Lfunc_end0:
.L_simem_size_0:
called_computation_lowered:
.L_overlay_start_0:
0x88: {  	s2 =	sld [smem:$0x3FD9]  }
0x89: {  	s3 =	sld [smem:$0x3FFE];
	_ =	sdelay $0x1  }
0x8a: {  	s1 =	srdreg.scid  }
0x8b: {  	s0 =	sand.u32 $0x1, s1  }
0x8c: {  	s17 =	sshll.u32 s0, $0xA;
	s2 =	sadd.s32 s3, s2  }
0x8d: {  	s2 =	sadd.s32 s2, s17  }
0x8e: {  	[smem:$0x3FC5] =	sst s2  }
0x8f: {  	_ = 	snop  }
0x90: {  	s2 =	sld [smem:$0x3FC9]  }
0x91: {  	s18 =	sld [smem:$0x3FC8]  }
0x92: {  	s4 =	sld [smem:$0x3FD0];
	(tm) =	ssettm $0x1  }
0x93: {  	s5 =	sld [smem:$0x3FFB];
	_ =	sdelay $0x3  }
0x94: {  	_ =	strace s5  }
0x95: {  	s5 =	sld [smem:$0x3FFC];
	_ =	sdelay $0x3  }
0x96: {  	_ =	strace s5  }
0x97: {  	s5 =	sld [smem:$0x3FFD];
	_ =	sdelay $0x3  }
0x98: {  	_ =	strace s5  }
0x99: {  	_ =	strace $0x8FFFFFFF  }
0x9a: {  	s19 =	sld [smem:$0x3FDB];
	_ =	sdelay $0x1  }
0x9b: {  	s6 =	simm.s32 $_scs_section_size  }
0x9c: {  	s7 =	simm.s32 $_size__tile_overlayer_lowered;
	s8 =	simm.s32 $_tile_overlayer_lowered  }
0x9d: {  	s22 =	simm.s32 $0x1BFF;
	s21 =	sshll.u32 s8, $0x1;
	s5 =	sadd.s32 s6, s19  }
0x9e: {  	s9 =	simm.s32 $0x0;
	s20 =	sshll.u32 s7, $0x1;
	s7 =	sadd.s32 s21, s5  }
0x9f: {  	[timem:s9], [sflag:s22] =	dma.local [hbm:s7], s20  }
0xa0: {  	_ =	swait.ge [sflag:s22], s20  }
0xa1: {  	s6 =	ssub.s32 $0x0, s20;
	[sflag:s22] =	ssyncset.done $0x0  }
0xa2: {  	[sflag:s22] =	ssyncadd.s32 s6;
	_ =	sdelay $0x1  }
0xa3: {  	s23 =	simm.s32 $0x1B8B  }
0xa4: {  	_ =	swait.ge [sflag:s23], $0x1  }
0xa5: {  	[sflag:s23] =	ssyncset.done $0x0  }
0xa6: {  	s25 =	simm.s32 $0x1B8E;
	s24 =	sld [smem:$0x3FFE];
	[sflag:s23] =	ssyncadd.s32 $0xFFFFFFFF  }
0xa7: {  	s26 =	simm.s32 $execute0_lowered;
	[smem:$0x3FD2] =	sst s25  }
0xa8: {  	s7 =	sshll.u32 s26, $0x1;
	_ =	strace $0x80000046;
	[dreg:$0x1] =	wrdreg $0xFFFFFFFF  }
0xa9: {  	s28 =	simm.s32 $_size_execute0_lowered;
	s5 =	sadd.s32 s5, s7;
	[dreg:$0x0] =	wrdreg $0x0  }
0xaa: {  	s7 =	sshll.u32 s28, $0x1;
	[dreg:$0x2] =	wrdreg s5  }
0xab: {  	[dreg:$0x3] =	wrdreg s7  }
0xac: {  	[dreg:$0x4] =	wrdreg $0xC0  }
0xad: {  	_ =	task [dreg:s9], $0x5FFFF  }
0xae: {  	[dreg:$0x1] =	wrdreg $0xFFFFFFFF  }
0xaf: {  	[dreg:$0x0] =	wrdreg $0x60  }
0xb0: {  	[dreg:$0x2] =	wrdreg s2  }
0xb1: {  	[dreg:$0x3] =	wrdreg s18  }
0xb2: {  	[dreg:$0x4] =	wrdreg s24  }
0xb3: {  	[dreg:$0x5] =	wrdreg s4  }
0xb4: {  	[dreg:$0x6] =	wrdreg $0x9  }
0xb5: {  	_ =	task.clear_ibuf [dreg:s9], $0x7FFFF;
	_ =	strace $0x90000046  }
0xb6: {  	s29 =	simm.s32 $0x9;
	_ =	strace $0x80000048  }
0xb7: {  	_ =	swait.ge [sflag:s29], $0x1  }
0xb8: {  	[sflag:s29] =	ssyncadd.s32 $0xFFFFFFFF  }
0xb9: {  	_ =	strace $0x90000048  }
0xba: {  	_ =	sfence  }
0xbb: {  	s30 =	sld [smem:$0x0];
	_ =	sdelay $0x2  }
0xbc: {  	s31 =	sshll.u32 s1, $0xD;
	s1 =	sshrl.u32 s1, $0x2  }
0xbd: {  	s3 =	sand.u32 $0x4000, s31;
	s1 =	sadd.s32 s1, s30  }
0xbe: {  	s0 =	sor.u32 s3, s0;
	s1 =	sshll.u32 s1, $0x11  }
0xbf: {  	s0 =	sor.u32 s1, s0  }
0xc0: {  	s0 =	sadd.s32 $0x8F2B, s0  }
0xc1: {  	[sflag:s0] =	ssyncadd.remote.s32 $0x1  }
0xc2: {  	_ =	sfence.sel $0xFFFF  }
0xc3: {  	[dreg:$0x0] =	wrdreg $0xFFFFFFFF;
	(pc) =	sbr.abs _section_cstart, $3  }
0xc4: {  	[dreg:$0x1] =	wrdreg $0xFFFFFFFF  }
0xc5: {  	_ =	task.clear_ibuf [dreg:s9], $0x2FFFF;
	_ =	strace $0x9FFFFFFF  }
0xc6: {  	(tm) =	ssettm $0x7FFFFFFF  }
0xc7: {  	_ =	shalt  }
tec
execute0_lowered:
.L_overlay_start_1:
0x0: {  	(tag) =	ssettag $0x1  }
0x1: {  	s1 =	rddreg [dreg:$0x0]  }
0x2: {  	s2 =	rddreg [dreg:$0x1]  }
0x3: {  	s0 =	rddreg [dreg:$0x2];
	s3 =	srdreg.scid  }
0x4: {  	s4 =	stileid.u32;
	s8 =	rddreg [dreg:$0x3]  }
0x5: {  	s10 =	simm.s32 $0x400;
	s11 =	simm.s32 $0x1;
	s12 =	simm.s32 $0x5  }
0x6: {  	v0 =	vlaneseq.u32;
	s13 =	simm.s32 $0x9;
	s14 =	simm.s32 $0x40;
	s29 =	simm.s32 $0x900  }
0x7: {  	s30 =	simm.s32 $0x14C00;
	s31 =	simm.s32 $0x18E00;
	s15 =	simm.s32 $0x0;
	v0 =	vmul.u32 $0x11, v0  }
0x8: {  	s3 =	sand.u32 $0x1, s3;
	s5 =	sshll.u32 s4, $0x1;
	s4 =	simm.s32 $0x0  }
0x9: {  	s7 =	sor.u32 s3, s5;
	[smem:$0x7FF] =	sst s4;
	s3 =	ssub.s32 $0x2, s3;
	v1 =	vadd.s32 $0x1, v0;
	v2 =	vadd.s32 $0x2, v0;
	v3 =	vadd.s32 $0x3, v0  }
0xa: {  	s5 =	sshll.u32 s7, $0x7;
	_ =	strace $0x80000047;
	s6 =	sshrl.u32 s3, $0x1;
	v4 =	vadd.s32 $0x4, v0;
	v5 =	vadd.s32 $0x5, v0;
	v6 =	vadd.s32 $0x6, v0  }
0xb: {  	s28 =	sshll.u32 s7, $0x6;
	v7 =	vadd.s32 $0x7, v0;
	v8 =	vadd.s32 $0x8, v0;
	v9 =	vadd.s32 $0x9, v0;
	s5 =	sadd.s32 s0, s5;
	s26 =	ssub.s32 s3, s6  }
0xc: {  	v10 =	vadd.s32 $0xA, v0;
	v11 =	vadd.s32 $0xB, v0;
	v12 =	vadd.s32 $0xC, v0;
	s8 =	sadd.s32 s8, s28;
	s3 =	simm.s32 $0x18C00;
	s0 =	simm.s32 $0xD  }
0xd: {  	v13 =	vadd.s32 $0xD, v0;
	v14 =	vadd.s32 $0xE, v0;
	v15 =	vadd.s32 $0xF, v0;
	s6 =	sadd.s32 $0x2000, s5;
	s7 =	sadd.s32 $0x1000, s5;
	s9 =	smax.u32 s26, $0x1  }
.LBB2_1:
0xe: {  	[tilespmem:s4], [sflag:$0x1] =	stream.linear.gather [hbm4b:s6+s4], $0x400, $0x38;
	[tilespmem:$0x18F80] =	vst v63  }
0xf: {  	_ = 	snop  }
0x10: {  	[tilespmem:s10], [sflag:$0x5] =	stream.linear.gather [hbm4b:s7+s4], $0x400, $0x38;
	[tilespmem:$0x18F80] =	vst v63  }
0x11: {  	s16 =	simm.s32 $0x800  }
0x12: {  	[tilespmem:s16], [sflag:$0x9] =	stream.linear.gather [hbm4b:s5+s4], $0x400, $0x38;
	[tilespmem:$0x18F80] =	vst v63  }
0x13: {  	_ =	swait.ge [sflag:s11], $0x400  }
0x14: {  	[sflag:s11] =	ssyncset.done $0x0  }
0x15: {  	[sflag:s11] =	ssyncadd.s32 $0xFFFFFC00  }
0x16: {  	_ =	swait.ge [sflag:s12], $0x400  }
0x17: {  	[sflag:s12] =	ssyncset.done $0x0  }
0x18: {  	[sflag:s12] =	ssyncadd.s32 $0xFFFFFC00  }
0x19: {  	_ =	swait.ge [sflag:s13], $0x400  }
0x1a: {  	[sflag:s13] =	ssyncset.done $0x0  }
0x1b: {  	s17 =	simm.s32 $0xC00;
	[sflag:s13] =	ssyncadd.s32 $0xFFFFFC00  }
0x1c: {  	[tilespmem:s17], [sflag:$0x1] =	stream.indirect.gather [hbm4b:s1+s14], $0x80, s4, s14, $0xb8;
	[tilespmem:$0x18F80] =	vst v63  }
0x1d: {  	s28 =	simm.s32 $0x8C00  }
0x1e: {  	[tilespmem:s28], [sflag:$0x5] =	stream.indirect.gather [hbm4b:s2+s14], $0x80, s10, s14, $0xb8;
	[tilespmem:$0x18F80] =	vst v63  }
0x1f: {  	s18 =	simm.s32 $0x10C00  }
0x20: {  	[tilespmem:s18], [sflag:$0x9] =	stream.indirect.gather [hbm4b:s1+s14], $0x80, s16, s14, $0xb8;
	[tilespmem:$0x18F80] =	vst v63  }
0x21: {  	s19 =	simm.s32 $0x80;
	s18 =	simm.s32 $0x2C00  }
0x22: {  	[tilespmem:s18], [sflag:$0x2] =	stream.indirect.gather [hbm4b:s1+s14], $0x80, s19, s14, $0xb8;
	[tilespmem:$0x18F80] =	vst v63  }
0x23: {  	s20 =	simm.s32 $0x480;
	s21 =	simm.s32 $0xAC00  }
0x24: {  	[tilespmem:s21], [sflag:$0x6] =	stream.indirect.gather [hbm4b:s2+s14], $0x80, s20, s14, $0xb8;
	[tilespmem:$0x18F80] =	vst v63  }
0x25: {  	s22 =	simm.s32 $0x880;
	s23 =	simm.s32 $0x12C00  }
0x26: {  	[tilespmem:s23], [sflag:$0xA] =	stream.indirect.gather [hbm4b:s1+s14], $0x80, s22, s14, $0xb8;
	[tilespmem:$0x18F80] =	vst v63  }
0x27: {  	s24 =	simm.s32 $0x100;
	s25 =	simm.s32 $0x4C00  }
0x28: {  	[tilespmem:s25], [sflag:$0x3] =	stream.indirect.gather [hbm4b:s1+s14], $0x80, s24, s14, $0xb8;
	[tilespmem:$0x18F80] =	vst v63  }
0x29: {  	s26 =	simm.s32 $0x500;
	s28 =	simm.s32 $0xCC00  }
0x2a: {  	[tilespmem:s28], [sflag:$0x7] =	stream.indirect.gather [hbm4b:s2+s14], $0x80, s26, s14, $0xb8;
	[tilespmem:$0x18F80] =	vst v63  }
0x2b: {  	s17 =	simm.s32 $0xFFFFFFFE;
	s18 =	simm.s32 $0x18C10  }
0x2c: {  	[tilespmem:s30], [sflag:$0xB] =	stream.indirect.gather [hbm4b:s1+s14], $0x80, s29, s14, $0xb8;
	[tilespmem:$0x18F80] =	vst v63  }
.LBB2_2:
0x2d: {  	s17 =	sadd.s32 $0x2, s17  }
0x2e: {  	s19 =	sshrl.u32 s17, $0x2;
	s20 =	sand.u32 $0x2, s17  }
0x2f: {  	s21 =	sand.u32 $0x3, s19;
	p1 =	sne.s32 s20, $0x0  }
0x30: {  	s22 =	sadd.s32 @!p1 $0x1, s21  }
0x31: {  	_ =	swait.ge @!p1 [sflag:s22], $0x2000  }
0x32: {  	[sflag:s22] =	ssyncset.done @!p1 $0x0  }
0x33: {  	p0 =	sgt.u32 @!p1 s17, $0x13;
	[sflag:s22] =	ssyncadd.s32 @!p1 $0xFFFFE000;
	s22 =	sadd.s32 @!p1 $0x5, s21  }
0x34: {  	p0 =	por p0, p1;
	_ =	swait.ge @!p1 [sflag:s22], $0x2000  }
0x35: {  	s19 =	sadd.s32 @!p0 $0x3, s19;
	s26 =	simm.s32 @!p0 $0x40;
	[sflag:s22] =	ssyncset.done @!p1 $0x0  }
0x36: {  	s23 =	sand.u32 @!p0 $0x3, s19;
	[sflag:s22] =	ssyncadd.s32 @!p1 $0xFFFFE000;
	s22 =	sadd.s32 @!p1 $0x9, s21  }
0x37: {  	s19 =	sshll.u32 @!p0 s19, $0x7;
	s24 =	sshll.u32 @!p0 s23, $0xD;
	_ =	swait.ge @!p1 [sflag:s22], $0x2000  }
0x38: {  	s25 =	sadd.s32 @!p0 $0x1, s23;
	s28 =	sadd.s32 @!p0 $0x5, s23;
	[sflag:s22] =	ssyncset.done @!p1 $0x0  }
0x39: {  	s23 =	sadd.s32 @!p0 $0x9, s23;
	[sflag:s22] =	ssyncadd.s32 @!p1 $0xFFFFE000;
	s22 =	sor.u32 @!p0 $0xC00, s24  }
0x3a: {  	[tilespmem:s22], [sflag:s25] =	stream.indirect.gather @!p0 [hbm4b:s1+s26], $0x80, s19, s26, $0xb8;
	[tilespmem:$0x18F80] =	vst v63  }
0x3b: {  	s22 =	sor.u32 @!p0 $0x8C00, s24;
	s25 =	sadd.s32 @!p0 $0x400, s19;
	s19 =	sadd.s32 @!p0 $0x800, s19  }
0x3c: {  	[tilespmem:s22], [sflag:s28] =	stream.indirect.gather @!p0 [hbm4b:s2+s26], $0x80, s25, s26, $0xb8;
	[tilespmem:$0x18F80] =	vst v63  }
0x3d: {  	s22 =	sor.u32 @!p0 $0x10C00, s24;
	s24 =	sshll.u32 s20, $0xB;
	s25 =	sshll.u32 s21, $0xD  }
0x3e: {  	[tilespmem:s22], [sflag:s23] =	stream.indirect.gather @!p0 [hbm4b:s1+s26], $0x80, s19, s26, $0xb8;
	[tilespmem:$0x18F80] =	vst v63  }
0x3f: {  	s19 =	sor.u32 s24, s25  }
0x40: {  	v16 =	vld [tilespmem:s19+$0xC00]  }
0x41: {  	v17 =	vld [tilespmem:s19+$0x8C00]  }
0x42: {  	v18 =	vld [tilespmem:s19+$0x10C00]  }
0x43: {  	v19 =	vld [tilespmem:s19+$0xC10]  }
0x44: {  	v20 =	vld [tilespmem:s19+$0x8C10]  }
0x45: {  	v21 =	vld [tilespmem:s19+$0x10C10]  }
0x46: {  	v22 =	vld [tilespmem:s19+$0xC20]  }
0x47: {  	v23 =	vld [tilespmem:s19+$0x8C20]  }
0x48: {  	v24 =	vld [tilespmem:s19+$0x10C20]  }
0x49: {  	v25 =	vld [tilespmem:s19+$0xC30]  }
0x4a: {  	v26 =	vld [tilespmem:s19+$0x8C30]  }
0x4b: {  	v27 =	vld [tilespmem:s19+$0x10C30]  }
0x4c: {  	v28 =	vld [tilespmem:s19+$0xC40]  }
0x4d: {  	v29 =	vld [tilespmem:s19+$0x8C40]  }
0x4e: {  	v36 =	vld [tilespmem:s19+$0xC50]  }
0x4f: {  	v37 =	vld [tilespmem:s19+$0x8C50];
	v16 =	vadd.f32 v17, v16;
	v19 =	vadd.f32 v20, v19  }
0x50: {  	v39 =	vld [tilespmem:s19+$0x10C50];
	v38 =	vadd.f32 v23, v22  }
0x51: {  	v40 =	vld [tilespmem:s19+$0xC60];
	v16 =	vsub.f32 v16, v18;
	v19 =	vsub.f32 v19, v21  }
0x52: {  	v17 =	vld [tilespmem:s19+$0x10C40];
	v41 =	vadd.f32 v26, v25  }
0x53: {  	v42 =	vld [tilespmem:s19+$0x8C60];
	v21 =	vsub.f32 v38, v24;
	v16 =	vand.u32 $0x7FFFFFFF, v16;
	v19 =	vand.u32 $0x7FFFFFFF, v19  }
0x54: {  	v43 =	vld [tilespmem:s19+$0x10C60];
	v16 =	vadd.f32 v19, v16  }
0x55: {  	v45 =	vld [tilespmem:s19+$0xC70];
	v44 =	vadd.f32 v29, v28;
	v24 =	vsub.f32 v41, v27;
	v21 =	vand.u32 $0x7FFFFFFF, v21  }
0x56: {  	v46 =	vld [tilespmem:s19+$0x8C70];
	v16 =	vadd.f32 v21, v16  }
0x57: {  	v18 =	vadd.f32 v37, v36;
	v24 =	vand.u32 $0x7FFFFFFF, v24;
	v17 =	vsub.f32 v44, v17  }
0x58: {  	v47 =	vld [tilespmem:s19+$0x10C70];
	v16 =	vadd.f32 v24, v16  }
0x59: {  	v48 =	vadd.f32 v42, v40;
	v18 =	vsub.f32 v18, v39;
	v17 =	vand.u32 $0x7FFFFFFF, v17  }
0x5a: {  	v16 =	vadd.f32 v17, v16  }
0x5b: {  	v50 =	vadd.f32 v46, v45;
	v49 =	vsub.f32 v48, v43;
	v17 =	vand.u32 $0x7FFFFFFF, v18  }
0x5c: {  	v16 =	vadd.f32 v17, v16  }
0x5d: {  	v51 =	vsub.f32 v50, v47;
	v17 =	vand.u32 $0x7FFFFFFF, v49  }
0x5e: {  	v16 =	vadd.f32 v17, v16  }
0x5f: {  	v17 =	vand.u32 $0x7FFFFFFF, v51  }
0x60: {  	v16 =	vadd.f32 v17, v16;
	_ =	sdelay $0x1  }
0x61: {  	[tilespmem:$0x18E00] =	vst v16  }
0x62: {  	v16 =	vld [tilespmem:s19+$0xC80]  }
0x63: {  	v17 =	vld [tilespmem:s19+$0x8C80]  }
0x64: {  	v52 =	vld [tilespmem:s19+$0x10C80]  }
0x65: {  	v53 =	vld [tilespmem:s19+$0xC90]  }
0x66: {  	v54 =	vld [tilespmem:s19+$0x8C90]  }
0x67: {  	v55 =	vld [tilespmem:s19+$0x10C90]  }
0x68: {  	v56 =	vld [tilespmem:s19+$0xCA0]  }
0x69: {  	v57 =	vld [tilespmem:s19+$0x8CA0]  }
0x6a: {  	v58 =	vld [tilespmem:s19+$0x10CA0]  }
0x6b: {  	v59 =	vld [tilespmem:s19+$0xCB0]  }
0x6c: {  	v60 =	vld [tilespmem:s19+$0x8CB0]  }
0x6d: {  	v61 =	vld [tilespmem:s19+$0x10CB0]  }
0x6e: {  	v62 =	vld [tilespmem:s19+$0xCC0]  }
0x6f: {  	v63 =	vld [tilespmem:s19+$0x8CC0]  }
0x70: {  	v31 =	vld [tilespmem:s19+$0xCD0]  }
0x71: {  	v32 =	vld [tilespmem:s19+$0x8CD0];
	v16 =	vadd.f32 v17, v16;
	v19 =	vadd.f32 v54, v53  }
0x72: {  	v34 =	vld [tilespmem:s19+$0x10CD0];
	v33 =	vadd.f32 v57, v56  }
0x73: {  	v35 =	vld [tilespmem:s19+$0xCE0];
	v16 =	vsub.f32 v16, v52;
	v19 =	vsub.f32 v19, v55  }
0x74: {  	v17 =	vld [tilespmem:s19+$0x10CC0];
	v36 =	vadd.f32 v60, v59  }
0x75: {  	v37 =	vld [tilespmem:s19+$0x8CE0];
	v21 =	vsub.f32 v33, v58;
	v16 =	vand.u32 $0x7FFFFFFF, v16;
	v19 =	vand.u32 $0x7FFFFFFF, v19  }
0x76: {  	v38 =	vld [tilespmem:s19+$0x10CE0];
	v16 =	vadd.f32 v19, v16  }
0x77: {  	v40 =	vld [tilespmem:s19+$0xCF0];
	v39 =	vadd.f32 v63, v62;
	v24 =	vsub.f32 v36, v61;
	v21 =	vand.u32 $0x7FFFFFFF, v21  }
0x78: {  	v41 =	vld [tilespmem:s19+$0x8CF0];
	v16 =	vadd.f32 v21, v16  }
0x79: {  	v18 =	vadd.f32 v32, v31;
	v24 =	vand.u32 $0x7FFFFFFF, v24;
	v17 =	vsub.f32 v39, v17  }
0x7a: {  	v42 =	vld [tilespmem:s19+$0x10CF0];
	v16 =	vadd.f32 v24, v16  }
0x7b: {  	v43 =	vadd.f32 v37, v35;
	v18 =	vsub.f32 v18, v34;
	v17 =	vand.u32 $0x7FFFFFFF, v17  }
0x7c: {  	v16 =	vadd.f32 v17, v16  }
0x7d: {  	v45 =	vadd.f32 v41, v40;
	v44 =	vsub.f32 v43, v38;
	v17 =	vand.u32 $0x7FFFFFFF, v18  }
0x7e: {  	v16 =	vadd.f32 v17, v16  }
0x7f: {  	v46 =	vsub.f32 v45, v42;
	v17 =	vand.u32 $0x7FFFFFFF, v44  }
0x80: {  	v16 =	vadd.f32 v17, v16  }
0x81: {  	v17 =	vand.u32 $0x7FFFFFFF, v46  }
0x82: {  	v16 =	vadd.f32 v17, v16;
	_ =	sdelay $0x1  }
0x83: {  	[tilespmem:$0x18E11] =	vst v16  }
0x84: {  	v16 =	vld [tilespmem:s19+$0xD00]  }
0x85: {  	v17 =	vld [tilespmem:s19+$0x8D00]  }
0x86: {  	v47 =	vld [tilespmem:s19+$0x10D00]  }
0x87: {  	v48 =	vld [tilespmem:s19+$0xD10]  }
0x88: {  	v49 =	vld [tilespmem:s19+$0x8D10]  }
0x89: {  	v50 =	vld [tilespmem:s19+$0x10D10]  }
0x8a: {  	v51 =	vld [tilespmem:s19+$0xD20]  }
0x8b: {  	v52 =	vld [tilespmem:s19+$0x8D20]  }
0x8c: {  	v53 =	vld [tilespmem:s19+$0x10D20]  }
0x8d: {  	v54 =	vld [tilespmem:s19+$0xD30]  }
0x8e: {  	v55 =	vld [tilespmem:s19+$0x8D30]  }
0x8f: {  	v56 =	vld [tilespmem:s19+$0x10D30]  }
0x90: {  	v57 =	vld [tilespmem:s19+$0xD40]  }
0x91: {  	v58 =	vld [tilespmem:s19+$0x8D40]  }
0x92: {  	v59 =	vld [tilespmem:s19+$0xD50]  }
0x93: {  	v60 =	vld [tilespmem:s19+$0x8D50];
	v16 =	vadd.f32 v17, v16;
	v19 =	vadd.f32 v49, v48  }
0x94: {  	v62 =	vld [tilespmem:s19+$0x10D50];
	v61 =	vadd.f32 v52, v51  }
0x95: {  	v63 =	vld [tilespmem:s19+$0xD60];
	v16 =	vsub.f32 v16, v47;
	v19 =	vsub.f32 v19, v50  }
0x96: {  	v17 =	vld [tilespmem:s19+$0x10D40];
	v30 =	vadd.f32 v55, v54  }
0x97: {  	v31 =	vld [tilespmem:s19+$0x8D60];
	v21 =	vsub.f32 v61, v53;
	v16 =	vand.u32 $0x7FFFFFFF, v16;
	v19 =	vand.u32 $0x7FFFFFFF, v19  }
0x98: {  	v32 =	vld [tilespmem:s19+$0x10D60];
	v16 =	vadd.f32 v19, v16  }
0x99: {  	v34 =	vld [tilespmem:s19+$0xD70];
	v33 =	vadd.f32 v58, v57;
	v24 =	vsub.f32 v30, v56;
	v21 =	vand.u32 $0x7FFFFFFF, v21  }
0x9a: {  	v35 =	vld [tilespmem:s19+$0x8D70];
	v16 =	vadd.f32 v21, v16  }
0x9b: {  	v18 =	vadd.f32 v60, v59;
	v24 =	vand.u32 $0x7FFFFFFF, v24;
	v17 =	vsub.f32 v33, v17  }
0x9c: {  	v36 =	vld [tilespmem:s19+$0x10D70];
	v16 =	vadd.f32 v24, v16  }
0x9d: {  	v37 =	vadd.f32 v31, v63;
	v18 =	vsub.f32 v18, v62;
	v17 =	vand.u32 $0x7FFFFFFF, v17  }
0x9e: {  	v16 =	vadd.f32 v17, v16  }
0x9f: {  	v39 =	vadd.f32 v35, v34;
	v38 =	vsub.f32 v37, v32;
	v17 =	vand.u32 $0x7FFFFFFF, v18  }
0xa0: {  	v16 =	vadd.f32 v17, v16  }
0xa1: {  	v40 =	vsub.f32 v39, v36;
	v17 =	vand.u32 $0x7FFFFFFF, v38  }
0xa2: {  	v16 =	vadd.f32 v17, v16  }
0xa3: {  	v17 =	vand.u32 $0x7FFFFFFF, v40  }
0xa4: {  	v16 =	vadd.f32 v17, v16;
	_ =	sdelay $0x1  }
0xa5: {  	[tilespmem:$0x18E22] =	vst v16  }
0xa6: {  	v16 =	vld [tilespmem:s19+$0xD80]  }
0xa7: {  	v17 =	vld [tilespmem:s19+$0x8D80]  }
0xa8: {  	v41 =	vld [tilespmem:s19+$0x10D80]  }
0xa9: {  	v42 =	vld [tilespmem:s19+$0xD90]  }
0xaa: {  	v43 =	vld [tilespmem:s19+$0x8D90]  }
0xab: {  	v44 =	vld [tilespmem:s19+$0x10D90]  }
0xac: {  	v45 =	vld [tilespmem:s19+$0xDA0]  }
0xad: {  	v46 =	vld [tilespmem:s19+$0x8DA0]  }
0xae: {  	v47 =	vld [tilespmem:s19+$0x10DA0]  }
0xaf: {  	v48 =	vld [tilespmem:s19+$0xDB0]  }
0xb0: {  	v49 =	vld [tilespmem:s19+$0x8DB0]  }
0xb1: {  	v50 =	vld [tilespmem:s19+$0x10DB0]  }
0xb2: {  	v51 =	vld [tilespmem:s19+$0xDC0]  }
0xb3: {  	v52 =	vld [tilespmem:s19+$0x8DC0]  }
0xb4: {  	v53 =	vld [tilespmem:s19+$0xDD0]  }
0xb5: {  	v54 =	vld [tilespmem:s19+$0x8DD0];
	v16 =	vadd.f32 v17, v16;
	v19 =	vadd.f32 v43, v42  }
0xb6: {  	v56 =	vld [tilespmem:s19+$0x10DD0];
	v55 =	vadd.f32 v46, v45  }
0xb7: {  	v57 =	vld [tilespmem:s19+$0xDE0];
	v16 =	vsub.f32 v16, v41;
	v19 =	vsub.f32 v19, v44  }
0xb8: {  	v17 =	vld [tilespmem:s19+$0x10DC0];
	v58 =	vadd.f32 v49, v48  }
0xb9: {  	v59 =	vld [tilespmem:s19+$0x8DE0];
	v21 =	vsub.f32 v55, v47;
	v16 =	vand.u32 $0x7FFFFFFF, v16;
	v19 =	vand.u32 $0x7FFFFFFF, v19  }
0xba: {  	v60 =	vld [tilespmem:s19+$0x10DE0];
	v16 =	vadd.f32 v19, v16  }
0xbb: {  	v62 =	vld [tilespmem:s19+$0xDF0];
	v61 =	vadd.f32 v52, v51;
	v24 =	vsub.f32 v58, v50;
	v21 =	vand.u32 $0x7FFFFFFF, v21  }
0xbc: {  	v63 =	vld [tilespmem:s19+$0x8DF0];
	v16 =	vadd.f32 v21, v16  }
0xbd: {  	v18 =	vadd.f32 v54, v53;
	v24 =	vand.u32 $0x7FFFFFFF, v24;
	v17 =	vsub.f32 v61, v17  }
0xbe: {  	v26 =	vld [tilespmem:s19+$0x10DF0];
	v16 =	vadd.f32 v24, v16  }
0xbf: {  	v28 =	vadd.f32 v59, v57;
	v18 =	vsub.f32 v18, v56;
	v17 =	vand.u32 $0x7FFFFFFF, v17  }
0xc0: {  	v16 =	vadd.f32 v17, v16  }
0xc1: {  	v30 =	vadd.f32 v63, v62;
	v29 =	vsub.f32 v28, v60;
	v17 =	vand.u32 $0x7FFFFFFF, v18  }
0xc2: {  	v16 =	vadd.f32 v17, v16  }
0xc3: {  	v31 =	vsub.f32 v30, v26;
	v17 =	vand.u32 $0x7FFFFFFF, v29  }
0xc4: {  	v16 =	vadd.f32 v17, v16  }
0xc5: {  	v17 =	vand.u32 $0x7FFFFFFF, v31  }
0xc6: {  	v16 =	vadd.f32 v17, v16;
	_ =	sdelay $0x1  }
0xc7: {  	[tilespmem:$0x18E33] =	vst v16  }
0xc8: {  	v16 =	vld [tilespmem:s19+$0xE00]  }
0xc9: {  	v17 =	vld [tilespmem:s19+$0x8E00]  }
0xca: {  	v32 =	vld [tilespmem:s19+$0x10E00]  }
0xcb: {  	v33 =	vld [tilespmem:s19+$0xE10]  }
0xcc: {  	v34 =	vld [tilespmem:s19+$0x8E10]  }
0xcd: {  	v35 =	vld [tilespmem:s19+$0x10E10]  }
0xce: {  	v36 =	vld [tilespmem:s19+$0xE20]  }
0xcf: {  	v37 =	vld [tilespmem:s19+$0x8E20]  }
0xd0: {  	v38 =	vld [tilespmem:s19+$0x10E20]  }
0xd1: {  	v39 =	vld [tilespmem:s19+$0xE30]  }
0xd2: {  	v40 =	vld [tilespmem:s19+$0x8E30]  }
0xd3: {  	v41 =	vld [tilespmem:s19+$0x10E30]  }
0xd4: {  	v42 =	vld [tilespmem:s19+$0xE40]  }
0xd5: {  	v43 =	vld [tilespmem:s19+$0x8E40]  }
0xd6: {  	v44 =	vld [tilespmem:s19+$0xE50]  }
0xd7: {  	v45 =	vld [tilespmem:s19+$0x8E50];
	v16 =	vadd.f32 v17, v16;
	v19 =	vadd.f32 v34, v33  }
0xd8: {  	v47 =	vld [tilespmem:s19+$0x10E50];
	v46 =	vadd.f32 v37, v36  }
0xd9: {  	v48 =	vld [tilespmem:s19+$0xE60];
	v16 =	vsub.f32 v16, v32;
	v19 =	vsub.f32 v19, v35  }
0xda: {  	v17 =	vld [tilespmem:s19+$0x10E40];
	v49 =	vadd.f32 v40, v39  }
0xdb: {  	v50 =	vld [tilespmem:s19+$0x8E60];
	v21 =	vsub.f32 v46, v38;
	v16 =	vand.u32 $0x7FFFFFFF, v16;
	v19 =	vand.u32 $0x7FFFFFFF, v19  }
0xdc: {  	v51 =	vld [tilespmem:s19+$0x10E60];
	v16 =	vadd.f32 v19, v16  }
0xdd: {  	v53 =	vld [tilespmem:s19+$0xE70];
	v52 =	vadd.f32 v43, v42;
	v24 =	vsub.f32 v49, v41;
	v21 =	vand.u32 $0x7FFFFFFF, v21  }
0xde: {  	v54 =	vld [tilespmem:s19+$0x8E70];
	v16 =	vadd.f32 v21, v16  }
0xdf: {  	v18 =	vadd.f32 v45, v44;
	v24 =	vand.u32 $0x7FFFFFFF, v24;
	v17 =	vsub.f32 v52, v17  }
0xe0: {  	v55 =	vld [tilespmem:s19+$0x10E70];
	v16 =	vadd.f32 v24, v16  }
0xe1: {  	v56 =	vadd.f32 v50, v48;
	v18 =	vsub.f32 v18, v47;
	v17 =	vand.u32 $0x7FFFFFFF, v17  }
0xe2: {  	v16 =	vadd.f32 v17, v16  }
0xe3: {  	v58 =	vadd.f32 v54, v53;
	v57 =	vsub.f32 v56, v51;
	v17 =	vand.u32 $0x7FFFFFFF, v18  }
0xe4: {  	v16 =	vadd.f32 v17, v16  }
0xe5: {  	v59 =	vsub.f32 v58, v55;
	v17 =	vand.u32 $0x7FFFFFFF, v57  }
0xe6: {  	v16 =	vadd.f32 v17, v16  }
0xe7: {  	v17 =	vand.u32 $0x7FFFFFFF, v59  }
0xe8: {  	v16 =	vadd.f32 v17, v16;
	_ =	sdelay $0x1  }
0xe9: {  	[tilespmem:$0x18E44] =	vst v16  }
0xea: {  	v16 =	vld [tilespmem:s19+$0xE80]  }
0xeb: {  	v17 =	vld [tilespmem:s19+$0x8E80]  }
0xec: {  	v60 =	vld [tilespmem:s19+$0x10E80]  }
0xed: {  	v61 =	vld [tilespmem:s19+$0xE90]  }
0xee: {  	v62 =	vld [tilespmem:s19+$0x8E90]  }
0xef: {  	v63 =	vld [tilespmem:s19+$0x10E90]  }
0xf0: {  	v32 =	vld [tilespmem:s19+$0xEA0]  }
0xf1: {  	v33 =	vld [tilespmem:s19+$0x8EA0]  }
0xf2: {  	v34 =	vld [tilespmem:s19+$0x10EA0]  }
0xf3: {  	v35 =	vld [tilespmem:s19+$0xEB0]  }
0xf4: {  	v36 =	vld [tilespmem:s19+$0x8EB0]  }
0xf5: {  	v37 =	vld [tilespmem:s19+$0x10EB0]  }
0xf6: {  	v38 =	vld [tilespmem:s19+$0xEC0]  }
0xf7: {  	v39 =	vld [tilespmem:s19+$0x8EC0]  }
0xf8: {  	v40 =	vld [tilespmem:s19+$0xED0]  }
0xf9: {  	v41 =	vld [tilespmem:s19+$0x8ED0];
	v16 =	vadd.f32 v17, v16;
	v19 =	vadd.f32 v62, v61  }
0xfa: {  	v43 =	vld [tilespmem:s19+$0x10ED0];
	v42 =	vadd.f32 v33, v32  }
0xfb: {  	v44 =	vld [tilespmem:s19+$0xEE0];
	v16 =	vsub.f32 v16, v60;
	v19 =	vsub.f32 v19, v63  }
0xfc: {  	v17 =	vld [tilespmem:s19+$0x10EC0];
	v45 =	vadd.f32 v36, v35  }
0xfd: {  	v46 =	vld [tilespmem:s19+$0x8EE0];
	v21 =	vsub.f32 v42, v34;
	v16 =	vand.u32 $0x7FFFFFFF, v16;
	v19 =	vand.u32 $0x7FFFFFFF, v19  }
0xfe: {  	v47 =	vld [tilespmem:s19+$0x10EE0];
	v16 =	vadd.f32 v19, v16  }
0xff: {  	v49 =	vld [tilespmem:s19+$0xEF0];
	v48 =	vadd.f32 v39, v38;
	v24 =	vsub.f32 v45, v37;
	v21 =	vand.u32 $0x7FFFFFFF, v21  }
0x100: {  	v50 =	vld [tilespmem:s19+$0x8EF0];
	v16 =	vadd.f32 v21, v16  }
0x101: {  	v18 =	vadd.f32 v41, v40;
	v24 =	vand.u32 $0x7FFFFFFF, v24;
	v17 =	vsub.f32 v48, v17  }
0x102: {  	v51 =	vld [tilespmem:s19+$0x10EF0];
	v16 =	vadd.f32 v24, v16  }
0x103: {  	v52 =	vadd.f32 v46, v44;
	v18 =	vsub.f32 v18, v43;
	v17 =	vand.u32 $0x7FFFFFFF, v17  }
0x104: {  	v16 =	vadd.f32 v17, v16  }
0x105: {  	v54 =	vadd.f32 v50, v49;
	v53 =	vsub.f32 v52, v47;
	v17 =	vand.u32 $0x7FFFFFFF, v18  }
0x106: {  	v16 =	vadd.f32 v17, v16  }
0x107: {  	v55 =	vsub.f32 v54, v51;
	v17 =	vand.u32 $0x7FFFFFFF, v53  }
0x108: {  	v16 =	vadd.f32 v17, v16  }
0x109: {  	v17 =	vand.u32 $0x7FFFFFFF, v55  }
0x10a: {  	v16 =	vadd.f32 v17, v16;
	_ =	sdelay $0x1  }
0x10b: {  	[tilespmem:$0x18E55] =	vst v16  }
0x10c: {  	v16 =	vld [tilespmem:s19+$0xF00]  }
0x10d: {  	v17 =	vld [tilespmem:s19+$0x8F00]  }
0x10e: {  	v56 =	vld [tilespmem:s19+$0x10F00]  }
0x10f: {  	v57 =	vld [tilespmem:s19+$0xF10]  }
0x110: {  	v58 =	vld [tilespmem:s19+$0x8F10]  }
0x111: {  	v59 =	vld [tilespmem:s19+$0x10F10]  }
0x112: {  	v60 =	vld [tilespmem:s19+$0xF20]  }
0x113: {  	v61 =	vld [tilespmem:s19+$0x8F20]  }
0x114: {  	v62 =	vld [tilespmem:s19+$0x10F20]  }
0x115: {  	v63 =	vld [tilespmem:s19+$0xF30]  }
0x116: {  	v32 =	vld [tilespmem:s19+$0x8F30]  }
0x117: {  	v33 =	vld [tilespmem:s19+$0x10F30]  }
0x118: {  	v34 =	vld [tilespmem:s19+$0xF40]  }
0x119: {  	v35 =	vld [tilespmem:s19+$0x8F40]  }
0x11a: {  	v36 =	vld [tilespmem:s19+$0xF50]  }
0x11b: {  	v37 =	vld [tilespmem:s19+$0x8F50];
	v16 =	vadd.f32 v17, v16;
	v19 =	vadd.f32 v58, v57  }
0x11c: {  	v39 =	vld [tilespmem:s19+$0x10F50];
	v38 =	vadd.f32 v61, v60  }
0x11d: {  	v40 =	vld [tilespmem:s19+$0xF60];
	v16 =	vsub.f32 v16, v56;
	v19 =	vsub.f32 v19, v59  }
0x11e: {  	v17 =	vld [tilespmem:s19+$0x10F40];
	v41 =	vadd.f32 v32, v63  }
0x11f: {  	v42 =	vld [tilespmem:s19+$0x8F60];
	v21 =	vsub.f32 v38, v62;
	v16 =	vand.u32 $0x7FFFFFFF, v16;
	v19 =	vand.u32 $0x7FFFFFFF, v19  }
0x120: {  	v43 =	vld [tilespmem:s19+$0x10F60];
	v16 =	vadd.f32 v19, v16  }
0x121: {  	v45 =	vld [tilespmem:s19+$0xF70];
	v44 =	vadd.f32 v35, v34;
	v24 =	vsub.f32 v41, v33;
	v21 =	vand.u32 $0x7FFFFFFF, v21  }
0x122: {  	v46 =	vld [tilespmem:s19+$0x8F70];
	v16 =	vadd.f32 v21, v16  }
0x123: {  	v18 =	vadd.f32 v37, v36;
	v24 =	vand.u32 $0x7FFFFFFF, v24;
	v17 =	vsub.f32 v44, v17  }
0x124: {  	v47 =	vld [tilespmem:s19+$0x10F70];
	v16 =	vadd.f32 v24, v16  }
0x125: {  	v48 =	vadd.f32 v42, v40;
	v18 =	vsub.f32 v18, v39;
	v17 =	vand.u32 $0x7FFFFFFF, v17  }
0x126: {  	v16 =	vadd.f32 v17, v16  }
0x127: {  	v50 =	vadd.f32 v46, v45;
	v49 =	vsub.f32 v48, v43;
	v17 =	vand.u32 $0x7FFFFFFF, v18  }
0x128: {  	v16 =	vadd.f32 v17, v16  }
0x129: {  	v51 =	vsub.f32 v50, v47;
	v17 =	vand.u32 $0x7FFFFFFF, v49  }
0x12a: {  	v16 =	vadd.f32 v17, v16  }
0x12b: {  	v17 =	vand.u32 $0x7FFFFFFF, v51  }
0x12c: {  	v16 =	vadd.f32 v17, v16;
	_ =	sdelay $0x1  }
0x12d: {  	[tilespmem:$0x18E66] =	vst v16  }
0x12e: {  	v16 =	vld [tilespmem:s19+$0xF80]  }
0x12f: {  	v17 =	vld [tilespmem:s19+$0x8F80]  }
0x130: {  	v52 =	vld [tilespmem:s19+$0x10F80]  }
0x131: {  	v53 =	vld [tilespmem:s19+$0xF90]  }
0x132: {  	v54 =	vld [tilespmem:s19+$0x8F90]  }
0x133: {  	v55 =	vld [tilespmem:s19+$0x10F90]  }
0x134: {  	v56 =	vld [tilespmem:s19+$0xFA0]  }
0x135: {  	v57 =	vld [tilespmem:s19+$0x8FA0]  }
0x136: {  	v58 =	vld [tilespmem:s19+$0x10FA0]  }
0x137: {  	v59 =	vld [tilespmem:s19+$0xFB0]  }
0x138: {  	v60 =	vld [tilespmem:s19+$0x8FB0]  }
0x139: {  	v61 =	vld [tilespmem:s19+$0x10FB0]  }
0x13a: {  	v62 =	vld [tilespmem:s19+$0xFC0]  }
0x13b: {  	v63 =	vld [tilespmem:s19+$0x8FC0]  }
0x13c: {  	v31 =	vld [tilespmem:s19+$0xFD0]  }
0x13d: {  	v32 =	vld [tilespmem:s19+$0x8FD0];
	v16 =	vadd.f32 v17, v16;
	v19 =	vadd.f32 v54, v53  }
0x13e: {  	v34 =	vld [tilespmem:s19+$0x10FD0];
	v33 =	vadd.f32 v57, v56  }
0x13f: {  	v35 =	vld [tilespmem:s19+$0xFE0];
	v16 =	vsub.f32 v16, v52;
	v19 =	vsub.f32 v19, v55  }
0x140: {  	v17 =	vld [tilespmem:s19+$0x10FC0];
	v36 =	vadd.f32 v60, v59  }
0x141: {  	v37 =	vld [tilespmem:s19+$0x8FE0];
	v21 =	vsub.f32 v33, v58;
	v16 =	vand.u32 $0x7FFFFFFF, v16;
	v19 =	vand.u32 $0x7FFFFFFF, v19  }
0x142: {  	v38 =	vld [tilespmem:s19+$0x10FE0];
	v16 =	vadd.f32 v19, v16  }
0x143: {  	v40 =	vld [tilespmem:s19+$0xFF0];
	v39 =	vadd.f32 v63, v62;
	v24 =	vsub.f32 v36, v61;
	v21 =	vand.u32 $0x7FFFFFFF, v21  }
0x144: {  	v41 =	vld [tilespmem:s19+$0x8FF0];
	v16 =	vadd.f32 v21, v16  }
0x145: {  	v18 =	vadd.f32 v32, v31;
	v24 =	vand.u32 $0x7FFFFFFF, v24;
	v17 =	vsub.f32 v39, v17  }
0x146: {  	v42 =	vld [tilespmem:s19+$0x10FF0];
	v16 =	vadd.f32 v24, v16  }
0x147: {  	v43 =	vadd.f32 v37, v35;
	v18 =	vsub.f32 v18, v34;
	v17 =	vand.u32 $0x7FFFFFFF, v17  }
0x148: {  	v16 =	vadd.f32 v17, v16  }
0x149: {  	v45 =	vadd.f32 v41, v40;
	v44 =	vsub.f32 v43, v38;
	v17 =	vand.u32 $0x7FFFFFFF, v18  }
0x14a: {  	v16 =	vadd.f32 v17, v16  }
0x14b: {  	v46 =	vsub.f32 v45, v42;
	v17 =	vand.u32 $0x7FFFFFFF, v44  }
0x14c: {  	v16 =	vadd.f32 v17, v16  }
0x14d: {  	v17 =	vand.u32 $0x7FFFFFFF, v46  }
0x14e: {  	v16 =	vadd.f32 v17, v16;
	_ =	sdelay $0x1  }
0x14f: {  	[tilespmem:$0x18E77] =	vst v16  }
0x150: {  	v16 =	vld [tilespmem:s19+$0x1000]  }
0x151: {  	v17 =	vld [tilespmem:s19+$0x9000]  }
0x152: {  	v47 =	vld [tilespmem:s19+$0x11000]  }
0x153: {  	v48 =	vld [tilespmem:s19+$0x1010]  }
0x154: {  	v49 =	vld [tilespmem:s19+$0x9010]  }
0x155: {  	v50 =	vld [tilespmem:s19+$0x11010]  }
0x156: {  	v51 =	vld [tilespmem:s19+$0x1020]  }
0x157: {  	v52 =	vld [tilespmem:s19+$0x9020]  }
0x158: {  	v53 =	vld [tilespmem:s19+$0x11020]  }
0x159: {  	v54 =	vld [tilespmem:s19+$0x1030]  }
0x15a: {  	v55 =	vld [tilespmem:s19+$0x9030]  }
0x15b: {  	v56 =	vld [tilespmem:s19+$0x11030]  }
0x15c: {  	v57 =	vld [tilespmem:s19+$0x1040]  }
0x15d: {  	v58 =	vld [tilespmem:s19+$0x9040]  }
0x15e: {  	v59 =	vld [tilespmem:s19+$0x1050]  }
0x15f: {  	v60 =	vld [tilespmem:s19+$0x9050];
	v16 =	vadd.f32 v17, v16;
	v19 =	vadd.f32 v49, v48  }
0x160: {  	v62 =	vld [tilespmem:s19+$0x11050];
	v61 =	vadd.f32 v52, v51  }
0x161: {  	v63 =	vld [tilespmem:s19+$0x1060];
	v16 =	vsub.f32 v16, v47;
	v19 =	vsub.f32 v19, v50  }
0x162: {  	v17 =	vld [tilespmem:s19+$0x11040];
	v30 =	vadd.f32 v55, v54  }
0x163: {  	v31 =	vld [tilespmem:s19+$0x9060];
	v21 =	vsub.f32 v61, v53;
	v16 =	vand.u32 $0x7FFFFFFF, v16;
	v19 =	vand.u32 $0x7FFFFFFF, v19  }
0x164: {  	v32 =	vld [tilespmem:s19+$0x11060];
	v16 =	vadd.f32 v19, v16  }
0x165: {  	v34 =	vld [tilespmem:s19+$0x1070];
	v33 =	vadd.f32 v58, v57;
	v24 =	vsub.f32 v30, v56;
	v21 =	vand.u32 $0x7FFFFFFF, v21  }
0x166: {  	v35 =	vld [tilespmem:s19+$0x9070];
	v16 =	vadd.f32 v21, v16  }
0x167: {  	v18 =	vadd.f32 v60, v59;
	v24 =	vand.u32 $0x7FFFFFFF, v24;
	v17 =	vsub.f32 v33, v17  }
0x168: {  	v36 =	vld [tilespmem:s19+$0x11070];
	v16 =	vadd.f32 v24, v16  }
0x169: {  	v37 =	vadd.f32 v31, v63;
	v18 =	vsub.f32 v18, v62;
	v17 =	vand.u32 $0x7FFFFFFF, v17  }
0x16a: {  	v16 =	vadd.f32 v17, v16  }
0x16b: {  	v39 =	vadd.f32 v35, v34;
	v38 =	vsub.f32 v37, v32;
	v17 =	vand.u32 $0x7FFFFFFF, v18  }
0x16c: {  	v16 =	vadd.f32 v17, v16  }
0x16d: {  	v40 =	vsub.f32 v39, v36;
	v17 =	vand.u32 $0x7FFFFFFF, v38  }
0x16e: {  	v16 =	vadd.f32 v17, v16  }
0x16f: {  	v17 =	vand.u32 $0x7FFFFFFF, v40  }
0x170: {  	v16 =	vadd.f32 v17, v16;
	_ =	sdelay $0x1  }
0x171: {  	[tilespmem:$0x18E88] =	vst v16  }
0x172: {  	v16 =	vld [tilespmem:s19+$0x1080]  }
0x173: {  	v17 =	vld [tilespmem:s19+$0x9080]  }
0x174: {  	v41 =	vld [tilespmem:s19+$0x11080]  }
0x175: {  	v42 =	vld [tilespmem:s19+$0x1090]  }
0x176: {  	v43 =	vld [tilespmem:s19+$0x9090]  }
0x177: {  	v44 =	vld [tilespmem:s19+$0x11090]  }
0x178: {  	v45 =	vld [tilespmem:s19+$0x10A0]  }
0x179: {  	v46 =	vld [tilespmem:s19+$0x90A0]  }
0x17a: {  	v47 =	vld [tilespmem:s19+$0x110A0]  }
0x17b: {  	v48 =	vld [tilespmem:s19+$0x10B0]  }
0x17c: {  	v49 =	vld [tilespmem:s19+$0x90B0]  }
0x17d: {  	v50 =	vld [tilespmem:s19+$0x110B0]  }
0x17e: {  	v51 =	vld [tilespmem:s19+$0x10C0]  }
0x17f: {  	v52 =	vld [tilespmem:s19+$0x90C0]  }
0x180: {  	v53 =	vld [tilespmem:s19+$0x10D0]  }
0x181: {  	v54 =	vld [tilespmem:s19+$0x90D0];
	v16 =	vadd.f32 v17, v16;
	v19 =	vadd.f32 v43, v42  }
0x182: {  	v56 =	vld [tilespmem:s19+$0x110D0];
	v55 =	vadd.f32 v46, v45  }
0x183: {  	v57 =	vld [tilespmem:s19+$0x10E0];
	v16 =	vsub.f32 v16, v41;
	v19 =	vsub.f32 v19, v44  }
0x184: {  	v17 =	vld [tilespmem:s19+$0x110C0];
	v58 =	vadd.f32 v49, v48  }
0x185: {  	v59 =	vld [tilespmem:s19+$0x90E0];
	v21 =	vsub.f32 v55, v47;
	v16 =	vand.u32 $0x7FFFFFFF, v16;
	v19 =	vand.u32 $0x7FFFFFFF, v19  }
0x186: {  	v60 =	vld [tilespmem:s19+$0x110E0];
	v16 =	vadd.f32 v19, v16  }
0x187: {  	v62 =	vld [tilespmem:s19+$0x10F0];
	v61 =	vadd.f32 v52, v51;
	v24 =	vsub.f32 v58, v50;
	v21 =	vand.u32 $0x7FFFFFFF, v21  }
0x188: {  	v63 =	vld [tilespmem:s19+$0x90F0];
	v16 =	vadd.f32 v21, v16  }
0x189: {  	v18 =	vadd.f32 v54, v53;
	v24 =	vand.u32 $0x7FFFFFFF, v24;
	v17 =	vsub.f32 v61, v17  }
0x18a: {  	v26 =	vld [tilespmem:s19+$0x110F0];
	v16 =	vadd.f32 v24, v16  }
0x18b: {  	v28 =	vadd.f32 v59, v57;
	v18 =	vsub.f32 v18, v56;
	v17 =	vand.u32 $0x7FFFFFFF, v17  }
0x18c: {  	v16 =	vadd.f32 v17, v16  }
0x18d: {  	v30 =	vadd.f32 v63, v62;
	v29 =	vsub.f32 v28, v60;
	v17 =	vand.u32 $0x7FFFFFFF, v18  }
0x18e: {  	v16 =	vadd.f32 v17, v16  }
0x18f: {  	v31 =	vsub.f32 v30, v26;
	v17 =	vand.u32 $0x7FFFFFFF, v29  }
0x190: {  	v16 =	vadd.f32 v17, v16  }
0x191: {  	v17 =	vand.u32 $0x7FFFFFFF, v31  }
0x192: {  	v16 =	vadd.f32 v17, v16;
	_ =	sdelay $0x1  }
0x193: {  	[tilespmem:$0x18E99] =	vst v16  }
0x194: {  	v16 =	vld [tilespmem:s19+$0x1100]  }
0x195: {  	v17 =	vld [tilespmem:s19+$0x9100]  }
0x196: {  	v32 =	vld [tilespmem:s19+$0x11100]  }
0x197: {  	v33 =	vld [tilespmem:s19+$0x1110]  }
0x198: {  	v34 =	vld [tilespmem:s19+$0x9110]  }
0x199: {  	v35 =	vld [tilespmem:s19+$0x11110]  }
0x19a: {  	v36 =	vld [tilespmem:s19+$0x1120]  }
0x19b: {  	v37 =	vld [tilespmem:s19+$0x9120]  }
0x19c: {  	v38 =	vld [tilespmem:s19+$0x11120]  }
0x19d: {  	v39 =	vld [tilespmem:s19+$0x1130]  }
0x19e: {  	v40 =	vld [tilespmem:s19+$0x9130]  }
0x19f: {  	v41 =	vld [tilespmem:s19+$0x11130]  }
0x1a0: {  	v42 =	vld [tilespmem:s19+$0x1140]  }
0x1a1: {  	v43 =	vld [tilespmem:s19+$0x9140]  }
0x1a2: {  	v44 =	vld [tilespmem:s19+$0x1150]  }
0x1a3: {  	v45 =	vld [tilespmem:s19+$0x9150];
	v16 =	vadd.f32 v17, v16;
	v19 =	vadd.f32 v34, v33  }
0x1a4: {  	v47 =	vld [tilespmem:s19+$0x11150];
	v46 =	vadd.f32 v37, v36  }
0x1a5: {  	v48 =	vld [tilespmem:s19+$0x1160];
	v16 =	vsub.f32 v16, v32;
	v19 =	vsub.f32 v19, v35  }
0x1a6: {  	v17 =	vld [tilespmem:s19+$0x11140];
	v49 =	vadd.f32 v40, v39  }
0x1a7: {  	v50 =	vld [tilespmem:s19+$0x9160];
	v21 =	vsub.f32 v46, v38;
	v16 =	vand.u32 $0x7FFFFFFF, v16;
	v19 =	vand.u32 $0x7FFFFFFF, v19  }
0x1a8: {  	v51 =	vld [tilespmem:s19+$0x11160];
	v16 =	vadd.f32 v19, v16  }
0x1a9: {  	v53 =	vld [tilespmem:s19+$0x1170];
	v52 =	vadd.f32 v43, v42;
	v24 =	vsub.f32 v49, v41;
	v21 =	vand.u32 $0x7FFFFFFF, v21  }
0x1aa: {  	v54 =	vld [tilespmem:s19+$0x9170];
	v16 =	vadd.f32 v21, v16  }
0x1ab: {  	v18 =	vadd.f32 v45, v44;
	v24 =	vand.u32 $0x7FFFFFFF, v24;
	v17 =	vsub.f32 v52, v17  }
0x1ac: {  	v55 =	vld [tilespmem:s19+$0x11170];
	v16 =	vadd.f32 v24, v16  }
0x1ad: {  	v56 =	vadd.f32 v50, v48;
	v18 =	vsub.f32 v18, v47;
	v17 =	vand.u32 $0x7FFFFFFF, v17  }
0x1ae: {  	v16 =	vadd.f32 v17, v16  }
0x1af: {  	v58 =	vadd.f32 v54, v53;
	v57 =	vsub.f32 v56, v51;
	v17 =	vand.u32 $0x7FFFFFFF, v18  }
0x1b0: {  	v16 =	vadd.f32 v17, v16  }
0x1b1: {  	v59 =	vsub.f32 v58, v55;
	v17 =	vand.u32 $0x7FFFFFFF, v57  }
0x1b2: {  	v16 =	vadd.f32 v17, v16  }
0x1b3: {  	v17 =	vand.u32 $0x7FFFFFFF, v59  }
0x1b4: {  	v16 =	vadd.f32 v17, v16;
	_ =	sdelay $0x1  }
0x1b5: {  	[tilespmem:$0x18EAA] =	vst v16  }
0x1b6: {  	v16 =	vld [tilespmem:s19+$0x1180]  }
0x1b7: {  	v17 =	vld [tilespmem:s19+$0x9180]  }
0x1b8: {  	v60 =	vld [tilespmem:s19+$0x11180]  }
0x1b9: {  	v61 =	vld [tilespmem:s19+$0x1190]  }
0x1ba: {  	v62 =	vld [tilespmem:s19+$0x9190]  }
0x1bb: {  	v63 =	vld [tilespmem:s19+$0x11190]  }
0x1bc: {  	v32 =	vld [tilespmem:s19+$0x11A0]  }
0x1bd: {  	v33 =	vld [tilespmem:s19+$0x91A0]  }
0x1be: {  	v34 =	vld [tilespmem:s19+$0x111A0]  }
0x1bf: {  	v35 =	vld [tilespmem:s19+$0x11B0]  }
0x1c0: {  	v36 =	vld [tilespmem:s19+$0x91B0]  }
0x1c1: {  	v37 =	vld [tilespmem:s19+$0x111B0]  }
0x1c2: {  	v38 =	vld [tilespmem:s19+$0x11C0]  }
0x1c3: {  	v39 =	vld [tilespmem:s19+$0x91C0]  }
0x1c4: {  	v40 =	vld [tilespmem:s19+$0x11D0]  }
0x1c5: {  	v41 =	vld [tilespmem:s19+$0x91D0];
	v16 =	vadd.f32 v17, v16;
	v19 =	vadd.f32 v62, v61  }
0x1c6: {  	v43 =	vld [tilespmem:s19+$0x111D0];
	v42 =	vadd.f32 v33, v32  }
0x1c7: {  	v44 =	vld [tilespmem:s19+$0x11E0];
	v16 =	vsub.f32 v16, v60;
	v19 =	vsub.f32 v19, v63  }
0x1c8: {  	v17 =	vld [tilespmem:s19+$0x111C0];
	v45 =	vadd.f32 v36, v35  }
0x1c9: {  	v46 =	vld [tilespmem:s19+$0x91E0];
	v21 =	vsub.f32 v42, v34;
	v16 =	vand.u32 $0x7FFFFFFF, v16;
	v19 =	vand.u32 $0x7FFFFFFF, v19  }
0x1ca: {  	v47 =	vld [tilespmem:s19+$0x111E0];
	v16 =	vadd.f32 v19, v16  }
0x1cb: {  	v49 =	vld [tilespmem:s19+$0x11F0];
	v48 =	vadd.f32 v39, v38;
	v24 =	vsub.f32 v45, v37;
	v21 =	vand.u32 $0x7FFFFFFF, v21  }
0x1cc: {  	v50 =	vld [tilespmem:s19+$0x91F0];
	v16 =	vadd.f32 v21, v16  }
0x1cd: {  	v18 =	vadd.f32 v41, v40;
	v24 =	vand.u32 $0x7FFFFFFF, v24;
	v17 =	vsub.f32 v48, v17  }
0x1ce: {  	v51 =	vld [tilespmem:s19+$0x111F0];
	v16 =	vadd.f32 v24, v16  }
0x1cf: {  	v52 =	vadd.f32 v46, v44;
	v18 =	vsub.f32 v18, v43;
	v17 =	vand.u32 $0x7FFFFFFF, v17  }
0x1d0: {  	v16 =	vadd.f32 v17, v16  }
0x1d1: {  	v54 =	vadd.f32 v50, v49;
	v53 =	vsub.f32 v52, v47;
	v17 =	vand.u32 $0x7FFFFFFF, v18  }
0x1d2: {  	v16 =	vadd.f32 v17, v16  }
0x1d3: {  	v55 =	vsub.f32 v54, v51;
	v17 =	vand.u32 $0x7FFFFFFF, v53  }
0x1d4: {  	v16 =	vadd.f32 v17, v16  }
0x1d5: {  	v17 =	vand.u32 $0x7FFFFFFF, v55  }
0x1d6: {  	v16 =	vadd.f32 v17, v16;
	_ =	sdelay $0x1  }
0x1d7: {  	[tilespmem:$0x18EBB] =	vst v16  }
0x1d8: {  	v16 =	vld [tilespmem:s19+$0x1200]  }
0x1d9: {  	v17 =	vld [tilespmem:s19+$0x9200]  }
0x1da: {  	v56 =	vld [tilespmem:s19+$0x11200]  }
0x1db: {  	v57 =	vld [tilespmem:s19+$0x1210]  }
0x1dc: {  	v58 =	vld [tilespmem:s19+$0x9210]  }
0x1dd: {  	v59 =	vld [tilespmem:s19+$0x11210]  }
0x1de: {  	v60 =	vld [tilespmem:s19+$0x1220]  }
0x1df: {  	v61 =	vld [tilespmem:s19+$0x9220]  }
0x1e0: {  	v62 =	vld [tilespmem:s19+$0x11220]  }
0x1e1: {  	v63 =	vld [tilespmem:s19+$0x1230]  }
0x1e2: {  	v32 =	vld [tilespmem:s19+$0x9230]  }
0x1e3: {  	v33 =	vld [tilespmem:s19+$0x11230]  }
0x1e4: {  	v34 =	vld [tilespmem:s19+$0x1240]  }
0x1e5: {  	v35 =	vld [tilespmem:s19+$0x9240]  }
0x1e6: {  	v36 =	vld [tilespmem:s19+$0x1250]  }
0x1e7: {  	v37 =	vld [tilespmem:s19+$0x9250];
	v16 =	vadd.f32 v17, v16;
	v19 =	vadd.f32 v58, v57  }
0x1e8: {  	v39 =	vld [tilespmem:s19+$0x11250];
	v38 =	vadd.f32 v61, v60  }
0x1e9: {  	v40 =	vld [tilespmem:s19+$0x1260];
	v16 =	vsub.f32 v16, v56;
	v19 =	vsub.f32 v19, v59  }
0x1ea: {  	v17 =	vld [tilespmem:s19+$0x11240];
	v41 =	vadd.f32 v32, v63  }
0x1eb: {  	v42 =	vld [tilespmem:s19+$0x9260];
	v21 =	vsub.f32 v38, v62;
	v16 =	vand.u32 $0x7FFFFFFF, v16;
	v19 =	vand.u32 $0x7FFFFFFF, v19  }
0x1ec: {  	v43 =	vld [tilespmem:s19+$0x11260];
	v16 =	vadd.f32 v19, v16  }
0x1ed: {  	v45 =	vld [tilespmem:s19+$0x1270];
	v44 =	vadd.f32 v35, v34;
	v24 =	vsub.f32 v41, v33;
	v21 =	vand.u32 $0x7FFFFFFF, v21  }
0x1ee: {  	v46 =	vld [tilespmem:s19+$0x9270];
	v16 =	vadd.f32 v21, v16  }
0x1ef: {  	v18 =	vadd.f32 v37, v36;
	v24 =	vand.u32 $0x7FFFFFFF, v24;
	v17 =	vsub.f32 v44, v17  }
0x1f0: {  	v47 =	vld [tilespmem:s19+$0x11270];
	v16 =	vadd.f32 v24, v16  }
0x1f1: {  	v48 =	vadd.f32 v42, v40;
	v18 =	vsub.f32 v18, v39;
	v17 =	vand.u32 $0x7FFFFFFF, v17  }
0x1f2: {  	v16 =	vadd.f32 v17, v16  }
0x1f3: {  	v50 =	vadd.f32 v46, v45;
	v49 =	vsub.f32 v48, v43;
	v17 =	vand.u32 $0x7FFFFFFF, v18  }
0x1f4: {  	v16 =	vadd.f32 v17, v16  }
0x1f5: {  	v51 =	vsub.f32 v50, v47;
	v17 =	vand.u32 $0x7FFFFFFF, v49  }
0x1f6: {  	v16 =	vadd.f32 v17, v16  }
0x1f7: {  	v17 =	vand.u32 $0x7FFFFFFF, v51  }
0x1f8: {  	v16 =	vadd.f32 v17, v16;
	_ =	sdelay $0x1  }
0x1f9: {  	[tilespmem:$0x18ECC] =	vst v16  }
0x1fa: {  	v16 =	vld [tilespmem:s19+$0x1280]  }
0x1fb: {  	v17 =	vld [tilespmem:s19+$0x9280]  }
0x1fc: {  	v52 =	vld [tilespmem:s19+$0x11280]  }
0x1fd: {  	v53 =	vld [tilespmem:s19+$0x1290]  }
0x1fe: {  	v54 =	vld [tilespmem:s19+$0x9290]  }
0x1ff: {  	v55 =	vld [tilespmem:s19+$0x11290]  }
0x200: {  	v56 =	vld [tilespmem:s19+$0x12A0]  }
0x201: {  	v57 =	vld [tilespmem:s19+$0x92A0]  }
0x202: {  	v58 =	vld [tilespmem:s19+$0x112A0]  }
0x203: {  	v59 =	vld [tilespmem:s19+$0x12B0]  }
0x204: {  	v60 =	vld [tilespmem:s19+$0x92B0]  }
0x205: {  	v61 =	vld [tilespmem:s19+$0x112B0]  }
0x206: {  	v62 =	vld [tilespmem:s19+$0x12C0]  }
0x207: {  	v63 =	vld [tilespmem:s19+$0x92C0]  }
0x208: {  	v31 =	vld [tilespmem:s19+$0x12D0]  }
0x209: {  	v32 =	vld [tilespmem:s19+$0x92D0];
	v16 =	vadd.f32 v17, v16;
	v19 =	vadd.f32 v54, v53  }
0x20a: {  	v34 =	vld [tilespmem:s19+$0x112D0];
	v33 =	vadd.f32 v57, v56  }
0x20b: {  	v35 =	vld [tilespmem:s19+$0x12E0];
	v16 =	vsub.f32 v16, v52;
	v19 =	vsub.f32 v19, v55  }
0x20c: {  	v17 =	vld [tilespmem:s19+$0x112C0];
	v36 =	vadd.f32 v60, v59  }
0x20d: {  	v37 =	vld [tilespmem:s19+$0x92E0];
	v21 =	vsub.f32 v33, v58;
	v16 =	vand.u32 $0x7FFFFFFF, v16;
	v19 =	vand.u32 $0x7FFFFFFF, v19  }
0x20e: {  	v38 =	vld [tilespmem:s19+$0x112E0];
	v16 =	vadd.f32 v19, v16  }
0x20f: {  	v40 =	vld [tilespmem:s19+$0x12F0];
	v39 =	vadd.f32 v63, v62;
	v24 =	vsub.f32 v36, v61;
	v21 =	vand.u32 $0x7FFFFFFF, v21  }
0x210: {  	v41 =	vld [tilespmem:s19+$0x92F0];
	v16 =	vadd.f32 v21, v16  }
0x211: {  	v18 =	vadd.f32 v32, v31;
	v24 =	vand.u32 $0x7FFFFFFF, v24;
	v17 =	vsub.f32 v39, v17  }
0x212: {  	v42 =	vld [tilespmem:s19+$0x112F0];
	v16 =	vadd.f32 v24, v16  }
0x213: {  	v43 =	vadd.f32 v37, v35;
	v18 =	vsub.f32 v18, v34;
	v17 =	vand.u32 $0x7FFFFFFF, v17  }
0x214: {  	v16 =	vadd.f32 v17, v16  }
0x215: {  	v45 =	vadd.f32 v41, v40;
	v44 =	vsub.f32 v43, v38;
	v17 =	vand.u32 $0x7FFFFFFF, v18  }
0x216: {  	v16 =	vadd.f32 v17, v16  }
0x217: {  	v46 =	vsub.f32 v45, v42;
	v17 =	vand.u32 $0x7FFFFFFF, v44  }
0x218: {  	v16 =	vadd.f32 v17, v16  }
0x219: {  	v17 =	vand.u32 $0x7FFFFFFF, v46  }
0x21a: {  	v16 =	vadd.f32 v17, v16;
	_ =	sdelay $0x1  }
0x21b: {  	[tilespmem:$0x18EDD] =	vst v16  }
0x21c: {  	v16 =	vld [tilespmem:s19+$0x1300]  }
0x21d: {  	v17 =	vld [tilespmem:s19+$0x9300]  }
0x21e: {  	v47 =	vld [tilespmem:s19+$0x11300]  }
0x21f: {  	v48 =	vld [tilespmem:s19+$0x1310]  }
0x220: {  	v49 =	vld [tilespmem:s19+$0x9310]  }
0x221: {  	v50 =	vld [tilespmem:s19+$0x11310]  }
0x222: {  	v51 =	vld [tilespmem:s19+$0x1320]  }
0x223: {  	v52 =	vld [tilespmem:s19+$0x9320]  }
0x224: {  	v53 =	vld [tilespmem:s19+$0x11320]  }
0x225: {  	v54 =	vld [tilespmem:s19+$0x1330]  }
0x226: {  	v55 =	vld [tilespmem:s19+$0x9330]  }
0x227: {  	v56 =	vld [tilespmem:s19+$0x11330]  }
0x228: {  	v57 =	vld [tilespmem:s19+$0x1340]  }
0x229: {  	v58 =	vld [tilespmem:s19+$0x9340]  }
0x22a: {  	v59 =	vld [tilespmem:s19+$0x1350]  }
0x22b: {  	v60 =	vld [tilespmem:s19+$0x9350];
	v16 =	vadd.f32 v17, v16;
	v19 =	vadd.f32 v49, v48  }
0x22c: {  	v62 =	vld [tilespmem:s19+$0x11350];
	v61 =	vadd.f32 v52, v51  }
0x22d: {  	v63 =	vld [tilespmem:s19+$0x1360];
	v16 =	vsub.f32 v16, v47;
	v19 =	vsub.f32 v19, v50  }
0x22e: {  	v17 =	vld [tilespmem:s19+$0x11340];
	v30 =	vadd.f32 v55, v54  }
0x22f: {  	v31 =	vld [tilespmem:s19+$0x9360];
	v21 =	vsub.f32 v61, v53;
	v16 =	vand.u32 $0x7FFFFFFF, v16;
	v19 =	vand.u32 $0x7FFFFFFF, v19  }
0x230: {  	v32 =	vld [tilespmem:s19+$0x11360];
	v16 =	vadd.f32 v19, v16  }
0x231: {  	v34 =	vld [tilespmem:s19+$0x1370];
	v33 =	vadd.f32 v58, v57;
	v24 =	vsub.f32 v30, v56;
	v21 =	vand.u32 $0x7FFFFFFF, v21  }
0x232: {  	v35 =	vld [tilespmem:s19+$0x9370];
	v16 =	vadd.f32 v21, v16  }
0x233: {  	v18 =	vadd.f32 v60, v59;
	v24 =	vand.u32 $0x7FFFFFFF, v24;
	v17 =	vsub.f32 v33, v17  }
0x234: {  	v36 =	vld [tilespmem:s19+$0x11370];
	v16 =	vadd.f32 v24, v16  }
0x235: {  	v37 =	vadd.f32 v31, v63;
	v18 =	vsub.f32 v18, v62;
	v17 =	vand.u32 $0x7FFFFFFF, v17  }
0x236: {  	v16 =	vadd.f32 v17, v16  }
0x237: {  	v39 =	vadd.f32 v35, v34;
	v38 =	vsub.f32 v37, v32;
	v17 =	vand.u32 $0x7FFFFFFF, v18  }
0x238: {  	v16 =	vadd.f32 v17, v16  }
0x239: {  	v40 =	vsub.f32 v39, v36;
	v17 =	vand.u32 $0x7FFFFFFF, v38  }
0x23a: {  	v16 =	vadd.f32 v17, v16  }
0x23b: {  	v17 =	vand.u32 $0x7FFFFFFF, v40  }
0x23c: {  	v16 =	vadd.f32 v17, v16;
	_ =	sdelay $0x1  }
0x23d: {  	[tilespmem:$0x18EEE] =	vst v16  }
0x23e: {  	v16 =	vld [tilespmem:s19+$0x1380]  }
0x23f: {  	v17 =	vld [tilespmem:s19+$0x9380]  }
0x240: {  	v41 =	vld [tilespmem:s19+$0x11380]  }
0x241: {  	v42 =	vld [tilespmem:s19+$0x1390]  }
0x242: {  	v43 =	vld [tilespmem:s19+$0x9390]  }
0x243: {  	v44 =	vld [tilespmem:s19+$0x11390]  }
0x244: {  	v45 =	vld [tilespmem:s19+$0x13A0]  }
0x245: {  	v46 =	vld [tilespmem:s19+$0x93A0]  }
0x246: {  	v47 =	vld [tilespmem:s19+$0x113A0]  }
0x247: {  	v48 =	vld [tilespmem:s19+$0x13B0]  }
0x248: {  	v49 =	vld [tilespmem:s19+$0x93B0]  }
0x249: {  	v50 =	vld [tilespmem:s19+$0x113B0]  }
0x24a: {  	v51 =	vld [tilespmem:s19+$0x13C0]  }
0x24b: {  	v52 =	vld [tilespmem:s19+$0x93C0]  }
0x24c: {  	v53 =	vld [tilespmem:s19+$0x13D0]  }
0x24d: {  	v54 =	vld [tilespmem:s19+$0x93D0];
	v16 =	vadd.f32 v17, v16;
	v19 =	vadd.f32 v43, v42  }
0x24e: {  	v56 =	vld [tilespmem:s19+$0x113D0];
	v55 =	vadd.f32 v46, v45  }
0x24f: {  	v57 =	vld [tilespmem:s19+$0x13E0];
	v16 =	vsub.f32 v16, v41;
	v19 =	vsub.f32 v19, v44  }
0x250: {  	v17 =	vld [tilespmem:s19+$0x113C0];
	v58 =	vadd.f32 v49, v48  }
0x251: {  	v59 =	vld [tilespmem:s19+$0x93E0];
	v21 =	vsub.f32 v55, v47;
	v16 =	vand.u32 $0x7FFFFFFF, v16;
	v19 =	vand.u32 $0x7FFFFFFF, v19  }
0x252: {  	v60 =	vld [tilespmem:s19+$0x113E0];
	v16 =	vadd.f32 v19, v16  }
0x253: {  	v62 =	vld [tilespmem:s19+$0x13F0];
	v61 =	vadd.f32 v52, v51;
	v24 =	vsub.f32 v58, v50;
	v21 =	vand.u32 $0x7FFFFFFF, v21  }
0x254: {  	v63 =	vld [tilespmem:s19+$0x93F0];
	v16 =	vadd.f32 v21, v16  }
0x255: {  	v18 =	vadd.f32 v54, v53;
	v24 =	vand.u32 $0x7FFFFFFF, v24;
	v17 =	vsub.f32 v61, v17  }
0x256: {  	v16 =	vadd.f32 v24, v16;
	v24 =	vld [tilespmem:s19+$0x113F0]  }
0x257: {  	v26 =	vadd.f32 v59, v57;
	v18 =	vsub.f32 v18, v56;
	v17 =	vand.u32 $0x7FFFFFFF, v17  }
0x258: {  	v16 =	vadd.f32 v17, v16  }
0x259: {  	v29 =	vadd.f32 v63, v62;
	v28 =	vsub.f32 v26, v60;
	v17 =	vand.u32 $0x7FFFFFFF, v18  }
0x25a: {  	v16 =	vadd.f32 v17, v16  }
0x25b: {  	v17 =	vand.u32 $0x7FFFFFFF, v28;
	v30 =	vsub.f32 v29, v24  }
0x25c: {  	v16 =	vadd.f32 v17, v16  }
0x25d: {  	v17 =	vand.u32 $0x7FFFFFFF, v30  }
0x25e: {  	v16 =	vadd.f32 v17, v16;
	_ =	sdelay $0x1  }
0x25f: {  	[tilespmem:$0x18EFF] =	vst v16  }
0x260: {  	v16 =	vld.idx.msk [tilespmem:v0+s31+$0x0], $0xffff  }
0x261: {  	v17 =	vld.idx.msk [tilespmem:v1+s31+$0x0], $0xffff;
	_ =	sdelay $0x1  }
0x262: {  	v31 =	vld.idx.msk [tilespmem:v2+s31+$0x0], $0xffff;
	_ =	sdelay $0x1  }
0x263: {  	v32 =	vld.idx.msk [tilespmem:v3+s31+$0x0], $0xffff  }
0x264: {  	v16 =	vadd.f32 v17, v16  }
0x265: {  	v17 =	vld.idx.msk [tilespmem:v4+s31+$0x0], $0xffff  }
0x266: {  	v16 =	vadd.f32 v31, v16  }
0x267: {  	v33 =	vld.idx.msk [tilespmem:v5+s31+$0x0], $0xffff  }
0x268: {  	v16 =	vadd.f32 v32, v16  }
0x269: {  	v34 =	vld.idx.msk [tilespmem:v6+s31+$0x0], $0xffff  }
0x26a: {  	v16 =	vadd.f32 v17, v16  }
0x26b: {  	v17 =	vld.idx.msk [tilespmem:v7+s31+$0x0], $0xffff  }
0x26c: {  	v16 =	vadd.f32 v33, v16  }
0x26d: {  	v35 =	vld.idx.msk [tilespmem:v8+s31+$0x0], $0xffff  }
0x26e: {  	v16 =	vadd.f32 v34, v16  }
0x26f: {  	v36 =	vld.idx.msk [tilespmem:v9+s31+$0x0], $0xffff  }
0x270: {  	v16 =	vadd.f32 v17, v16  }
0x271: {  	v17 =	vld.idx.msk [tilespmem:v10+s31+$0x0], $0xffff  }
0x272: {  	v16 =	vadd.f32 v35, v16  }
0x273: {  	v37 =	vld.idx.msk [tilespmem:v11+s31+$0x0], $0xffff  }
0x274: {  	v16 =	vadd.f32 v36, v16  }
0x275: {  	v38 =	vld.idx.msk [tilespmem:v12+s31+$0x0], $0xffff  }
0x276: {  	v16 =	vadd.f32 v17, v16  }
0x277: {  	v17 =	vld.idx.msk [tilespmem:v13+s31+$0x0], $0xffff  }
0x278: {  	v16 =	vadd.f32 v37, v16  }
0x279: {  	v39 =	vld.idx.msk [tilespmem:v14+s31+$0x0], $0xffff  }
0x27a: {  	v16 =	vadd.f32 v38, v16  }
0x27b: {  	v40 =	vld.idx.msk [tilespmem:v15+s31+$0x0], $0xffff  }
0x27c: {  	v16 =	vadd.f32 v17, v16;
	_ =	sdelay $0x1  }
0x27d: {  	v16 =	vadd.f32 v39, v16;
	_ =	sdelay $0x1  }
0x27e: {  	v16 =	vadd.f32 v40, v16;
	_ =	sdelay $0x1  }
0x27f: {  	s26 =	sadd.s32 $0xFFFFF800, s16;
	v16 =	vsub.f32 $1.200000000e+01, v16  }
0x280: {  	s28 =	sand.u32 $0x1800, s16;
	s19 =	sand.u32 $0x6000, s26  }
0x281: {  	s19 =	sor.u32 s19, s28;
	[tilespmem:s18+$0xFFFFFFF0] =	vst v16  }
0x282: {  	v16 =	vld [tilespmem:s19+$0xC00]  }
0x283: {  	v17 =	vld [tilespmem:s19+$0x8C00]  }
0x284: {  	v41 =	vld [tilespmem:s19+$0x10C00]  }
0x285: {  	v42 =	vld [tilespmem:s19+$0xC10]  }
0x286: {  	v43 =	vld [tilespmem:s19+$0x8C10]  }
0x287: {  	v44 =	vld [tilespmem:s19+$0x10C10]  }
0x288: {  	v45 =	vld [tilespmem:s19+$0xC20]  }
0x289: {  	v46 =	vld [tilespmem:s19+$0x8C20]  }
0x28a: {  	v47 =	vld [tilespmem:s19+$0x10C20]  }
0x28b: {  	v48 =	vld [tilespmem:s19+$0xC30]  }
0x28c: {  	v49 =	vld [tilespmem:s19+$0x8C30]  }
0x28d: {  	v50 =	vld [tilespmem:s19+$0x10C30]  }
0x28e: {  	v51 =	vld [tilespmem:s19+$0xC40]  }
0x28f: {  	v52 =	vld [tilespmem:s19+$0x8C40]  }
0x290: {  	v53 =	vld [tilespmem:s19+$0xC50]  }
0x291: {  	v54 =	vld [tilespmem:s19+$0x8C50];
	v16 =	vadd.f32 v17, v16;
	v19 =	vadd.f32 v43, v42  }
0x292: {  	v56 =	vld [tilespmem:s19+$0x10C50];
	v55 =	vadd.f32 v46, v45  }
0x293: {  	v57 =	vld [tilespmem:s19+$0xC60];
	v16 =	vsub.f32 v16, v41;
	v19 =	vsub.f32 v19, v44  }
0x294: {  	v17 =	vld [tilespmem:s19+$0x10C40];
	v58 =	vadd.f32 v49, v48  }
0x295: {  	v59 =	vld [tilespmem:s19+$0x8C60];
	v21 =	vsub.f32 v55, v47;
	v16 =	vand.u32 $0x7FFFFFFF, v16;
	v19 =	vand.u32 $0x7FFFFFFF, v19  }
0x296: {  	v60 =	vld [tilespmem:s19+$0x10C60];
	v16 =	vadd.f32 v19, v16  }
0x297: {  	v62 =	vld [tilespmem:s19+$0xC70];
	v61 =	vadd.f32 v52, v51;
	v24 =	vsub.f32 v58, v50;
	v21 =	vand.u32 $0x7FFFFFFF, v21  }
0x298: {  	v63 =	vld [tilespmem:s19+$0x8C70];
	v16 =	vadd.f32 v21, v16  }
0x299: {  	v18 =	vadd.f32 v54, v53;
	v24 =	vand.u32 $0x7FFFFFFF, v24;
	v17 =	vsub.f32 v61, v17  }
0x29a: {  	v26 =	vld [tilespmem:s19+$0x10C70];
	v16 =	vadd.f32 v24, v16  }
0x29b: {  	v28 =	vadd.f32 v59, v57;
	v18 =	vsub.f32 v18, v56;
	v17 =	vand.u32 $0x7FFFFFFF, v17  }
0x29c: {  	v16 =	vadd.f32 v17, v16  }
0x29d: {  	v30 =	vadd.f32 v63, v62;
	v29 =	vsub.f32 v28, v60;
	v17 =	vand.u32 $0x7FFFFFFF, v18  }
0x29e: {  	v16 =	vadd.f32 v17, v16  }
0x29f: {  	v31 =	vsub.f32 v30, v26;
	v17 =	vand.u32 $0x7FFFFFFF, v29  }
0x2a0: {  	v16 =	vadd.f32 v17, v16  }
0x2a1: {  	v17 =	vand.u32 $0x7FFFFFFF, v31  }
0x2a2: {  	v16 =	vadd.f32 v17, v16;
	_ =	sdelay $0x1  }
0x2a3: {  	[tilespmem:$0x18E00] =	vst v16  }
0x2a4: {  	v16 =	vld [tilespmem:s19+$0xC80]  }
0x2a5: {  	v17 =	vld [tilespmem:s19+$0x8C80]  }
0x2a6: {  	v32 =	vld [tilespmem:s19+$0x10C80]  }
0x2a7: {  	v33 =	vld [tilespmem:s19+$0xC90]  }
0x2a8: {  	v34 =	vld [tilespmem:s19+$0x8C90]  }
0x2a9: {  	v35 =	vld [tilespmem:s19+$0x10C90]  }
0x2aa: {  	v36 =	vld [tilespmem:s19+$0xCA0]  }
0x2ab: {  	v37 =	vld [tilespmem:s19+$0x8CA0]  }
0x2ac: {  	v38 =	vld [tilespmem:s19+$0x10CA0]  }
0x2ad: {  	v39 =	vld [tilespmem:s19+$0xCB0]  }
0x2ae: {  	v40 =	vld [tilespmem:s19+$0x8CB0]  }
0x2af: {  	v41 =	vld [tilespmem:s19+$0x10CB0]  }
0x2b0: {  	v42 =	vld [tilespmem:s19+$0xCC0]  }
0x2b1: {  	v43 =	vld [tilespmem:s19+$0x8CC0]  }
0x2b2: {  	v44 =	vld [tilespmem:s19+$0xCD0]  }
0x2b3: {  	v45 =	vld [tilespmem:s19+$0x8CD0];
	v16 =	vadd.f32 v17, v16;
	v19 =	vadd.f32 v34, v33  }
0x2b4: {  	v47 =	vld [tilespmem:s19+$0x10CD0];
	v46 =	vadd.f32 v37, v36  }
0x2b5: {  	v48 =	vld [tilespmem:s19+$0xCE0];
	v16 =	vsub.f32 v16, v32;
	v19 =	vsub.f32 v19, v35  }
0x2b6: {  	v17 =	vld [tilespmem:s19+$0x10CC0];
	v49 =	vadd.f32 v40, v39  }
0x2b7: {  	v50 =	vld [tilespmem:s19+$0x8CE0];
	v21 =	vsub.f32 v46, v38;
	v16 =	vand.u32 $0x7FFFFFFF, v16;
	v19 =	vand.u32 $0x7FFFFFFF, v19  }
0x2b8: {  	v51 =	vld [tilespmem:s19+$0x10CE0];
	v16 =	vadd.f32 v19, v16  }
0x2b9: {  	v53 =	vld [tilespmem:s19+$0xCF0];
	v52 =	vadd.f32 v43, v42;
	v24 =	vsub.f32 v49, v41;
	v21 =	vand.u32 $0x7FFFFFFF, v21  }
0x2ba: {  	v54 =	vld [tilespmem:s19+$0x8CF0];
	v16 =	vadd.f32 v21, v16  }
0x2bb: {  	v18 =	vadd.f32 v45, v44;
	v24 =	vand.u32 $0x7FFFFFFF, v24;
	v17 =	vsub.f32 v52, v17  }
0x2bc: {  	v55 =	vld [tilespmem:s19+$0x10CF0];
	v16 =	vadd.f32 v24, v16  }
0x2bd: {  	v56 =	vadd.f32 v50, v48;
	v18 =	vsub.f32 v18, v47;
	v17 =	vand.u32 $0x7FFFFFFF, v17  }
0x2be: {  	v16 =	vadd.f32 v17, v16  }
0x2bf: {  	v58 =	vadd.f32 v54, v53;
	v57 =	vsub.f32 v56, v51;
	v17 =	vand.u32 $0x7FFFFFFF, v18  }
0x2c0: {  	v16 =	vadd.f32 v17, v16  }
0x2c1: {  	v59 =	vsub.f32 v58, v55;
	v17 =	vand.u32 $0x7FFFFFFF, v57  }
0x2c2: {  	v16 =	vadd.f32 v17, v16  }
0x2c3: {  	v17 =	vand.u32 $0x7FFFFFFF, v59  }
0x2c4: {  	v16 =	vadd.f32 v17, v16;
	_ =	sdelay $0x1  }
0x2c5: {  	[tilespmem:$0x18E11] =	vst v16  }
0x2c6: {  	v16 =	vld [tilespmem:s19+$0xD00]  }
0x2c7: {  	v17 =	vld [tilespmem:s19+$0x8D00]  }
0x2c8: {  	v60 =	vld [tilespmem:s19+$0x10D00]  }
0x2c9: {  	v61 =	vld [tilespmem:s19+$0xD10]  }
0x2ca: {  	v62 =	vld [tilespmem:s19+$0x8D10]  }
0x2cb: {  	v63 =	vld [tilespmem:s19+$0x10D10]  }
0x2cc: {  	v32 =	vld [tilespmem:s19+$0xD20]  }
0x2cd: {  	v33 =	vld [tilespmem:s19+$0x8D20]  }
0x2ce: {  	v34 =	vld [tilespmem:s19+$0x10D20]  }
0x2cf: {  	v35 =	vld [tilespmem:s19+$0xD30]  }
0x2d0: {  	v36 =	vld [tilespmem:s19+$0x8D30]  }
0x2d1: {  	v37 =	vld [tilespmem:s19+$0x10D30]  }
0x2d2: {  	v38 =	vld [tilespmem:s19+$0xD40]  }
0x2d3: {  	v39 =	vld [tilespmem:s19+$0x8D40]  }
0x2d4: {  	v40 =	vld [tilespmem:s19+$0xD50]  }
0x2d5: {  	v41 =	vld [tilespmem:s19+$0x8D50];
	v16 =	vadd.f32 v17, v16;
	v19 =	vadd.f32 v62, v61  }
0x2d6: {  	v43 =	vld [tilespmem:s19+$0x10D50];
	v42 =	vadd.f32 v33, v32  }
0x2d7: {  	v44 =	vld [tilespmem:s19+$0xD60];
	v16 =	vsub.f32 v16, v60;
	v19 =	vsub.f32 v19, v63  }
0x2d8: {  	v17 =	vld [tilespmem:s19+$0x10D40];
	v45 =	vadd.f32 v36, v35  }
0x2d9: {  	v46 =	vld [tilespmem:s19+$0x8D60];
	v21 =	vsub.f32 v42, v34;
	v16 =	vand.u32 $0x7FFFFFFF, v16;
	v19 =	vand.u32 $0x7FFFFFFF, v19  }
0x2da: {  	v47 =	vld [tilespmem:s19+$0x10D60];
	v16 =	vadd.f32 v19, v16  }
0x2db: {  	v49 =	vld [tilespmem:s19+$0xD70];
	v48 =	vadd.f32 v39, v38;
	v24 =	vsub.f32 v45, v37;
	v21 =	vand.u32 $0x7FFFFFFF, v21  }
0x2dc: {  	v50 =	vld [tilespmem:s19+$0x8D70];
	v16 =	vadd.f32 v21, v16  }
0x2dd: {  	v18 =	vadd.f32 v41, v40;
	v24 =	vand.u32 $0x7FFFFFFF, v24;
	v17 =	vsub.f32 v48, v17  }
0x2de: {  	v51 =	vld [tilespmem:s19+$0x10D70];
	v16 =	vadd.f32 v24, v16  }
0x2df: {  	v52 =	vadd.f32 v46, v44;
	v18 =	vsub.f32 v18, v43;
	v17 =	vand.u32 $0x7FFFFFFF, v17  }
0x2e0: {  	v16 =	vadd.f32 v17, v16  }
0x2e1: {  	v54 =	vadd.f32 v50, v49;
	v53 =	vsub.f32 v52, v47;
	v17 =	vand.u32 $0x7FFFFFFF, v18  }
0x2e2: {  	v16 =	vadd.f32 v17, v16  }
0x2e3: {  	v55 =	vsub.f32 v54, v51;
	v17 =	vand.u32 $0x7FFFFFFF, v53  }
0x2e4: {  	v16 =	vadd.f32 v17, v16  }
0x2e5: {  	v17 =	vand.u32 $0x7FFFFFFF, v55  }
0x2e6: {  	v16 =	vadd.f32 v17, v16;
	_ =	sdelay $0x1  }
0x2e7: {  	[tilespmem:$0x18E22] =	vst v16  }
0x2e8: {  	v16 =	vld [tilespmem:s19+$0xD80]  }
0x2e9: {  	v17 =	vld [tilespmem:s19+$0x8D80]  }
0x2ea: {  	v56 =	vld [tilespmem:s19+$0x10D80]  }
0x2eb: {  	v57 =	vld [tilespmem:s19+$0xD90]  }
0x2ec: {  	v58 =	vld [tilespmem:s19+$0x8D90]  }
0x2ed: {  	v59 =	vld [tilespmem:s19+$0x10D90]  }
0x2ee: {  	v60 =	vld [tilespmem:s19+$0xDA0]  }
0x2ef: {  	v61 =	vld [tilespmem:s19+$0x8DA0]  }
0x2f0: {  	v62 =	vld [tilespmem:s19+$0x10DA0]  }
0x2f1: {  	v63 =	vld [tilespmem:s19+$0xDB0]  }
0x2f2: {  	v32 =	vld [tilespmem:s19+$0x8DB0]  }
0x2f3: {  	v33 =	vld [tilespmem:s19+$0x10DB0]  }
0x2f4: {  	v34 =	vld [tilespmem:s19+$0xDC0]  }
0x2f5: {  	v35 =	vld [tilespmem:s19+$0x8DC0]  }
0x2f6: {  	v36 =	vld [tilespmem:s19+$0xDD0]  }
0x2f7: {  	v37 =	vld [tilespmem:s19+$0x8DD0];
	v16 =	vadd.f32 v17, v16;
	v19 =	vadd.f32 v58, v57  }
0x2f8: {  	v39 =	vld [tilespmem:s19+$0x10DD0];
	v38 =	vadd.f32 v61, v60  }
0x2f9: {  	v40 =	vld [tilespmem:s19+$0xDE0];
	v16 =	vsub.f32 v16, v56;
	v19 =	vsub.f32 v19, v59  }
0x2fa: {  	v17 =	vld [tilespmem:s19+$0x10DC0];
	v41 =	vadd.f32 v32, v63  }
0x2fb: {  	v42 =	vld [tilespmem:s19+$0x8DE0];
	v21 =	vsub.f32 v38, v62;
	v16 =	vand.u32 $0x7FFFFFFF, v16;
	v19 =	vand.u32 $0x7FFFFFFF, v19  }
0x2fc: {  	v43 =	vld [tilespmem:s19+$0x10DE0];
	v16 =	vadd.f32 v19, v16  }
0x2fd: {  	v45 =	vld [tilespmem:s19+$0xDF0];
	v44 =	vadd.f32 v35, v34;
	v24 =	vsub.f32 v41, v33;
	v21 =	vand.u32 $0x7FFFFFFF, v21  }
0x2fe: {  	v46 =	vld [tilespmem:s19+$0x8DF0];
	v16 =	vadd.f32 v21, v16  }
0x2ff: {  	v18 =	vadd.f32 v37, v36;
	v24 =	vand.u32 $0x7FFFFFFF, v24;
	v17 =	vsub.f32 v44, v17  }
0x300: {  	v47 =	vld [tilespmem:s19+$0x10DF0];
	v16 =	vadd.f32 v24, v16  }
0x301: {  	v48 =	vadd.f32 v42, v40;
	v18 =	vsub.f32 v18, v39;
	v17 =	vand.u32 $0x7FFFFFFF, v17  }
0x302: {  	v16 =	vadd.f32 v17, v16  }
0x303: {  	v50 =	vadd.f32 v46, v45;
	v49 =	vsub.f32 v48, v43;
	v17 =	vand.u32 $0x7FFFFFFF, v18  }
0x304: {  	v16 =	vadd.f32 v17, v16  }
0x305: {  	v51 =	vsub.f32 v50, v47;
	v17 =	vand.u32 $0x7FFFFFFF, v49  }
0x306: {  	v16 =	vadd.f32 v17, v16  }
0x307: {  	v17 =	vand.u32 $0x7FFFFFFF, v51  }
0x308: {  	v16 =	vadd.f32 v17, v16;
	_ =	sdelay $0x1  }
0x309: {  	[tilespmem:$0x18E33] =	vst v16  }
0x30a: {  	v16 =	vld [tilespmem:s19+$0xE00]  }
0x30b: {  	v17 =	vld [tilespmem:s19+$0x8E00]  }
0x30c: {  	v52 =	vld [tilespmem:s19+$0x10E00]  }
0x30d: {  	v53 =	vld [tilespmem:s19+$0xE10]  }
0x30e: {  	v54 =	vld [tilespmem:s19+$0x8E10]  }
0x30f: {  	v55 =	vld [tilespmem:s19+$0x10E10]  }
0x310: {  	v56 =	vld [tilespmem:s19+$0xE20]  }
0x311: {  	v57 =	vld [tilespmem:s19+$0x8E20]  }
0x312: {  	v58 =	vld [tilespmem:s19+$0x10E20]  }
0x313: {  	v59 =	vld [tilespmem:s19+$0xE30]  }
0x314: {  	v60 =	vld [tilespmem:s19+$0x8E30]  }
0x315: {  	v61 =	vld [tilespmem:s19+$0x10E30]  }
0x316: {  	v62 =	vld [tilespmem:s19+$0xE40]  }
0x317: {  	v63 =	vld [tilespmem:s19+$0x8E40]  }
0x318: {  	v31 =	vld [tilespmem:s19+$0xE50]  }
0x319: {  	v32 =	vld [tilespmem:s19+$0x8E50];
	v16 =	vadd.f32 v17, v16;
	v19 =	vadd.f32 v54, v53  }
0x31a: {  	v34 =	vld [tilespmem:s19+$0x10E50];
	v33 =	vadd.f32 v57, v56  }
0x31b: {  	v35 =	vld [tilespmem:s19+$0xE60];
	v16 =	vsub.f32 v16, v52;
	v19 =	vsub.f32 v19, v55  }
0x31c: {  	v17 =	vld [tilespmem:s19+$0x10E40];
	v36 =	vadd.f32 v60, v59  }
0x31d: {  	v37 =	vld [tilespmem:s19+$0x8E60];
	v21 =	vsub.f32 v33, v58;
	v16 =	vand.u32 $0x7FFFFFFF, v16;
	v19 =	vand.u32 $0x7FFFFFFF, v19  }
0x31e: {  	v38 =	vld [tilespmem:s19+$0x10E60];
	v16 =	vadd.f32 v19, v16  }
0x31f: {  	v40 =	vld [tilespmem:s19+$0xE70];
	v39 =	vadd.f32 v63, v62;
	v24 =	vsub.f32 v36, v61;
	v21 =	vand.u32 $0x7FFFFFFF, v21  }
0x320: {  	v41 =	vld [tilespmem:s19+$0x8E70];
	v16 =	vadd.f32 v21, v16  }
0x321: {  	v18 =	vadd.f32 v32, v31;
	v24 =	vand.u32 $0x7FFFFFFF, v24;
	v17 =	vsub.f32 v39, v17  }
0x322: {  	v42 =	vld [tilespmem:s19+$0x10E70];
	v16 =	vadd.f32 v24, v16  }
0x323: {  	v43 =	vadd.f32 v37, v35;
	v18 =	vsub.f32 v18, v34;
	v17 =	vand.u32 $0x7FFFFFFF, v17  }
0x324: {  	v16 =	vadd.f32 v17, v16  }
0x325: {  	v45 =	vadd.f32 v41, v40;
	v44 =	vsub.f32 v43, v38;
	v17 =	vand.u32 $0x7FFFFFFF, v18  }
0x326: {  	v16 =	vadd.f32 v17, v16  }
0x327: {  	v46 =	vsub.f32 v45, v42;
	v17 =	vand.u32 $0x7FFFFFFF, v44  }
0x328: {  	v16 =	vadd.f32 v17, v16  }
0x329: {  	v17 =	vand.u32 $0x7FFFFFFF, v46  }
0x32a: {  	v16 =	vadd.f32 v17, v16;
	_ =	sdelay $0x1  }
0x32b: {  	[tilespmem:$0x18E44] =	vst v16  }
0x32c: {  	v16 =	vld [tilespmem:s19+$0xE80]  }
0x32d: {  	v17 =	vld [tilespmem:s19+$0x8E80]  }
0x32e: {  	v47 =	vld [tilespmem:s19+$0x10E80]  }
0x32f: {  	v48 =	vld [tilespmem:s19+$0xE90]  }
0x330: {  	v49 =	vld [tilespmem:s19+$0x8E90]  }
0x331: {  	v50 =	vld [tilespmem:s19+$0x10E90]  }
0x332: {  	v51 =	vld [tilespmem:s19+$0xEA0]  }
0x333: {  	v52 =	vld [tilespmem:s19+$0x8EA0]  }
0x334: {  	v53 =	vld [tilespmem:s19+$0x10EA0]  }
0x335: {  	v54 =	vld [tilespmem:s19+$0xEB0]  }
0x336: {  	v55 =	vld [tilespmem:s19+$0x8EB0]  }
0x337: {  	v56 =	vld [tilespmem:s19+$0x10EB0]  }
0x338: {  	v57 =	vld [tilespmem:s19+$0xEC0]  }
0x339: {  	v58 =	vld [tilespmem:s19+$0x8EC0]  }
0x33a: {  	v59 =	vld [tilespmem:s19+$0xED0]  }
0x33b: {  	v60 =	vld [tilespmem:s19+$0x8ED0];
	v16 =	vadd.f32 v17, v16;
	v19 =	vadd.f32 v49, v48  }
0x33c: {  	v62 =	vld [tilespmem:s19+$0x10ED0];
	v61 =	vadd.f32 v52, v51  }
0x33d: {  	v63 =	vld [tilespmem:s19+$0xEE0];
	v16 =	vsub.f32 v16, v47;
	v19 =	vsub.f32 v19, v50  }
0x33e: {  	v17 =	vld [tilespmem:s19+$0x10EC0];
	v30 =	vadd.f32 v55, v54  }
0x33f: {  	v31 =	vld [tilespmem:s19+$0x8EE0];
	v21 =	vsub.f32 v61, v53;
	v16 =	vand.u32 $0x7FFFFFFF, v16;
	v19 =	vand.u32 $0x7FFFFFFF, v19  }
0x340: {  	v32 =	vld [tilespmem:s19+$0x10EE0];
	v16 =	vadd.f32 v19, v16  }
0x341: {  	v34 =	vld [tilespmem:s19+$0xEF0];
	v33 =	vadd.f32 v58, v57;
	v24 =	vsub.f32 v30, v56;
	v21 =	vand.u32 $0x7FFFFFFF, v21  }
0x342: {  	v35 =	vld [tilespmem:s19+$0x8EF0];
	v16 =	vadd.f32 v21, v16  }
0x343: {  	v18 =	vadd.f32 v60, v59;
	v24 =	vand.u32 $0x7FFFFFFF, v24;
	v17 =	vsub.f32 v33, v17  }
0x344: {  	v36 =	vld [tilespmem:s19+$0x10EF0];
	v16 =	vadd.f32 v24, v16  }
0x345: {  	v37 =	vadd.f32 v31, v63;
	v18 =	vsub.f32 v18, v62;
	v17 =	vand.u32 $0x7FFFFFFF, v17  }
0x346: {  	v16 =	vadd.f32 v17, v16  }
0x347: {  	v39 =	vadd.f32 v35, v34;
	v38 =	vsub.f32 v37, v32;
	v17 =	vand.u32 $0x7FFFFFFF, v18  }
0x348: {  	v16 =	vadd.f32 v17, v16  }
0x349: {  	v40 =	vsub.f32 v39, v36;
	v17 =	vand.u32 $0x7FFFFFFF, v38  }
0x34a: {  	v16 =	vadd.f32 v17, v16  }
0x34b: {  	v17 =	vand.u32 $0x7FFFFFFF, v40  }
0x34c: {  	v16 =	vadd.f32 v17, v16;
	_ =	sdelay $0x1  }
0x34d: {  	[tilespmem:$0x18E55] =	vst v16  }
0x34e: {  	v16 =	vld [tilespmem:s19+$0xF00]  }
0x34f: {  	v17 =	vld [tilespmem:s19+$0x8F00]  }
0x350: {  	v41 =	vld [tilespmem:s19+$0x10F00]  }
0x351: {  	v42 =	vld [tilespmem:s19+$0xF10]  }
0x352: {  	v43 =	vld [tilespmem:s19+$0x8F10]  }
0x353: {  	v44 =	vld [tilespmem:s19+$0x10F10]  }
0x354: {  	v45 =	vld [tilespmem:s19+$0xF20]  }
0x355: {  	v46 =	vld [tilespmem:s19+$0x8F20]  }
0x356: {  	v47 =	vld [tilespmem:s19+$0x10F20]  }
0x357: {  	v48 =	vld [tilespmem:s19+$0xF30]  }
0x358: {  	v49 =	vld [tilespmem:s19+$0x8F30]  }
0x359: {  	v50 =	vld [tilespmem:s19+$0x10F30]  }
0x35a: {  	v51 =	vld [tilespmem:s19+$0xF40]  }
0x35b: {  	v52 =	vld [tilespmem:s19+$0x8F40]  }
0x35c: {  	v53 =	vld [tilespmem:s19+$0xF50]  }
0x35d: {  	v54 =	vld [tilespmem:s19+$0x8F50];
	v16 =	vadd.f32 v17, v16;
	v19 =	vadd.f32 v43, v42  }
0x35e: {  	v56 =	vld [tilespmem:s19+$0x10F50];
	v55 =	vadd.f32 v46, v45  }
0x35f: {  	v57 =	vld [tilespmem:s19+$0xF60];
	v16 =	vsub.f32 v16, v41;
	v19 =	vsub.f32 v19, v44  }
0x360: {  	v17 =	vld [tilespmem:s19+$0x10F40];
	v58 =	vadd.f32 v49, v48  }
0x361: {  	v59 =	vld [tilespmem:s19+$0x8F60];
	v21 =	vsub.f32 v55, v47;
	v16 =	vand.u32 $0x7FFFFFFF, v16;
	v19 =	vand.u32 $0x7FFFFFFF, v19  }
0x362: {  	v60 =	vld [tilespmem:s19+$0x10F60];
	v16 =	vadd.f32 v19, v16  }
0x363: {  	v62 =	vld [tilespmem:s19+$0xF70];
	v61 =	vadd.f32 v52, v51;
	v24 =	vsub.f32 v58, v50;
	v21 =	vand.u32 $0x7FFFFFFF, v21  }
0x364: {  	v63 =	vld [tilespmem:s19+$0x8F70];
	v16 =	vadd.f32 v21, v16  }
0x365: {  	v18 =	vadd.f32 v54, v53;
	v24 =	vand.u32 $0x7FFFFFFF, v24;
	v17 =	vsub.f32 v61, v17  }
0x366: {  	v26 =	vld [tilespmem:s19+$0x10F70];
	v16 =	vadd.f32 v24, v16  }
0x367: {  	v28 =	vadd.f32 v59, v57;
	v18 =	vsub.f32 v18, v56;
	v17 =	vand.u32 $0x7FFFFFFF, v17  }
0x368: {  	v16 =	vadd.f32 v17, v16  }
0x369: {  	v30 =	vadd.f32 v63, v62;
	v29 =	vsub.f32 v28, v60;
	v17 =	vand.u32 $0x7FFFFFFF, v18  }
0x36a: {  	v16 =	vadd.f32 v17, v16  }
0x36b: {  	v31 =	vsub.f32 v30, v26;
	v17 =	vand.u32 $0x7FFFFFFF, v29  }
0x36c: {  	v16 =	vadd.f32 v17, v16  }
0x36d: {  	v17 =	vand.u32 $0x7FFFFFFF, v31  }
0x36e: {  	v16 =	vadd.f32 v17, v16;
	_ =	sdelay $0x1  }
0x36f: {  	[tilespmem:$0x18E66] =	vst v16  }
0x370: {  	v16 =	vld [tilespmem:s19+$0xF80]  }
0x371: {  	v17 =	vld [tilespmem:s19+$0x8F80]  }
0x372: {  	v32 =	vld [tilespmem:s19+$0x10F80]  }
0x373: {  	v33 =	vld [tilespmem:s19+$0xF90]  }
0x374: {  	v34 =	vld [tilespmem:s19+$0x8F90]  }
0x375: {  	v35 =	vld [tilespmem:s19+$0x10F90]  }
0x376: {  	v36 =	vld [tilespmem:s19+$0xFA0]  }
0x377: {  	v37 =	vld [tilespmem:s19+$0x8FA0]  }
0x378: {  	v38 =	vld [tilespmem:s19+$0x10FA0]  }
0x379: {  	v39 =	vld [tilespmem:s19+$0xFB0]  }
0x37a: {  	v40 =	vld [tilespmem:s19+$0x8FB0]  }
0x37b: {  	v41 =	vld [tilespmem:s19+$0x10FB0]  }
0x37c: {  	v42 =	vld [tilespmem:s19+$0xFC0]  }
0x37d: {  	v43 =	vld [tilespmem:s19+$0x8FC0]  }
0x37e: {  	v44 =	vld [tilespmem:s19+$0xFD0]  }
0x37f: {  	v45 =	vld [tilespmem:s19+$0x8FD0];
	v16 =	vadd.f32 v17, v16;
	v19 =	vadd.f32 v34, v33  }
0x380: {  	v47 =	vld [tilespmem:s19+$0x10FD0];
	v46 =	vadd.f32 v37, v36  }
0x381: {  	v48 =	vld [tilespmem:s19+$0xFE0];
	v16 =	vsub.f32 v16, v32;
	v19 =	vsub.f32 v19, v35  }
0x382: {  	v17 =	vld [tilespmem:s19+$0x10FC0];
	v49 =	vadd.f32 v40, v39  }
0x383: {  	v50 =	vld [tilespmem:s19+$0x8FE0];
	v21 =	vsub.f32 v46, v38;
	v16 =	vand.u32 $0x7FFFFFFF, v16;
	v19 =	vand.u32 $0x7FFFFFFF, v19  }
0x384: {  	v51 =	vld [tilespmem:s19+$0x10FE0];
	v16 =	vadd.f32 v19, v16  }
0x385: {  	v53 =	vld [tilespmem:s19+$0xFF0];
	v52 =	vadd.f32 v43, v42;
	v24 =	vsub.f32 v49, v41;
	v21 =	vand.u32 $0x7FFFFFFF, v21  }
0x386: {  	v54 =	vld [tilespmem:s19+$0x8FF0];
	v16 =	vadd.f32 v21, v16  }
0x387: {  	v18 =	vadd.f32 v45, v44;
	v24 =	vand.u32 $0x7FFFFFFF, v24;
	v17 =	vsub.f32 v52, v17  }
0x388: {  	v55 =	vld [tilespmem:s19+$0x10FF0];
	v16 =	vadd.f32 v24, v16  }
0x389: {  	v56 =	vadd.f32 v50, v48;
	v18 =	vsub.f32 v18, v47;
	v17 =	vand.u32 $0x7FFFFFFF, v17  }
0x38a: {  	v16 =	vadd.f32 v17, v16  }
0x38b: {  	v58 =	vadd.f32 v54, v53;
	v57 =	vsub.f32 v56, v51;
	v17 =	vand.u32 $0x7FFFFFFF, v18  }
0x38c: {  	v16 =	vadd.f32 v17, v16  }
0x38d: {  	v59 =	vsub.f32 v58, v55;
	v17 =	vand.u32 $0x7FFFFFFF, v57  }
0x38e: {  	v16 =	vadd.f32 v17, v16  }
0x38f: {  	v17 =	vand.u32 $0x7FFFFFFF, v59  }
0x390: {  	v16 =	vadd.f32 v17, v16;
	_ =	sdelay $0x1  }
0x391: {  	[tilespmem:$0x18E77] =	vst v16  }
0x392: {  	v16 =	vld [tilespmem:s19+$0x1000]  }
0x393: {  	v17 =	vld [tilespmem:s19+$0x9000]  }
0x394: {  	v60 =	vld [tilespmem:s19+$0x11000]  }
0x395: {  	v61 =	vld [tilespmem:s19+$0x1010]  }
0x396: {  	v62 =	vld [tilespmem:s19+$0x9010]  }
0x397: {  	v63 =	vld [tilespmem:s19+$0x11010]  }
0x398: {  	v32 =	vld [tilespmem:s19+$0x1020]  }
0x399: {  	v33 =	vld [tilespmem:s19+$0x9020]  }
0x39a: {  	v34 =	vld [tilespmem:s19+$0x11020]  }
0x39b: {  	v35 =	vld [tilespmem:s19+$0x1030]  }
0x39c: {  	v36 =	vld [tilespmem:s19+$0x9030]  }
0x39d: {  	v37 =	vld [tilespmem:s19+$0x11030]  }
0x39e: {  	v38 =	vld [tilespmem:s19+$0x1040]  }
0x39f: {  	v39 =	vld [tilespmem:s19+$0x9040]  }
0x3a0: {  	v40 =	vld [tilespmem:s19+$0x1050]  }
0x3a1: {  	v41 =	vld [tilespmem:s19+$0x9050];
	v16 =	vadd.f32 v17, v16;
	v19 =	vadd.f32 v62, v61  }
0x3a2: {  	v43 =	vld [tilespmem:s19+$0x11050];
	v42 =	vadd.f32 v33, v32  }
0x3a3: {  	v44 =	vld [tilespmem:s19+$0x1060];
	v16 =	vsub.f32 v16, v60;
	v19 =	vsub.f32 v19, v63  }
0x3a4: {  	v17 =	vld [tilespmem:s19+$0x11040];
	v45 =	vadd.f32 v36, v35  }
0x3a5: {  	v46 =	vld [tilespmem:s19+$0x9060];
	v21 =	vsub.f32 v42, v34;
	v16 =	vand.u32 $0x7FFFFFFF, v16;
	v19 =	vand.u32 $0x7FFFFFFF, v19  }
0x3a6: {  	v47 =	vld [tilespmem:s19+$0x11060];
	v16 =	vadd.f32 v19, v16  }
0x3a7: {  	v49 =	vld [tilespmem:s19+$0x1070];
	v48 =	vadd.f32 v39, v38;
	v24 =	vsub.f32 v45, v37;
	v21 =	vand.u32 $0x7FFFFFFF, v21  }
0x3a8: {  	v50 =	vld [tilespmem:s19+$0x9070];
	v16 =	vadd.f32 v21, v16  }
0x3a9: {  	v18 =	vadd.f32 v41, v40;
	v24 =	vand.u32 $0x7FFFFFFF, v24;
	v17 =	vsub.f32 v48, v17  }
0x3aa: {  	v51 =	vld [tilespmem:s19+$0x11070];
	v16 =	vadd.f32 v24, v16  }
0x3ab: {  	v52 =	vadd.f32 v46, v44;
	v18 =	vsub.f32 v18, v43;
	v17 =	vand.u32 $0x7FFFFFFF, v17  }
0x3ac: {  	v16 =	vadd.f32 v17, v16  }
0x3ad: {  	v54 =	vadd.f32 v50, v49;
	v53 =	vsub.f32 v52, v47;
	v17 =	vand.u32 $0x7FFFFFFF, v18  }
0x3ae: {  	v16 =	vadd.f32 v17, v16  }
0x3af: {  	v55 =	vsub.f32 v54, v51;
	v17 =	vand.u32 $0x7FFFFFFF, v53  }
0x3b0: {  	v16 =	vadd.f32 v17, v16  }
0x3b1: {  	v17 =	vand.u32 $0x7FFFFFFF, v55  }
0x3b2: {  	v16 =	vadd.f32 v17, v16;
	_ =	sdelay $0x1  }
0x3b3: {  	[tilespmem:$0x18E88] =	vst v16  }
0x3b4: {  	v16 =	vld [tilespmem:s19+$0x1080]  }
0x3b5: {  	v17 =	vld [tilespmem:s19+$0x9080]  }
0x3b6: {  	v56 =	vld [tilespmem:s19+$0x11080]  }
0x3b7: {  	v57 =	vld [tilespmem:s19+$0x1090]  }
0x3b8: {  	v58 =	vld [tilespmem:s19+$0x9090]  }
0x3b9: {  	v59 =	vld [tilespmem:s19+$0x11090]  }
0x3ba: {  	v60 =	vld [tilespmem:s19+$0x10A0]  }
0x3bb: {  	v61 =	vld [tilespmem:s19+$0x90A0]  }
0x3bc: {  	v62 =	vld [tilespmem:s19+$0x110A0]  }
0x3bd: {  	v63 =	vld [tilespmem:s19+$0x10B0]  }
0x3be: {  	v32 =	vld [tilespmem:s19+$0x90B0]  }
0x3bf: {  	v33 =	vld [tilespmem:s19+$0x110B0]  }
0x3c0: {  	v34 =	vld [tilespmem:s19+$0x10C0]  }
0x3c1: {  	v35 =	vld [tilespmem:s19+$0x90C0]  }
0x3c2: {  	v36 =	vld [tilespmem:s19+$0x10D0]  }
0x3c3: {  	v37 =	vld [tilespmem:s19+$0x90D0];
	v16 =	vadd.f32 v17, v16;
	v19 =	vadd.f32 v58, v57  }
0x3c4: {  	v39 =	vld [tilespmem:s19+$0x110D0];
	v38 =	vadd.f32 v61, v60  }
0x3c5: {  	v40 =	vld [tilespmem:s19+$0x10E0];
	v16 =	vsub.f32 v16, v56;
	v19 =	vsub.f32 v19, v59  }
0x3c6: {  	v17 =	vld [tilespmem:s19+$0x110C0];
	v41 =	vadd.f32 v32, v63  }
0x3c7: {  	v42 =	vld [tilespmem:s19+$0x90E0];
	v21 =	vsub.f32 v38, v62;
	v16 =	vand.u32 $0x7FFFFFFF, v16;
	v19 =	vand.u32 $0x7FFFFFFF, v19  }
0x3c8: {  	v43 =	vld [tilespmem:s19+$0x110E0];
	v16 =	vadd.f32 v19, v16  }
0x3c9: {  	v45 =	vld [tilespmem:s19+$0x10F0];
	v44 =	vadd.f32 v35, v34;
	v24 =	vsub.f32 v41, v33;
	v21 =	vand.u32 $0x7FFFFFFF, v21  }
0x3ca: {  	v46 =	vld [tilespmem:s19+$0x90F0];
	v16 =	vadd.f32 v21, v16  }
0x3cb: {  	v18 =	vadd.f32 v37, v36;
	v24 =	vand.u32 $0x7FFFFFFF, v24;
	v17 =	vsub.f32 v44, v17  }
0x3cc: {  	v47 =	vld [tilespmem:s19+$0x110F0];
	v16 =	vadd.f32 v24, v16  }
0x3cd: {  	v48 =	vadd.f32 v42, v40;
	v18 =	vsub.f32 v18, v39;
	v17 =	vand.u32 $0x7FFFFFFF, v17  }
0x3ce: {  	v16 =	vadd.f32 v17, v16  }
0x3cf: {  	v50 =	vadd.f32 v46, v45;
	v49 =	vsub.f32 v48, v43;
	v17 =	vand.u32 $0x7FFFFFFF, v18  }
0x3d0: {  	v16 =	vadd.f32 v17, v16  }
0x3d1: {  	v51 =	vsub.f32 v50, v47;
	v17 =	vand.u32 $0x7FFFFFFF, v49  }
0x3d2: {  	v16 =	vadd.f32 v17, v16  }
0x3d3: {  	v17 =	vand.u32 $0x7FFFFFFF, v51  }
0x3d4: {  	v16 =	vadd.f32 v17, v16;
	_ =	sdelay $0x1  }
0x3d5: {  	[tilespmem:$0x18E99] =	vst v16  }
0x3d6: {  	v16 =	vld [tilespmem:s19+$0x1100]  }
0x3d7: {  	v17 =	vld [tilespmem:s19+$0x9100]  }
0x3d8: {  	v52 =	vld [tilespmem:s19+$0x11100]  }
0x3d9: {  	v53 =	vld [tilespmem:s19+$0x1110]  }
0x3da: {  	v54 =	vld [tilespmem:s19+$0x9110]  }
0x3db: {  	v55 =	vld [tilespmem:s19+$0x11110]  }
0x3dc: {  	v56 =	vld [tilespmem:s19+$0x1120]  }
0x3dd: {  	v57 =	vld [tilespmem:s19+$0x9120]  }
0x3de: {  	v58 =	vld [tilespmem:s19+$0x11120]  }
0x3df: {  	v59 =	vld [tilespmem:s19+$0x1130]  }
0x3e0: {  	v60 =	vld [tilespmem:s19+$0x9130]  }
0x3e1: {  	v61 =	vld [tilespmem:s19+$0x11130]  }
0x3e2: {  	v62 =	vld [tilespmem:s19+$0x1140]  }
0x3e3: {  	v63 =	vld [tilespmem:s19+$0x9140]  }
0x3e4: {  	v31 =	vld [tilespmem:s19+$0x1150]  }
0x3e5: {  	v32 =	vld [tilespmem:s19+$0x9150];
	v16 =	vadd.f32 v17, v16;
	v19 =	vadd.f32 v54, v53  }
0x3e6: {  	v34 =	vld [tilespmem:s19+$0x11150];
	v33 =	vadd.f32 v57, v56  }
0x3e7: {  	v35 =	vld [tilespmem:s19+$0x1160];
	v16 =	vsub.f32 v16, v52;
	v19 =	vsub.f32 v19, v55  }
0x3e8: {  	v17 =	vld [tilespmem:s19+$0x11140];
	v36 =	vadd.f32 v60, v59  }
0x3e9: {  	v37 =	vld [tilespmem:s19+$0x9160];
	v21 =	vsub.f32 v33, v58;
	v16 =	vand.u32 $0x7FFFFFFF, v16;
	v19 =	vand.u32 $0x7FFFFFFF, v19  }
0x3ea: {  	v38 =	vld [tilespmem:s19+$0x11160];
	v16 =	vadd.f32 v19, v16  }
0x3eb: {  	v40 =	vld [tilespmem:s19+$0x1170];
	v39 =	vadd.f32 v63, v62;
	v24 =	vsub.f32 v36, v61;
	v21 =	vand.u32 $0x7FFFFFFF, v21  }
0x3ec: {  	v41 =	vld [tilespmem:s19+$0x9170];
	v16 =	vadd.f32 v21, v16  }
0x3ed: {  	v18 =	vadd.f32 v32, v31;
	v24 =	vand.u32 $0x7FFFFFFF, v24;
	v17 =	vsub.f32 v39, v17  }
0x3ee: {  	v42 =	vld [tilespmem:s19+$0x11170];
	v16 =	vadd.f32 v24, v16  }
0x3ef: {  	v43 =	vadd.f32 v37, v35;
	v18 =	vsub.f32 v18, v34;
	v17 =	vand.u32 $0x7FFFFFFF, v17  }
0x3f0: {  	v16 =	vadd.f32 v17, v16  }
0x3f1: {  	v45 =	vadd.f32 v41, v40;
	v44 =	vsub.f32 v43, v38;
	v17 =	vand.u32 $0x7FFFFFFF, v18  }
0x3f2: {  	v16 =	vadd.f32 v17, v16  }
0x3f3: {  	v46 =	vsub.f32 v45, v42;
	v17 =	vand.u32 $0x7FFFFFFF, v44  }
0x3f4: {  	v16 =	vadd.f32 v17, v16  }
0x3f5: {  	v17 =	vand.u32 $0x7FFFFFFF, v46  }
0x3f6: {  	v16 =	vadd.f32 v17, v16;
	_ =	sdelay $0x1  }
0x3f7: {  	[tilespmem:$0x18EAA] =	vst v16  }
0x3f8: {  	v16 =	vld [tilespmem:s19+$0x1180]  }
0x3f9: {  	v17 =	vld [tilespmem:s19+$0x9180]  }
0x3fa: {  	v47 =	vld [tilespmem:s19+$0x11180]  }
0x3fb: {  	v48 =	vld [tilespmem:s19+$0x1190]  }
0x3fc: {  	v49 =	vld [tilespmem:s19+$0x9190]  }
0x3fd: {  	v50 =	vld [tilespmem:s19+$0x11190]  }
0x3fe: {  	v51 =	vld [tilespmem:s19+$0x11A0]  }
0x3ff: {  	v52 =	vld [tilespmem:s19+$0x91A0]  }
0x400: {  	v53 =	vld [tilespmem:s19+$0x111A0]  }
0x401: {  	v54 =	vld [tilespmem:s19+$0x11B0]  }
0x402: {  	v55 =	vld [tilespmem:s19+$0x91B0]  }
0x403: {  	v56 =	vld [tilespmem:s19+$0x111B0]  }
0x404: {  	v57 =	vld [tilespmem:s19+$0x11C0]  }
0x405: {  	v58 =	vld [tilespmem:s19+$0x91C0]  }
0x406: {  	v59 =	vld [tilespmem:s19+$0x11D0]  }
0x407: {  	v60 =	vld [tilespmem:s19+$0x91D0];
	v16 =	vadd.f32 v17, v16;
	v19 =	vadd.f32 v49, v48  }
0x408: {  	v62 =	vld [tilespmem:s19+$0x111D0];
	v61 =	vadd.f32 v52, v51  }
0x409: {  	v63 =	vld [tilespmem:s19+$0x11E0];
	v16 =	vsub.f32 v16, v47;
	v19 =	vsub.f32 v19, v50  }
0x40a: {  	v17 =	vld [tilespmem:s19+$0x111C0];
	v30 =	vadd.f32 v55, v54  }
0x40b: {  	v31 =	vld [tilespmem:s19+$0x91E0];
	v21 =	vsub.f32 v61, v53;
	v16 =	vand.u32 $0x7FFFFFFF, v16;
	v19 =	vand.u32 $0x7FFFFFFF, v19  }
0x40c: {  	v32 =	vld [tilespmem:s19+$0x111E0];
	v16 =	vadd.f32 v19, v16  }
0x40d: {  	v34 =	vld [tilespmem:s19+$0x11F0];
	v33 =	vadd.f32 v58, v57;
	v24 =	vsub.f32 v30, v56;
	v21 =	vand.u32 $0x7FFFFFFF, v21  }
0x40e: {  	v35 =	vld [tilespmem:s19+$0x91F0];
	v16 =	vadd.f32 v21, v16  }
0x40f: {  	v18 =	vadd.f32 v60, v59;
	v24 =	vand.u32 $0x7FFFFFFF, v24;
	v17 =	vsub.f32 v33, v17  }
0x410: {  	v36 =	vld [tilespmem:s19+$0x111F0];
	v16 =	vadd.f32 v24, v16  }
0x411: {  	v37 =	vadd.f32 v31, v63;
	v18 =	vsub.f32 v18, v62;
	v17 =	vand.u32 $0x7FFFFFFF, v17  }
0x412: {  	v16 =	vadd.f32 v17, v16  }
0x413: {  	v39 =	vadd.f32 v35, v34;
	v38 =	vsub.f32 v37, v32;
	v17 =	vand.u32 $0x7FFFFFFF, v18  }
0x414: {  	v16 =	vadd.f32 v17, v16  }
0x415: {  	v40 =	vsub.f32 v39, v36;
	v17 =	vand.u32 $0x7FFFFFFF, v38  }
0x416: {  	v16 =	vadd.f32 v17, v16  }
0x417: {  	v17 =	vand.u32 $0x7FFFFFFF, v40  }
0x418: {  	v16 =	vadd.f32 v17, v16;
	_ =	sdelay $0x1  }
0x419: {  	[tilespmem:$0x18EBB] =	vst v16  }
0x41a: {  	v16 =	vld [tilespmem:s19+$0x1200]  }
0x41b: {  	v17 =	vld [tilespmem:s19+$0x9200]  }
0x41c: {  	v41 =	vld [tilespmem:s19+$0x11200]  }
0x41d: {  	v42 =	vld [tilespmem:s19+$0x1210]  }
0x41e: {  	v43 =	vld [tilespmem:s19+$0x9210]  }
0x41f: {  	v44 =	vld [tilespmem:s19+$0x11210]  }
0x420: {  	v45 =	vld [tilespmem:s19+$0x1220]  }
0x421: {  	v46 =	vld [tilespmem:s19+$0x9220]  }
0x422: {  	v47 =	vld [tilespmem:s19+$0x11220]  }
0x423: {  	v48 =	vld [tilespmem:s19+$0x1230]  }
0x424: {  	v49 =	vld [tilespmem:s19+$0x9230]  }
0x425: {  	v50 =	vld [tilespmem:s19+$0x11230]  }
0x426: {  	v51 =	vld [tilespmem:s19+$0x1240]  }
0x427: {  	v52 =	vld [tilespmem:s19+$0x9240]  }
0x428: {  	v53 =	vld [tilespmem:s19+$0x1250]  }
0x429: {  	v54 =	vld [tilespmem:s19+$0x9250];
	v16 =	vadd.f32 v17, v16;
	v19 =	vadd.f32 v43, v42  }
0x42a: {  	v56 =	vld [tilespmem:s19+$0x11250];
	v55 =	vadd.f32 v46, v45  }
0x42b: {  	v57 =	vld [tilespmem:s19+$0x1260];
	v16 =	vsub.f32 v16, v41;
	v19 =	vsub.f32 v19, v44  }
0x42c: {  	v17 =	vld [tilespmem:s19+$0x11240];
	v58 =	vadd.f32 v49, v48  }
0x42d: {  	v59 =	vld [tilespmem:s19+$0x9260];
	v21 =	vsub.f32 v55, v47;
	v16 =	vand.u32 $0x7FFFFFFF, v16;
	v19 =	vand.u32 $0x7FFFFFFF, v19  }
0x42e: {  	v60 =	vld [tilespmem:s19+$0x11260];
	v16 =	vadd.f32 v19, v16  }
0x42f: {  	v62 =	vld [tilespmem:s19+$0x1270];
	v61 =	vadd.f32 v52, v51;
	v24 =	vsub.f32 v58, v50;
	v21 =	vand.u32 $0x7FFFFFFF, v21  }
0x430: {  	v63 =	vld [tilespmem:s19+$0x9270];
	v16 =	vadd.f32 v21, v16  }
0x431: {  	v18 =	vadd.f32 v54, v53;
	v24 =	vand.u32 $0x7FFFFFFF, v24;
	v17 =	vsub.f32 v61, v17  }
0x432: {  	v28 =	vld [tilespmem:s19+$0x11270];
	v16 =	vadd.f32 v24, v16  }
0x433: {  	v29 =	vadd.f32 v59, v57;
	v18 =	vsub.f32 v18, v56;
	v17 =	vand.u32 $0x7FFFFFFF, v17  }
0x434: {  	v16 =	vadd.f32 v17, v16  }
0x435: {  	v31 =	vadd.f32 v63, v62;
	v30 =	vsub.f32 v29, v60;
	v17 =	vand.u32 $0x7FFFFFFF, v18  }
0x436: {  	v16 =	vadd.f32 v17, v16  }
0x437: {  	v32 =	vsub.f32 v31, v28;
	v17 =	vand.u32 $0x7FFFFFFF, v30  }
0x438: {  	v16 =	vadd.f32 v17, v16  }
0x439: {  	v17 =	vand.u32 $0x7FFFFFFF, v32  }
0x43a: {  	v16 =	vadd.f32 v17, v16;
	_ =	sdelay $0x1  }
0x43b: {  	[tilespmem:$0x18ECC] =	vst v16  }
0x43c: {  	v16 =	vld [tilespmem:s19+$0x1280]  }
0x43d: {  	v17 =	vld [tilespmem:s19+$0x9280]  }
0x43e: {  	v33 =	vld [tilespmem:s19+$0x11280]  }
0x43f: {  	v34 =	vld [tilespmem:s19+$0x1290]  }
0x440: {  	v35 =	vld [tilespmem:s19+$0x9290]  }
0x441: {  	v36 =	vld [tilespmem:s19+$0x11290]  }
0x442: {  	v37 =	vld [tilespmem:s19+$0x12A0]  }
0x443: {  	v38 =	vld [tilespmem:s19+$0x92A0]  }
0x444: {  	v39 =	vld [tilespmem:s19+$0x112A0]  }
0x445: {  	v40 =	vld [tilespmem:s19+$0x12B0]  }
0x446: {  	v41 =	vld [tilespmem:s19+$0x92B0]  }
0x447: {  	v42 =	vld [tilespmem:s19+$0x112B0]  }
0x448: {  	v43 =	vld [tilespmem:s19+$0x12C0]  }
0x449: {  	v44 =	vld [tilespmem:s19+$0x92C0]  }
0x44a: {  	v45 =	vld [tilespmem:s19+$0x12D0]  }
0x44b: {  	v46 =	vld [tilespmem:s19+$0x92D0];
	v16 =	vadd.f32 v17, v16;
	v19 =	vadd.f32 v35, v34  }
0x44c: {  	v48 =	vld [tilespmem:s19+$0x112D0];
	v47 =	vadd.f32 v38, v37  }
0x44d: {  	v49 =	vld [tilespmem:s19+$0x12E0];
	v16 =	vsub.f32 v16, v33;
	v19 =	vsub.f32 v19, v36  }
0x44e: {  	v17 =	vld [tilespmem:s19+$0x112C0];
	v50 =	vadd.f32 v41, v40  }
0x44f: {  	v51 =	vld [tilespmem:s19+$0x92E0];
	v21 =	vsub.f32 v47, v39;
	v16 =	vand.u32 $0x7FFFFFFF, v16;
	v19 =	vand.u32 $0x7FFFFFFF, v19  }
0x450: {  	v52 =	vld [tilespmem:s19+$0x112E0];
	v16 =	vadd.f32 v19, v16  }
0x451: {  	v54 =	vld [tilespmem:s19+$0x12F0];
	v53 =	vadd.f32 v44, v43;
	v24 =	vsub.f32 v50, v42;
	v21 =	vand.u32 $0x7FFFFFFF, v21  }
0x452: {  	v55 =	vld [tilespmem:s19+$0x92F0];
	v16 =	vadd.f32 v21, v16  }
0x453: {  	v18 =	vadd.f32 v46, v45;
	v24 =	vand.u32 $0x7FFFFFFF, v24;
	v17 =	vsub.f32 v53, v17  }
0x454: {  	v56 =	vld [tilespmem:s19+$0x112F0];
	v16 =	vadd.f32 v24, v16  }
0x455: {  	v57 =	vadd.f32 v51, v49;
	v18 =	vsub.f32 v18, v48;
	v17 =	vand.u32 $0x7FFFFFFF, v17  }
0x456: {  	v16 =	vadd.f32 v17, v16  }
0x457: {  	v59 =	vadd.f32 v55, v54;
	v58 =	vsub.f32 v57, v52;
	v17 =	vand.u32 $0x7FFFFFFF, v18  }
0x458: {  	v16 =	vadd.f32 v17, v16  }
0x459: {  	v60 =	vsub.f32 v59, v56;
	v17 =	vand.u32 $0x7FFFFFFF, v58  }
0x45a: {  	v16 =	vadd.f32 v17, v16  }
0x45b: {  	v17 =	vand.u32 $0x7FFFFFFF, v60  }
0x45c: {  	v16 =	vadd.f32 v17, v16;
	_ =	sdelay $0x1  }
0x45d: {  	[tilespmem:$0x18EDD] =	vst v16  }
0x45e: {  	v16 =	vld [tilespmem:s19+$0x1300]  }
0x45f: {  	v17 =	vld [tilespmem:s19+$0x9300]  }
0x460: {  	v61 =	vld [tilespmem:s19+$0x11300]  }
0x461: {  	v62 =	vld [tilespmem:s19+$0x1310]  }
0x462: {  	v63 =	vld [tilespmem:s19+$0x9310]  }
0x463: {  	v32 =	vld [tilespmem:s19+$0x11310]  }
0x464: {  	v33 =	vld [tilespmem:s19+$0x1320]  }
0x465: {  	v34 =	vld [tilespmem:s19+$0x9320]  }
0x466: {  	v35 =	vld [tilespmem:s19+$0x11320]  }
0x467: {  	v36 =	vld [tilespmem:s19+$0x1330]  }
0x468: {  	v37 =	vld [tilespmem:s19+$0x9330]  }
0x469: {  	v38 =	vld [tilespmem:s19+$0x11330]  }
0x46a: {  	v39 =	vld [tilespmem:s19+$0x1340]  }
0x46b: {  	v40 =	vld [tilespmem:s19+$0x9340]  }
0x46c: {  	v41 =	vld [tilespmem:s19+$0x1350]  }
0x46d: {  	v42 =	vld [tilespmem:s19+$0x9350];
	v16 =	vadd.f32 v17, v16;
	v19 =	vadd.f32 v63, v62  }
0x46e: {  	v44 =	vld [tilespmem:s19+$0x11350];
	v43 =	vadd.f32 v34, v33  }
0x46f: {  	v45 =	vld [tilespmem:s19+$0x1360];
	v16 =	vsub.f32 v16, v61;
	v19 =	vsub.f32 v19, v32  }
0x470: {  	v17 =	vld [tilespmem:s19+$0x11340];
	v46 =	vadd.f32 v37, v36  }
0x471: {  	v47 =	vld [tilespmem:s19+$0x9360];
	v21 =	vsub.f32 v43, v35;
	v16 =	vand.u32 $0x7FFFFFFF, v16;
	v19 =	vand.u32 $0x7FFFFFFF, v19  }
0x472: {  	v48 =	vld [tilespmem:s19+$0x11360];
	v16 =	vadd.f32 v19, v16  }
0x473: {  	v50 =	vld [tilespmem:s19+$0x1370];
	v49 =	vadd.f32 v40, v39;
	v24 =	vsub.f32 v46, v38;
	v21 =	vand.u32 $0x7FFFFFFF, v21  }
0x474: {  	v51 =	vld [tilespmem:s19+$0x9370];
	v16 =	vadd.f32 v21, v16  }
0x475: {  	v18 =	vadd.f32 v42, v41;
	v24 =	vand.u32 $0x7FFFFFFF, v24;
	v17 =	vsub.f32 v49, v17  }
0x476: {  	v52 =	vld [tilespmem:s19+$0x11370];
	v16 =	vadd.f32 v24, v16  }
0x477: {  	v53 =	vadd.f32 v47, v45;
	v18 =	vsub.f32 v18, v44;
	v17 =	vand.u32 $0x7FFFFFFF, v17  }
0x478: {  	v16 =	vadd.f32 v17, v16  }
0x479: {  	v55 =	vadd.f32 v51, v50;
	v54 =	vsub.f32 v53, v48;
	v17 =	vand.u32 $0x7FFFFFFF, v18  }
0x47a: {  	v16 =	vadd.f32 v17, v16  }
0x47b: {  	v56 =	vsub.f32 v55, v52;
	v17 =	vand.u32 $0x7FFFFFFF, v54  }
0x47c: {  	v16 =	vadd.f32 v17, v16  }
0x47d: {  	v17 =	vand.u32 $0x7FFFFFFF, v56  }
0x47e: {  	v16 =	vadd.f32 v17, v16;
	_ =	sdelay $0x1  }
0x47f: {  	[tilespmem:$0x18EEE] =	vst v16  }
0x480: {  	v16 =	vld [tilespmem:s19+$0x1380]  }
0x481: {  	v17 =	vld [tilespmem:s19+$0x9380]  }
0x482: {  	v57 =	vld [tilespmem:s19+$0x11380]  }
0x483: {  	v58 =	vld [tilespmem:s19+$0x1390]  }
0x484: {  	v59 =	vld [tilespmem:s19+$0x9390]  }
0x485: {  	v60 =	vld [tilespmem:s19+$0x11390]  }
0x486: {  	v61 =	vld [tilespmem:s19+$0x13A0]  }
0x487: {  	v62 =	vld [tilespmem:s19+$0x93A0]  }
0x488: {  	v63 =	vld [tilespmem:s19+$0x113A0]  }
0x489: {  	v33 =	vld [tilespmem:s19+$0x13B0]  }
0x48a: {  	v34 =	vld [tilespmem:s19+$0x93B0]  }
0x48b: {  	v35 =	vld [tilespmem:s19+$0x113B0]  }
0x48c: {  	v36 =	vld [tilespmem:s19+$0x13C0]  }
0x48d: {  	v37 =	vld [tilespmem:s19+$0x93C0]  }
0x48e: {  	v30 =	vld [tilespmem:s19+$0x113C0]  }
0x48f: {  	v38 =	vld [tilespmem:s19+$0x13D0];
	v16 =	vadd.f32 v17, v16;
	v17 =	vadd.f32 v59, v58  }
0x490: {  	v40 =	vld [tilespmem:s19+$0x93D0];
	v39 =	vadd.f32 v62, v61  }
0x491: {  	v41 =	vld [tilespmem:s19+$0x113D0];
	v16 =	vsub.f32 v16, v57;
	v17 =	vsub.f32 v17, v60  }
0x492: {  	v42 =	vld [tilespmem:s19+$0x13E0];
	v43 =	vadd.f32 v34, v33  }
0x493: {  	v44 =	vld [tilespmem:s19+$0x93E0];
	v20 =	vsub.f32 v39, v63;
	v16 =	vand.u32 $0x7FFFFFFF, v16;
	v17 =	vand.u32 $0x7FFFFFFF, v17  }
0x494: {  	v46 =	vld [tilespmem:s19+$0x13F0];
	v16 =	vadd.f32 v17, v16  }
0x495: {  	v47 =	vld [tilespmem:s19+$0x93F0];
	v45 =	vadd.f32 v37, v36;
	v23 =	vsub.f32 v43, v35;
	v20 =	vand.u32 $0x7FFFFFFF, v20  }
0x496: {  	v17 =	vld [tilespmem:s19+$0x113E0];
	v16 =	vadd.f32 v20, v16  }
0x497: {  	v19 =	vadd.f32 v40, v38;
	v25 =	vsub.f32 v45, v30;
	v48 =	vand.u32 $0x7FFFFFFF, v23  }
0x498: {  	v49 =	vld [tilespmem:s19+$0x113F0];
	v16 =	vadd.f32 v48, v16  }
0x499: {  	v50 =	vadd.f32 v44, v42;
	v18 =	vsub.f32 v19, v41;
	v51 =	vand.u32 $0x7FFFFFFF, v25  }
0x49a: {  	v16 =	vadd.f32 v51, v16  }
0x49b: {  	v52 =	vadd.f32 v47, v46;
	v18 =	vand.u32 $0x7FFFFFFF, v18;
	v17 =	vsub.f32 v50, v17  }
0x49c: {  	v16 =	vadd.f32 v18, v16  }
0x49d: {  	v53 =	vsub.f32 v52, v49;
	v17 =	vand.u32 $0x7FFFFFFF, v17  }
0x49e: {  	v16 =	vadd.f32 v17, v16  }
0x49f: {  	v17 =	vand.u32 $0x7FFFFFFF, v53  }
0x4a0: {  	v16 =	vadd.f32 v17, v16;
	_ =	sdelay $0x1  }
0x4a1: {  	[tilespmem:$0x18EFF] =	vst v16  }
0x4a2: {  	v16 =	vld.idx.msk [tilespmem:v0+s31+$0x0], $0xffff  }
0x4a3: {  	v17 =	vld.idx.msk [tilespmem:v1+s31+$0x0], $0xffff;
	_ =	sdelay $0x1  }
0x4a4: {  	v54 =	vld.idx.msk [tilespmem:v2+s31+$0x0], $0xffff;
	_ =	sdelay $0x1  }
0x4a5: {  	v55 =	vld.idx.msk [tilespmem:v3+s31+$0x0], $0xffff  }
0x4a6: {  	v16 =	vadd.f32 v17, v16  }
0x4a7: {  	v17 =	vld.idx.msk [tilespmem:v4+s31+$0x0], $0xffff  }
0x4a8: {  	v16 =	vadd.f32 v54, v16  }
0x4a9: {  	v56 =	vld.idx.msk [tilespmem:v5+s31+$0x0], $0xffff  }
0x4aa: {  	v16 =	vadd.f32 v55, v16  }
0x4ab: {  	v57 =	vld.idx.msk [tilespmem:v6+s31+$0x0], $0xffff  }
0x4ac: {  	v16 =	vadd.f32 v17, v16  }
0x4ad: {  	v17 =	vld.idx.msk [tilespmem:v7+s31+$0x0], $0xffff  }
0x4ae: {  	v16 =	vadd.f32 v56, v16  }
0x4af: {  	v58 =	vld.idx.msk [tilespmem:v8+s31+$0x0], $0xffff  }
0x4b0: {  	v16 =	vadd.f32 v57, v16  }
0x4b1: {  	v59 =	vld.idx.msk [tilespmem:v9+s31+$0x0], $0xffff  }
0x4b2: {  	v16 =	vadd.f32 v17, v16  }
0x4b3: {  	v17 =	vld.idx.msk [tilespmem:v10+s31+$0x0], $0xffff  }
0x4b4: {  	v16 =	vadd.f32 v58, v16  }
0x4b5: {  	v60 =	vld.idx.msk [tilespmem:v11+s31+$0x0], $0xffff  }
0x4b6: {  	v16 =	vadd.f32 v59, v16  }
0x4b7: {  	v61 =	vld.idx.msk [tilespmem:v12+s31+$0x0], $0xffff  }
0x4b8: {  	v16 =	vadd.f32 v17, v16  }
0x4b9: {  	v17 =	vld.idx.msk [tilespmem:v13+s31+$0x0], $0xffff  }
0x4ba: {  	v16 =	vadd.f32 v60, v16  }
0x4bb: {  	v62 =	vld.idx.msk [tilespmem:v14+s31+$0x0], $0xffff  }
0x4bc: {  	v16 =	vadd.f32 v61, v16  }
0x4bd: {  	v63 =	vld.idx.msk [tilespmem:v15+s31+$0x0], $0xffff  }
0x4be: {  	v16 =	vadd.f32 v17, v16;
	_ =	sdelay $0x1  }
0x4bf: {  	v16 =	vadd.f32 v62, v16  }
0x4c0: {  	p0 =	slt.u32 s17, $0x1E  }
.Ltmp0:
0x4c1: {  	v16 =	vadd.f32 v63, v16;
	(pc) =	sbr.rel @p0 .LBB2_2-.Ltmp0, $3  }
0x4c2: {  	_ = 	snop  }
0x4c3: {  	v16 =	vsub.f32 $1.200000000e+01, v16;
	_ =	sdelay $0x1  }
0x4c4: {  	s16 =	sadd.s32 $0x1000, s16;
	[tilespmem:s18+$0x0] =	vst v16;
	s18 =	sadd.s32 $0x20, s18  }
0x4c5: {  	s15 =	sadd.s32 $0x1, s15  }
0x4c6: {  	p0 =	sne.s32 s15, s9  }
.Ltmp1:
0x4c7: {  	_ = 	snop;
	(pc) =	sbr.rel @p0 .LBB2_1-.Ltmp1, $4  }
0x4c8: {  	[hbm4b:s8+s4] =	stream.linear.scatter [tilespmem:s3], [sflag:$0xD], $0x200, $0x38;
	[tilespmem:$0x18F80] =	vst v63  }
0x4c9: {  	_ =	swait.ge [sflag:s0], $0x200  }
0x4ca: {  	[sflag:s0] =	ssyncset.done $0x0  }
0x4cb: {  	[sflag:s0] =	ssyncadd.s32 $0xFFFFFE00  }
0x4cc: {  	_ =	sfence.sel $0x180000  }
0x4cd: {  	[bflag:$0x0] =	sbarrier.arrive $0xFFFF  }
0x4ce: {  	_ =	strace $0x90000047  }
0x4cf: {  	s0 =	stileid.u32;
	[bflag:$0x2] =	sbarrier.arrive $0xFFFF  }
0x4d0: {  	p0 =	sne.s32 s0, $0x0;
	s0 =	rddreg [dreg:$0x4]  }
0x4d1: {  	s0 =	sadd.s32 @!p0 $0x100000, s0  }
0x4d2: {  	[sflag:s0] =	ssyncadd.tile.s32 @!p0 $0x1;
	_ =	shalt  }
.Lfunc_end2:
_tile_overlayer_lowered:
.L_overlay_start_2:
0x4d3: {  	(tag) =	ssettag $0x2  }
0x4d4: {  	s0 =	rddreg [dreg:$0x0];
	s2 =	stileid.u32  }
0x4d5: {  	s1 =	rddreg [dreg:$0x1];
	p0 =	sne.s32 s2, $0x0  }
0x4d6: {  	s3 =	rddreg [dreg:$0x2];
	[bflag:$0x3] =	sbarrier.arrive $0xFFFF;
	s2 =	simm.s32 @!p0 $0x1C0D  }
0x4d7: {  	[timem:s3], [sflag:s2] =	dma.local @!p0 [hbm:s0], s1  }
0x4d8: {  	s0 =	simm.s32 @!p0 $0xD  }
0x4d9: {  	_ =	swait.ge @!p0 [sflag:s0], s1  }
0x4da: {  	s1 =	ssub.s32 @!p0 $0x0, s1;
	[sflag:s0] =	ssyncset.done @!p0 $0x0  }
0x4db: {  	[sflag:s0] =	ssyncadd.s32 @!p0 s1  }
0x4dc: {  	[bflag:$0x3] =	sbarrier.arrive $0xFFFF  }
0x4dd: {  	_ =	shalt  }

</sc_bundles>
